<compile_context>
chip_gen: v7x
topology: tpu7x:2x2x1
jax: 0.10.2.dev20260603
libtpu: 0.0.44.dev20260713+nightly
codegen_flags: <defaults>
</compile_context>

<pallas_src>
import functools

import jax
import jax.numpy as jnp
from jax import lax
from jax.experimental import pallas as pl
from jax.experimental.pallas import tpu as pltpu
from jax.experimental.pallas import tpu_sc as plsc

_NC = 2
_NS = 16
_NW = _NC * _NS
_L = 16
_NBINS = 10
_K = 8
_HIST = 256


def _sc_hist_kernel(n_total):
    chunk = n_total // _NW
    crows = chunk // 128
    mesh = plsc.VectorSubcoreMesh(core_axis_name="c", subcore_axis_name="s")
    out_t = [jax.ShapeDtypeStruct((_NW, _L), jnp.float32)] * 3

    @functools.partial(
        pl.kernel,
        out_type=out_t,
        mesh=mesh,
        compiler_params=pltpu.CompilerParams(needs_layout_passes=False),
        scratch_types=[
            pltpu.VMEM((2 * crows, 128), jnp.float32),
            pltpu.VMEM((crows, 128), jnp.int32),
            [pltpu.VMEM((_HIST,), jnp.int32) for _ in range(_K)],
            [pltpu.VMEM((_HIST,), jnp.float32) for _ in range(_K)],
            pltpu.VMEM((_L,), jnp.float32),
            pltpu.VMEM((_L,), jnp.float32),
            pltpu.VMEM((_L,), jnp.float32),
        ],
    )
    def body(logits_hbm, labels_hbm, cnt_out, lab_out, prd_out,
             log_v, lab_v, ch, ph, s_cnt, s_lab, s_prd):
        wid = lax.axis_index("c") * _NS + lax.axis_index("s")

        pltpu.sync_copy(logits_hbm.at[pl.ds(wid * 2 * crows, 2 * crows)], log_v)
        pltpu.sync_copy(labels_hbm.at[pl.ds(wid * crows, crows)], lab_v)

        zf = jnp.zeros((_L,), jnp.float32)
        zi = jnp.zeros((_L,), jnp.int32)
        for j in range(_HIST // _L):
            for k in range(_K):
                ch[k][pl.ds(j * _L, _L)] = zi
                ph[k][pl.ds(j * _L, _L)] = zf

        lane = lax.iota(jnp.int32, _L)

        def step(r, carry):
            for g in range(128 // _L // _K):
                base = g * _K
                g0 = [log_v[2 * r, pl.ds((base + k) * _L, _L)] for k in range(_K)]
                g1 = [log_v[2 * r + 1, pl.ds((base + k) * _L, _L)] for k in range(_K)]
                lb = [lab_v[r, pl.ds((base + k) * _L, _L)] for k in range(_K)]
                t = [jnp.exp(g0[k] - g1[k]) for k in range(_K)]
                p = [1.0 / (1.0 + t[k]) for k in range(_K)]
                ix = [(p[k] * 10.0).astype(jnp.int32) * _L + lane for k in range(_K)]
                cb = [lb[k] + 65536 for k in range(_K)]
                for k in range(_K):
                    plsc.addupdate_scatter(ch[k], [ix[k]], cb[k])
                for k in range(_K):
                    plsc.addupdate_scatter(ph[k], [ix[k]], p[k])
            return carry

        lax.fori_loop(0, crows, step, 0)

        lidx = lane * _L
        cnt_acc = zi
        lab_acc = zi
        prd_acc = zf
        for k in range(_K):
            for l in range(_L):
                u = plsc.load_gather(ch[k], [lidx + l])
                cnt_acc = cnt_acc + lax.shift_right_logical(u, 16)
                lab_acc = lab_acc + lax.bitwise_and(u, 65535)
                prd_acc = prd_acc + plsc.load_gather(ph[k], [lidx + l])
        s_cnt[...] = cnt_acc.astype(jnp.float32)
        s_lab[...] = lab_acc.astype(jnp.float32)
        s_prd[...] = prd_acc
        pltpu.sync_copy(s_cnt, cnt_out.at[wid])
        pltpu.sync_copy(s_lab, lab_out.at[wid])
        pltpu.sync_copy(s_prd, prd_out.at[wid])

    return body


def _tc_finish(cnt_ref, lab_ref, prd_ref, out_ref):
    cnt = jnp.sum(cnt_ref[...], axis=0, keepdims=True)
    lab = jnp.sum(lab_ref[...], axis=0, keepdims=True)
    prd = jnp.sum(prd_ref[...], axis=0, keepdims=True)
    mask = lax.broadcasted_iota(jnp.int32, (1, _L), 1) < _NBINS
    nz = jnp.logical_and(cnt > 0, mask)
    safe = jnp.where(nz, cnt, 1.0)
    accs = jnp.where(nz, lab / safe, 0.0)
    confs = jnp.where(nz, prd / safe, 0.0)
    diff = jnp.abs(accs - confs)
    cntm = jnp.where(mask, cnt, 0.0)
    total = jnp.sum(cntm, axis=1, keepdims=True)
    out_ref[...] = jnp.sum(cntm * diff, axis=1, keepdims=True) / total


def kernel(logits, labels):
    n = logits.shape[0]
    logits2d = logits.reshape(n // 128, 128, 2).transpose(0, 2, 1)
    logits2d = logits2d.reshape(2 * n // 128, 128)
    labels2d = labels.reshape(n // 128, 128)
    cnt, lab, prd = _sc_hist_kernel(n)(logits2d, labels2d)
    ece = pl.pallas_call(
        _tc_finish,
        out_shape=jax.ShapeDtypeStruct((1, 1), jnp.float32),
    )(cnt, lab, prd)
    return ece[0, 0]

# --- scband reference (transcript-rebuilt; emitter-appended) ---
"""Pipeline reference for scband-eceloss-36344013258901 (READ-ONLY COPY).

The authoritative reference and input builder live on the scoring server;
editing this copy changes nothing except your own understanding.
"""

import jax, jax.numpy as jnp
import numpy as np

N_BINS = 10
N = 1048576


def setup_inputs(seed: int = 0) -> dict:
    key = jax.random.key(seed)
    k1, k2 = jax.random.split(key)
    logits = jax.random.normal(k1, (N, 2), dtype=jnp.float32)
    labels = jax.random.randint(k2, (N,), 0, 2, dtype=jnp.int32)
    return {"logits": logits, "labels": labels}


def reference(logits, labels):
    # softmax over classes, take positive-class probability (column 1)
    softmaxes = jax.nn.softmax(logits, axis=1)
    preds = jax.lax.stop_gradient(softmaxes[:, 1])  # matches .detach() in torch

    # bins = np.linspace(0.1, 1, n_bins); binned = np.digitize(preds, bins)
    bins = jnp.linspace(0.1, 1.0, N_BINS)
    binned = jnp.digitize(preds, bins)  # values in [0, N_BINS]

    # per-bin counts / sums via scatter-add (segment_sum). Bin index N_BINS
    # (preds >= 1.0) is ignored, exactly like the python loop over range(n_bins).
    ones = jnp.ones_like(preds)
    bin_sizes = jax.ops.segment_sum(ones, binned, num_segments=N_BINS + 1)[:N_BINS]
    label_sums = jax.ops.segment_sum(labels.astype(jnp.float32), binned, num_segments=N_BINS + 1)[:N_BINS]
    pred_sums = jax.ops.segment_sum(preds, binned, num_segments=N_BINS + 1)[:N_BINS]

    safe_sizes = jnp.where(bin_sizes > 0, bin_sizes, 1.0)
    bin_accs = jnp.where(bin_sizes > 0, label_sums / safe_sizes, 0.0)
    bin_confs = jnp.where(bin_sizes > 0, pred_sums / safe_sizes, 0.0)

    abs_conf_dif = jnp.abs(bin_accs - bin_confs)
    ece = jnp.sum(bin_sizes / jnp.sum(bin_sizes) * abs_conf_dif)
    return ece

if __name__ == "__main__":
    import jax
    _d = setup_inputs()
    print(jax.jit(kernel)(*tuple(_d.values())))

</pallas_src>

<mosaic_0001>
#map = affine_map<(d0, d1) -> (0, 0)>
module attributes {stable_mosaic.version = 14 : i64} {
  func.func @body(%arg0: i32, %arg1: i32, %arg2: memref<16384x128xf32, #tpu.memory_space<hbm>>, %arg3: memref<8192x128xi32, #tpu.memory_space<hbm>>, %arg4: memref<32x16xf32, #tpu.memory_space<hbm>>, %arg5: memref<32x16xf32, #tpu.memory_space<hbm>>, %arg6: memref<32x16xf32, #tpu.memory_space<hbm>>, %arg7: memref<512x128xf32, #tpu.memory_space<vmem>>, %arg8: memref<256x128xi32, #tpu.memory_space<vmem>>, %arg9: memref<256xi32, #tpu.memory_space<vmem>>, %arg10: memref<256xi32, #tpu.memory_space<vmem>>, %arg11: memref<256xi32, #tpu.memory_space<vmem>>, %arg12: memref<256xi32, #tpu.memory_space<vmem>>, %arg13: memref<256xi32, #tpu.memory_space<vmem>>, %arg14: memref<256xi32, #tpu.memory_space<vmem>>, %arg15: memref<256xi32, #tpu.memory_space<vmem>>, %arg16: memref<256xi32, #tpu.memory_space<vmem>>, %arg17: memref<256xf32, #tpu.memory_space<vmem>>, %arg18: memref<256xf32, #tpu.memory_space<vmem>>, %arg19: memref<256xf32, #tpu.memory_space<vmem>>, %arg20: memref<256xf32, #tpu.memory_space<vmem>>, %arg21: memref<256xf32, #tpu.memory_space<vmem>>, %arg22: memref<256xf32, #tpu.memory_space<vmem>>, %arg23: memref<256xf32, #tpu.memory_space<vmem>>, %arg24: memref<256xf32, #tpu.memory_space<vmem>>, %arg25: memref<16xf32, #tpu.memory_space<vmem>>, %arg26: memref<16xf32, #tpu.memory_space<vmem>>, %arg27: memref<16xf32, #tpu.memory_space<vmem>>) attributes {dimension_semantics = [#tpu.dimension_semantics<core_parallel>, #tpu.dimension_semantics<subcore_parallel>], iteration_bounds = array<i64: 2, 16>, scalar_prefetch = 0 : i64, scratch_operands = 21 : i64, tpu.core_type = #tpu.core_type<sc_vector_subcore>, window_params = [{transform_indices = #map}, {transform_indices = #map}, {transform_indices = #map}, {transform_indices = #map}, {transform_indices = #map}]} {
    %mul3A = arith.constant 16 : i32
    %mul3A_0 = arith.muli %arg0, %mul3A : i32
    %add3A = arith.addi %mul3A_0, %arg1 : i32
    %mul3A_1 = arith.constant 2 : i32
    %mul3A_2 = arith.muli %add3A, %mul3A_1 : i32
    %mul3A_3 = arith.constant 256 : i32
    %mul3A_4 = arith.muli %mul3A_2, %mul3A_3 : i32
    "tpu.region"() ({
      %run_scoped3A = tpu.sem_alloc : memref<!tpu.dma_semaphore, #tpu.memory_space<semaphore_mem>>
      %dma_start3A = arith.constant 0 : i32
      %dma_start3A_2709 = tpu.memref_slice %arg2[%mul3A_4, %dma_start3A] : memref<16384x128xf32, #tpu.memory_space<hbm>> -> memref<512x128xf32, #tpu.memory_space<hbm>>
      %dma_start3A_2710 = arith.constant 0 : i32
      %dma_start3A_2711 = tpu.memref_slice %arg2[%mul3A_4, %dma_start3A_2710] : memref<16384x128xf32, #tpu.memory_space<hbm>> -> memref<512x128xf32, #tpu.memory_space<hbm>>
      tpu.enqueue_dma source(%dma_start3A_2711 : memref<512x128xf32, #tpu.memory_space<hbm>>) target(%arg7 : memref<512x128xf32, #tpu.memory_space<vmem>>) target_semaphore(%run_scoped3A : memref<!tpu.dma_semaphore, #tpu.memory_space<semaphore_mem>>)
      %dma_wait3A = arith.constant 0 : i32
      %dma_wait3A_2712 = tpu.memref_slice %arg2[%mul3A_4, %dma_wait3A] : memref<16384x128xf32, #tpu.memory_space<hbm>> -> memref<512x128xf32, #tpu.memory_space<hbm>>
      %dma_wait3A_2713 = arith.constant 0 : i32
      %dma_wait3A_2714 = tpu.memref_slice %arg2[%mul3A_4, %dma_wait3A_2713] : memref<16384x128xf32, #tpu.memory_space<hbm>> -> memref<512x128xf32, #tpu.memory_space<hbm>>
      tpu.wait_dma2 semaphore(%run_scoped3A : memref<!tpu.dma_semaphore, #tpu.memory_space<semaphore_mem>>) src(%dma_wait3A_2714 : memref<512x128xf32, #tpu.memory_space<hbm>>) dst(%arg7 : memref<512x128xf32, #tpu.memory_space<vmem>>)
      tpu.yield
    }) : () -> ()
    %mul3A_5 = arith.constant 256 : i32
    %mul3A_6 = arith.muli %add3A, %mul3A_5 : i32
    "tpu.region"() ({
      %run_scoped3A = tpu.sem_alloc : memref<!tpu.dma_semaphore, #tpu.memory_space<semaphore_mem>>
      %dma_start3A = arith.constant 0 : i32
      %dma_start3A_2709 = tpu.memref_slice %arg3[%mul3A_6, %dma_start3A] : memref<8192x128xi32, #tpu.memory_space<hbm>> -> memref<256x128xi32, #tpu.memory_space<hbm>>
      %dma_start3A_2710 = arith.constant 0 : i32
      %dma_start3A_2711 = tpu.memref_slice %arg3[%mul3A_6, %dma_start3A_2710] : memref<8192x128xi32, #tpu.memory_space<hbm>> -> memref<256x128xi32, #tpu.memory_space<hbm>>
      tpu.enqueue_dma source(%dma_start3A_2711 : memref<256x128xi32, #tpu.memory_space<hbm>>) target(%arg8 : memref<256x128xi32, #tpu.memory_space<vmem>>) target_semaphore(%run_scoped3A : memref<!tpu.dma_semaphore, #tpu.memory_space<semaphore_mem>>)
      %dma_wait3A = arith.constant 0 : i32
      %dma_wait3A_2712 = tpu.memref_slice %arg3[%mul3A_6, %dma_wait3A] : memref<8192x128xi32, #tpu.memory_space<hbm>> -> memref<256x128xi32, #tpu.memory_space<hbm>>
      %dma_wait3A_2713 = arith.constant 0 : i32
      %dma_wait3A_2714 = tpu.memref_slice %arg3[%mul3A_6, %dma_wait3A_2713] : memref<8192x128xi32, #tpu.memory_space<hbm>> -> memref<256x128xi32, #tpu.memory_space<hbm>>
      tpu.wait_dma2 semaphore(%run_scoped3A : memref<!tpu.dma_semaphore, #tpu.memory_space<semaphore_mem>>) src(%dma_wait3A_2714 : memref<256x128xi32, #tpu.memory_space<hbm>>) dst(%arg8 : memref<256x128xi32, #tpu.memory_space<vmem>>)
      tpu.yield
    }) : () -> ()
    %broadcast_in_dim3A = arith.constant 0.000000e+00 : f32
    %broadcast_in_dim3A_7 = vector.broadcast %broadcast_in_dim3A : f32 to vector<16xf32>
    %broadcast_in_dim3A_8 = arith.constant 0 : i32
    %broadcast_in_dim3A_9 = vector.broadcast %broadcast_in_dim3A_8 : i32 to vector<16xi32>
    %swap3A = arith.constant 0 : index
    %swap3A_10 = tpu.vector_load %arg9[%swap3A] {strides = array<i32>} : memref<256xi32, #tpu.memory_space<vmem>>, vector<16xi32>,
    tpu.vector_store %arg9[%swap3A], %broadcast_in_dim3A_9 {strides = array<i32>} : memref<256xi32, #tpu.memory_space<vmem>>, vector<16xi32>,
    %swap3A_11 = arith.constant 0 : index
    %swap3A_12 = tpu.vector_load %arg17[%swap3A_11] {strides = array<i32>} : memref<256xf32, #tpu.memory_space<vmem>>, vector<16xf32>,
    tpu.vector_store %arg17[%swap3A_11], %broadcast_in_dim3A_7 {strides = array<i32>} : memref<256xf32, #tpu.memory_space<vmem>>, vector<16xf32>,
    %swap3A_13 = arith.constant 0 : index
    %swap3A_14 = tpu.vector_load %arg10[%swap3A_13] {strides = array<i32>} : memref<256xi32, #tpu.memory_space<vmem>>, vector<16xi32>,
    tpu.vector_store %arg10[%swap3A_13], %broadcast_in_dim3A_9 {strides = array<i32>} : memref<256xi32, #tpu.memory_space<vmem>>, vector<16xi32>,
    %swap3A_15 = arith.constant 0 : index
    %swap3A_16 = tpu.vector_load %arg18[%swap3A_15] {strides = array<i32>} : memref<256xf32, #tpu.memory_space<vmem>>, vector<16xf32>,
    tpu.vector_store %arg18[%swap3A_15], %broadcast_in_dim3A_7 {strides = array<i32>} : memref<256xf32, #tpu.memory_space<vmem>>, vector<16xf32>,
    %swap3A_17 = arith.constant 0 : index
    %swap3A_18 = tpu.vector_load %arg11[%swap3A_17] {strides = array<i32>} : memref<256xi32, #tpu.memory_space<vmem>>, vector<16xi32>,
    tpu.vector_store %arg11[%swap3A_17], %broadcast_in_dim3A_9 {strides = array<i32>} : memref<256xi32, #tpu.memory_space<vmem>>, vector<16xi32>,
    %swap3A_19 = arith.constant 0 : index
    %swap3A_20 = tpu.vector_load %arg19[%swap3A_19] {strides = array<i32>} : memref<256xf32, #tpu.memory_space<vmem>>, vector<16xf32>,
    tpu.vector_store %arg19[%swap3A_19], %broadcast_in_dim3A_7 {strides = array<i32>} : memref<256xf32, #tpu.memory_space<vmem>>, vector<16xf32>,
    %swap3A_21 = arith.constant 0 : index
    %swap3A_22 = tpu.vector_load %arg12[%swap3A_21] {strides = array<i32>} : memref<256xi32, #tpu.memory_space<vmem>>, vector<16xi32>,
    tpu.vector_store %arg12[%swap3A_21], %broadcast_in_dim3A_9 {strides = array<i32>} : memref<256xi32, #tpu.memory_space<vmem>>, vector<16xi32>,
    %swap3A_23 = arith.constant 0 : index
    %swap3A_24 = tpu.vector_load %arg20[%swap3A_23] {strides = array<i32>} : memref<256xf32, #tpu.memory_space<vmem>>, vector<16xf32>,
    tpu.vector_store %arg20[%swap3A_23], %broadcast_in_dim3A_7 {strides = array<i32>} : memref<256xf32, #tpu.memory_space<vmem>>, vector<16xf32>,
    %swap3A_25 = arith.constant 0 : index
    %swap3A_26 = tpu.vector_load %arg13[%swap3A_25] {strides = array<i32>} : memref<256xi32, #tpu.memory_space<vmem>>, vector<16xi32>,
    tpu.vector_store %arg13[%swap3A_25], %broadcast_in_dim3A_9 {strides = array<i32>} : memref<256xi32, #tpu.memory_space<vmem>>, vector<16xi32>,
    %swap3A_27 = arith.constant 0 : index
    %swap3A_28 = tpu.vector_load %arg21[%swap3A_27] {strides = array<i32>} : memref<256xf32, #tpu.memory_space<vmem>>, vector<16xf32>,
    tpu.vector_store %arg21[%swap3A_27], %broadcast_in_dim3A_7 {strides = array<i32>} : memref<256xf32, #tpu.memory_space<vmem>>, vector<16xf32>,
    %swap3A_29 = arith.constant 0 : index
    %swap3A_30 = tpu.vector_load %arg14[%swap3A_29] {strides = array<i32>} : memref<256xi32, #tpu.memory_space<vmem>>, vector<16xi32>,
    tpu.vector_store %arg14[%swap3A_29], %broadcast_in_dim3A_9 {strides = array<i32>} : memref<256xi32, #tpu.memory_space<vmem>>, vector<16xi32>,
    %swap3A_31 = arith.constant 0 : index
    %swap3A_32 = tpu.vector_load %arg22[%swap3A_31] {strides = array<i32>} : memref<256xf32, #tpu.memory_space<vmem>>, vector<16xf32>,
    tpu.vector_store %arg22[%swap3A_31], %broadcast_in_dim3A_7 {strides = array<i32>} : memref<256xf32, #tpu.memory_space<vmem>>, vector<16xf32>,
    %swap3A_33 = arith.constant 0 : index
    %swap3A_34 = tpu.vector_load %arg15[%swap3A_33] {strides = array<i32>} : memref<256xi32, #tpu.memory_space<vmem>>, vector<16xi32>,
    tpu.vector_store %arg15[%swap3A_33], %broadcast_in_dim3A_9 {strides = array<i32>} : memref<256xi32, #tpu.memory_space<vmem>>, vector<16xi32>,
    %swap3A_35 = arith.constant 0 : index
    %swap3A_36 = tpu.vector_load %arg23[%swap3A_35] {strides = array<i32>} : memref<256xf32, #tpu.memory_space<vmem>>, vector<16xf32>,
    tpu.vector_store %arg23[%swap3A_35], %broadcast_in_dim3A_7 {strides = array<i32>} : memref<256xf32, #tpu.memory_space<vmem>>, vector<16xf32>,
    %swap3A_37 = arith.constant 0 : index
    %swap3A_38 = tpu.vector_load %arg16[%swap3A_37] {strides = array<i32>} : memref<256xi32, #tpu.memory_space<vmem>>, vector<16xi32>,
    tpu.vector_store %arg16[%swap3A_37], %broadcast_in_dim3A_9 {strides = array<i32>} : memref<256xi32, #tpu.memory_space<vmem>>, vector<16xi32>,
    %swap3A_39 = arith.constant 0 : index
    %swap3A_40 = tpu.vector_load %arg24[%swap3A_39] {strides = array<i32>} : memref<256xf32, #tpu.memory_space<vmem>>, vector<16xf32>,
    tpu.vector_store %arg24[%swap3A_39], %broadcast_in_dim3A_7 {strides = array<i32>} : memref<256xf32, #tpu.memory_space<vmem>>, vector<16xf32>,
    %swap3A_41 = arith.constant 16 : index
    %swap3A_42 = tpu.vector_load %arg9[%swap3A_41] {strides = array<i32>} : memref<256xi32, #tpu.memory_space<vmem>>, vector<16xi32>,
    tpu.vector_store %arg9[%swap3A_41], %broadcast_in_dim3A_9 {strides = array<i32>} : memref<256xi32, #tpu.memory_space<vmem>>, vector<16xi32>,
    %swap3A_43 = arith.constant 16 : index
    %swap3A_44 = tpu.vector_load %arg17[%swap3A_43] {strides = array<i32>} : memref<256xf32, #tpu.memory_space<vmem>>, vector<16xf32>,
    tpu.vector_store %arg17[%swap3A_43], %broadcast_in_dim3A_7 {strides = array<i32>} : memref<256xf32, #tpu.memory_space<vmem>>, vector<16xf32>,
    %swap3A_45 = arith.constant 16 : index
    %swap3A_46 = tpu.vector_load %arg10[%swap3A_45] {strides = array<i32>} : memref<256xi32, #tpu.memory_space<vmem>>, vector<16xi32>,
    tpu.vector_store %arg10[%swap3A_45], %broadcast_in_dim3A_9 {strides = array<i32>} : memref<256xi32, #tpu.memory_space<vmem>>, vector<16xi32>,
    %swap3A_47 = arith.constant 16 : index
    %swap3A_48 = tpu.vector_load %arg18[%swap3A_47] {strides = array<i32>} : memref<256xf32, #tpu.memory_space<vmem>>, vector<16xf32>,
    tpu.vector_store %arg18[%swap3A_47], %broadcast_in_dim3A_7 {strides = array<i32>} : memref<256xf32, #tpu.memory_space<vmem>>, vector<16xf32>,
    %swap3A_49 = arith.constant 16 : index
    %swap3A_50 = tpu.vector_load %arg11[%swap3A_49] {strides = array<i32>} : memref<256xi32, #tpu.memory_space<vmem>>, vector<16xi32>,
    tpu.vector_store %arg11[%swap3A_49], %broadcast_in_dim3A_9 {strides = array<i32>} : memref<256xi32, #tpu.memory_space<vmem>>, vector<16xi32>,
    %swap3A_51 = arith.constant 16 : index
    %swap3A_52 = tpu.vector_load %arg19[%swap3A_51] {strides = array<i32>} : memref<256xf32, #tpu.memory_space<vmem>>, vector<16xf32>,
    tpu.vector_store %arg19[%swap3A_51], %broadcast_in_dim3A_7 {strides = array<i32>} : memref<256xf32, #tpu.memory_space<vmem>>, vector<16xf32>,
    %swap3A_53 = arith.constant 16 : index
    %swap3A_54 = tpu.vector_load %arg12[%swap3A_53] {strides = array<i32>} : memref<256xi32, #tpu.memory_space<vmem>>, vector<16xi32>,
    tpu.vector_store %arg12[%swap3A_53], %broadcast_in_dim3A_9 {strides = array<i32>} : memref<256xi32, #tpu.memory_space<vmem>>, vector<16xi32>,
    %swap3A_55 = arith.constant 16 : index
    %swap3A_56 = tpu.vector_load %arg20[%swap3A_55] {strides = array<i32>} : memref<256xf32, #tpu.memory_space<vmem>>, vector<16xf32>,
    tpu.vector_store %arg20[%swap3A_55], %broadcast_in_dim3A_7 {strides = array<i32>} : memref<256xf32, #tpu.memory_space<vmem>>, vector<16xf32>,
    %swap3A_57 = arith.constant 16 : index
    %swap3A_58 = tpu.vector_load %arg13[%swap3A_57] {strides = array<i32>} : memref<256xi32, #tpu.memory_space<vmem>>, vector<16xi32>,
    tpu.vector_store %arg13[%swap3A_57], %broadcast_in_dim3A_9 {strides = array<i32>} : memref<256xi32, #tpu.memory_space<vmem>>, vector<16xi32>,
    %swap3A_59 = arith.constant 16 : index
    %swap3A_60 = tpu.vector_load %arg21[%swap3A_59] {strides = array<i32>} : memref<256xf32, #tpu.memory_space<vmem>>, vector<16xf32>,
    tpu.vector_store %arg21[%swap3A_59], %broadcast_in_dim3A_7 {strides = array<i32>} : memref<256xf32, #tpu.memory_space<vmem>>, vector<16xf32>,
    %swap3A_61 = arith.constant 16 : index
    %swap3A_62 = tpu.vector_load %arg14[%swap3A_61] {strides = array<i32>} : memref<256xi32, #tpu.memory_space<vmem>>, vector<16xi32>,
    tpu.vector_store %arg14[%swap3A_61], %broadcast_in_dim3A_9 {strides = array<i32>} : memref<256xi32, #tpu.memory_space<vmem>>, vector<16xi32>,
    %swap3A_63 = arith.constant 16 : index
    %swap3A_64 = tpu.vector_load %arg22[%swap3A_63] {strides = array<i32>} : memref<256xf32, #tpu.memory_space<vmem>>, vector<16xf32>,
    tpu.vector_store %arg22[%swap3A_63], %broadcast_in_dim3A_7 {strides = array<i32>} : memref<256xf32, #tpu.memory_space<vmem>>, vector<16xf32>,
    %swap3A_65 = arith.constant 16 : index
    %swap3A_66 = tpu.vector_load %arg15[%swap3A_65] {strides = array<i32>} : memref<256xi32, #tpu.memory_space<vmem>>, vector<16xi32>,
    tpu.vector_store %arg15[%swap3A_65], %broadcast_in_dim3A_9 {strides = array<i32>} : memref<256xi32, #tpu.memory_space<vmem>>, vector<16xi32>,
    %swap3A_67 = arith.constant 16 : index
    %swap3A_68 = tpu.vector_load %arg23[%swap3A_67] {strides = array<i32>} : memref<256xf32, #tpu.memory_space<vmem>>, vector<16xf32>,
    tpu.vector_store %arg23[%swap3A_67], %broadcast_in_dim3A_7 {strides = array<i32>} : memref<256xf32, #tpu.memory_space<vmem>>, vector<16xf32>,
    %swap3A_69 = arith.constant 16 : index
    %swap3A_70 = tpu.vector_load %arg16[%swap3A_69] {strides = array<i32>} : memref<256xi32, #tpu.memory_space<vmem>>, vector<16xi32>,
    tpu.vector_store %arg16[%swap3A_69], %broadcast_in_dim3A_9 {strides = array<i32>} : memref<256xi32, #tpu.memory_space<vmem>>, vector<16xi32>,
    %swap3A_71 = arith.constant 16 : index
    %swap3A_72 = tpu.vector_load %arg24[%swap3A_71] {strides = array<i32>} : memref<256xf32, #tpu.memory_space<vmem>>, vector<16xf32>,
    tpu.vector_store %arg24[%swap3A_71], %broadcast_in_dim3A_7 {strides = array<i32>} : memref<256xf32, #tpu.memory_space<vmem>>, vector<16xf32>,
    %swap3A_73 = arith.constant 32 : index
    %swap3A_74 = tpu.vector_load %arg9[%swap3A_73] {strides = array<i32>} : memref<256xi32, #tpu.memory_space<vmem>>, vector<16xi32>,
    tpu.vector_store %arg9[%swap3A_73], %broadcast_in_dim3A_9 {strides = array<i32>} : memref<256xi32, #tpu.memory_space<vmem>>, vector<16xi32>,
    %swap3A_75 = arith.constant 32 : index
    %swap3A_76 = tpu.vector_load %arg17[%swap3A_75] {strides = array<i32>} : memref<256xf32, #tpu.memory_space<vmem>>, vector<16xf32>,
    tpu.vector_store %arg17[%swap3A_75], %broadcast_in_dim3A_7 {strides = array<i32>} : memref<256xf32, #tpu.memory_space<vmem>>, vector<16xf32>,
    %swap3A_77 = arith.constant 32 : index
    %swap3A_78 = tpu.vector_load %arg10[%swap3A_77] {strides = array<i32>} : memref<256xi32, #tpu.memory_space<vmem>>, vector<16xi32>,
    tpu.vector_store %arg10[%swap3A_77], %broadcast_in_dim3A_9 {strides = array<i32>} : memref<256xi32, #tpu.memory_space<vmem>>, vector<16xi32>,
    %swap3A_79 = arith.constant 32 : index
    %swap3A_80 = tpu.vector_load %arg18[%swap3A_79] {strides = array<i32>} : memref<256xf32, #tpu.memory_space<vmem>>, vector<16xf32>,
    tpu.vector_store %arg18[%swap3A_79], %broadcast_in_dim3A_7 {strides = array<i32>} : memref<256xf32, #tpu.memory_space<vmem>>, vector<16xf32>,
    %swap3A_81 = arith.constant 32 : index
    %swap3A_82 = tpu.vector_load %arg11[%swap3A_81] {strides = array<i32>} : memref<256xi32, #tpu.memory_space<vmem>>, vector<16xi32>,
    tpu.vector_store %arg11[%swap3A_81], %broadcast_in_dim3A_9 {strides = array<i32>} : memref<256xi32, #tpu.memory_space<vmem>>, vector<16xi32>,
    %swap3A_83 = arith.constant 32 : index
    %swap3A_84 = tpu.vector_load %arg19[%swap3A_83] {strides = array<i32>} : memref<256xf32, #tpu.memory_space<vmem>>, vector<16xf32>,
    tpu.vector_store %arg19[%swap3A_83], %broadcast_in_dim3A_7 {strides = array<i32>} : memref<256xf32, #tpu.memory_space<vmem>>, vector<16xf32>,
    %swap3A_85 = arith.constant 32 : index
    %swap3A_86 = tpu.vector_load %arg12[%swap3A_85] {strides = array<i32>} : memref<256xi32, #tpu.memory_space<vmem>>, vector<16xi32>,
    tpu.vector_store %arg12[%swap3A_85], %broadcast_in_dim3A_9 {strides = array<i32>} : memref<256xi32, #tpu.memory_space<vmem>>, vector<16xi32>,
    %swap3A_87 = arith.constant 32 : index
    %swap3A_88 = tpu.vector_load %arg20[%swap3A_87] {strides = array<i32>} : memref<256xf32, #tpu.memory_space<vmem>>, vector<16xf32>,
    tpu.vector_store %arg20[%swap3A_87], %broadcast_in_dim3A_7 {strides = array<i32>} : memref<256xf32, #tpu.memory_space<vmem>>, vector<16xf32>,
    %swap3A_89 = arith.constant 32 : index
    %swap3A_90 = tpu.vector_load %arg13[%swap3A_89] {strides = array<i32>} : memref<256xi32, #tpu.memory_space<vmem>>, vector<16xi32>,
    tpu.vector_store %arg13[%swap3A_89], %broadcast_in_dim3A_9 {strides = array<i32>} : memref<256xi32, #tpu.memory_space<vmem>>, vector<16xi32>,
    %swap3A_91 = arith.constant 32 : index
    %swap3A_92 = tpu.vector_load %arg21[%swap3A_91] {strides = array<i32>} : memref<256xf32, #tpu.memory_space<vmem>>, vector<16xf32>,
    tpu.vector_store %arg21[%swap3A_91], %broadcast_in_dim3A_7 {strides = array<i32>} : memref<256xf32, #tpu.memory_space<vmem>>, vector<16xf32>,
    %swap3A_93 = arith.constant 32 : index
    %swap3A_94 = tpu.vector_load %arg14[%swap3A_93] {strides = array<i32>} : memref<256xi32, #tpu.memory_space<vmem>>, vector<16xi32>,
    tpu.vector_store %arg14[%swap3A_93], %broadcast_in_dim3A_9 {strides = array<i32>} : memref<256xi32, #tpu.memory_space<vmem>>, vector<16xi32>,
    %swap3A_95 = arith.constant 32 : index
    %swap3A_96 = tpu.vector_load %arg22[%swap3A_95] {strides = array<i32>} : memref<256xf32, #tpu.memory_space<vmem>>, vector<16xf32>,
    tpu.vector_store %arg22[%swap3A_95], %broadcast_in_dim3A_7 {strides = array<i32>} : memref<256xf32, #tpu.memory_space<vmem>>, vector<16xf32>,
    %swap3A_97 = arith.constant 32 : index
    %swap3A_98 = tpu.vector_load %arg15[%swap3A_97] {strides = array<i32>} : memref<256xi32, #tpu.memory_space<vmem>>, vector<16xi32>,
    tpu.vector_store %arg15[%swap3A_97], %broadcast_in_dim3A_9 {strides = array<i32>} : memref<256xi32, #tpu.memory_space<vmem>>, vector<16xi32>,
    %swap3A_99 = arith.constant 32 : index
    %swap3A_100 = tpu.vector_load %arg23[%swap3A_99] {strides = array<i32>} : memref<256xf32, #tpu.memory_space<vmem>>, vector<16xf32>,
    tpu.vector_store %arg23[%swap3A_99], %broadcast_in_dim3A_7 {strides = array<i32>} : memref<256xf32, #tpu.memory_space<vmem>>, vector<16xf32>,
    %swap3A_101 = arith.constant 32 : index
    %swap3A_102 = tpu.vector_load %arg16[%swap3A_101] {strides = array<i32>} : memref<256xi32, #tpu.memory_space<vmem>>, vector<16xi32>,
    tpu.vector_store %arg16[%swap3A_101], %broadcast_in_dim3A_9 {strides = array<i32>} : memref<256xi32, #tpu.memory_space<vmem>>, vector<16xi32>,
    %swap3A_103 = arith.constant 32 : index
    %swap3A_104 = tpu.vector_load %arg24[%swap3A_103] {strides = array<i32>} : memref<256xf32, #tpu.memory_space<vmem>>, vector<16xf32>,
    tpu.vector_store %arg24[%swap3A_103], %broadcast_in_dim3A_7 {strides = array<i32>} : memref<256xf32, #tpu.memory_space<vmem>>, vector<16xf32>,
    %swap3A_105 = arith.constant 48 : index
    %swap3A_106 = tpu.vector_load %arg9[%swap3A_105] {strides = array<i32>} : memref<256xi32, #tpu.memory_space<vmem>>, vector<16xi32>,
    tpu.vector_store %arg9[%swap3A_105], %broadcast_in_dim3A_9 {strides = array<i32>} : memref<256xi32, #tpu.memory_space<vmem>>, vector<16xi32>,
    %swap3A_107 = arith.constant 48 : index
    %swap3A_108 = tpu.vector_load %arg17[%swap3A_107] {strides = array<i32>} : memref<256xf32, #tpu.memory_space<vmem>>, vector<16xf32>,
    tpu.vector_store %arg17[%swap3A_107], %broadcast_in_dim3A_7 {strides = array<i32>} : memref<256xf32, #tpu.memory_space<vmem>>, vector<16xf32>,
    %swap3A_109 = arith.constant 48 : index
    %swap3A_110 = tpu.vector_load %arg10[%swap3A_109] {strides = array<i32>} : memref<256xi32, #tpu.memory_space<vmem>>, vector<16xi32>,
    tpu.vector_store %arg10[%swap3A_109], %broadcast_in_dim3A_9 {strides = array<i32>} : memref<256xi32, #tpu.memory_space<vmem>>, vector<16xi32>,
    %swap3A_111 = arith.constant 48 : index
    %swap3A_112 = tpu.vector_load %arg18[%swap3A_111] {strides = array<i32>} : memref<256xf32, #tpu.memory_space<vmem>>, vector<16xf32>,
    tpu.vector_store %arg18[%swap3A_111], %broadcast_in_dim3A_7 {strides = array<i32>} : memref<256xf32, #tpu.memory_space<vmem>>, vector<16xf32>,
    %swap3A_113 = arith.constant 48 : index
    %swap3A_114 = tpu.vector_load %arg11[%swap3A_113] {strides = array<i32>} : memref<256xi32, #tpu.memory_space<vmem>>, vector<16xi32>,
    tpu.vector_store %arg11[%swap3A_113], %broadcast_in_dim3A_9 {strides = array<i32>} : memref<256xi32, #tpu.memory_space<vmem>>, vector<16xi32>,
    %swap3A_115 = arith.constant 48 : index
    %swap3A_116 = tpu.vector_load %arg19[%swap3A_115] {strides = array<i32>} : memref<256xf32, #tpu.memory_space<vmem>>, vector<16xf32>,
    tpu.vector_store %arg19[%swap3A_115], %broadcast_in_dim3A_7 {strides = array<i32>} : memref<256xf32, #tpu.memory_space<vmem>>, vector<16xf32>,
    %swap3A_117 = arith.constant 48 : index
    %swap3A_118 = tpu.vector_load %arg12[%swap3A_117] {strides = array<i32>} : memref<256xi32, #tpu.memory_space<vmem>>, vector<16xi32>,
    tpu.vector_store %arg12[%swap3A_117], %broadcast_in_dim3A_9 {strides = array<i32>} : memref<256xi32, #tpu.memory_space<vmem>>, vector<16xi32>,
    %swap3A_119 = arith.constant 48 : index
    %swap3A_120 = tpu.vector_load %arg20[%swap3A_119] {strides = array<i32>} : memref<256xf32, #tpu.memory_space<vmem>>, vector<16xf32>,
    tpu.vector_store %arg20[%swap3A_119], %broadcast_in_dim3A_7 {strides = array<i32>} : memref<256xf32, #tpu.memory_space<vmem>>, vector<16xf32>,
    %swap3A_121 = arith.constant 48 : index
    %swap3A_122 = tpu.vector_load %arg13[%swap3A_121] {strides = array<i32>} : memref<256xi32, #tpu.memory_space<vmem>>, vector<16xi32>,
    tpu.vector_store %arg13[%swap3A_121], %broadcast_in_dim3A_9 {strides = array<i32>} : memref<256xi32, #tpu.memory_space<vmem>>, vector<16xi32>,
    %swap3A_123 = arith.constant 48 : index
    %swap3A_124 = tpu.vector_load %arg21[%swap3A_123] {strides = array<i32>} : memref<256xf32, #tpu.memory_space<vmem>>, vector<16xf32>,
    tpu.vector_store %arg21[%swap3A_123], %broadcast_in_dim3A_7 {strides = array<i32>} : memref<256xf32, #tpu.memory_space<vmem>>, vector<16xf32>,
    %swap3A_125 = arith.constant 48 : index
    %swap3A_126 = tpu.vector_load %arg14[%swap3A_125] {strides = array<i32>} : memref<256xi32, #tpu.memory_space<vmem>>, vector<16xi32>,
    tpu.vector_store %arg14[%swap3A_125], %broadcast_in_dim3A_9 {strides = array<i32>} : memref<256xi32, #tpu.memory_space<vmem>>, vector<16xi32>,
    %swap3A_127 = arith.constant 48 : index
    %swap3A_128 = tpu.vector_load %arg22[%swap3A_127] {strides = array<i32>} : memref<256xf32, #tpu.memory_space<vmem>>, vector<16xf32>,
    tpu.vector_store %arg22[%swap3A_127], %broadcast_in_dim3A_7 {strides = array<i32>} : memref<256xf32, #tpu.memory_space<vmem>>, vector<16xf32>,
    %swap3A_129 = arith.constant 48 : index
    %swap3A_130 = tpu.vector_load %arg15[%swap3A_129] {strides = array<i32>} : memref<256xi32, #tpu.memory_space<vmem>>, vector<16xi32>,
    tpu.vector_store %arg15[%swap3A_129], %broadcast_in_dim3A_9 {strides = array<i32>} : memref<256xi32, #tpu.memory_space<vmem>>, vector<16xi32>,
    %swap3A_131 = arith.constant 48 : index
    %swap3A_132 = tpu.vector_load %arg23[%swap3A_131] {strides = array<i32>} : memref<256xf32, #tpu.memory_space<vmem>>, vector<16xf32>,
    tpu.vector_store %arg23[%swap3A_131], %broadcast_in_dim3A_7 {strides = array<i32>} : memref<256xf32, #tpu.memory_space<vmem>>, vector<16xf32>,
    %swap3A_133 = arith.constant 48 : index
    %swap3A_134 = tpu.vector_load %arg16[%swap3A_133] {strides = array<i32>} : memref<256xi32, #tpu.memory_space<vmem>>, vector<16xi32>,
    tpu.vector_store %arg16[%swap3A_133], %broadcast_in_dim3A_9 {strides = array<i32>} : memref<256xi32, #tpu.memory_space<vmem>>, vector<16xi32>,
    %swap3A_135 = arith.constant 48 : index
    %swap3A_136 = tpu.vector_load %arg24[%swap3A_135] {strides = array<i32>} : memref<256xf32, #tpu.memory_space<vmem>>, vector<16xf32>,
    tpu.vector_store %arg24[%swap3A_135], %broadcast_in_dim3A_7 {strides = array<i32>} : memref<256xf32, #tpu.memory_space<vmem>>, vector<16xf32>,
    %swap3A_137 = arith.constant 64 : index
    %swap3A_138 = tpu.vector_load %arg9[%swap3A_137] {strides = array<i32>} : memref<256xi32, #tpu.memory_space<vmem>>, vector<16xi32>,
    tpu.vector_store %arg9[%swap3A_137], %broadcast_in_dim3A_9 {strides = array<i32>} : memref<256xi32, #tpu.memory_space<vmem>>, vector<16xi32>,
    %swap3A_139 = arith.constant 64 : index
    %swap3A_140 = tpu.vector_load %arg17[%swap3A_139] {strides = array<i32>} : memref<256xf32, #tpu.memory_space<vmem>>, vector<16xf32>,
    tpu.vector_store %arg17[%swap3A_139], %broadcast_in_dim3A_7 {strides = array<i32>} : memref<256xf32, #tpu.memory_space<vmem>>, vector<16xf32>,
    %swap3A_141 = arith.constant 64 : index
    %swap3A_142 = tpu.vector_load %arg10[%swap3A_141] {strides = array<i32>} : memref<256xi32, #tpu.memory_space<vmem>>, vector<16xi32>,
    tpu.vector_store %arg10[%swap3A_141], %broadcast_in_dim3A_9 {strides = array<i32>} : memref<256xi32, #tpu.memory_space<vmem>>, vector<16xi32>,
    %swap3A_143 = arith.constant 64 : index
    %swap3A_144 = tpu.vector_load %arg18[%swap3A_143] {strides = array<i32>} : memref<256xf32, #tpu.memory_space<vmem>>, vector<16xf32>,
    tpu.vector_store %arg18[%swap3A_143], %broadcast_in_dim3A_7 {strides = array<i32>} : memref<256xf32, #tpu.memory_space<vmem>>, vector<16xf32>,
    %swap3A_145 = arith.constant 64 : index
    %swap3A_146 = tpu.vector_load %arg11[%swap3A_145] {strides = array<i32>} : memref<256xi32, #tpu.memory_space<vmem>>, vector<16xi32>,
    tpu.vector_store %arg11[%swap3A_145], %broadcast_in_dim3A_9 {strides = array<i32>} : memref<256xi32, #tpu.memory_space<vmem>>, vector<16xi32>,
    %swap3A_147 = arith.constant 64 : index
    %swap3A_148 = tpu.vector_load %arg19[%swap3A_147] {strides = array<i32>} : memref<256xf32, #tpu.memory_space<vmem>>, vector<16xf32>,
    tpu.vector_store %arg19[%swap3A_147], %broadcast_in_dim3A_7 {strides = array<i32>} : memref<256xf32, #tpu.memory_space<vmem>>, vector<16xf32>,
    %swap3A_149 = arith.constant 64 : index
    %swap3A_150 = tpu.vector_load %arg12[%swap3A_149] {strides = array<i32>} : memref<256xi32, #tpu.memory_space<vmem>>, vector<16xi32>,
    tpu.vector_store %arg12[%swap3A_149], %broadcast_in_dim3A_9 {strides = array<i32>} : memref<256xi32, #tpu.memory_space<vmem>>, vector<16xi32>,
    %swap3A_151 = arith.constant 64 : index
    %swap3A_152 = tpu.vector_load %arg20[%swap3A_151] {strides = array<i32>} : memref<256xf32, #tpu.memory_space<vmem>>, vector<16xf32>,
    tpu.vector_store %arg20[%swap3A_151], %broadcast_in_dim3A_7 {strides = array<i32>} : memref<256xf32, #tpu.memory_space<vmem>>, vector<16xf32>,
    %swap3A_153 = arith.constant 64 : index
    %swap3A_154 = tpu.vector_load %arg13[%swap3A_153] {strides = array<i32>} : memref<256xi32, #tpu.memory_space<vmem>>, vector<16xi32>,
    tpu.vector_store %arg13[%swap3A_153], %broadcast_in_dim3A_9 {strides = array<i32>} : memref<256xi32, #tpu.memory_space<vmem>>, vector<16xi32>,
    %swap3A_155 = arith.constant 64 : index
    %swap3A_156 = tpu.vector_load %arg21[%swap3A_155] {strides = array<i32>} : memref<256xf32, #tpu.memory_space<vmem>>, vector<16xf32>,
    tpu.vector_store %arg21[%swap3A_155], %broadcast_in_dim3A_7 {strides = array<i32>} : memref<256xf32, #tpu.memory_space<vmem>>, vector<16xf32>,
    %swap3A_157 = arith.constant 64 : index
    %swap3A_158 = tpu.vector_load %arg14[%swap3A_157] {strides = array<i32>} : memref<256xi32, #tpu.memory_space<vmem>>, vector<16xi32>,
    tpu.vector_store %arg14[%swap3A_157], %broadcast_in_dim3A_9 {strides = array<i32>} : memref<256xi32, #tpu.memory_space<vmem>>, vector<16xi32>,
    %swap3A_159 = arith.constant 64 : index
    %swap3A_160 = tpu.vector_load %arg22[%swap3A_159] {strides = array<i32>} : memref<256xf32, #tpu.memory_space<vmem>>, vector<16xf32>,
    tpu.vector_store %arg22[%swap3A_159], %broadcast_in_dim3A_7 {strides = array<i32>} : memref<256xf32, #tpu.memory_space<vmem>>, vector<16xf32>,
    %swap3A_161 = arith.constant 64 : index
    %swap3A_162 = tpu.vector_load %arg15[%swap3A_161] {strides = array<i32>} : memref<256xi32, #tpu.memory_space<vmem>>, vector<16xi32>,
    tpu.vector_store %arg15[%swap3A_161], %broadcast_in_dim3A_9 {strides = array<i32>} : memref<256xi32, #tpu.memory_space<vmem>>, vector<16xi32>,
    %swap3A_163 = arith.constant 64 : index
    %swap3A_164 = tpu.vector_load %arg23[%swap3A_163] {strides = array<i32>} : memref<256xf32, #tpu.memory_space<vmem>>, vector<16xf32>,
    tpu.vector_store %arg23[%swap3A_163], %broadcast_in_dim3A_7 {strides = array<i32>} : memref<256xf32, #tpu.memory_space<vmem>>, vector<16xf32>,
    %swap3A_165 = arith.constant 64 : index
    %swap3A_166 = tpu.vector_load %arg16[%swap3A_165] {strides = array<i32>} : memref<256xi32, #tpu.memory_space<vmem>>, vector<16xi32>,
    tpu.vector_store %arg16[%swap3A_165], %broadcast_in_dim3A_9 {strides = array<i32>} : memref<256xi32, #tpu.memory_space<vmem>>, vector<16xi32>,
    %swap3A_167 = arith.constant 64 : index
    %swap3A_168 = tpu.vector_load %arg24[%swap3A_167] {strides = array<i32>} : memref<256xf32, #tpu.memory_space<vmem>>, vector<16xf32>,
    tpu.vector_store %arg24[%swap3A_167], %broadcast_in_dim3A_7 {strides = array<i32>} : memref<256xf32, #tpu.memory_space<vmem>>, vector<16xf32>,
    %swap3A_169 = arith.constant 80 : index
    %swap3A_170 = tpu.vector_load %arg9[%swap3A_169] {strides = array<i32>} : memref<256xi32, #tpu.memory_space<vmem>>, vector<16xi32>,
    tpu.vector_store %arg9[%swap3A_169], %broadcast_in_dim3A_9 {strides = array<i32>} : memref<256xi32, #tpu.memory_space<vmem>>, vector<16xi32>,
    %swap3A_171 = arith.constant 80 : index
    %swap3A_172 = tpu.vector_load %arg17[%swap3A_171] {strides = array<i32>} : memref<256xf32, #tpu.memory_space<vmem>>, vector<16xf32>,
    tpu.vector_store %arg17[%swap3A_171], %broadcast_in_dim3A_7 {strides = array<i32>} : memref<256xf32, #tpu.memory_space<vmem>>, vector<16xf32>,
    %swap3A_173 = arith.constant 80 : index
    %swap3A_174 = tpu.vector_load %arg10[%swap3A_173] {strides = array<i32>} : memref<256xi32, #tpu.memory_space<vmem>>, vector<16xi32>,
    tpu.vector_store %arg10[%swap3A_173], %broadcast_in_dim3A_9 {strides = array<i32>} : memref<256xi32, #tpu.memory_space<vmem>>, vector<16xi32>,
    %swap3A_175 = arith.constant 80 : index
    %swap3A_176 = tpu.vector_load %arg18[%swap3A_175] {strides = array<i32>} : memref<256xf32, #tpu.memory_space<vmem>>, vector<16xf32>,
    tpu.vector_store %arg18[%swap3A_175], %broadcast_in_dim3A_7 {strides = array<i32>} : memref<256xf32, #tpu.memory_space<vmem>>, vector<16xf32>,
    %swap3A_177 = arith.constant 80 : index
    %swap3A_178 = tpu.vector_load %arg11[%swap3A_177] {strides = array<i32>} : memref<256xi32, #tpu.memory_space<vmem>>, vector<16xi32>,
    tpu.vector_store %arg11[%swap3A_177], %broadcast_in_dim3A_9 {strides = array<i32>} : memref<256xi32, #tpu.memory_space<vmem>>, vector<16xi32>,
    %swap3A_179 = arith.constant 80 : index
    %swap3A_180 = tpu.vector_load %arg19[%swap3A_179] {strides = array<i32>} : memref<256xf32, #tpu.memory_space<vmem>>, vector<16xf32>,
    tpu.vector_store %arg19[%swap3A_179], %broadcast_in_dim3A_7 {strides = array<i32>} : memref<256xf32, #tpu.memory_space<vmem>>, vector<16xf32>,
    %swap3A_181 = arith.constant 80 : index
    %swap3A_182 = tpu.vector_load %arg12[%swap3A_181] {strides = array<i32>} : memref<256xi32, #tpu.memory_space<vmem>>, vector<16xi32>,
    tpu.vector_store %arg12[%swap3A_181], %broadcast_in_dim3A_9 {strides = array<i32>} : memref<256xi32, #tpu.memory_space<vmem>>, vector<16xi32>,
    %swap3A_183 = arith.constant 80 : index
    %swap3A_184 = tpu.vector_load %arg20[%swap3A_183] {strides = array<i32>} : memref<256xf32, #tpu.memory_space<vmem>>, vector<16xf32>,
    tpu.vector_store %arg20[%swap3A_183], %broadcast_in_dim3A_7 {strides = array<i32>} : memref<256xf32, #tpu.memory_space<vmem>>, vector<16xf32>,
    %swap3A_185 = arith.constant 80 : index
    %swap3A_186 = tpu.vector_load %arg13[%swap3A_185] {strides = array<i32>} : memref<256xi32, #tpu.memory_space<vmem>>, vector<16xi32>,
    tpu.vector_store %arg13[%swap3A_185], %broadcast_in_dim3A_9 {strides = array<i32>} : memref<256xi32, #tpu.memory_space<vmem>>, vector<16xi32>,
    %swap3A_187 = arith.constant 80 : index
    %swap3A_188 = tpu.vector_load %arg21[%swap3A_187] {strides = array<i32>} : memref<256xf32, #tpu.memory_space<vmem>>, vector<16xf32>,
    tpu.vector_store %arg21[%swap3A_187], %broadcast_in_dim3A_7 {strides = array<i32>} : memref<256xf32, #tpu.memory_space<vmem>>, vector<16xf32>,
    %swap3A_189 = arith.constant 80 : index
    %swap3A_190 = tpu.vector_load %arg14[%swap3A_189] {strides = array<i32>} : memref<256xi32, #tpu.memory_space<vmem>>, vector<16xi32>,
    tpu.vector_store %arg14[%swap3A_189], %broadcast_in_dim3A_9 {strides = array<i32>} : memref<256xi32, #tpu.memory_space<vmem>>, vector<16xi32>,
    %swap3A_191 = arith.constant 80 : index
    %swap3A_192 = tpu.vector_load %arg22[%swap3A_191] {strides = array<i32>} : memref<256xf32, #tpu.memory_space<vmem>>, vector<16xf32>,
    tpu.vector_store %arg22[%swap3A_191], %broadcast_in_dim3A_7 {strides = array<i32>} : memref<256xf32, #tpu.memory_space<vmem>>, vector<16xf32>,
    %swap3A_193 = arith.constant 80 : index
    %swap3A_194 = tpu.vector_load %arg15[%swap3A_193] {strides = array<i32>} : memref<256xi32, #tpu.memory_space<vmem>>, vector<16xi32>,
    tpu.vector_store %arg15[%swap3A_193], %broadcast_in_dim3A_9 {strides = array<i32>} : memref<256xi32, #tpu.memory_space<vmem>>, vector<16xi32>,
    %swap3A_195 = arith.constant 80 : index
    %swap3A_196 = tpu.vector_load %arg23[%swap3A_195] {strides = array<i32>} : memref<256xf32, #tpu.memory_space<vmem>>, vector<16xf32>,
    tpu.vector_store %arg23[%swap3A_195], %broadcast_in_dim3A_7 {strides = array<i32>} : memref<256xf32, #tpu.memory_space<vmem>>, vector<16xf32>,
    %swap3A_197 = arith.constant 80 : index
    %swap3A_198 = tpu.vector_load %arg16[%swap3A_197] {strides = array<i32>} : memref<256xi32, #tpu.memory_space<vmem>>, vector<16xi32>,
    tpu.vector_store %arg16[%swap3A_197], %broadcast_in_dim3A_9 {strides = array<i32>} : memref<256xi32, #tpu.memory_space<vmem>>, vector<16xi32>,
    %swap3A_199 = arith.constant 80 : index
    %swap3A_200 = tpu.vector_load %arg24[%swap3A_199] {strides = array<i32>} : memref<256xf32, #tpu.memory_space<vmem>>, vector<16xf32>,
    tpu.vector_store %arg24[%swap3A_199], %broadcast_in_dim3A_7 {strides = array<i32>} : memref<256xf32, #tpu.memory_space<vmem>>, vector<16xf32>,
    %swap3A_201 = arith.constant 96 : index
    %swap3A_202 = tpu.vector_load %arg9[%swap3A_201] {strides = array<i32>} : memref<256xi32, #tpu.memory_space<vmem>>, vector<16xi32>,
    tpu.vector_store %arg9[%swap3A_201], %broadcast_in_dim3A_9 {strides = array<i32>} : memref<256xi32, #tpu.memory_space<vmem>>, vector<16xi32>,
    %swap3A_203 = arith.constant 96 : index
    %swap3A_204 = tpu.vector_load %arg17[%swap3A_203] {strides = array<i32>} : memref<256xf32, #tpu.memory_space<vmem>>, vector<16xf32>,
    tpu.vector_store %arg17[%swap3A_203], %broadcast_in_dim3A_7 {strides = array<i32>} : memref<256xf32, #tpu.memory_space<vmem>>, vector<16xf32>,
    %swap3A_205 = arith.constant 96 : index
    %swap3A_206 = tpu.vector_load %arg10[%swap3A_205] {strides = array<i32>} : memref<256xi32, #tpu.memory_space<vmem>>, vector<16xi32>,
    tpu.vector_store %arg10[%swap3A_205], %broadcast_in_dim3A_9 {strides = array<i32>} : memref<256xi32, #tpu.memory_space<vmem>>, vector<16xi32>,
    %swap3A_207 = arith.constant 96 : index
    %swap3A_208 = tpu.vector_load %arg18[%swap3A_207] {strides = array<i32>} : memref<256xf32, #tpu.memory_space<vmem>>, vector<16xf32>,
    tpu.vector_store %arg18[%swap3A_207], %broadcast_in_dim3A_7 {strides = array<i32>} : memref<256xf32, #tpu.memory_space<vmem>>, vector<16xf32>,
    %swap3A_209 = arith.constant 96 : index
    %swap3A_210 = tpu.vector_load %arg11[%swap3A_209] {strides = array<i32>} : memref<256xi32, #tpu.memory_space<vmem>>, vector<16xi32>,
    tpu.vector_store %arg11[%swap3A_209], %broadcast_in_dim3A_9 {strides = array<i32>} : memref<256xi32, #tpu.memory_space<vmem>>, vector<16xi32>,
    %swap3A_211 = arith.constant 96 : index
    %swap3A_212 = tpu.vector_load %arg19[%swap3A_211] {strides = array<i32>} : memref<256xf32, #tpu.memory_space<vmem>>, vector<16xf32>,
    tpu.vector_store %arg19[%swap3A_211], %broadcast_in_dim3A_7 {strides = array<i32>} : memref<256xf32, #tpu.memory_space<vmem>>, vector<16xf32>,
    %swap3A_213 = arith.constant 96 : index
    %swap3A_214 = tpu.vector_load %arg12[%swap3A_213] {strides = array<i32>} : memref<256xi32, #tpu.memory_space<vmem>>, vector<16xi32>,
    tpu.vector_store %arg12[%swap3A_213], %broadcast_in_dim3A_9 {strides = array<i32>} : memref<256xi32, #tpu.memory_space<vmem>>, vector<16xi32>,
    %swap3A_215 = arith.constant 96 : index
    %swap3A_216 = tpu.vector_load %arg20[%swap3A_215] {strides = array<i32>} : memref<256xf32, #tpu.memory_space<vmem>>, vector<16xf32>,
    tpu.vector_store %arg20[%swap3A_215], %broadcast_in_dim3A_7 {strides = array<i32>} : memref<256xf32, #tpu.memory_space<vmem>>, vector<16xf32>,
    %swap3A_217 = arith.constant 96 : index
    %swap3A_218 = tpu.vector_load %arg13[%swap3A_217] {strides = array<i32>} : memref<256xi32, #tpu.memory_space<vmem>>, vector<16xi32>,
    tpu.vector_store %arg13[%swap3A_217], %broadcast_in_dim3A_9 {strides = array<i32>} : memref<256xi32, #tpu.memory_space<vmem>>, vector<16xi32>,
    %swap3A_219 = arith.constant 96 : index
    %swap3A_220 = tpu.vector_load %arg21[%swap3A_219] {strides = array<i32>} : memref<256xf32, #tpu.memory_space<vmem>>, vector<16xf32>,
    tpu.vector_store %arg21[%swap3A_219], %broadcast_in_dim3A_7 {strides = array<i32>} : memref<256xf32, #tpu.memory_space<vmem>>, vector<16xf32>,
    %swap3A_221 = arith.constant 96 : index
    %swap3A_222 = tpu.vector_load %arg14[%swap3A_221] {strides = array<i32>} : memref<256xi32, #tpu.memory_space<vmem>>, vector<16xi32>,
    tpu.vector_store %arg14[%swap3A_221], %broadcast_in_dim3A_9 {strides = array<i32>} : memref<256xi32, #tpu.memory_space<vmem>>, vector<16xi32>,
    %swap3A_223 = arith.constant 96 : index
    %swap3A_224 = tpu.vector_load %arg22[%swap3A_223] {strides = array<i32>} : memref<256xf32, #tpu.memory_space<vmem>>, vector<16xf32>,
    tpu.vector_store %arg22[%swap3A_223], %broadcast_in_dim3A_7 {strides = array<i32>} : memref<256xf32, #tpu.memory_space<vmem>>, vector<16xf32>,
    %swap3A_225 = arith.constant 96 : index
    %swap3A_226 = tpu.vector_load %arg15[%swap3A_225] {strides = array<i32>} : memref<256xi32, #tpu.memory_space<vmem>>, vector<16xi32>,
    tpu.vector_store %arg15[%swap3A_225], %broadcast_in_dim3A_9 {strides = array<i32>} : memref<256xi32, #tpu.memory_space<vmem>>, vector<16xi32>,
    %swap3A_227 = arith.constant 96 : index
    %swap3A_228 = tpu.vector_load %arg23[%swap3A_227] {strides = array<i32>} : memref<256xf32, #tpu.memory_space<vmem>>, vector<16xf32>,
    tpu.vector_store %arg23[%swap3A_227], %broadcast_in_dim3A_7 {strides = array<i32>} : memref<256xf32, #tpu.memory_space<vmem>>, vector<16xf32>,
    %swap3A_229 = arith.constant 96 : index
    %swap3A_230 = tpu.vector_load %arg16[%swap3A_229] {strides = array<i32>} : memref<256xi32, #tpu.memory_space<vmem>>, vector<16xi32>,
    tpu.vector_store %arg16[%swap3A_229], %broadcast_in_dim3A_9 {strides = array<i32>} : memref<256xi32, #tpu.memory_space<vmem>>, vector<16xi32>,
    %swap3A_231 = arith.constant 96 : index
    %swap3A_232 = tpu.vector_load %arg24[%swap3A_231] {strides = array<i32>} : memref<256xf32, #tpu.memory_space<vmem>>, vector<16xf32>,
    tpu.vector_store %arg24[%swap3A_231], %broadcast_in_dim3A_7 {strides = array<i32>} : memref<256xf32, #tpu.memory_space<vmem>>, vector<16xf32>,
    %swap3A_233 = arith.constant 112 : index
    %swap3A_234 = tpu.vector_load %arg9[%swap3A_233] {strides = array<i32>} : memref<256xi32, #tpu.memory_space<vmem>>, vector<16xi32>,
    tpu.vector_store %arg9[%swap3A_233], %broadcast_in_dim3A_9 {strides = array<i32>} : memref<256xi32, #tpu.memory_space<vmem>>, vector<16xi32>,
    %swap3A_235 = arith.constant 112 : index
    %swap3A_236 = tpu.vector_load %arg17[%swap3A_235] {strides = array<i32>} : memref<256xf32, #tpu.memory_space<vmem>>, vector<16xf32>,
    tpu.vector_store %arg17[%swap3A_235], %broadcast_in_dim3A_7 {strides = array<i32>} : memref<256xf32, #tpu.memory_space<vmem>>, vector<16xf32>,
    %swap3A_237 = arith.constant 112 : index
    %swap3A_238 = tpu.vector_load %arg10[%swap3A_237] {strides = array<i32>} : memref<256xi32, #tpu.memory_space<vmem>>, vector<16xi32>,
    tpu.vector_store %arg10[%swap3A_237], %broadcast_in_dim3A_9 {strides = array<i32>} : memref<256xi32, #tpu.memory_space<vmem>>, vector<16xi32>,
    %swap3A_239 = arith.constant 112 : index
    %swap3A_240 = tpu.vector_load %arg18[%swap3A_239] {strides = array<i32>} : memref<256xf32, #tpu.memory_space<vmem>>, vector<16xf32>,
    tpu.vector_store %arg18[%swap3A_239], %broadcast_in_dim3A_7 {strides = array<i32>} : memref<256xf32, #tpu.memory_space<vmem>>, vector<16xf32>,
    %swap3A_241 = arith.constant 112 : index
    %swap3A_242 = tpu.vector_load %arg11[%swap3A_241] {strides = array<i32>} : memref<256xi32, #tpu.memory_space<vmem>>, vector<16xi32>,
    tpu.vector_store %arg11[%swap3A_241], %broadcast_in_dim3A_9 {strides = array<i32>} : memref<256xi32, #tpu.memory_space<vmem>>, vector<16xi32>,
    %swap3A_243 = arith.constant 112 : index
    %swap3A_244 = tpu.vector_load %arg19[%swap3A_243] {strides = array<i32>} : memref<256xf32, #tpu.memory_space<vmem>>, vector<16xf32>,
    tpu.vector_store %arg19[%swap3A_243], %broadcast_in_dim3A_7 {strides = array<i32>} : memref<256xf32, #tpu.memory_space<vmem>>, vector<16xf32>,
    %swap3A_245 = arith.constant 112 : index
    %swap3A_246 = tpu.vector_load %arg12[%swap3A_245] {strides = array<i32>} : memref<256xi32, #tpu.memory_space<vmem>>, vector<16xi32>,
    tpu.vector_store %arg12[%swap3A_245], %broadcast_in_dim3A_9 {strides = array<i32>} : memref<256xi32, #tpu.memory_space<vmem>>, vector<16xi32>,
    %swap3A_247 = arith.constant 112 : index
    %swap3A_248 = tpu.vector_load %arg20[%swap3A_247] {strides = array<i32>} : memref<256xf32, #tpu.memory_space<vmem>>, vector<16xf32>,
    tpu.vector_store %arg20[%swap3A_247], %broadcast_in_dim3A_7 {strides = array<i32>} : memref<256xf32, #tpu.memory_space<vmem>>, vector<16xf32>,
    %swap3A_249 = arith.constant 112 : index
    %swap3A_250 = tpu.vector_load %arg13[%swap3A_249] {strides = array<i32>} : memref<256xi32, #tpu.memory_space<vmem>>, vector<16xi32>,
    tpu.vector_store %arg13[%swap3A_249], %broadcast_in_dim3A_9 {strides = array<i32>} : memref<256xi32, #tpu.memory_space<vmem>>, vector<16xi32>,
    %swap3A_251 = arith.constant 112 : index
    %swap3A_252 = tpu.vector_load %arg21[%swap3A_251] {strides = array<i32>} : memref<256xf32, #tpu.memory_space<vmem>>, vector<16xf32>,
    tpu.vector_store %arg21[%swap3A_251], %broadcast_in_dim3A_7 {strides = array<i32>} : memref<256xf32, #tpu.memory_space<vmem>>, vector<16xf32>,
    %swap3A_253 = arith.constant 112 : index
    %swap3A_254 = tpu.vector_load %arg14[%swap3A_253] {strides = array<i32>} : memref<256xi32, #tpu.memory_space<vmem>>, vector<16xi32>,
    tpu.vector_store %arg14[%swap3A_253], %broadcast_in_dim3A_9 {strides = array<i32>} : memref<256xi32, #tpu.memory_space<vmem>>, vector<16xi32>,
    %swap3A_255 = arith.constant 112 : index
    %swap3A_256 = tpu.vector_load %arg22[%swap3A_255] {strides = array<i32>} : memref<256xf32, #tpu.memory_space<vmem>>, vector<16xf32>,
    tpu.vector_store %arg22[%swap3A_255], %broadcast_in_dim3A_7 {strides = array<i32>} : memref<256xf32, #tpu.memory_space<vmem>>, vector<16xf32>,
    %swap3A_257 = arith.constant 112 : index
    %swap3A_258 = tpu.vector_load %arg15[%swap3A_257] {strides = array<i32>} : memref<256xi32, #tpu.memory_space<vmem>>, vector<16xi32>,
    tpu.vector_store %arg15[%swap3A_257], %broadcast_in_dim3A_9 {strides = array<i32>} : memref<256xi32, #tpu.memory_space<vmem>>, vector<16xi32>,
    %swap3A_259 = arith.constant 112 : index
    %swap3A_260 = tpu.vector_load %arg23[%swap3A_259] {strides = array<i32>} : memref<256xf32, #tpu.memory_space<vmem>>, vector<16xf32>,
    tpu.vector_store %arg23[%swap3A_259], %broadcast_in_dim3A_7 {strides = array<i32>} : memref<256xf32, #tpu.memory_space<vmem>>, vector<16xf32>,
    %swap3A_261 = arith.constant 112 : index
    %swap3A_262 = tpu.vector_load %arg16[%swap3A_261] {strides = array<i32>} : memref<256xi32, #tpu.memory_space<vmem>>, vector<16xi32>,
    tpu.vector_store %arg16[%swap3A_261], %broadcast_in_dim3A_9 {strides = array<i32>} : memref<256xi32, #tpu.memory_space<vmem>>, vector<16xi32>,
    %swap3A_263 = arith.constant 112 : index
    %swap3A_264 = tpu.vector_load %arg24[%swap3A_263] {strides = array<i32>} : memref<256xf32, #tpu.memory_space<vmem>>, vector<16xf32>,
    tpu.vector_store %arg24[%swap3A_263], %broadcast_in_dim3A_7 {strides = array<i32>} : memref<256xf32, #tpu.memory_space<vmem>>, vector<16xf32>,
    %swap3A_265 = arith.constant 128 : index
    %swap3A_266 = tpu.vector_load %arg9[%swap3A_265] {strides = array<i32>} : memref<256xi32, #tpu.memory_space<vmem>>, vector<16xi32>,
    tpu.vector_store %arg9[%swap3A_265], %broadcast_in_dim3A_9 {strides = array<i32>} : memref<256xi32, #tpu.memory_space<vmem>>, vector<16xi32>,
    %swap3A_267 = arith.constant 128 : index
    %swap3A_268 = tpu.vector_load %arg17[%swap3A_267] {strides = array<i32>} : memref<256xf32, #tpu.memory_space<vmem>>, vector<16xf32>,
    tpu.vector_store %arg17[%swap3A_267], %broadcast_in_dim3A_7 {strides = array<i32>} : memref<256xf32, #tpu.memory_space<vmem>>, vector<16xf32>,
    %swap3A_269 = arith.constant 128 : index
    %swap3A_270 = tpu.vector_load %arg10[%swap3A_269] {strides = array<i32>} : memref<256xi32, #tpu.memory_space<vmem>>, vector<16xi32>,
    tpu.vector_store %arg10[%swap3A_269], %broadcast_in_dim3A_9 {strides = array<i32>} : memref<256xi32, #tpu.memory_space<vmem>>, vector<16xi32>,
    %swap3A_271 = arith.constant 128 : index
    %swap3A_272 = tpu.vector_load %arg18[%swap3A_271] {strides = array<i32>} : memref<256xf32, #tpu.memory_space<vmem>>, vector<16xf32>,
    tpu.vector_store %arg18[%swap3A_271], %broadcast_in_dim3A_7 {strides = array<i32>} : memref<256xf32, #tpu.memory_space<vmem>>, vector<16xf32>,
    %swap3A_273 = arith.constant 128 : index
    %swap3A_274 = tpu.vector_load %arg11[%swap3A_273] {strides = array<i32>} : memref<256xi32, #tpu.memory_space<vmem>>, vector<16xi32>,
    tpu.vector_store %arg11[%swap3A_273], %broadcast_in_dim3A_9 {strides = array<i32>} : memref<256xi32, #tpu.memory_space<vmem>>, vector<16xi32>,
    %swap3A_275 = arith.constant 128 : index
    %swap3A_276 = tpu.vector_load %arg19[%swap3A_275] {strides = array<i32>} : memref<256xf32, #tpu.memory_space<vmem>>, vector<16xf32>,
    tpu.vector_store %arg19[%swap3A_275], %broadcast_in_dim3A_7 {strides = array<i32>} : memref<256xf32, #tpu.memory_space<vmem>>, vector<16xf32>,
    %swap3A_277 = arith.constant 128 : index
    %swap3A_278 = tpu.vector_load %arg12[%swap3A_277] {strides = array<i32>} : memref<256xi32, #tpu.memory_space<vmem>>, vector<16xi32>,
    tpu.vector_store %arg12[%swap3A_277], %broadcast_in_dim3A_9 {strides = array<i32>} : memref<256xi32, #tpu.memory_space<vmem>>, vector<16xi32>,
    %swap3A_279 = arith.constant 128 : index
    %swap3A_280 = tpu.vector_load %arg20[%swap3A_279] {strides = array<i32>} : memref<256xf32, #tpu.memory_space<vmem>>, vector<16xf32>,
    tpu.vector_store %arg20[%swap3A_279], %broadcast_in_dim3A_7 {strides = array<i32>} : memref<256xf32, #tpu.memory_space<vmem>>, vector<16xf32>,
    %swap3A_281 = arith.constant 128 : index
    %swap3A_282 = tpu.vector_load %arg13[%swap3A_281] {strides = array<i32>} : memref<256xi32, #tpu.memory_space<vmem>>, vector<16xi32>,
    tpu.vector_store %arg13[%swap3A_281], %broadcast_in_dim3A_9 {strides = array<i32>} : memref<256xi32, #tpu.memory_space<vmem>>, vector<16xi32>,
    %swap3A_283 = arith.constant 128 : index
    %swap3A_284 = tpu.vector_load %arg21[%swap3A_283] {strides = array<i32>} : memref<256xf32, #tpu.memory_space<vmem>>, vector<16xf32>,
    tpu.vector_store %arg21[%swap3A_283], %broadcast_in_dim3A_7 {strides = array<i32>} : memref<256xf32, #tpu.memory_space<vmem>>, vector<16xf32>,
    %swap3A_285 = arith.constant 128 : index
    %swap3A_286 = tpu.vector_load %arg14[%swap3A_285] {strides = array<i32>} : memref<256xi32, #tpu.memory_space<vmem>>, vector<16xi32>,
    tpu.vector_store %arg14[%swap3A_285], %broadcast_in_dim3A_9 {strides = array<i32>} : memref<256xi32, #tpu.memory_space<vmem>>, vector<16xi32>,
    %swap3A_287 = arith.constant 128 : index
    %swap3A_288 = tpu.vector_load %arg22[%swap3A_287] {strides = array<i32>} : memref<256xf32, #tpu.memory_space<vmem>>, vector<16xf32>,
    tpu.vector_store %arg22[%swap3A_287], %broadcast_in_dim3A_7 {strides = array<i32>} : memref<256xf32, #tpu.memory_space<vmem>>, vector<16xf32>,
    %swap3A_289 = arith.constant 128 : index
    %swap3A_290 = tpu.vector_load %arg15[%swap3A_289] {strides = array<i32>} : memref<256xi32, #tpu.memory_space<vmem>>, vector<16xi32>,
    tpu.vector_store %arg15[%swap3A_289], %broadcast_in_dim3A_9 {strides = array<i32>} : memref<256xi32, #tpu.memory_space<vmem>>, vector<16xi32>,
    %swap3A_291 = arith.constant 128 : index
    %swap3A_292 = tpu.vector_load %arg23[%swap3A_291] {strides = array<i32>} : memref<256xf32, #tpu.memory_space<vmem>>, vector<16xf32>,
    tpu.vector_store %arg23[%swap3A_291], %broadcast_in_dim3A_7 {strides = array<i32>} : memref<256xf32, #tpu.memory_space<vmem>>, vector<16xf32>,
    %swap3A_293 = arith.constant 128 : index
    %swap3A_294 = tpu.vector_load %arg16[%swap3A_293] {strides = array<i32>} : memref<256xi32, #tpu.memory_space<vmem>>, vector<16xi32>,
    tpu.vector_store %arg16[%swap3A_293], %broadcast_in_dim3A_9 {strides = array<i32>} : memref<256xi32, #tpu.memory_space<vmem>>, vector<16xi32>,
    %swap3A_295 = arith.constant 128 : index
    %swap3A_296 = tpu.vector_load %arg24[%swap3A_295] {strides = array<i32>} : memref<256xf32, #tpu.memory_space<vmem>>, vector<16xf32>,
    tpu.vector_store %arg24[%swap3A_295], %broadcast_in_dim3A_7 {strides = array<i32>} : memref<256xf32, #tpu.memory_space<vmem>>, vector<16xf32>,
    %swap3A_297 = arith.constant 144 : index
    %swap3A_298 = tpu.vector_load %arg9[%swap3A_297] {strides = array<i32>} : memref<256xi32, #tpu.memory_space<vmem>>, vector<16xi32>,
    tpu.vector_store %arg9[%swap3A_297], %broadcast_in_dim3A_9 {strides = array<i32>} : memref<256xi32, #tpu.memory_space<vmem>>, vector<16xi32>,
    %swap3A_299 = arith.constant 144 : index
    %swap3A_300 = tpu.vector_load %arg17[%swap3A_299] {strides = array<i32>} : memref<256xf32, #tpu.memory_space<vmem>>, vector<16xf32>,
    tpu.vector_store %arg17[%swap3A_299], %broadcast_in_dim3A_7 {strides = array<i32>} : memref<256xf32, #tpu.memory_space<vmem>>, vector<16xf32>,
    %swap3A_301 = arith.constant 144 : index
    %swap3A_302 = tpu.vector_load %arg10[%swap3A_301] {strides = array<i32>} : memref<256xi32, #tpu.memory_space<vmem>>, vector<16xi32>,
    tpu.vector_store %arg10[%swap3A_301], %broadcast_in_dim3A_9 {strides = array<i32>} : memref<256xi32, #tpu.memory_space<vmem>>, vector<16xi32>,
    %swap3A_303 = arith.constant 144 : index
    %swap3A_304 = tpu.vector_load %arg18[%swap3A_303] {strides = array<i32>} : memref<256xf32, #tpu.memory_space<vmem>>, vector<16xf32>,
    tpu.vector_store %arg18[%swap3A_303], %broadcast_in_dim3A_7 {strides = array<i32>} : memref<256xf32, #tpu.memory_space<vmem>>, vector<16xf32>,
    %swap3A_305 = arith.constant 144 : index
    %swap3A_306 = tpu.vector_load %arg11[%swap3A_305] {strides = array<i32>} : memref<256xi32, #tpu.memory_space<vmem>>, vector<16xi32>,
    tpu.vector_store %arg11[%swap3A_305], %broadcast_in_dim3A_9 {strides = array<i32>} : memref<256xi32, #tpu.memory_space<vmem>>, vector<16xi32>,
    %swap3A_307 = arith.constant 144 : index
    %swap3A_308 = tpu.vector_load %arg19[%swap3A_307] {strides = array<i32>} : memref<256xf32, #tpu.memory_space<vmem>>, vector<16xf32>,
    tpu.vector_store %arg19[%swap3A_307], %broadcast_in_dim3A_7 {strides = array<i32>} : memref<256xf32, #tpu.memory_space<vmem>>, vector<16xf32>,
    %swap3A_309 = arith.constant 144 : index
    %swap3A_310 = tpu.vector_load %arg12[%swap3A_309] {strides = array<i32>} : memref<256xi32, #tpu.memory_space<vmem>>, vector<16xi32>,
    tpu.vector_store %arg12[%swap3A_309], %broadcast_in_dim3A_9 {strides = array<i32>} : memref<256xi32, #tpu.memory_space<vmem>>, vector<16xi32>,
    %swap3A_311 = arith.constant 144 : index
    %swap3A_312 = tpu.vector_load %arg20[%swap3A_311] {strides = array<i32>} : memref<256xf32, #tpu.memory_space<vmem>>, vector<16xf32>,
    tpu.vector_store %arg20[%swap3A_311], %broadcast_in_dim3A_7 {strides = array<i32>} : memref<256xf32, #tpu.memory_space<vmem>>, vector<16xf32>,
    %swap3A_313 = arith.constant 144 : index
    %swap3A_314 = tpu.vector_load %arg13[%swap3A_313] {strides = array<i32>} : memref<256xi32, #tpu.memory_space<vmem>>, vector<16xi32>,
    tpu.vector_store %arg13[%swap3A_313], %broadcast_in_dim3A_9 {strides = array<i32>} : memref<256xi32, #tpu.memory_space<vmem>>, vector<16xi32>,
    %swap3A_315 = arith.constant 144 : index
    %swap3A_316 = tpu.vector_load %arg21[%swap3A_315] {strides = array<i32>} : memref<256xf32, #tpu.memory_space<vmem>>, vector<16xf32>,
    tpu.vector_store %arg21[%swap3A_315], %broadcast_in_dim3A_7 {strides = array<i32>} : memref<256xf32, #tpu.memory_space<vmem>>, vector<16xf32>,
    %swap3A_317 = arith.constant 144 : index
    %swap3A_318 = tpu.vector_load %arg14[%swap3A_317] {strides = array<i32>} : memref<256xi32, #tpu.memory_space<vmem>>, vector<16xi32>,
    tpu.vector_store %arg14[%swap3A_317], %broadcast_in_dim3A_9 {strides = array<i32>} : memref<256xi32, #tpu.memory_space<vmem>>, vector<16xi32>,
    %swap3A_319 = arith.constant 144 : index
    %swap3A_320 = tpu.vector_load %arg22[%swap3A_319] {strides = array<i32>} : memref<256xf32, #tpu.memory_space<vmem>>, vector<16xf32>,
    tpu.vector_store %arg22[%swap3A_319], %broadcast_in_dim3A_7 {strides = array<i32>} : memref<256xf32, #tpu.memory_space<vmem>>, vector<16xf32>,
    %swap3A_321 = arith.constant 144 : index
    %swap3A_322 = tpu.vector_load %arg15[%swap3A_321] {strides = array<i32>} : memref<256xi32, #tpu.memory_space<vmem>>, vector<16xi32>,
    tpu.vector_store %arg15[%swap3A_321], %broadcast_in_dim3A_9 {strides = array<i32>} : memref<256xi32, #tpu.memory_space<vmem>>, vector<16xi32>,
    %swap3A_323 = arith.constant 144 : index
    %swap3A_324 = tpu.vector_load %arg23[%swap3A_323] {strides = array<i32>} : memref<256xf32, #tpu.memory_space<vmem>>, vector<16xf32>,
    tpu.vector_store %arg23[%swap3A_323], %broadcast_in_dim3A_7 {strides = array<i32>} : memref<256xf32, #tpu.memory_space<vmem>>, vector<16xf32>,
    %swap3A_325 = arith.constant 144 : index
    %swap3A_326 = tpu.vector_load %arg16[%swap3A_325] {strides = array<i32>} : memref<256xi32, #tpu.memory_space<vmem>>, vector<16xi32>,
    tpu.vector_store %arg16[%swap3A_325], %broadcast_in_dim3A_9 {strides = array<i32>} : memref<256xi32, #tpu.memory_space<vmem>>, vector<16xi32>,
    %swap3A_327 = arith.constant 144 : index
    %swap3A_328 = tpu.vector_load %arg24[%swap3A_327] {strides = array<i32>} : memref<256xf32, #tpu.memory_space<vmem>>, vector<16xf32>,
    tpu.vector_store %arg24[%swap3A_327], %broadcast_in_dim3A_7 {strides = array<i32>} : memref<256xf32, #tpu.memory_space<vmem>>, vector<16xf32>,
    %swap3A_329 = arith.constant 160 : index
    %swap3A_330 = tpu.vector_load %arg9[%swap3A_329] {strides = array<i32>} : memref<256xi32, #tpu.memory_space<vmem>>, vector<16xi32>,
    tpu.vector_store %arg9[%swap3A_329], %broadcast_in_dim3A_9 {strides = array<i32>} : memref<256xi32, #tpu.memory_space<vmem>>, vector<16xi32>,
    %swap3A_331 = arith.constant 160 : index
    %swap3A_332 = tpu.vector_load %arg17[%swap3A_331] {strides = array<i32>} : memref<256xf32, #tpu.memory_space<vmem>>, vector<16xf32>,
    tpu.vector_store %arg17[%swap3A_331], %broadcast_in_dim3A_7 {strides = array<i32>} : memref<256xf32, #tpu.memory_space<vmem>>, vector<16xf32>,
    %swap3A_333 = arith.constant 160 : index
    %swap3A_334 = tpu.vector_load %arg10[%swap3A_333] {strides = array<i32>} : memref<256xi32, #tpu.memory_space<vmem>>, vector<16xi32>,
    tpu.vector_store %arg10[%swap3A_333], %broadcast_in_dim3A_9 {strides = array<i32>} : memref<256xi32, #tpu.memory_space<vmem>>, vector<16xi32>,
    %swap3A_335 = arith.constant 160 : index
    %swap3A_336 = tpu.vector_load %arg18[%swap3A_335] {strides = array<i32>} : memref<256xf32, #tpu.memory_space<vmem>>, vector<16xf32>,
    tpu.vector_store %arg18[%swap3A_335], %broadcast_in_dim3A_7 {strides = array<i32>} : memref<256xf32, #tpu.memory_space<vmem>>, vector<16xf32>,
    %swap3A_337 = arith.constant 160 : index
    %swap3A_338 = tpu.vector_load %arg11[%swap3A_337] {strides = array<i32>} : memref<256xi32, #tpu.memory_space<vmem>>, vector<16xi32>,
    tpu.vector_store %arg11[%swap3A_337], %broadcast_in_dim3A_9 {strides = array<i32>} : memref<256xi32, #tpu.memory_space<vmem>>, vector<16xi32>,
    %swap3A_339 = arith.constant 160 : index
    %swap3A_340 = tpu.vector_load %arg19[%swap3A_339] {strides = array<i32>} : memref<256xf32, #tpu.memory_space<vmem>>, vector<16xf32>,
    tpu.vector_store %arg19[%swap3A_339], %broadcast_in_dim3A_7 {strides = array<i32>} : memref<256xf32, #tpu.memory_space<vmem>>, vector<16xf32>,
    %swap3A_341 = arith.constant 160 : index
    %swap3A_342 = tpu.vector_load %arg12[%swap3A_341] {strides = array<i32>} : memref<256xi32, #tpu.memory_space<vmem>>, vector<16xi32>,
    tpu.vector_store %arg12[%swap3A_341], %broadcast_in_dim3A_9 {strides = array<i32>} : memref<256xi32, #tpu.memory_space<vmem>>, vector<16xi32>,
    %swap3A_343 = arith.constant 160 : index
    %swap3A_344 = tpu.vector_load %arg20[%swap3A_343] {strides = array<i32>} : memref<256xf32, #tpu.memory_space<vmem>>, vector<16xf32>,
    tpu.vector_store %arg20[%swap3A_343], %broadcast_in_dim3A_7 {strides = array<i32>} : memref<256xf32, #tpu.memory_space<vmem>>, vector<16xf32>,
    %swap3A_345 = arith.constant 160 : index
    %swap3A_346 = tpu.vector_load %arg13[%swap3A_345] {strides = array<i32>} : memref<256xi32, #tpu.memory_space<vmem>>, vector<16xi32>,
    tpu.vector_store %arg13[%swap3A_345], %broadcast_in_dim3A_9 {strides = array<i32>} : memref<256xi32, #tpu.memory_space<vmem>>, vector<16xi32>,
    %swap3A_347 = arith.constant 160 : index
    %swap3A_348 = tpu.vector_load %arg21[%swap3A_347] {strides = array<i32>} : memref<256xf32, #tpu.memory_space<vmem>>, vector<16xf32>,
    tpu.vector_store %arg21[%swap3A_347], %broadcast_in_dim3A_7 {strides = array<i32>} : memref<256xf32, #tpu.memory_space<vmem>>, vector<16xf32>,
    %swap3A_349 = arith.constant 160 : index
    %swap3A_350 = tpu.vector_load %arg14[%swap3A_349] {strides = array<i32>} : memref<256xi32, #tpu.memory_space<vmem>>, vector<16xi32>,
    tpu.vector_store %arg14[%swap3A_349], %broadcast_in_dim3A_9 {strides = array<i32>} : memref<256xi32, #tpu.memory_space<vmem>>, vector<16xi32>,
    %swap3A_351 = arith.constant 160 : index
    %swap3A_352 = tpu.vector_load %arg22[%swap3A_351] {strides = array<i32>} : memref<256xf32, #tpu.memory_space<vmem>>, vector<16xf32>,
    tpu.vector_store %arg22[%swap3A_351], %broadcast_in_dim3A_7 {strides = array<i32>} : memref<256xf32, #tpu.memory_space<vmem>>, vector<16xf32>,
    %swap3A_353 = arith.constant 160 : index
    %swap3A_354 = tpu.vector_load %arg15[%swap3A_353] {strides = array<i32>} : memref<256xi32, #tpu.memory_space<vmem>>, vector<16xi32>,
    tpu.vector_store %arg15[%swap3A_353], %broadcast_in_dim3A_9 {strides = array<i32>} : memref<256xi32, #tpu.memory_space<vmem>>, vector<16xi32>,
    %swap3A_355 = arith.constant 160 : index
    %swap3A_356 = tpu.vector_load %arg23[%swap3A_355] {strides = array<i32>} : memref<256xf32, #tpu.memory_space<vmem>>, vector<16xf32>,
    tpu.vector_store %arg23[%swap3A_355], %broadcast_in_dim3A_7 {strides = array<i32>} : memref<256xf32, #tpu.memory_space<vmem>>, vector<16xf32>,
    %swap3A_357 = arith.constant 160 : index
    %swap3A_358 = tpu.vector_load %arg16[%swap3A_357] {strides = array<i32>} : memref<256xi32, #tpu.memory_space<vmem>>, vector<16xi32>,
    tpu.vector_store %arg16[%swap3A_357], %broadcast_in_dim3A_9 {strides = array<i32>} : memref<256xi32, #tpu.memory_space<vmem>>, vector<16xi32>,
    %swap3A_359 = arith.constant 160 : index
    %swap3A_360 = tpu.vector_load %arg24[%swap3A_359] {strides = array<i32>} : memref<256xf32, #tpu.memory_space<vmem>>, vector<16xf32>,
    tpu.vector_store %arg24[%swap3A_359], %broadcast_in_dim3A_7 {strides = array<i32>} : memref<256xf32, #tpu.memory_space<vmem>>, vector<16xf32>,
    %swap3A_361 = arith.constant 176 : index
    %swap3A_362 = tpu.vector_load %arg9[%swap3A_361] {strides = array<i32>} : memref<256xi32, #tpu.memory_space<vmem>>, vector<16xi32>,
    tpu.vector_store %arg9[%swap3A_361], %broadcast_in_dim3A_9 {strides = array<i32>} : memref<256xi32, #tpu.memory_space<vmem>>, vector<16xi32>,
    %swap3A_363 = arith.constant 176 : index
    %swap3A_364 = tpu.vector_load %arg17[%swap3A_363] {strides = array<i32>} : memref<256xf32, #tpu.memory_space<vmem>>, vector<16xf32>,
    tpu.vector_store %arg17[%swap3A_363], %broadcast_in_dim3A_7 {strides = array<i32>} : memref<256xf32, #tpu.memory_space<vmem>>, vector<16xf32>,
    %swap3A_365 = arith.constant 176 : index
    %swap3A_366 = tpu.vector_load %arg10[%swap3A_365] {strides = array<i32>} : memref<256xi32, #tpu.memory_space<vmem>>, vector<16xi32>,
    tpu.vector_store %arg10[%swap3A_365], %broadcast_in_dim3A_9 {strides = array<i32>} : memref<256xi32, #tpu.memory_space<vmem>>, vector<16xi32>,
    %swap3A_367 = arith.constant 176 : index
    %swap3A_368 = tpu.vector_load %arg18[%swap3A_367] {strides = array<i32>} : memref<256xf32, #tpu.memory_space<vmem>>, vector<16xf32>,
    tpu.vector_store %arg18[%swap3A_367], %broadcast_in_dim3A_7 {strides = array<i32>} : memref<256xf32, #tpu.memory_space<vmem>>, vector<16xf32>,
    %swap3A_369 = arith.constant 176 : index
    %swap3A_370 = tpu.vector_load %arg11[%swap3A_369] {strides = array<i32>} : memref<256xi32, #tpu.memory_space<vmem>>, vector<16xi32>,
    tpu.vector_store %arg11[%swap3A_369], %broadcast_in_dim3A_9 {strides = array<i32>} : memref<256xi32, #tpu.memory_space<vmem>>, vector<16xi32>,
    %swap3A_371 = arith.constant 176 : index
    %swap3A_372 = tpu.vector_load %arg19[%swap3A_371] {strides = array<i32>} : memref<256xf32, #tpu.memory_space<vmem>>, vector<16xf32>,
    tpu.vector_store %arg19[%swap3A_371], %broadcast_in_dim3A_7 {strides = array<i32>} : memref<256xf32, #tpu.memory_space<vmem>>, vector<16xf32>,
    %swap3A_373 = arith.constant 176 : index
    %swap3A_374 = tpu.vector_load %arg12[%swap3A_373] {strides = array<i32>} : memref<256xi32, #tpu.memory_space<vmem>>, vector<16xi32>,
    tpu.vector_store %arg12[%swap3A_373], %broadcast_in_dim3A_9 {strides = array<i32>} : memref<256xi32, #tpu.memory_space<vmem>>, vector<16xi32>,
    %swap3A_375 = arith.constant 176 : index
    %swap3A_376 = tpu.vector_load %arg20[%swap3A_375] {strides = array<i32>} : memref<256xf32, #tpu.memory_space<vmem>>, vector<16xf32>,
    tpu.vector_store %arg20[%swap3A_375], %broadcast_in_dim3A_7 {strides = array<i32>} : memref<256xf32, #tpu.memory_space<vmem>>, vector<16xf32>,
    %swap3A_377 = arith.constant 176 : index
    %swap3A_378 = tpu.vector_load %arg13[%swap3A_377] {strides = array<i32>} : memref<256xi32, #tpu.memory_space<vmem>>, vector<16xi32>,
    tpu.vector_store %arg13[%swap3A_377], %broadcast_in_dim3A_9 {strides = array<i32>} : memref<256xi32, #tpu.memory_space<vmem>>, vector<16xi32>,
    %swap3A_379 = arith.constant 176 : index
    %swap3A_380 = tpu.vector_load %arg21[%swap3A_379] {strides = array<i32>} : memref<256xf32, #tpu.memory_space<vmem>>, vector<16xf32>,
    tpu.vector_store %arg21[%swap3A_379], %broadcast_in_dim3A_7 {strides = array<i32>} : memref<256xf32, #tpu.memory_space<vmem>>, vector<16xf32>,
    %swap3A_381 = arith.constant 176 : index
    %swap3A_382 = tpu.vector_load %arg14[%swap3A_381] {strides = array<i32>} : memref<256xi32, #tpu.memory_space<vmem>>, vector<16xi32>,
    tpu.vector_store %arg14[%swap3A_381], %broadcast_in_dim3A_9 {strides = array<i32>} : memref<256xi32, #tpu.memory_space<vmem>>, vector<16xi32>,
    %swap3A_383 = arith.constant 176 : index
    %swap3A_384 = tpu.vector_load %arg22[%swap3A_383] {strides = array<i32>} : memref<256xf32, #tpu.memory_space<vmem>>, vector<16xf32>,
    tpu.vector_store %arg22[%swap3A_383], %broadcast_in_dim3A_7 {strides = array<i32>} : memref<256xf32, #tpu.memory_space<vmem>>, vector<16xf32>,
    %swap3A_385 = arith.constant 176 : index
    %swap3A_386 = tpu.vector_load %arg15[%swap3A_385] {strides = array<i32>} : memref<256xi32, #tpu.memory_space<vmem>>, vector<16xi32>,
    tpu.vector_store %arg15[%swap3A_385], %broadcast_in_dim3A_9 {strides = array<i32>} : memref<256xi32, #tpu.memory_space<vmem>>, vector<16xi32>,
    %swap3A_387 = arith.constant 176 : index
    %swap3A_388 = tpu.vector_load %arg23[%swap3A_387] {strides = array<i32>} : memref<256xf32, #tpu.memory_space<vmem>>, vector<16xf32>,
    tpu.vector_store %arg23[%swap3A_387], %broadcast_in_dim3A_7 {strides = array<i32>} : memref<256xf32, #tpu.memory_space<vmem>>, vector<16xf32>,
    %swap3A_389 = arith.constant 176 : index
    %swap3A_390 = tpu.vector_load %arg16[%swap3A_389] {strides = array<i32>} : memref<256xi32, #tpu.memory_space<vmem>>, vector<16xi32>,
    tpu.vector_store %arg16[%swap3A_389], %broadcast_in_dim3A_9 {strides = array<i32>} : memref<256xi32, #tpu.memory_space<vmem>>, vector<16xi32>,
    %swap3A_391 = arith.constant 176 : index
    %swap3A_392 = tpu.vector_load %arg24[%swap3A_391] {strides = array<i32>} : memref<256xf32, #tpu.memory_space<vmem>>, vector<16xf32>,
    tpu.vector_store %arg24[%swap3A_391], %broadcast_in_dim3A_7 {strides = array<i32>} : memref<256xf32, #tpu.memory_space<vmem>>, vector<16xf32>,
    %swap3A_393 = arith.constant 192 : index
    %swap3A_394 = tpu.vector_load %arg9[%swap3A_393] {strides = array<i32>} : memref<256xi32, #tpu.memory_space<vmem>>, vector<16xi32>,
    tpu.vector_store %arg9[%swap3A_393], %broadcast_in_dim3A_9 {strides = array<i32>} : memref<256xi32, #tpu.memory_space<vmem>>, vector<16xi32>,
    %swap3A_395 = arith.constant 192 : index
    %swap3A_396 = tpu.vector_load %arg17[%swap3A_395] {strides = array<i32>} : memref<256xf32, #tpu.memory_space<vmem>>, vector<16xf32>,
    tpu.vector_store %arg17[%swap3A_395], %broadcast_in_dim3A_7 {strides = array<i32>} : memref<256xf32, #tpu.memory_space<vmem>>, vector<16xf32>,
    %swap3A_397 = arith.constant 192 : index
    %swap3A_398 = tpu.vector_load %arg10[%swap3A_397] {strides = array<i32>} : memref<256xi32, #tpu.memory_space<vmem>>, vector<16xi32>,
    tpu.vector_store %arg10[%swap3A_397], %broadcast_in_dim3A_9 {strides = array<i32>} : memref<256xi32, #tpu.memory_space<vmem>>, vector<16xi32>,
    %swap3A_399 = arith.constant 192 : index
    %swap3A_400 = tpu.vector_load %arg18[%swap3A_399] {strides = array<i32>} : memref<256xf32, #tpu.memory_space<vmem>>, vector<16xf32>,
    tpu.vector_store %arg18[%swap3A_399], %broadcast_in_dim3A_7 {strides = array<i32>} : memref<256xf32, #tpu.memory_space<vmem>>, vector<16xf32>,
    %swap3A_401 = arith.constant 192 : index
    %swap3A_402 = tpu.vector_load %arg11[%swap3A_401] {strides = array<i32>} : memref<256xi32, #tpu.memory_space<vmem>>, vector<16xi32>,
    tpu.vector_store %arg11[%swap3A_401], %broadcast_in_dim3A_9 {strides = array<i32>} : memref<256xi32, #tpu.memory_space<vmem>>, vector<16xi32>,
    %swap3A_403 = arith.constant 192 : index
    %swap3A_404 = tpu.vector_load %arg19[%swap3A_403] {strides = array<i32>} : memref<256xf32, #tpu.memory_space<vmem>>, vector<16xf32>,
    tpu.vector_store %arg19[%swap3A_403], %broadcast_in_dim3A_7 {strides = array<i32>} : memref<256xf32, #tpu.memory_space<vmem>>, vector<16xf32>,
    %swap3A_405 = arith.constant 192 : index
    %swap3A_406 = tpu.vector_load %arg12[%swap3A_405] {strides = array<i32>} : memref<256xi32, #tpu.memory_space<vmem>>, vector<16xi32>,
    tpu.vector_store %arg12[%swap3A_405], %broadcast_in_dim3A_9 {strides = array<i32>} : memref<256xi32, #tpu.memory_space<vmem>>, vector<16xi32>,
    %swap3A_407 = arith.constant 192 : index
    %swap3A_408 = tpu.vector_load %arg20[%swap3A_407] {strides = array<i32>} : memref<256xf32, #tpu.memory_space<vmem>>, vector<16xf32>,
    tpu.vector_store %arg20[%swap3A_407], %broadcast_in_dim3A_7 {strides = array<i32>} : memref<256xf32, #tpu.memory_space<vmem>>, vector<16xf32>,
    %swap3A_409 = arith.constant 192 : index
    %swap3A_410 = tpu.vector_load %arg13[%swap3A_409] {strides = array<i32>} : memref<256xi32, #tpu.memory_space<vmem>>, vector<16xi32>,
    tpu.vector_store %arg13[%swap3A_409], %broadcast_in_dim3A_9 {strides = array<i32>} : memref<256xi32, #tpu.memory_space<vmem>>, vector<16xi32>,
    %swap3A_411 = arith.constant 192 : index
    %swap3A_412 = tpu.vector_load %arg21[%swap3A_411] {strides = array<i32>} : memref<256xf32, #tpu.memory_space<vmem>>, vector<16xf32>,
    tpu.vector_store %arg21[%swap3A_411], %broadcast_in_dim3A_7 {strides = array<i32>} : memref<256xf32, #tpu.memory_space<vmem>>, vector<16xf32>,
    %swap3A_413 = arith.constant 192 : index
    %swap3A_414 = tpu.vector_load %arg14[%swap3A_413] {strides = array<i32>} : memref<256xi32, #tpu.memory_space<vmem>>, vector<16xi32>,
    tpu.vector_store %arg14[%swap3A_413], %broadcast_in_dim3A_9 {strides = array<i32>} : memref<256xi32, #tpu.memory_space<vmem>>, vector<16xi32>,
    %swap3A_415 = arith.constant 192 : index
    %swap3A_416 = tpu.vector_load %arg22[%swap3A_415] {strides = array<i32>} : memref<256xf32, #tpu.memory_space<vmem>>, vector<16xf32>,
    tpu.vector_store %arg22[%swap3A_415], %broadcast_in_dim3A_7 {strides = array<i32>} : memref<256xf32, #tpu.memory_space<vmem>>, vector<16xf32>,
    %swap3A_417 = arith.constant 192 : index
    %swap3A_418 = tpu.vector_load %arg15[%swap3A_417] {strides = array<i32>} : memref<256xi32, #tpu.memory_space<vmem>>, vector<16xi32>,
    tpu.vector_store %arg15[%swap3A_417], %broadcast_in_dim3A_9 {strides = array<i32>} : memref<256xi32, #tpu.memory_space<vmem>>, vector<16xi32>,
    %swap3A_419 = arith.constant 192 : index
    %swap3A_420 = tpu.vector_load %arg23[%swap3A_419] {strides = array<i32>} : memref<256xf32, #tpu.memory_space<vmem>>, vector<16xf32>,
    tpu.vector_store %arg23[%swap3A_419], %broadcast_in_dim3A_7 {strides = array<i32>} : memref<256xf32, #tpu.memory_space<vmem>>, vector<16xf32>,
    %swap3A_421 = arith.constant 192 : index
    %swap3A_422 = tpu.vector_load %arg16[%swap3A_421] {strides = array<i32>} : memref<256xi32, #tpu.memory_space<vmem>>, vector<16xi32>,
    tpu.vector_store %arg16[%swap3A_421], %broadcast_in_dim3A_9 {strides = array<i32>} : memref<256xi32, #tpu.memory_space<vmem>>, vector<16xi32>,
    %swap3A_423 = arith.constant 192 : index
    %swap3A_424 = tpu.vector_load %arg24[%swap3A_423] {strides = array<i32>} : memref<256xf32, #tpu.memory_space<vmem>>, vector<16xf32>,
    tpu.vector_store %arg24[%swap3A_423], %broadcast_in_dim3A_7 {strides = array<i32>} : memref<256xf32, #tpu.memory_space<vmem>>, vector<16xf32>,
    %swap3A_425 = arith.constant 208 : index
    %swap3A_426 = tpu.vector_load %arg9[%swap3A_425] {strides = array<i32>} : memref<256xi32, #tpu.memory_space<vmem>>, vector<16xi32>,
    tpu.vector_store %arg9[%swap3A_425], %broadcast_in_dim3A_9 {strides = array<i32>} : memref<256xi32, #tpu.memory_space<vmem>>, vector<16xi32>,
    %swap3A_427 = arith.constant 208 : index
    %swap3A_428 = tpu.vector_load %arg17[%swap3A_427] {strides = array<i32>} : memref<256xf32, #tpu.memory_space<vmem>>, vector<16xf32>,
    tpu.vector_store %arg17[%swap3A_427], %broadcast_in_dim3A_7 {strides = array<i32>} : memref<256xf32, #tpu.memory_space<vmem>>, vector<16xf32>,
    %swap3A_429 = arith.constant 208 : index
    %swap3A_430 = tpu.vector_load %arg10[%swap3A_429] {strides = array<i32>} : memref<256xi32, #tpu.memory_space<vmem>>, vector<16xi32>,
    tpu.vector_store %arg10[%swap3A_429], %broadcast_in_dim3A_9 {strides = array<i32>} : memref<256xi32, #tpu.memory_space<vmem>>, vector<16xi32>,
    %swap3A_431 = arith.constant 208 : index
    %swap3A_432 = tpu.vector_load %arg18[%swap3A_431] {strides = array<i32>} : memref<256xf32, #tpu.memory_space<vmem>>, vector<16xf32>,
    tpu.vector_store %arg18[%swap3A_431], %broadcast_in_dim3A_7 {strides = array<i32>} : memref<256xf32, #tpu.memory_space<vmem>>, vector<16xf32>,
    %swap3A_433 = arith.constant 208 : index
    %swap3A_434 = tpu.vector_load %arg11[%swap3A_433] {strides = array<i32>} : memref<256xi32, #tpu.memory_space<vmem>>, vector<16xi32>,
    tpu.vector_store %arg11[%swap3A_433], %broadcast_in_dim3A_9 {strides = array<i32>} : memref<256xi32, #tpu.memory_space<vmem>>, vector<16xi32>,
    %swap3A_435 = arith.constant 208 : index
    %swap3A_436 = tpu.vector_load %arg19[%swap3A_435] {strides = array<i32>} : memref<256xf32, #tpu.memory_space<vmem>>, vector<16xf32>,
    tpu.vector_store %arg19[%swap3A_435], %broadcast_in_dim3A_7 {strides = array<i32>} : memref<256xf32, #tpu.memory_space<vmem>>, vector<16xf32>,
    %swap3A_437 = arith.constant 208 : index
    %swap3A_438 = tpu.vector_load %arg12[%swap3A_437] {strides = array<i32>} : memref<256xi32, #tpu.memory_space<vmem>>, vector<16xi32>,
    tpu.vector_store %arg12[%swap3A_437], %broadcast_in_dim3A_9 {strides = array<i32>} : memref<256xi32, #tpu.memory_space<vmem>>, vector<16xi32>,
    %swap3A_439 = arith.constant 208 : index
    %swap3A_440 = tpu.vector_load %arg20[%swap3A_439] {strides = array<i32>} : memref<256xf32, #tpu.memory_space<vmem>>, vector<16xf32>,
    tpu.vector_store %arg20[%swap3A_439], %broadcast_in_dim3A_7 {strides = array<i32>} : memref<256xf32, #tpu.memory_space<vmem>>, vector<16xf32>,
    %swap3A_441 = arith.constant 208 : index
    %swap3A_442 = tpu.vector_load %arg13[%swap3A_441] {strides = array<i32>} : memref<256xi32, #tpu.memory_space<vmem>>, vector<16xi32>,
    tpu.vector_store %arg13[%swap3A_441], %broadcast_in_dim3A_9 {strides = array<i32>} : memref<256xi32, #tpu.memory_space<vmem>>, vector<16xi32>,
    %swap3A_443 = arith.constant 208 : index
    %swap3A_444 = tpu.vector_load %arg21[%swap3A_443] {strides = array<i32>} : memref<256xf32, #tpu.memory_space<vmem>>, vector<16xf32>,
    tpu.vector_store %arg21[%swap3A_443], %broadcast_in_dim3A_7 {strides = array<i32>} : memref<256xf32, #tpu.memory_space<vmem>>, vector<16xf32>,
    %swap3A_445 = arith.constant 208 : index
    %swap3A_446 = tpu.vector_load %arg14[%swap3A_445] {strides = array<i32>} : memref<256xi32, #tpu.memory_space<vmem>>, vector<16xi32>,
    tpu.vector_store %arg14[%swap3A_445], %broadcast_in_dim3A_9 {strides = array<i32>} : memref<256xi32, #tpu.memory_space<vmem>>, vector<16xi32>,
    %swap3A_447 = arith.constant 208 : index
    %swap3A_448 = tpu.vector_load %arg22[%swap3A_447] {strides = array<i32>} : memref<256xf32, #tpu.memory_space<vmem>>, vector<16xf32>,
    tpu.vector_store %arg22[%swap3A_447], %broadcast_in_dim3A_7 {strides = array<i32>} : memref<256xf32, #tpu.memory_space<vmem>>, vector<16xf32>,
    %swap3A_449 = arith.constant 208 : index
    %swap3A_450 = tpu.vector_load %arg15[%swap3A_449] {strides = array<i32>} : memref<256xi32, #tpu.memory_space<vmem>>, vector<16xi32>,
    tpu.vector_store %arg15[%swap3A_449], %broadcast_in_dim3A_9 {strides = array<i32>} : memref<256xi32, #tpu.memory_space<vmem>>, vector<16xi32>,
    %swap3A_451 = arith.constant 208 : index
    %swap3A_452 = tpu.vector_load %arg23[%swap3A_451] {strides = array<i32>} : memref<256xf32, #tpu.memory_space<vmem>>, vector<16xf32>,
    tpu.vector_store %arg23[%swap3A_451], %broadcast_in_dim3A_7 {strides = array<i32>} : memref<256xf32, #tpu.memory_space<vmem>>, vector<16xf32>,
    %swap3A_453 = arith.constant 208 : index
    %swap3A_454 = tpu.vector_load %arg16[%swap3A_453] {strides = array<i32>} : memref<256xi32, #tpu.memory_space<vmem>>, vector<16xi32>,
    tpu.vector_store %arg16[%swap3A_453], %broadcast_in_dim3A_9 {strides = array<i32>} : memref<256xi32, #tpu.memory_space<vmem>>, vector<16xi32>,
    %swap3A_455 = arith.constant 208 : index
    %swap3A_456 = tpu.vector_load %arg24[%swap3A_455] {strides = array<i32>} : memref<256xf32, #tpu.memory_space<vmem>>, vector<16xf32>,
    tpu.vector_store %arg24[%swap3A_455], %broadcast_in_dim3A_7 {strides = array<i32>} : memref<256xf32, #tpu.memory_space<vmem>>, vector<16xf32>,
    %swap3A_457 = arith.constant 224 : index
    %swap3A_458 = tpu.vector_load %arg9[%swap3A_457] {strides = array<i32>} : memref<256xi32, #tpu.memory_space<vmem>>, vector<16xi32>,
    tpu.vector_store %arg9[%swap3A_457], %broadcast_in_dim3A_9 {strides = array<i32>} : memref<256xi32, #tpu.memory_space<vmem>>, vector<16xi32>,
    %swap3A_459 = arith.constant 224 : index
    %swap3A_460 = tpu.vector_load %arg17[%swap3A_459] {strides = array<i32>} : memref<256xf32, #tpu.memory_space<vmem>>, vector<16xf32>,
    tpu.vector_store %arg17[%swap3A_459], %broadcast_in_dim3A_7 {strides = array<i32>} : memref<256xf32, #tpu.memory_space<vmem>>, vector<16xf32>,
    %swap3A_461 = arith.constant 224 : index
    %swap3A_462 = tpu.vector_load %arg10[%swap3A_461] {strides = array<i32>} : memref<256xi32, #tpu.memory_space<vmem>>, vector<16xi32>,
    tpu.vector_store %arg10[%swap3A_461], %broadcast_in_dim3A_9 {strides = array<i32>} : memref<256xi32, #tpu.memory_space<vmem>>, vector<16xi32>,
    %swap3A_463 = arith.constant 224 : index
    %swap3A_464 = tpu.vector_load %arg18[%swap3A_463] {strides = array<i32>} : memref<256xf32, #tpu.memory_space<vmem>>, vector<16xf32>,
    tpu.vector_store %arg18[%swap3A_463], %broadcast_in_dim3A_7 {strides = array<i32>} : memref<256xf32, #tpu.memory_space<vmem>>, vector<16xf32>,
    %swap3A_465 = arith.constant 224 : index
    %swap3A_466 = tpu.vector_load %arg11[%swap3A_465] {strides = array<i32>} : memref<256xi32, #tpu.memory_space<vmem>>, vector<16xi32>,
    tpu.vector_store %arg11[%swap3A_465], %broadcast_in_dim3A_9 {strides = array<i32>} : memref<256xi32, #tpu.memory_space<vmem>>, vector<16xi32>,
    %swap3A_467 = arith.constant 224 : index
    %swap3A_468 = tpu.vector_load %arg19[%swap3A_467] {strides = array<i32>} : memref<256xf32, #tpu.memory_space<vmem>>, vector<16xf32>,
    tpu.vector_store %arg19[%swap3A_467], %broadcast_in_dim3A_7 {strides = array<i32>} : memref<256xf32, #tpu.memory_space<vmem>>, vector<16xf32>,
    %swap3A_469 = arith.constant 224 : index
    %swap3A_470 = tpu.vector_load %arg12[%swap3A_469] {strides = array<i32>} : memref<256xi32, #tpu.memory_space<vmem>>, vector<16xi32>,
    tpu.vector_store %arg12[%swap3A_469], %broadcast_in_dim3A_9 {strides = array<i32>} : memref<256xi32, #tpu.memory_space<vmem>>, vector<16xi32>,
    %swap3A_471 = arith.constant 224 : index
    %swap3A_472 = tpu.vector_load %arg20[%swap3A_471] {strides = array<i32>} : memref<256xf32, #tpu.memory_space<vmem>>, vector<16xf32>,
    tpu.vector_store %arg20[%swap3A_471], %broadcast_in_dim3A_7 {strides = array<i32>} : memref<256xf32, #tpu.memory_space<vmem>>, vector<16xf32>,
    %swap3A_473 = arith.constant 224 : index
    %swap3A_474 = tpu.vector_load %arg13[%swap3A_473] {strides = array<i32>} : memref<256xi32, #tpu.memory_space<vmem>>, vector<16xi32>,
    tpu.vector_store %arg13[%swap3A_473], %broadcast_in_dim3A_9 {strides = array<i32>} : memref<256xi32, #tpu.memory_space<vmem>>, vector<16xi32>,
    %swap3A_475 = arith.constant 224 : index
    %swap3A_476 = tpu.vector_load %arg21[%swap3A_475] {strides = array<i32>} : memref<256xf32, #tpu.memory_space<vmem>>, vector<16xf32>,
    tpu.vector_store %arg21[%swap3A_475], %broadcast_in_dim3A_7 {strides = array<i32>} : memref<256xf32, #tpu.memory_space<vmem>>, vector<16xf32>,
    %swap3A_477 = arith.constant 224 : index
    %swap3A_478 = tpu.vector_load %arg14[%swap3A_477] {strides = array<i32>} : memref<256xi32, #tpu.memory_space<vmem>>, vector<16xi32>,
    tpu.vector_store %arg14[%swap3A_477], %broadcast_in_dim3A_9 {strides = array<i32>} : memref<256xi32, #tpu.memory_space<vmem>>, vector<16xi32>,
    %swap3A_479 = arith.constant 224 : index
    %swap3A_480 = tpu.vector_load %arg22[%swap3A_479] {strides = array<i32>} : memref<256xf32, #tpu.memory_space<vmem>>, vector<16xf32>,
    tpu.vector_store %arg22[%swap3A_479], %broadcast_in_dim3A_7 {strides = array<i32>} : memref<256xf32, #tpu.memory_space<vmem>>, vector<16xf32>,
    %swap3A_481 = arith.constant 224 : index
    %swap3A_482 = tpu.vector_load %arg15[%swap3A_481] {strides = array<i32>} : memref<256xi32, #tpu.memory_space<vmem>>, vector<16xi32>,
    tpu.vector_store %arg15[%swap3A_481], %broadcast_in_dim3A_9 {strides = array<i32>} : memref<256xi32, #tpu.memory_space<vmem>>, vector<16xi32>,
    %swap3A_483 = arith.constant 224 : index
    %swap3A_484 = tpu.vector_load %arg23[%swap3A_483] {strides = array<i32>} : memref<256xf32, #tpu.memory_space<vmem>>, vector<16xf32>,
    tpu.vector_store %arg23[%swap3A_483], %broadcast_in_dim3A_7 {strides = array<i32>} : memref<256xf32, #tpu.memory_space<vmem>>, vector<16xf32>,
    %swap3A_485 = arith.constant 224 : index
    %swap3A_486 = tpu.vector_load %arg16[%swap3A_485] {strides = array<i32>} : memref<256xi32, #tpu.memory_space<vmem>>, vector<16xi32>,
    tpu.vector_store %arg16[%swap3A_485], %broadcast_in_dim3A_9 {strides = array<i32>} : memref<256xi32, #tpu.memory_space<vmem>>, vector<16xi32>,
    %swap3A_487 = arith.constant 224 : index
    %swap3A_488 = tpu.vector_load %arg24[%swap3A_487] {strides = array<i32>} : memref<256xf32, #tpu.memory_space<vmem>>, vector<16xf32>,
    tpu.vector_store %arg24[%swap3A_487], %broadcast_in_dim3A_7 {strides = array<i32>} : memref<256xf32, #tpu.memory_space<vmem>>, vector<16xf32>,
    %swap3A_489 = arith.constant 240 : index
    %swap3A_490 = tpu.vector_load %arg9[%swap3A_489] {strides = array<i32>} : memref<256xi32, #tpu.memory_space<vmem>>, vector<16xi32>,
    tpu.vector_store %arg9[%swap3A_489], %broadcast_in_dim3A_9 {strides = array<i32>} : memref<256xi32, #tpu.memory_space<vmem>>, vector<16xi32>,
    %swap3A_491 = arith.constant 240 : index
    %swap3A_492 = tpu.vector_load %arg17[%swap3A_491] {strides = array<i32>} : memref<256xf32, #tpu.memory_space<vmem>>, vector<16xf32>,
    tpu.vector_store %arg17[%swap3A_491], %broadcast_in_dim3A_7 {strides = array<i32>} : memref<256xf32, #tpu.memory_space<vmem>>, vector<16xf32>,
    %swap3A_493 = arith.constant 240 : index
    %swap3A_494 = tpu.vector_load %arg10[%swap3A_493] {strides = array<i32>} : memref<256xi32, #tpu.memory_space<vmem>>, vector<16xi32>,
    tpu.vector_store %arg10[%swap3A_493], %broadcast_in_dim3A_9 {strides = array<i32>} : memref<256xi32, #tpu.memory_space<vmem>>, vector<16xi32>,
    %swap3A_495 = arith.constant 240 : index
    %swap3A_496 = tpu.vector_load %arg18[%swap3A_495] {strides = array<i32>} : memref<256xf32, #tpu.memory_space<vmem>>, vector<16xf32>,
    tpu.vector_store %arg18[%swap3A_495], %broadcast_in_dim3A_7 {strides = array<i32>} : memref<256xf32, #tpu.memory_space<vmem>>, vector<16xf32>,
    %swap3A_497 = arith.constant 240 : index
    %swap3A_498 = tpu.vector_load %arg11[%swap3A_497] {strides = array<i32>} : memref<256xi32, #tpu.memory_space<vmem>>, vector<16xi32>,
    tpu.vector_store %arg11[%swap3A_497], %broadcast_in_dim3A_9 {strides = array<i32>} : memref<256xi32, #tpu.memory_space<vmem>>, vector<16xi32>,
    %swap3A_499 = arith.constant 240 : index
    %swap3A_500 = tpu.vector_load %arg19[%swap3A_499] {strides = array<i32>} : memref<256xf32, #tpu.memory_space<vmem>>, vector<16xf32>,
    tpu.vector_store %arg19[%swap3A_499], %broadcast_in_dim3A_7 {strides = array<i32>} : memref<256xf32, #tpu.memory_space<vmem>>, vector<16xf32>,
    %swap3A_501 = arith.constant 240 : index
    %swap3A_502 = tpu.vector_load %arg12[%swap3A_501] {strides = array<i32>} : memref<256xi32, #tpu.memory_space<vmem>>, vector<16xi32>,
    tpu.vector_store %arg12[%swap3A_501], %broadcast_in_dim3A_9 {strides = array<i32>} : memref<256xi32, #tpu.memory_space<vmem>>, vector<16xi32>,
    %swap3A_503 = arith.constant 240 : index
    %swap3A_504 = tpu.vector_load %arg20[%swap3A_503] {strides = array<i32>} : memref<256xf32, #tpu.memory_space<vmem>>, vector<16xf32>,
    tpu.vector_store %arg20[%swap3A_503], %broadcast_in_dim3A_7 {strides = array<i32>} : memref<256xf32, #tpu.memory_space<vmem>>, vector<16xf32>,
    %swap3A_505 = arith.constant 240 : index
    %swap3A_506 = tpu.vector_load %arg13[%swap3A_505] {strides = array<i32>} : memref<256xi32, #tpu.memory_space<vmem>>, vector<16xi32>,
    tpu.vector_store %arg13[%swap3A_505], %broadcast_in_dim3A_9 {strides = array<i32>} : memref<256xi32, #tpu.memory_space<vmem>>, vector<16xi32>,
    %swap3A_507 = arith.constant 240 : index
    %swap3A_508 = tpu.vector_load %arg21[%swap3A_507] {strides = array<i32>} : memref<256xf32, #tpu.memory_space<vmem>>, vector<16xf32>,
    tpu.vector_store %arg21[%swap3A_507], %broadcast_in_dim3A_7 {strides = array<i32>} : memref<256xf32, #tpu.memory_space<vmem>>, vector<16xf32>,
    %swap3A_509 = arith.constant 240 : index
    %swap3A_510 = tpu.vector_load %arg14[%swap3A_509] {strides = array<i32>} : memref<256xi32, #tpu.memory_space<vmem>>, vector<16xi32>,
    tpu.vector_store %arg14[%swap3A_509], %broadcast_in_dim3A_9 {strides = array<i32>} : memref<256xi32, #tpu.memory_space<vmem>>, vector<16xi32>,
    %swap3A_511 = arith.constant 240 : index
    %swap3A_512 = tpu.vector_load %arg22[%swap3A_511] {strides = array<i32>} : memref<256xf32, #tpu.memory_space<vmem>>, vector<16xf32>,
    tpu.vector_store %arg22[%swap3A_511], %broadcast_in_dim3A_7 {strides = array<i32>} : memref<256xf32, #tpu.memory_space<vmem>>, vector<16xf32>,
    %swap3A_513 = arith.constant 240 : index
    %swap3A_514 = tpu.vector_load %arg15[%swap3A_513] {strides = array<i32>} : memref<256xi32, #tpu.memory_space<vmem>>, vector<16xi32>,
    tpu.vector_store %arg15[%swap3A_513], %broadcast_in_dim3A_9 {strides = array<i32>} : memref<256xi32, #tpu.memory_space<vmem>>, vector<16xi32>,
    %swap3A_515 = arith.constant 240 : index
    %swap3A_516 = tpu.vector_load %arg23[%swap3A_515] {strides = array<i32>} : memref<256xf32, #tpu.memory_space<vmem>>, vector<16xf32>,
    tpu.vector_store %arg23[%swap3A_515], %broadcast_in_dim3A_7 {strides = array<i32>} : memref<256xf32, #tpu.memory_space<vmem>>, vector<16xf32>,
    %swap3A_517 = arith.constant 240 : index
    %swap3A_518 = tpu.vector_load %arg16[%swap3A_517] {strides = array<i32>} : memref<256xi32, #tpu.memory_space<vmem>>, vector<16xi32>,
    tpu.vector_store %arg16[%swap3A_517], %broadcast_in_dim3A_9 {strides = array<i32>} : memref<256xi32, #tpu.memory_space<vmem>>, vector<16xi32>,
    %swap3A_519 = arith.constant 240 : index
    %swap3A_520 = tpu.vector_load %arg24[%swap3A_519] {strides = array<i32>} : memref<256xf32, #tpu.memory_space<vmem>>, vector<16xf32>,
    tpu.vector_store %arg24[%swap3A_519], %broadcast_in_dim3A_7 {strides = array<i32>} : memref<256xf32, #tpu.memory_space<vmem>>, vector<16xf32>,
    %iota3A = tpu.iota {dimensions = array<i32: 0>} : vector<16xi32>
    %scan3A = arith.constant 0 : i32
    %scan3A_521 = arith.constant 0 : i32
    %scan3A_522 = arith.constant 256 : i32
    %scan3A_523 = arith.addi %scan3A_521, %scan3A_522 : i32
    %scan3A_524 = arith.constant 1 : i32
    scf.for %scan3A_2709 = %scan3A_521 to %scan3A_523 step %scan3A_524  : i32 {
      %mul3A_2710 = arith.constant 2 : i32
      %mul3A_2711 = arith.muli %mul3A_2710, %scan3A_2709 : i32
      %get3A = arith.index_cast %mul3A_2711 : i32 to index
      %get3A_2712 = arith.constant 0 : index
      %get3A_2713 = tpu.vector_load %arg7[%get3A, %get3A_2712] {strides = array<i32>} : memref<512x128xf32, #tpu.memory_space<vmem>>, vector<16xf32>,
      %mul3A_2714 = arith.constant 2 : i32
      %mul3A_2715 = arith.muli %mul3A_2714, %scan3A_2709 : i32
      %get3A_2716 = arith.index_cast %mul3A_2715 : i32 to index
      %get3A_2717 = arith.constant 16 : index
      %get3A_2718 = tpu.vector_load %arg7[%get3A_2716, %get3A_2717] {strides = array<i32>} : memref<512x128xf32, #tpu.memory_space<vmem>>, vector<16xf32>,
      %mul3A_2719 = arith.constant 2 : i32
      %mul3A_2720 = arith.muli %mul3A_2719, %scan3A_2709 : i32
      %get3A_2721 = arith.index_cast %mul3A_2720 : i32 to index
      %get3A_2722 = arith.constant 32 : index
      %get3A_2723 = tpu.vector_load %arg7[%get3A_2721, %get3A_2722] {strides = array<i32>} : memref<512x128xf32, #tpu.memory_space<vmem>>, vector<16xf32>,
      %mul3A_2724 = arith.constant 2 : i32
      %mul3A_2725 = arith.muli %mul3A_2724, %scan3A_2709 : i32
      %get3A_2726 = arith.index_cast %mul3A_2725 : i32 to index
      %get3A_2727 = arith.constant 48 : index
      %get3A_2728 = tpu.vector_load %arg7[%get3A_2726, %get3A_2727] {strides = array<i32>} : memref<512x128xf32, #tpu.memory_space<vmem>>, vector<16xf32>,
      %mul3A_2729 = arith.constant 2 : i32
      %mul3A_2730 = arith.muli %mul3A_2729, %scan3A_2709 : i32
      %get3A_2731 = arith.index_cast %mul3A_2730 : i32 to index
      %get3A_2732 = arith.constant 64 : index
      %get3A_2733 = tpu.vector_load %arg7[%get3A_2731, %get3A_2732] {strides = array<i32>} : memref<512x128xf32, #tpu.memory_space<vmem>>, vector<16xf32>,
      %mul3A_2734 = arith.constant 2 : i32
      %mul3A_2735 = arith.muli %mul3A_2734, %scan3A_2709 : i32
      %get3A_2736 = arith.index_cast %mul3A_2735 : i32 to index
      %get3A_2737 = arith.constant 80 : index
      %get3A_2738 = tpu.vector_load %arg7[%get3A_2736, %get3A_2737] {strides = array<i32>} : memref<512x128xf32, #tpu.memory_space<vmem>>, vector<16xf32>,
      %mul3A_2739 = arith.constant 2 : i32
      %mul3A_2740 = arith.muli %mul3A_2739, %scan3A_2709 : i32
      %get3A_2741 = arith.index_cast %mul3A_2740 : i32 to index
      %get3A_2742 = arith.constant 96 : index
      %get3A_2743 = tpu.vector_load %arg7[%get3A_2741, %get3A_2742] {strides = array<i32>} : memref<512x128xf32, #tpu.memory_space<vmem>>, vector<16xf32>,
      %mul3A_2744 = arith.constant 2 : i32
      %mul3A_2745 = arith.muli %mul3A_2744, %scan3A_2709 : i32
      %get3A_2746 = arith.index_cast %mul3A_2745 : i32 to index
      %get3A_2747 = arith.constant 112 : index
      %get3A_2748 = tpu.vector_load %arg7[%get3A_2746, %get3A_2747] {strides = array<i32>} : memref<512x128xf32, #tpu.memory_space<vmem>>, vector<16xf32>,
      %mul3A_2749 = arith.constant 2 : i32
      %mul3A_2750 = arith.muli %mul3A_2749, %scan3A_2709 : i32
      %add3A_2751 = arith.constant 1 : i32
      %add3A_2752 = arith.addi %mul3A_2750, %add3A_2751 : i32
      %get3A_2753 = arith.index_cast %add3A_2752 : i32 to index
      %get3A_2754 = arith.constant 0 : index
      %get3A_2755 = tpu.vector_load %arg7[%get3A_2753, %get3A_2754] {strides = array<i32>} : memref<512x128xf32, #tpu.memory_space<vmem>>, vector<16xf32>,
      %mul3A_2756 = arith.constant 2 : i32
      %mul3A_2757 = arith.muli %mul3A_2756, %scan3A_2709 : i32
      %add3A_2758 = arith.constant 1 : i32
      %add3A_2759 = arith.addi %mul3A_2757, %add3A_2758 : i32
      %get3A_2760 = arith.index_cast %add3A_2759 : i32 to index
      %get3A_2761 = arith.constant 16 : index
      %get3A_2762 = tpu.vector_load %arg7[%get3A_2760, %get3A_2761] {strides = array<i32>} : memref<512x128xf32, #tpu.memory_space<vmem>>, vector<16xf32>,
      %mul3A_2763 = arith.constant 2 : i32
      %mul3A_2764 = arith.muli %mul3A_2763, %scan3A_2709 : i32
      %add3A_2765 = arith.constant 1 : i32
      %add3A_2766 = arith.addi %mul3A_2764, %add3A_2765 : i32
      %get3A_2767 = arith.index_cast %add3A_2766 : i32 to index
      %get3A_2768 = arith.constant 32 : index
      %get3A_2769 = tpu.vector_load %arg7[%get3A_2767, %get3A_2768] {strides = array<i32>} : memref<512x128xf32, #tpu.memory_space<vmem>>, vector<16xf32>,
      %mul3A_2770 = arith.constant 2 : i32
      %mul3A_2771 = arith.muli %mul3A_2770, %scan3A_2709 : i32
      %add3A_2772 = arith.constant 1 : i32
      %add3A_2773 = arith.addi %mul3A_2771, %add3A_2772 : i32
      %get3A_2774 = arith.index_cast %add3A_2773 : i32 to index
      %get3A_2775 = arith.constant 48 : index
      %get3A_2776 = tpu.vector_load %arg7[%get3A_2774, %get3A_2775] {strides = array<i32>} : memref<512x128xf32, #tpu.memory_space<vmem>>, vector<16xf32>,
      %mul3A_2777 = arith.constant 2 : i32
      %mul3A_2778 = arith.muli %mul3A_2777, %scan3A_2709 : i32
      %add3A_2779 = arith.constant 1 : i32
      %add3A_2780 = arith.addi %mul3A_2778, %add3A_2779 : i32
      %get3A_2781 = arith.index_cast %add3A_2780 : i32 to index
      %get3A_2782 = arith.constant 64 : index
      %get3A_2783 = tpu.vector_load %arg7[%get3A_2781, %get3A_2782] {strides = array<i32>} : memref<512x128xf32, #tpu.memory_space<vmem>>, vector<16xf32>,
      %mul3A_2784 = arith.constant 2 : i32
      %mul3A_2785 = arith.muli %mul3A_2784, %scan3A_2709 : i32
      %add3A_2786 = arith.constant 1 : i32
      %add3A_2787 = arith.addi %mul3A_2785, %add3A_2786 : i32
      %get3A_2788 = arith.index_cast %add3A_2787 : i32 to index
      %get3A_2789 = arith.constant 80 : index
      %get3A_2790 = tpu.vector_load %arg7[%get3A_2788, %get3A_2789] {strides = array<i32>} : memref<512x128xf32, #tpu.memory_space<vmem>>, vector<16xf32>,
      %mul3A_2791 = arith.constant 2 : i32
      %mul3A_2792 = arith.muli %mul3A_2791, %scan3A_2709 : i32
      %add3A_2793 = arith.constant 1 : i32
      %add3A_2794 = arith.addi %mul3A_2792, %add3A_2793 : i32
      %get3A_2795 = arith.index_cast %add3A_2794 : i32 to index
      %get3A_2796 = arith.constant 96 : index
      %get3A_2797 = tpu.vector_load %arg7[%get3A_2795, %get3A_2796] {strides = array<i32>} : memref<512x128xf32, #tpu.memory_space<vmem>>, vector<16xf32>,
      %mul3A_2798 = arith.constant 2 : i32
      %mul3A_2799 = arith.muli %mul3A_2798, %scan3A_2709 : i32
      %add3A_2800 = arith.constant 1 : i32
      %add3A_2801 = arith.addi %mul3A_2799, %add3A_2800 : i32
      %get3A_2802 = arith.index_cast %add3A_2801 : i32 to index
      %get3A_2803 = arith.constant 112 : index
      %get3A_2804 = tpu.vector_load %arg7[%get3A_2802, %get3A_2803] {strides = array<i32>} : memref<512x128xf32, #tpu.memory_space<vmem>>, vector<16xf32>,
      %get3A_2805 = arith.index_cast %scan3A_2709 : i32 to index
      %get3A_2806 = arith.constant 0 : index
      %get3A_2807 = tpu.vector_load %arg8[%get3A_2805, %get3A_2806] {strides = array<i32>} : memref<256x128xi32, #tpu.memory_space<vmem>>, vector<16xi32>,
      %get3A_2808 = arith.index_cast %scan3A_2709 : i32 to index
      %get3A_2809 = arith.constant 16 : index
      %get3A_2810 = tpu.vector_load %arg8[%get3A_2808, %get3A_2809] {strides = array<i32>} : memref<256x128xi32, #tpu.memory_space<vmem>>, vector<16xi32>,
      %get3A_2811 = arith.index_cast %scan3A_2709 : i32 to index
      %get3A_2812 = arith.constant 32 : index
      %get3A_2813 = tpu.vector_load %arg8[%get3A_2811, %get3A_2812] {strides = array<i32>} : memref<256x128xi32, #tpu.memory_space<vmem>>, vector<16xi32>,
      %get3A_2814 = arith.index_cast %scan3A_2709 : i32 to index
      %get3A_2815 = arith.constant 48 : index
      %get3A_2816 = tpu.vector_load %arg8[%get3A_2814, %get3A_2815] {strides = array<i32>} : memref<256x128xi32, #tpu.memory_space<vmem>>, vector<16xi32>,
      %get3A_2817 = arith.index_cast %scan3A_2709 : i32 to index
      %get3A_2818 = arith.constant 64 : index
      %get3A_2819 = tpu.vector_load %arg8[%get3A_2817, %get3A_2818] {strides = array<i32>} : memref<256x128xi32, #tpu.memory_space<vmem>>, vector<16xi32>,
      %get3A_2820 = arith.index_cast %scan3A_2709 : i32 to index
      %get3A_2821 = arith.constant 80 : index
      %get3A_2822 = tpu.vector_load %arg8[%get3A_2820, %get3A_2821] {strides = array<i32>} : memref<256x128xi32, #tpu.memory_space<vmem>>, vector<16xi32>,
      %get3A_2823 = arith.index_cast %scan3A_2709 : i32 to index
      %get3A_2824 = arith.constant 96 : index
      %get3A_2825 = tpu.vector_load %arg8[%get3A_2823, %get3A_2824] {strides = array<i32>} : memref<256x128xi32, #tpu.memory_space<vmem>>, vector<16xi32>,
      %get3A_2826 = arith.index_cast %scan3A_2709 : i32 to index
      %get3A_2827 = arith.constant 112 : index
      %get3A_2828 = tpu.vector_load %arg8[%get3A_2826, %get3A_2827] {strides = array<i32>} : memref<256x128xi32, #tpu.memory_space<vmem>>, vector<16xi32>,
      %sub3A = arith.subf %get3A_2713, %get3A_2755 : vector<16xf32>
      %exp3A = math.exp %sub3A : vector<16xf32>
      %sub3A_2829 = arith.subf %get3A_2718, %get3A_2762 : vector<16xf32>
      %exp3A_2830 = math.exp %sub3A_2829 : vector<16xf32>
      %sub3A_2831 = arith.subf %get3A_2723, %get3A_2769 : vector<16xf32>
      %exp3A_2832 = math.exp %sub3A_2831 : vector<16xf32>
      %sub3A_2833 = arith.subf %get3A_2728, %get3A_2776 : vector<16xf32>
      %exp3A_2834 = math.exp %sub3A_2833 : vector<16xf32>
      %sub3A_2835 = arith.subf %get3A_2733, %get3A_2783 : vector<16xf32>
      %exp3A_2836 = math.exp %sub3A_2835 : vector<16xf32>
      %sub3A_2837 = arith.subf %get3A_2738, %get3A_2790 : vector<16xf32>
      %exp3A_2838 = math.exp %sub3A_2837 : vector<16xf32>
      %sub3A_2839 = arith.subf %get3A_2743, %get3A_2797 : vector<16xf32>
      %exp3A_2840 = math.exp %sub3A_2839 : vector<16xf32>
      %sub3A_2841 = arith.subf %get3A_2748, %get3A_2804 : vector<16xf32>
      %exp3A_2842 = math.exp %sub3A_2841 : vector<16xf32>
      %add3A_2843 = arith.constant 1.000000e+00 : f32
      %add3A_2844 = vector.broadcast %add3A_2843 : f32 to vector<16xf32>
      %add3A_2845 = arith.addf %add3A_2844, %exp3A : vector<16xf32>
      %div3A = arith.constant 1.000000e+00 : f32
      %div3A_2846 = vector.broadcast %div3A : f32 to vector<16xf32>
      %div3A_2847 = arith.divf %div3A_2846, %add3A_2845 : vector<16xf32>
      %add3A_2848 = arith.constant 1.000000e+00 : f32
      %add3A_2849 = vector.broadcast %add3A_2848 : f32 to vector<16xf32>
      %add3A_2850 = arith.addf %add3A_2849, %exp3A_2830 : vector<16xf32>
      %div3A_2851 = arith.constant 1.000000e+00 : f32
      %div3A_2852 = vector.broadcast %div3A_2851 : f32 to vector<16xf32>
      %div3A_2853 = arith.divf %div3A_2852, %add3A_2850 : vector<16xf32>
      %add3A_2854 = arith.constant 1.000000e+00 : f32
      %add3A_2855 = vector.broadcast %add3A_2854 : f32 to vector<16xf32>
      %add3A_2856 = arith.addf %add3A_2855, %exp3A_2832 : vector<16xf32>
      %div3A_2857 = arith.constant 1.000000e+00 : f32
      %div3A_2858 = vector.broadcast %div3A_2857 : f32 to vector<16xf32>
      %div3A_2859 = arith.divf %div3A_2858, %add3A_2856 : vector<16xf32>
      %add3A_2860 = arith.constant 1.000000e+00 : f32
      %add3A_2861 = vector.broadcast %add3A_2860 : f32 to vector<16xf32>
      %add3A_2862 = arith.addf %add3A_2861, %exp3A_2834 : vector<16xf32>
      %div3A_2863 = arith.constant 1.000000e+00 : f32
      %div3A_2864 = vector.broadcast %div3A_2863 : f32 to vector<16xf32>
      %div3A_2865 = arith.divf %div3A_2864, %add3A_2862 : vector<16xf32>
      %add3A_2866 = arith.constant 1.000000e+00 : f32
      %add3A_2867 = vector.broadcast %add3A_2866 : f32 to vector<16xf32>
      %add3A_2868 = arith.addf %add3A_2867, %exp3A_2836 : vector<16xf32>
      %div3A_2869 = arith.constant 1.000000e+00 : f32
      %div3A_2870 = vector.broadcast %div3A_2869 : f32 to vector<16xf32>
      %div3A_2871 = arith.divf %div3A_2870, %add3A_2868 : vector<16xf32>
      %add3A_2872 = arith.constant 1.000000e+00 : f32
      %add3A_2873 = vector.broadcast %add3A_2872 : f32 to vector<16xf32>
      %add3A_2874 = arith.addf %add3A_2873, %exp3A_2838 : vector<16xf32>
      %div3A_2875 = arith.constant 1.000000e+00 : f32
      %div3A_2876 = vector.broadcast %div3A_2875 : f32 to vector<16xf32>
      %div3A_2877 = arith.divf %div3A_2876, %add3A_2874 : vector<16xf32>
      %add3A_2878 = arith.constant 1.000000e+00 : f32
      %add3A_2879 = vector.broadcast %add3A_2878 : f32 to vector<16xf32>
      %add3A_2880 = arith.addf %add3A_2879, %exp3A_2840 : vector<16xf32>
      %div3A_2881 = arith.constant 1.000000e+00 : f32
      %div3A_2882 = vector.broadcast %div3A_2881 : f32 to vector<16xf32>
      %div3A_2883 = arith.divf %div3A_2882, %add3A_2880 : vector<16xf32>
      %add3A_2884 = arith.constant 1.000000e+00 : f32
      %add3A_2885 = vector.broadcast %add3A_2884 : f32 to vector<16xf32>
      %add3A_2886 = arith.addf %add3A_2885, %exp3A_2842 : vector<16xf32>
      %div3A_2887 = arith.constant 1.000000e+00 : f32
      %div3A_2888 = vector.broadcast %div3A_2887 : f32 to vector<16xf32>
      %div3A_2889 = arith.divf %div3A_2888, %add3A_2886 : vector<16xf32>
      %mul3A_2890 = arith.constant 1.000000e+01 : f32
      %mul3A_2891 = vector.broadcast %mul3A_2890 : f32 to vector<16xf32>
      %mul3A_2892 = arith.mulf %div3A_2847, %mul3A_2891 : vector<16xf32>
      %convert_element_type3A_2893 = arith.fptosi %mul3A_2892 : vector<16xf32> to vector<16xi32>
      %mul3A_2894 = arith.constant 16 : i32
      %mul3A_2895 = vector.broadcast %mul3A_2894 : i32 to vector<16xi32>
      %mul3A_2896 = arith.muli %convert_element_type3A_2893, %mul3A_2895 : vector<16xi32>
      %add3A_2897 = arith.addi %mul3A_2896, %iota3A : vector<16xi32>
      %mul3A_2898 = arith.constant 1.000000e+01 : f32
      %mul3A_2899 = vector.broadcast %mul3A_2898 : f32 to vector<16xf32>
      %mul3A_2900 = arith.mulf %div3A_2853, %mul3A_2899 : vector<16xf32>
      %convert_element_type3A_2901 = arith.fptosi %mul3A_2900 : vector<16xf32> to vector<16xi32>
      %mul3A_2902 = arith.constant 16 : i32
      %mul3A_2903 = vector.broadcast %mul3A_2902 : i32 to vector<16xi32>
      %mul3A_2904 = arith.muli %convert_element_type3A_2901, %mul3A_2903 : vector<16xi32>
      %add3A_2905 = arith.addi %mul3A_2904, %iota3A : vector<16xi32>
      %mul3A_2906 = arith.constant 1.000000e+01 : f32
      %mul3A_2907 = vector.broadcast %mul3A_2906 : f32 to vector<16xf32>
      %mul3A_2908 = arith.mulf %div3A_2859, %mul3A_2907 : vector<16xf32>
      %convert_element_type3A_2909 = arith.fptosi %mul3A_2908 : vector<16xf32> to vector<16xi32>
      %mul3A_2910 = arith.constant 16 : i32
      %mul3A_2911 = vector.broadcast %mul3A_2910 : i32 to vector<16xi32>
      %mul3A_2912 = arith.muli %convert_element_type3A_2909, %mul3A_2911 : vector<16xi32>
      %add3A_2913 = arith.addi %mul3A_2912, %iota3A : vector<16xi32>
      %mul3A_2914 = arith.constant 1.000000e+01 : f32
      %mul3A_2915 = vector.broadcast %mul3A_2914 : f32 to vector<16xf32>
      %mul3A_2916 = arith.mulf %div3A_2865, %mul3A_2915 : vector<16xf32>
      %convert_element_type3A_2917 = arith.fptosi %mul3A_2916 : vector<16xf32> to vector<16xi32>
      %mul3A_2918 = arith.constant 16 : i32
      %mul3A_2919 = vector.broadcast %mul3A_2918 : i32 to vector<16xi32>
      %mul3A_2920 = arith.muli %convert_element_type3A_2917, %mul3A_2919 : vector<16xi32>
      %add3A_2921 = arith.addi %mul3A_2920, %iota3A : vector<16xi32>
      %mul3A_2922 = arith.constant 1.000000e+01 : f32
      %mul3A_2923 = vector.broadcast %mul3A_2922 : f32 to vector<16xf32>
      %mul3A_2924 = arith.mulf %div3A_2871, %mul3A_2923 : vector<16xf32>
      %convert_element_type3A_2925 = arith.fptosi %mul3A_2924 : vector<16xf32> to vector<16xi32>
      %mul3A_2926 = arith.constant 16 : i32
      %mul3A_2927 = vector.broadcast %mul3A_2926 : i32 to vector<16xi32>
      %mul3A_2928 = arith.muli %convert_element_type3A_2925, %mul3A_2927 : vector<16xi32>
      %add3A_2929 = arith.addi %mul3A_2928, %iota3A : vector<16xi32>
      %mul3A_2930 = arith.constant 1.000000e+01 : f32
      %mul3A_2931 = vector.broadcast %mul3A_2930 : f32 to vector<16xf32>
      %mul3A_2932 = arith.mulf %div3A_2877, %mul3A_2931 : vector<16xf32>
      %convert_element_type3A_2933 = arith.fptosi %mul3A_2932 : vector<16xf32> to vector<16xi32>
      %mul3A_2934 = arith.constant 16 : i32
      %mul3A_2935 = vector.broadcast %mul3A_2934 : i32 to vector<16xi32>
      %mul3A_2936 = arith.muli %convert_element_type3A_2933, %mul3A_2935 : vector<16xi32>
      %add3A_2937 = arith.addi %mul3A_2936, %iota3A : vector<16xi32>
      %mul3A_2938 = arith.constant 1.000000e+01 : f32
      %mul3A_2939 = vector.broadcast %mul3A_2938 : f32 to vector<16xf32>
      %mul3A_2940 = arith.mulf %div3A_2883, %mul3A_2939 : vector<16xf32>
      %convert_element_type3A_2941 = arith.fptosi %mul3A_2940 : vector<16xf32> to vector<16xi32>
      %mul3A_2942 = arith.constant 16 : i32
      %mul3A_2943 = vector.broadcast %mul3A_2942 : i32 to vector<16xi32>
      %mul3A_2944 = arith.muli %convert_element_type3A_2941, %mul3A_2943 : vector<16xi32>
      %add3A_2945 = arith.addi %mul3A_2944, %iota3A : vector<16xi32>
      %mul3A_2946 = arith.constant 1.000000e+01 : f32
      %mul3A_2947 = vector.broadcast %mul3A_2946 : f32 to vector<16xf32>
      %mul3A_2948 = arith.mulf %div3A_2889, %mul3A_2947 : vector<16xf32>
      %convert_element_type3A_2949 = arith.fptosi %mul3A_2948 : vector<16xf32> to vector<16xi32>
      %mul3A_2950 = arith.constant 16 : i32
      %mul3A_2951 = vector.broadcast %mul3A_2950 : i32 to vector<16xi32>
      %mul3A_2952 = arith.muli %convert_element_type3A_2949, %mul3A_2951 : vector<16xi32>
      %add3A_2953 = arith.addi %mul3A_2952, %iota3A : vector<16xi32>
      %add3A_2954 = arith.constant 65536 : i32
      %add3A_2955 = vector.broadcast %add3A_2954 : i32 to vector<16xi32>
      %add3A_2956 = arith.addi %get3A_2807, %add3A_2955 : vector<16xi32>
      %add3A_2957 = arith.constant 65536 : i32
      %add3A_2958 = vector.broadcast %add3A_2957 : i32 to vector<16xi32>
      %add3A_2959 = arith.addi %get3A_2810, %add3A_2958 : vector<16xi32>
      %add3A_2960 = arith.constant 65536 : i32
      %add3A_2961 = vector.broadcast %add3A_2960 : i32 to vector<16xi32>
      %add3A_2962 = arith.addi %get3A_2813, %add3A_2961 : vector<16xi32>
      %add3A_2963 = arith.constant 65536 : i32
      %add3A_2964 = vector.broadcast %add3A_2963 : i32 to vector<16xi32>
      %add3A_2965 = arith.addi %get3A_2816, %add3A_2964 : vector<16xi32>
      %add3A_2966 = arith.constant 65536 : i32
      %add3A_2967 = vector.broadcast %add3A_2966 : i32 to vector<16xi32>
      %add3A_2968 = arith.addi %get3A_2819, %add3A_2967 : vector<16xi32>
      %add3A_2969 = arith.constant 65536 : i32
      %add3A_2970 = vector.broadcast %add3A_2969 : i32 to vector<16xi32>
      %add3A_2971 = arith.addi %get3A_2822, %add3A_2970 : vector<16xi32>
      %add3A_2972 = arith.constant 65536 : i32
      %add3A_2973 = vector.broadcast %add3A_2972 : i32 to vector<16xi32>
      %add3A_2974 = arith.addi %get3A_2825, %add3A_2973 : vector<16xi32>
      %add3A_2975 = arith.constant 65536 : i32
      %add3A_2976 = vector.broadcast %add3A_2975 : i32 to vector<16xi32>
      %add3A_2977 = arith.addi %get3A_2828, %add3A_2976 : vector<16xi32>
      tpu.vector_store_idx %arg9[%add3A_2897], %add3A_2956 {add = true} : memref<256xi32, #tpu.memory_space<vmem>>[vector<16xi32>], vector<16xi32>,
      tpu.vector_store_idx %arg10[%add3A_2905], %add3A_2959 {add = true} : memref<256xi32, #tpu.memory_space<vmem>>[vector<16xi32>], vector<16xi32>,
      tpu.vector_store_idx %arg11[%add3A_2913], %add3A_2962 {add = true} : memref<256xi32, #tpu.memory_space<vmem>>[vector<16xi32>], vector<16xi32>,
      tpu.vector_store_idx %arg12[%add3A_2921], %add3A_2965 {add = true} : memref<256xi32, #tpu.memory_space<vmem>>[vector<16xi32>], vector<16xi32>,
      tpu.vector_store_idx %arg13[%add3A_2929], %add3A_2968 {add = true} : memref<256xi32, #tpu.memory_space<vmem>>[vector<16xi32>], vector<16xi32>,
      tpu.vector_store_idx %arg14[%add3A_2937], %add3A_2971 {add = true} : memref<256xi32, #tpu.memory_space<vmem>>[vector<16xi32>], vector<16xi32>,
      tpu.vector_store_idx %arg15[%add3A_2945], %add3A_2974 {add = true} : memref<256xi32, #tpu.memory_space<vmem>>[vector<16xi32>], vector<16xi32>,
      tpu.vector_store_idx %arg16[%add3A_2953], %add3A_2977 {add = true} : memref<256xi32, #tpu.memory_space<vmem>>[vector<16xi32>], vector<16xi32>,
      tpu.vector_store_idx %arg17[%add3A_2897], %div3A_2847 {add = true} : memref<256xf32, #tpu.memory_space<vmem>>[vector<16xi32>], vector<16xf32>,
      tpu.vector_store_idx %arg18[%add3A_2905], %div3A_2853 {add = true} : memref<256xf32, #tpu.memory_space<vmem>>[vector<16xi32>], vector<16xf32>,
      tpu.vector_store_idx %arg19[%add3A_2913], %div3A_2859 {add = true} : memref<256xf32, #tpu.memory_space<vmem>>[vector<16xi32>], vector<16xf32>,
      tpu.vector_store_idx %arg20[%add3A_2921], %div3A_2865 {add = true} : memref<256xf32, #tpu.memory_space<vmem>>[vector<16xi32>], vector<16xf32>,
      tpu.vector_store_idx %arg21[%add3A_2929], %div3A_2871 {add = true} : memref<256xf32, #tpu.memory_space<vmem>>[vector<16xi32>], vector<16xf32>,
      tpu.vector_store_idx %arg22[%add3A_2937], %div3A_2877 {add = true} : memref<256xf32, #tpu.memory_space<vmem>>[vector<16xi32>], vector<16xf32>,
      tpu.vector_store_idx %arg23[%add3A_2945], %div3A_2883 {add = true} : memref<256xf32, #tpu.memory_space<vmem>>[vector<16xi32>], vector<16xf32>,
      tpu.vector_store_idx %arg24[%add3A_2953], %div3A_2889 {add = true} : memref<256xf32, #tpu.memory_space<vmem>>[vector<16xi32>], vector<16xf32>,
    }
    %scan3A_525 = arith.constant 256 : i32
    %mul3A_526 = arith.constant 16 : i32
    %mul3A_527 = vector.broadcast %mul3A_526 : i32 to vector<16xi32>
    %mul3A_528 = arith.muli %iota3A, %mul3A_527 : vector<16xi32>
    %add3A_529 = arith.constant 0 : i32
    %add3A_530 = vector.broadcast %add3A_529 : i32 to vector<16xi32>
    %add3A_531 = arith.addi %mul3A_528, %add3A_530 : vector<16xi32>
    %gather3A = tpu.vector_load_idx %arg9[%add3A_531] : memref<256xi32, #tpu.memory_space<vmem>>[vector<16xi32>], vector<16xi32>,
    %shift_right_logical3A = arith.constant 16 : i32
    %shift_right_logical3A_532 = vector.broadcast %shift_right_logical3A : i32 to vector<16xi32>
    %shift_right_logical3A_533 = arith.shrui %gather3A, %shift_right_logical3A_532 : vector<16xi32>
    %add3A_534 = arith.addi %broadcast_in_dim3A_9, %shift_right_logical3A_533 : vector<16xi32>
    %and3A = arith.constant 65535 : i32
    %and3A_535 = vector.broadcast %and3A : i32 to vector<16xi32>
    %and3A_536 = arith.andi %gather3A, %and3A_535 : vector<16xi32>
    %add3A_537 = arith.addi %broadcast_in_dim3A_9, %and3A_536 : vector<16xi32>
    %add3A_538 = arith.constant 0 : i32
    %add3A_539 = vector.broadcast %add3A_538 : i32 to vector<16xi32>
    %add3A_540 = arith.addi %mul3A_528, %add3A_539 : vector<16xi32>
    %gather3A_541 = tpu.vector_load_idx %arg17[%add3A_540] : memref<256xf32, #tpu.memory_space<vmem>>[vector<16xi32>], vector<16xf32>,
    %add3A_542 = arith.addf %broadcast_in_dim3A_7, %gather3A_541 : vector<16xf32>
    %add3A_543 = arith.constant 1 : i32
    %add3A_544 = vector.broadcast %add3A_543 : i32 to vector<16xi32>
    %add3A_545 = arith.addi %mul3A_528, %add3A_544 : vector<16xi32>
    %gather3A_546 = tpu.vector_load_idx %arg9[%add3A_545] : memref<256xi32, #tpu.memory_space<vmem>>[vector<16xi32>], vector<16xi32>,
    %shift_right_logical3A_547 = arith.constant 16 : i32
    %shift_right_logical3A_548 = vector.broadcast %shift_right_logical3A_547 : i32 to vector<16xi32>
    %shift_right_logical3A_549 = arith.shrui %gather3A_546, %shift_right_logical3A_548 : vector<16xi32>
    %add3A_550 = arith.addi %add3A_534, %shift_right_logical3A_549 : vector<16xi32>
    %and3A_551 = arith.constant 65535 : i32
    %and3A_552 = vector.broadcast %and3A_551 : i32 to vector<16xi32>
    %and3A_553 = arith.andi %gather3A_546, %and3A_552 : vector<16xi32>
    %add3A_554 = arith.addi %add3A_537, %and3A_553 : vector<16xi32>
    %add3A_555 = arith.constant 1 : i32
    %add3A_556 = vector.broadcast %add3A_555 : i32 to vector<16xi32>
    %add3A_557 = arith.addi %mul3A_528, %add3A_556 : vector<16xi32>
    %gather3A_558 = tpu.vector_load_idx %arg17[%add3A_557] : memref<256xf32, #tpu.memory_space<vmem>>[vector<16xi32>], vector<16xf32>,
    %add3A_559 = arith.addf %add3A_542, %gather3A_558 : vector<16xf32>
    %add3A_560 = arith.constant 2 : i32
    %add3A_561 = vector.broadcast %add3A_560 : i32 to vector<16xi32>
    %add3A_562 = arith.addi %mul3A_528, %add3A_561 : vector<16xi32>
    %gather3A_563 = tpu.vector_load_idx %arg9[%add3A_562] : memref<256xi32, #tpu.memory_space<vmem>>[vector<16xi32>], vector<16xi32>,
    %shift_right_logical3A_564 = arith.constant 16 : i32
    %shift_right_logical3A_565 = vector.broadcast %shift_right_logical3A_564 : i32 to vector<16xi32>
    %shift_right_logical3A_566 = arith.shrui %gather3A_563, %shift_right_logical3A_565 : vector<16xi32>
    %add3A_567 = arith.addi %add3A_550, %shift_right_logical3A_566 : vector<16xi32>
    %and3A_568 = arith.constant 65535 : i32
    %and3A_569 = vector.broadcast %and3A_568 : i32 to vector<16xi32>
    %and3A_570 = arith.andi %gather3A_563, %and3A_569 : vector<16xi32>
    %add3A_571 = arith.addi %add3A_554, %and3A_570 : vector<16xi32>
    %add3A_572 = arith.constant 2 : i32
    %add3A_573 = vector.broadcast %add3A_572 : i32 to vector<16xi32>
    %add3A_574 = arith.addi %mul3A_528, %add3A_573 : vector<16xi32>
    %gather3A_575 = tpu.vector_load_idx %arg17[%add3A_574] : memref<256xf32, #tpu.memory_space<vmem>>[vector<16xi32>], vector<16xf32>,
    %add3A_576 = arith.addf %add3A_559, %gather3A_575 : vector<16xf32>
    %add3A_577 = arith.constant 3 : i32
    %add3A_578 = vector.broadcast %add3A_577 : i32 to vector<16xi32>
    %add3A_579 = arith.addi %mul3A_528, %add3A_578 : vector<16xi32>
    %gather3A_580 = tpu.vector_load_idx %arg9[%add3A_579] : memref<256xi32, #tpu.memory_space<vmem>>[vector<16xi32>], vector<16xi32>,
    %shift_right_logical3A_581 = arith.constant 16 : i32
    %shift_right_logical3A_582 = vector.broadcast %shift_right_logical3A_581 : i32 to vector<16xi32>
    %shift_right_logical3A_583 = arith.shrui %gather3A_580, %shift_right_logical3A_582 : vector<16xi32>
    %add3A_584 = arith.addi %add3A_567, %shift_right_logical3A_583 : vector<16xi32>
    %and3A_585 = arith.constant 65535 : i32
    %and3A_586 = vector.broadcast %and3A_585 : i32 to vector<16xi32>
    %and3A_587 = arith.andi %gather3A_580, %and3A_586 : vector<16xi32>
    %add3A_588 = arith.addi %add3A_571, %and3A_587 : vector<16xi32>
    %add3A_589 = arith.constant 3 : i32
    %add3A_590 = vector.broadcast %add3A_589 : i32 to vector<16xi32>
    %add3A_591 = arith.addi %mul3A_528, %add3A_590 : vector<16xi32>
    %gather3A_592 = tpu.vector_load_idx %arg17[%add3A_591] : memref<256xf32, #tpu.memory_space<vmem>>[vector<16xi32>], vector<16xf32>,
    %add3A_593 = arith.addf %add3A_576, %gather3A_592 : vector<16xf32>
    %add3A_594 = arith.constant 4 : i32
    %add3A_595 = vector.broadcast %add3A_594 : i32 to vector<16xi32>
    %add3A_596 = arith.addi %mul3A_528, %add3A_595 : vector<16xi32>
    %gather3A_597 = tpu.vector_load_idx %arg9[%add3A_596] : memref<256xi32, #tpu.memory_space<vmem>>[vector<16xi32>], vector<16xi32>,
    %shift_right_logical3A_598 = arith.constant 16 : i32
    %shift_right_logical3A_599 = vector.broadcast %shift_right_logical3A_598 : i32 to vector<16xi32>
    %shift_right_logical3A_600 = arith.shrui %gather3A_597, %shift_right_logical3A_599 : vector<16xi32>
    %add3A_601 = arith.addi %add3A_584, %shift_right_logical3A_600 : vector<16xi32>
    %and3A_602 = arith.constant 65535 : i32
    %and3A_603 = vector.broadcast %and3A_602 : i32 to vector<16xi32>
    %and3A_604 = arith.andi %gather3A_597, %and3A_603 : vector<16xi32>
    %add3A_605 = arith.addi %add3A_588, %and3A_604 : vector<16xi32>
    %add3A_606 = arith.constant 4 : i32
    %add3A_607 = vector.broadcast %add3A_606 : i32 to vector<16xi32>
    %add3A_608 = arith.addi %mul3A_528, %add3A_607 : vector<16xi32>
    %gather3A_609 = tpu.vector_load_idx %arg17[%add3A_608] : memref<256xf32, #tpu.memory_space<vmem>>[vector<16xi32>], vector<16xf32>,
    %add3A_610 = arith.addf %add3A_593, %gather3A_609 : vector<16xf32>
    %add3A_611 = arith.constant 5 : i32
    %add3A_612 = vector.broadcast %add3A_611 : i32 to vector<16xi32>
    %add3A_613 = arith.addi %mul3A_528, %add3A_612 : vector<16xi32>
    %gather3A_614 = tpu.vector_load_idx %arg9[%add3A_613] : memref<256xi32, #tpu.memory_space<vmem>>[vector<16xi32>], vector<16xi32>,
    %shift_right_logical3A_615 = arith.constant 16 : i32
    %shift_right_logical3A_616 = vector.broadcast %shift_right_logical3A_615 : i32 to vector<16xi32>
    %shift_right_logical3A_617 = arith.shrui %gather3A_614, %shift_right_logical3A_616 : vector<16xi32>
    %add3A_618 = arith.addi %add3A_601, %shift_right_logical3A_617 : vector<16xi32>
    %and3A_619 = arith.constant 65535 : i32
    %and3A_620 = vector.broadcast %and3A_619 : i32 to vector<16xi32>
    %and3A_621 = arith.andi %gather3A_614, %and3A_620 : vector<16xi32>
    %add3A_622 = arith.addi %add3A_605, %and3A_621 : vector<16xi32>
    %add3A_623 = arith.constant 5 : i32
    %add3A_624 = vector.broadcast %add3A_623 : i32 to vector<16xi32>
    %add3A_625 = arith.addi %mul3A_528, %add3A_624 : vector<16xi32>
    %gather3A_626 = tpu.vector_load_idx %arg17[%add3A_625] : memref<256xf32, #tpu.memory_space<vmem>>[vector<16xi32>], vector<16xf32>,
    %add3A_627 = arith.addf %add3A_610, %gather3A_626 : vector<16xf32>
    %add3A_628 = arith.constant 6 : i32
    %add3A_629 = vector.broadcast %add3A_628 : i32 to vector<16xi32>
    %add3A_630 = arith.addi %mul3A_528, %add3A_629 : vector<16xi32>
    %gather3A_631 = tpu.vector_load_idx %arg9[%add3A_630] : memref<256xi32, #tpu.memory_space<vmem>>[vector<16xi32>], vector<16xi32>,
    %shift_right_logical3A_632 = arith.constant 16 : i32
    %shift_right_logical3A_633 = vector.broadcast %shift_right_logical3A_632 : i32 to vector<16xi32>
    %shift_right_logical3A_634 = arith.shrui %gather3A_631, %shift_right_logical3A_633 : vector<16xi32>
    %add3A_635 = arith.addi %add3A_618, %shift_right_logical3A_634 : vector<16xi32>
    %and3A_636 = arith.constant 65535 : i32
    %and3A_637 = vector.broadcast %and3A_636 : i32 to vector<16xi32>
    %and3A_638 = arith.andi %gather3A_631, %and3A_637 : vector<16xi32>
    %add3A_639 = arith.addi %add3A_622, %and3A_638 : vector<16xi32>
    %add3A_640 = arith.constant 6 : i32
    %add3A_641 = vector.broadcast %add3A_640 : i32 to vector<16xi32>
    %add3A_642 = arith.addi %mul3A_528, %add3A_641 : vector<16xi32>
    %gather3A_643 = tpu.vector_load_idx %arg17[%add3A_642] : memref<256xf32, #tpu.memory_space<vmem>>[vector<16xi32>], vector<16xf32>,
    %add3A_644 = arith.addf %add3A_627, %gather3A_643 : vector<16xf32>
    %add3A_645 = arith.constant 7 : i32
    %add3A_646 = vector.broadcast %add3A_645 : i32 to vector<16xi32>
    %add3A_647 = arith.addi %mul3A_528, %add3A_646 : vector<16xi32>
    %gather3A_648 = tpu.vector_load_idx %arg9[%add3A_647] : memref<256xi32, #tpu.memory_space<vmem>>[vector<16xi32>], vector<16xi32>,
    %shift_right_logical3A_649 = arith.constant 16 : i32
    %shift_right_logical3A_650 = vector.broadcast %shift_right_logical3A_649 : i32 to vector<16xi32>
    %shift_right_logical3A_651 = arith.shrui %gather3A_648, %shift_right_logical3A_650 : vector<16xi32>
    %add3A_652 = arith.addi %add3A_635, %shift_right_logical3A_651 : vector<16xi32>
    %and3A_653 = arith.constant 65535 : i32
    %and3A_654 = vector.broadcast %and3A_653 : i32 to vector<16xi32>
    %and3A_655 = arith.andi %gather3A_648, %and3A_654 : vector<16xi32>
    %add3A_656 = arith.addi %add3A_639, %and3A_655 : vector<16xi32>
    %add3A_657 = arith.constant 7 : i32
    %add3A_658 = vector.broadcast %add3A_657 : i32 to vector<16xi32>
    %add3A_659 = arith.addi %mul3A_528, %add3A_658 : vector<16xi32>
    %gather3A_660 = tpu.vector_load_idx %arg17[%add3A_659] : memref<256xf32, #tpu.memory_space<vmem>>[vector<16xi32>], vector<16xf32>,
    %add3A_661 = arith.addf %add3A_644, %gather3A_660 : vector<16xf32>
    %add3A_662 = arith.constant 8 : i32
    %add3A_663 = vector.broadcast %add3A_662 : i32 to vector<16xi32>
    %add3A_664 = arith.addi %mul3A_528, %add3A_663 : vector<16xi32>
    %gather3A_665 = tpu.vector_load_idx %arg9[%add3A_664] : memref<256xi32, #tpu.memory_space<vmem>>[vector<16xi32>], vector<16xi32>,
    %shift_right_logical3A_666 = arith.constant 16 : i32
    %shift_right_logical3A_667 = vector.broadcast %shift_right_logical3A_666 : i32 to vector<16xi32>
    %shift_right_logical3A_668 = arith.shrui %gather3A_665, %shift_right_logical3A_667 : vector<16xi32>
    %add3A_669 = arith.addi %add3A_652, %shift_right_logical3A_668 : vector<16xi32>
    %and3A_670 = arith.constant 65535 : i32
    %and3A_671 = vector.broadcast %and3A_670 : i32 to vector<16xi32>
    %and3A_672 = arith.andi %gather3A_665, %and3A_671 : vector<16xi32>
    %add3A_673 = arith.addi %add3A_656, %and3A_672 : vector<16xi32>
    %add3A_674 = arith.constant 8 : i32
    %add3A_675 = vector.broadcast %add3A_674 : i32 to vector<16xi32>
    %add3A_676 = arith.addi %mul3A_528, %add3A_675 : vector<16xi32>
    %gather3A_677 = tpu.vector_load_idx %arg17[%add3A_676] : memref<256xf32, #tpu.memory_space<vmem>>[vector<16xi32>], vector<16xf32>,
    %add3A_678 = arith.addf %add3A_661, %gather3A_677 : vector<16xf32>
    %add3A_679 = arith.constant 9 : i32
    %add3A_680 = vector.broadcast %add3A_679 : i32 to vector<16xi32>
    %add3A_681 = arith.addi %mul3A_528, %add3A_680 : vector<16xi32>
    %gather3A_682 = tpu.vector_load_idx %arg9[%add3A_681] : memref<256xi32, #tpu.memory_space<vmem>>[vector<16xi32>], vector<16xi32>,
    %shift_right_logical3A_683 = arith.constant 16 : i32
    %shift_right_logical3A_684 = vector.broadcast %shift_right_logical3A_683 : i32 to vector<16xi32>
    %shift_right_logical3A_685 = arith.shrui %gather3A_682, %shift_right_logical3A_684 : vector<16xi32>
    %add3A_686 = arith.addi %add3A_669, %shift_right_logical3A_685 : vector<16xi32>
    %and3A_687 = arith.constant 65535 : i32
    %and3A_688 = vector.broadcast %and3A_687 : i32 to vector<16xi32>
    %and3A_689 = arith.andi %gather3A_682, %and3A_688 : vector<16xi32>
    %add3A_690 = arith.addi %add3A_673, %and3A_689 : vector<16xi32>
    %add3A_691 = arith.constant 9 : i32
    %add3A_692 = vector.broadcast %add3A_691 : i32 to vector<16xi32>
    %add3A_693 = arith.addi %mul3A_528, %add3A_692 : vector<16xi32>
    %gather3A_694 = tpu.vector_load_idx %arg17[%add3A_693] : memref<256xf32, #tpu.memory_space<vmem>>[vector<16xi32>], vector<16xf32>,
    %add3A_695 = arith.addf %add3A_678, %gather3A_694 : vector<16xf32>
    %add3A_696 = arith.constant 10 : i32
    %add3A_697 = vector.broadcast %add3A_696 : i32 to vector<16xi32>
    %add3A_698 = arith.addi %mul3A_528, %add3A_697 : vector<16xi32>
    %gather3A_699 = tpu.vector_load_idx %arg9[%add3A_698] : memref<256xi32, #tpu.memory_space<vmem>>[vector<16xi32>], vector<16xi32>,
    %shift_right_logical3A_700 = arith.constant 16 : i32
    %shift_right_logical3A_701 = vector.broadcast %shift_right_logical3A_700 : i32 to vector<16xi32>
    %shift_right_logical3A_702 = arith.shrui %gather3A_699, %shift_right_logical3A_701 : vector<16xi32>
    %add3A_703 = arith.addi %add3A_686, %shift_right_logical3A_702 : vector<16xi32>
    %and3A_704 = arith.constant 65535 : i32
    %and3A_705 = vector.broadcast %and3A_704 : i32 to vector<16xi32>
    %and3A_706 = arith.andi %gather3A_699, %and3A_705 : vector<16xi32>
    %add3A_707 = arith.addi %add3A_690, %and3A_706 : vector<16xi32>
    %add3A_708 = arith.constant 10 : i32
    %add3A_709 = vector.broadcast %add3A_708 : i32 to vector<16xi32>
    %add3A_710 = arith.addi %mul3A_528, %add3A_709 : vector<16xi32>
    %gather3A_711 = tpu.vector_load_idx %arg17[%add3A_710] : memref<256xf32, #tpu.memory_space<vmem>>[vector<16xi32>], vector<16xf32>,
    %add3A_712 = arith.addf %add3A_695, %gather3A_711 : vector<16xf32>
    %add3A_713 = arith.constant 11 : i32
    %add3A_714 = vector.broadcast %add3A_713 : i32 to vector<16xi32>
    %add3A_715 = arith.addi %mul3A_528, %add3A_714 : vector<16xi32>
    %gather3A_716 = tpu.vector_load_idx %arg9[%add3A_715] : memref<256xi32, #tpu.memory_space<vmem>>[vector<16xi32>], vector<16xi32>,
    %shift_right_logical3A_717 = arith.constant 16 : i32
    %shift_right_logical3A_718 = vector.broadcast %shift_right_logical3A_717 : i32 to vector<16xi32>
    %shift_right_logical3A_719 = arith.shrui %gather3A_716, %shift_right_logical3A_718 : vector<16xi32>
    %add3A_720 = arith.addi %add3A_703, %shift_right_logical3A_719 : vector<16xi32>
    %and3A_721 = arith.constant 65535 : i32
    %and3A_722 = vector.broadcast %and3A_721 : i32 to vector<16xi32>
    %and3A_723 = arith.andi %gather3A_716, %and3A_722 : vector<16xi32>
    %add3A_724 = arith.addi %add3A_707, %and3A_723 : vector<16xi32>
    %add3A_725 = arith.constant 11 : i32
    %add3A_726 = vector.broadcast %add3A_725 : i32 to vector<16xi32>
    %add3A_727 = arith.addi %mul3A_528, %add3A_726 : vector<16xi32>
    %gather3A_728 = tpu.vector_load_idx %arg17[%add3A_727] : memref<256xf32, #tpu.memory_space<vmem>>[vector<16xi32>], vector<16xf32>,
    %add3A_729 = arith.addf %add3A_712, %gather3A_728 : vector<16xf32>
    %add3A_730 = arith.constant 12 : i32
    %add3A_731 = vector.broadcast %add3A_730 : i32 to vector<16xi32>
    %add3A_732 = arith.addi %mul3A_528, %add3A_731 : vector<16xi32>
    %gather3A_733 = tpu.vector_load_idx %arg9[%add3A_732] : memref<256xi32, #tpu.memory_space<vmem>>[vector<16xi32>], vector<16xi32>,
    %shift_right_logical3A_734 = arith.constant 16 : i32
    %shift_right_logical3A_735 = vector.broadcast %shift_right_logical3A_734 : i32 to vector<16xi32>
    %shift_right_logical3A_736 = arith.shrui %gather3A_733, %shift_right_logical3A_735 : vector<16xi32>
    %add3A_737 = arith.addi %add3A_720, %shift_right_logical3A_736 : vector<16xi32>
    %and3A_738 = arith.constant 65535 : i32
    %and3A_739 = vector.broadcast %and3A_738 : i32 to vector<16xi32>
    %and3A_740 = arith.andi %gather3A_733, %and3A_739 : vector<16xi32>
    %add3A_741 = arith.addi %add3A_724, %and3A_740 : vector<16xi32>
    %add3A_742 = arith.constant 12 : i32
    %add3A_743 = vector.broadcast %add3A_742 : i32 to vector<16xi32>
    %add3A_744 = arith.addi %mul3A_528, %add3A_743 : vector<16xi32>
    %gather3A_745 = tpu.vector_load_idx %arg17[%add3A_744] : memref<256xf32, #tpu.memory_space<vmem>>[vector<16xi32>], vector<16xf32>,
    %add3A_746 = arith.addf %add3A_729, %gather3A_745 : vector<16xf32>
    %add3A_747 = arith.constant 13 : i32
    %add3A_748 = vector.broadcast %add3A_747 : i32 to vector<16xi32>
    %add3A_749 = arith.addi %mul3A_528, %add3A_748 : vector<16xi32>
    %gather3A_750 = tpu.vector_load_idx %arg9[%add3A_749] : memref<256xi32, #tpu.memory_space<vmem>>[vector<16xi32>], vector<16xi32>,
    %shift_right_logical3A_751 = arith.constant 16 : i32
    %shift_right_logical3A_752 = vector.broadcast %shift_right_logical3A_751 : i32 to vector<16xi32>
    %shift_right_logical3A_753 = arith.shrui %gather3A_750, %shift_right_logical3A_752 : vector<16xi32>
    %add3A_754 = arith.addi %add3A_737, %shift_right_logical3A_753 : vector<16xi32>
    %and3A_755 = arith.constant 65535 : i32
    %and3A_756 = vector.broadcast %and3A_755 : i32 to vector<16xi32>
    %and3A_757 = arith.andi %gather3A_750, %and3A_756 : vector<16xi32>
    %add3A_758 = arith.addi %add3A_741, %and3A_757 : vector<16xi32>
    %add3A_759 = arith.constant 13 : i32
    %add3A_760 = vector.broadcast %add3A_759 : i32 to vector<16xi32>
    %add3A_761 = arith.addi %mul3A_528, %add3A_760 : vector<16xi32>
    %gather3A_762 = tpu.vector_load_idx %arg17[%add3A_761] : memref<256xf32, #tpu.memory_space<vmem>>[vector<16xi32>], vector<16xf32>,
    %add3A_763 = arith.addf %add3A_746, %gather3A_762 : vector<16xf32>
    %add3A_764 = arith.constant 14 : i32
    %add3A_765 = vector.broadcast %add3A_764 : i32 to vector<16xi32>
    %add3A_766 = arith.addi %mul3A_528, %add3A_765 : vector<16xi32>
    %gather3A_767 = tpu.vector_load_idx %arg9[%add3A_766] : memref<256xi32, #tpu.memory_space<vmem>>[vector<16xi32>], vector<16xi32>,
    %shift_right_logical3A_768 = arith.constant 16 : i32
    %shift_right_logical3A_769 = vector.broadcast %shift_right_logical3A_768 : i32 to vector<16xi32>
    %shift_right_logical3A_770 = arith.shrui %gather3A_767, %shift_right_logical3A_769 : vector<16xi32>
    %add3A_771 = arith.addi %add3A_754, %shift_right_logical3A_770 : vector<16xi32>
    %and3A_772 = arith.constant 65535 : i32
    %and3A_773 = vector.broadcast %and3A_772 : i32 to vector<16xi32>
    %and3A_774 = arith.andi %gather3A_767, %and3A_773 : vector<16xi32>
    %add3A_775 = arith.addi %add3A_758, %and3A_774 : vector<16xi32>
    %add3A_776 = arith.constant 14 : i32
    %add3A_777 = vector.broadcast %add3A_776 : i32 to vector<16xi32>
    %add3A_778 = arith.addi %mul3A_528, %add3A_777 : vector<16xi32>
    %gather3A_779 = tpu.vector_load_idx %arg17[%add3A_778] : memref<256xf32, #tpu.memory_space<vmem>>[vector<16xi32>], vector<16xf32>,
    %add3A_780 = arith.addf %add3A_763, %gather3A_779 : vector<16xf32>
    %add3A_781 = arith.constant 15 : i32
    %add3A_782 = vector.broadcast %add3A_781 : i32 to vector<16xi32>
    %add3A_783 = arith.addi %mul3A_528, %add3A_782 : vector<16xi32>
    %gather3A_784 = tpu.vector_load_idx %arg9[%add3A_783] : memref<256xi32, #tpu.memory_space<vmem>>[vector<16xi32>], vector<16xi32>,
    %shift_right_logical3A_785 = arith.constant 16 : i32
    %shift_right_logical3A_786 = vector.broadcast %shift_right_logical3A_785 : i32 to vector<16xi32>
    %shift_right_logical3A_787 = arith.shrui %gather3A_784, %shift_right_logical3A_786 : vector<16xi32>
    %add3A_788 = arith.addi %add3A_771, %shift_right_logical3A_787 : vector<16xi32>
    %and3A_789 = arith.constant 65535 : i32
    %and3A_790 = vector.broadcast %and3A_789 : i32 to vector<16xi32>
    %and3A_791 = arith.andi %gather3A_784, %and3A_790 : vector<16xi32>
    %add3A_792 = arith.addi %add3A_775, %and3A_791 : vector<16xi32>
    %add3A_793 = arith.constant 15 : i32
    %add3A_794 = vector.broadcast %add3A_793 : i32 to vector<16xi32>
    %add3A_795 = arith.addi %mul3A_528, %add3A_794 : vector<16xi32>
    %gather3A_796 = tpu.vector_load_idx %arg17[%add3A_795] : memref<256xf32, #tpu.memory_space<vmem>>[vector<16xi32>], vector<16xf32>,
    %add3A_797 = arith.addf %add3A_780, %gather3A_796 : vector<16xf32>
    %add3A_798 = arith.constant 0 : i32
    %add3A_799 = vector.broadcast %add3A_798 : i32 to vector<16xi32>
    %add3A_800 = arith.addi %mul3A_528, %add3A_799 : vector<16xi32>
    %gather3A_801 = tpu.vector_load_idx %arg10[%add3A_800] : memref<256xi32, #tpu.memory_space<vmem>>[vector<16xi32>], vector<16xi32>,
    %shift_right_logical3A_802 = arith.constant 16 : i32
    %shift_right_logical3A_803 = vector.broadcast %shift_right_logical3A_802 : i32 to vector<16xi32>
    %shift_right_logical3A_804 = arith.shrui %gather3A_801, %shift_right_logical3A_803 : vector<16xi32>
    %add3A_805 = arith.addi %add3A_788, %shift_right_logical3A_804 : vector<16xi32>
    %and3A_806 = arith.constant 65535 : i32
    %and3A_807 = vector.broadcast %and3A_806 : i32 to vector<16xi32>
    %and3A_808 = arith.andi %gather3A_801, %and3A_807 : vector<16xi32>
    %add3A_809 = arith.addi %add3A_792, %and3A_808 : vector<16xi32>
    %add3A_810 = arith.constant 0 : i32
    %add3A_811 = vector.broadcast %add3A_810 : i32 to vector<16xi32>
    %add3A_812 = arith.addi %mul3A_528, %add3A_811 : vector<16xi32>
    %gather3A_813 = tpu.vector_load_idx %arg18[%add3A_812] : memref<256xf32, #tpu.memory_space<vmem>>[vector<16xi32>], vector<16xf32>,
    %add3A_814 = arith.addf %add3A_797, %gather3A_813 : vector<16xf32>
    %add3A_815 = arith.constant 1 : i32
    %add3A_816 = vector.broadcast %add3A_815 : i32 to vector<16xi32>
    %add3A_817 = arith.addi %mul3A_528, %add3A_816 : vector<16xi32>
    %gather3A_818 = tpu.vector_load_idx %arg10[%add3A_817] : memref<256xi32, #tpu.memory_space<vmem>>[vector<16xi32>], vector<16xi32>,
    %shift_right_logical3A_819 = arith.constant 16 : i32
    %shift_right_logical3A_820 = vector.broadcast %shift_right_logical3A_819 : i32 to vector<16xi32>
    %shift_right_logical3A_821 = arith.shrui %gather3A_818, %shift_right_logical3A_820 : vector<16xi32>
    %add3A_822 = arith.addi %add3A_805, %shift_right_logical3A_821 : vector<16xi32>
    %and3A_823 = arith.constant 65535 : i32
    %and3A_824 = vector.broadcast %and3A_823 : i32 to vector<16xi32>
    %and3A_825 = arith.andi %gather3A_818, %and3A_824 : vector<16xi32>
    %add3A_826 = arith.addi %add3A_809, %and3A_825 : vector<16xi32>
    %add3A_827 = arith.constant 1 : i32
    %add3A_828 = vector.broadcast %add3A_827 : i32 to vector<16xi32>
    %add3A_829 = arith.addi %mul3A_528, %add3A_828 : vector<16xi32>
    %gather3A_830 = tpu.vector_load_idx %arg18[%add3A_829] : memref<256xf32, #tpu.memory_space<vmem>>[vector<16xi32>], vector<16xf32>,
    %add3A_831 = arith.addf %add3A_814, %gather3A_830 : vector<16xf32>
    %add3A_832 = arith.constant 2 : i32
    %add3A_833 = vector.broadcast %add3A_832 : i32 to vector<16xi32>
    %add3A_834 = arith.addi %mul3A_528, %add3A_833 : vector<16xi32>
    %gather3A_835 = tpu.vector_load_idx %arg10[%add3A_834] : memref<256xi32, #tpu.memory_space<vmem>>[vector<16xi32>], vector<16xi32>,
    %shift_right_logical3A_836 = arith.constant 16 : i32
    %shift_right_logical3A_837 = vector.broadcast %shift_right_logical3A_836 : i32 to vector<16xi32>
    %shift_right_logical3A_838 = arith.shrui %gather3A_835, %shift_right_logical3A_837 : vector<16xi32>
    %add3A_839 = arith.addi %add3A_822, %shift_right_logical3A_838 : vector<16xi32>
    %and3A_840 = arith.constant 65535 : i32
    %and3A_841 = vector.broadcast %and3A_840 : i32 to vector<16xi32>
    %and3A_842 = arith.andi %gather3A_835, %and3A_841 : vector<16xi32>
    %add3A_843 = arith.addi %add3A_826, %and3A_842 : vector<16xi32>
    %add3A_844 = arith.constant 2 : i32
    %add3A_845 = vector.broadcast %add3A_844 : i32 to vector<16xi32>
    %add3A_846 = arith.addi %mul3A_528, %add3A_845 : vector<16xi32>
    %gather3A_847 = tpu.vector_load_idx %arg18[%add3A_846] : memref<256xf32, #tpu.memory_space<vmem>>[vector<16xi32>], vector<16xf32>,
    %add3A_848 = arith.addf %add3A_831, %gather3A_847 : vector<16xf32>
    %add3A_849 = arith.constant 3 : i32
    %add3A_850 = vector.broadcast %add3A_849 : i32 to vector<16xi32>
    %add3A_851 = arith.addi %mul3A_528, %add3A_850 : vector<16xi32>
    %gather3A_852 = tpu.vector_load_idx %arg10[%add3A_851] : memref<256xi32, #tpu.memory_space<vmem>>[vector<16xi32>], vector<16xi32>,
    %shift_right_logical3A_853 = arith.constant 16 : i32
    %shift_right_logical3A_854 = vector.broadcast %shift_right_logical3A_853 : i32 to vector<16xi32>
    %shift_right_logical3A_855 = arith.shrui %gather3A_852, %shift_right_logical3A_854 : vector<16xi32>
    %add3A_856 = arith.addi %add3A_839, %shift_right_logical3A_855 : vector<16xi32>
    %and3A_857 = arith.constant 65535 : i32
    %and3A_858 = vector.broadcast %and3A_857 : i32 to vector<16xi32>
    %and3A_859 = arith.andi %gather3A_852, %and3A_858 : vector<16xi32>
    %add3A_860 = arith.addi %add3A_843, %and3A_859 : vector<16xi32>
    %add3A_861 = arith.constant 3 : i32
    %add3A_862 = vector.broadcast %add3A_861 : i32 to vector<16xi32>
    %add3A_863 = arith.addi %mul3A_528, %add3A_862 : vector<16xi32>
    %gather3A_864 = tpu.vector_load_idx %arg18[%add3A_863] : memref<256xf32, #tpu.memory_space<vmem>>[vector<16xi32>], vector<16xf32>,
    %add3A_865 = arith.addf %add3A_848, %gather3A_864 : vector<16xf32>
    %add3A_866 = arith.constant 4 : i32
    %add3A_867 = vector.broadcast %add3A_866 : i32 to vector<16xi32>
    %add3A_868 = arith.addi %mul3A_528, %add3A_867 : vector<16xi32>
    %gather3A_869 = tpu.vector_load_idx %arg10[%add3A_868] : memref<256xi32, #tpu.memory_space<vmem>>[vector<16xi32>], vector<16xi32>,
    %shift_right_logical3A_870 = arith.constant 16 : i32
    %shift_right_logical3A_871 = vector.broadcast %shift_right_logical3A_870 : i32 to vector<16xi32>
    %shift_right_logical3A_872 = arith.shrui %gather3A_869, %shift_right_logical3A_871 : vector<16xi32>
    %add3A_873 = arith.addi %add3A_856, %shift_right_logical3A_872 : vector<16xi32>
    %and3A_874 = arith.constant 65535 : i32
    %and3A_875 = vector.broadcast %and3A_874 : i32 to vector<16xi32>
    %and3A_876 = arith.andi %gather3A_869, %and3A_875 : vector<16xi32>
    %add3A_877 = arith.addi %add3A_860, %and3A_876 : vector<16xi32>
    %add3A_878 = arith.constant 4 : i32
    %add3A_879 = vector.broadcast %add3A_878 : i32 to vector<16xi32>
    %add3A_880 = arith.addi %mul3A_528, %add3A_879 : vector<16xi32>
    %gather3A_881 = tpu.vector_load_idx %arg18[%add3A_880] : memref<256xf32, #tpu.memory_space<vmem>>[vector<16xi32>], vector<16xf32>,
    %add3A_882 = arith.addf %add3A_865, %gather3A_881 : vector<16xf32>
    %add3A_883 = arith.constant 5 : i32
    %add3A_884 = vector.broadcast %add3A_883 : i32 to vector<16xi32>
    %add3A_885 = arith.addi %mul3A_528, %add3A_884 : vector<16xi32>
    %gather3A_886 = tpu.vector_load_idx %arg10[%add3A_885] : memref<256xi32, #tpu.memory_space<vmem>>[vector<16xi32>], vector<16xi32>,
    %shift_right_logical3A_887 = arith.constant 16 : i32
    %shift_right_logical3A_888 = vector.broadcast %shift_right_logical3A_887 : i32 to vector<16xi32>
    %shift_right_logical3A_889 = arith.shrui %gather3A_886, %shift_right_logical3A_888 : vector<16xi32>
    %add3A_890 = arith.addi %add3A_873, %shift_right_logical3A_889 : vector<16xi32>
    %and3A_891 = arith.constant 65535 : i32
    %and3A_892 = vector.broadcast %and3A_891 : i32 to vector<16xi32>
    %and3A_893 = arith.andi %gather3A_886, %and3A_892 : vector<16xi32>
    %add3A_894 = arith.addi %add3A_877, %and3A_893 : vector<16xi32>
    %add3A_895 = arith.constant 5 : i32
    %add3A_896 = vector.broadcast %add3A_895 : i32 to vector<16xi32>
    %add3A_897 = arith.addi %mul3A_528, %add3A_896 : vector<16xi32>
    %gather3A_898 = tpu.vector_load_idx %arg18[%add3A_897] : memref<256xf32, #tpu.memory_space<vmem>>[vector<16xi32>], vector<16xf32>,
    %add3A_899 = arith.addf %add3A_882, %gather3A_898 : vector<16xf32>
    %add3A_900 = arith.constant 6 : i32
    %add3A_901 = vector.broadcast %add3A_900 : i32 to vector<16xi32>
    %add3A_902 = arith.addi %mul3A_528, %add3A_901 : vector<16xi32>
    %gather3A_903 = tpu.vector_load_idx %arg10[%add3A_902] : memref<256xi32, #tpu.memory_space<vmem>>[vector<16xi32>], vector<16xi32>,
    %shift_right_logical3A_904 = arith.constant 16 : i32
    %shift_right_logical3A_905 = vector.broadcast %shift_right_logical3A_904 : i32 to vector<16xi32>
    %shift_right_logical3A_906 = arith.shrui %gather3A_903, %shift_right_logical3A_905 : vector<16xi32>
    %add3A_907 = arith.addi %add3A_890, %shift_right_logical3A_906 : vector<16xi32>
    %and3A_908 = arith.constant 65535 : i32
    %and3A_909 = vector.broadcast %and3A_908 : i32 to vector<16xi32>
    %and3A_910 = arith.andi %gather3A_903, %and3A_909 : vector<16xi32>
    %add3A_911 = arith.addi %add3A_894, %and3A_910 : vector<16xi32>
    %add3A_912 = arith.constant 6 : i32
    %add3A_913 = vector.broadcast %add3A_912 : i32 to vector<16xi32>
    %add3A_914 = arith.addi %mul3A_528, %add3A_913 : vector<16xi32>
    %gather3A_915 = tpu.vector_load_idx %arg18[%add3A_914] : memref<256xf32, #tpu.memory_space<vmem>>[vector<16xi32>], vector<16xf32>,
    %add3A_916 = arith.addf %add3A_899, %gather3A_915 : vector<16xf32>
    %add3A_917 = arith.constant 7 : i32
    %add3A_918 = vector.broadcast %add3A_917 : i32 to vector<16xi32>
    %add3A_919 = arith.addi %mul3A_528, %add3A_918 : vector<16xi32>
    %gather3A_920 = tpu.vector_load_idx %arg10[%add3A_919] : memref<256xi32, #tpu.memory_space<vmem>>[vector<16xi32>], vector<16xi32>,
    %shift_right_logical3A_921 = arith.constant 16 : i32
    %shift_right_logical3A_922 = vector.broadcast %shift_right_logical3A_921 : i32 to vector<16xi32>
    %shift_right_logical3A_923 = arith.shrui %gather3A_920, %shift_right_logical3A_922 : vector<16xi32>
    %add3A_924 = arith.addi %add3A_907, %shift_right_logical3A_923 : vector<16xi32>
    %and3A_925 = arith.constant 65535 : i32
    %and3A_926 = vector.broadcast %and3A_925 : i32 to vector<16xi32>
    %and3A_927 = arith.andi %gather3A_920, %and3A_926 : vector<16xi32>
    %add3A_928 = arith.addi %add3A_911, %and3A_927 : vector<16xi32>
    %add3A_929 = arith.constant 7 : i32
    %add3A_930 = vector.broadcast %add3A_929 : i32 to vector<16xi32>
    %add3A_931 = arith.addi %mul3A_528, %add3A_930 : vector<16xi32>
    %gather3A_932 = tpu.vector_load_idx %arg18[%add3A_931] : memref<256xf32, #tpu.memory_space<vmem>>[vector<16xi32>], vector<16xf32>,
    %add3A_933 = arith.addf %add3A_916, %gather3A_932 : vector<16xf32>
    %add3A_934 = arith.constant 8 : i32
    %add3A_935 = vector.broadcast %add3A_934 : i32 to vector<16xi32>
    %add3A_936 = arith.addi %mul3A_528, %add3A_935 : vector<16xi32>
    %gather3A_937 = tpu.vector_load_idx %arg10[%add3A_936] : memref<256xi32, #tpu.memory_space<vmem>>[vector<16xi32>], vector<16xi32>,
    %shift_right_logical3A_938 = arith.constant 16 : i32
    %shift_right_logical3A_939 = vector.broadcast %shift_right_logical3A_938 : i32 to vector<16xi32>
    %shift_right_logical3A_940 = arith.shrui %gather3A_937, %shift_right_logical3A_939 : vector<16xi32>
    %add3A_941 = arith.addi %add3A_924, %shift_right_logical3A_940 : vector<16xi32>
    %and3A_942 = arith.constant 65535 : i32
    %and3A_943 = vector.broadcast %and3A_942 : i32 to vector<16xi32>
    %and3A_944 = arith.andi %gather3A_937, %and3A_943 : vector<16xi32>
    %add3A_945 = arith.addi %add3A_928, %and3A_944 : vector<16xi32>
    %add3A_946 = arith.constant 8 : i32
    %add3A_947 = vector.broadcast %add3A_946 : i32 to vector<16xi32>
    %add3A_948 = arith.addi %mul3A_528, %add3A_947 : vector<16xi32>
    %gather3A_949 = tpu.vector_load_idx %arg18[%add3A_948] : memref<256xf32, #tpu.memory_space<vmem>>[vector<16xi32>], vector<16xf32>,
    %add3A_950 = arith.addf %add3A_933, %gather3A_949 : vector<16xf32>
    %add3A_951 = arith.constant 9 : i32
    %add3A_952 = vector.broadcast %add3A_951 : i32 to vector<16xi32>
    %add3A_953 = arith.addi %mul3A_528, %add3A_952 : vector<16xi32>
    %gather3A_954 = tpu.vector_load_idx %arg10[%add3A_953] : memref<256xi32, #tpu.memory_space<vmem>>[vector<16xi32>], vector<16xi32>,
    %shift_right_logical3A_955 = arith.constant 16 : i32
    %shift_right_logical3A_956 = vector.broadcast %shift_right_logical3A_955 : i32 to vector<16xi32>
    %shift_right_logical3A_957 = arith.shrui %gather3A_954, %shift_right_logical3A_956 : vector<16xi32>
    %add3A_958 = arith.addi %add3A_941, %shift_right_logical3A_957 : vector<16xi32>
    %and3A_959 = arith.constant 65535 : i32
    %and3A_960 = vector.broadcast %and3A_959 : i32 to vector<16xi32>
    %and3A_961 = arith.andi %gather3A_954, %and3A_960 : vector<16xi32>
    %add3A_962 = arith.addi %add3A_945, %and3A_961 : vector<16xi32>
    %add3A_963 = arith.constant 9 : i32
    %add3A_964 = vector.broadcast %add3A_963 : i32 to vector<16xi32>
    %add3A_965 = arith.addi %mul3A_528, %add3A_964 : vector<16xi32>
    %gather3A_966 = tpu.vector_load_idx %arg18[%add3A_965] : memref<256xf32, #tpu.memory_space<vmem>>[vector<16xi32>], vector<16xf32>,
    %add3A_967 = arith.addf %add3A_950, %gather3A_966 : vector<16xf32>
    %add3A_968 = arith.constant 10 : i32
    %add3A_969 = vector.broadcast %add3A_968 : i32 to vector<16xi32>
    %add3A_970 = arith.addi %mul3A_528, %add3A_969 : vector<16xi32>
    %gather3A_971 = tpu.vector_load_idx %arg10[%add3A_970] : memref<256xi32, #tpu.memory_space<vmem>>[vector<16xi32>], vector<16xi32>,
    %shift_right_logical3A_972 = arith.constant 16 : i32
    %shift_right_logical3A_973 = vector.broadcast %shift_right_logical3A_972 : i32 to vector<16xi32>
    %shift_right_logical3A_974 = arith.shrui %gather3A_971, %shift_right_logical3A_973 : vector<16xi32>
    %add3A_975 = arith.addi %add3A_958, %shift_right_logical3A_974 : vector<16xi32>
    %and3A_976 = arith.constant 65535 : i32
    %and3A_977 = vector.broadcast %and3A_976 : i32 to vector<16xi32>
    %and3A_978 = arith.andi %gather3A_971, %and3A_977 : vector<16xi32>
    %add3A_979 = arith.addi %add3A_962, %and3A_978 : vector<16xi32>
    %add3A_980 = arith.constant 10 : i32
    %add3A_981 = vector.broadcast %add3A_980 : i32 to vector<16xi32>
    %add3A_982 = arith.addi %mul3A_528, %add3A_981 : vector<16xi32>
    %gather3A_983 = tpu.vector_load_idx %arg18[%add3A_982] : memref<256xf32, #tpu.memory_space<vmem>>[vector<16xi32>], vector<16xf32>,
    %add3A_984 = arith.addf %add3A_967, %gather3A_983 : vector<16xf32>
    %add3A_985 = arith.constant 11 : i32
    %add3A_986 = vector.broadcast %add3A_985 : i32 to vector<16xi32>
    %add3A_987 = arith.addi %mul3A_528, %add3A_986 : vector<16xi32>
    %gather3A_988 = tpu.vector_load_idx %arg10[%add3A_987] : memref<256xi32, #tpu.memory_space<vmem>>[vector<16xi32>], vector<16xi32>,
    %shift_right_logical3A_989 = arith.constant 16 : i32
    %shift_right_logical3A_990 = vector.broadcast %shift_right_logical3A_989 : i32 to vector<16xi32>
    %shift_right_logical3A_991 = arith.shrui %gather3A_988, %shift_right_logical3A_990 : vector<16xi32>
    %add3A_992 = arith.addi %add3A_975, %shift_right_logical3A_991 : vector<16xi32>
    %and3A_993 = arith.constant 65535 : i32
    %and3A_994 = vector.broadcast %and3A_993 : i32 to vector<16xi32>
    %and3A_995 = arith.andi %gather3A_988, %and3A_994 : vector<16xi32>
    %add3A_996 = arith.addi %add3A_979, %and3A_995 : vector<16xi32>
    %add3A_997 = arith.constant 11 : i32
    %add3A_998 = vector.broadcast %add3A_997 : i32 to vector<16xi32>
    %add3A_999 = arith.addi %mul3A_528, %add3A_998 : vector<16xi32>
    %gather3A_1000 = tpu.vector_load_idx %arg18[%add3A_999] : memref<256xf32, #tpu.memory_space<vmem>>[vector<16xi32>], vector<16xf32>,
    %add3A_1001 = arith.addf %add3A_984, %gather3A_1000 : vector<16xf32>
    %add3A_1002 = arith.constant 12 : i32
    %add3A_1003 = vector.broadcast %add3A_1002 : i32 to vector<16xi32>
    %add3A_1004 = arith.addi %mul3A_528, %add3A_1003 : vector<16xi32>
    %gather3A_1005 = tpu.vector_load_idx %arg10[%add3A_1004] : memref<256xi32, #tpu.memory_space<vmem>>[vector<16xi32>], vector<16xi32>,
    %shift_right_logical3A_1006 = arith.constant 16 : i32
    %shift_right_logical3A_1007 = vector.broadcast %shift_right_logical3A_1006 : i32 to vector<16xi32>
    %shift_right_logical3A_1008 = arith.shrui %gather3A_1005, %shift_right_logical3A_1007 : vector<16xi32>
    %add3A_1009 = arith.addi %add3A_992, %shift_right_logical3A_1008 : vector<16xi32>
    %and3A_1010 = arith.constant 65535 : i32
    %and3A_1011 = vector.broadcast %and3A_1010 : i32 to vector<16xi32>
    %and3A_1012 = arith.andi %gather3A_1005, %and3A_1011 : vector<16xi32>
    %add3A_1013 = arith.addi %add3A_996, %and3A_1012 : vector<16xi32>
    %add3A_1014 = arith.constant 12 : i32
    %add3A_1015 = vector.broadcast %add3A_1014 : i32 to vector<16xi32>
    %add3A_1016 = arith.addi %mul3A_528, %add3A_1015 : vector<16xi32>
    %gather3A_1017 = tpu.vector_load_idx %arg18[%add3A_1016] : memref<256xf32, #tpu.memory_space<vmem>>[vector<16xi32>], vector<16xf32>,
    %add3A_1018 = arith.addf %add3A_1001, %gather3A_1017 : vector<16xf32>
    %add3A_1019 = arith.constant 13 : i32
    %add3A_1020 = vector.broadcast %add3A_1019 : i32 to vector<16xi32>
    %add3A_1021 = arith.addi %mul3A_528, %add3A_1020 : vector<16xi32>
    %gather3A_1022 = tpu.vector_load_idx %arg10[%add3A_1021] : memref<256xi32, #tpu.memory_space<vmem>>[vector<16xi32>], vector<16xi32>,
    %shift_right_logical3A_1023 = arith.constant 16 : i32
    %shift_right_logical3A_1024 = vector.broadcast %shift_right_logical3A_1023 : i32 to vector<16xi32>
    %shift_right_logical3A_1025 = arith.shrui %gather3A_1022, %shift_right_logical3A_1024 : vector<16xi32>
    %add3A_1026 = arith.addi %add3A_1009, %shift_right_logical3A_1025 : vector<16xi32>
    %and3A_1027 = arith.constant 65535 : i32
    %and3A_1028 = vector.broadcast %and3A_1027 : i32 to vector<16xi32>
    %and3A_1029 = arith.andi %gather3A_1022, %and3A_1028 : vector<16xi32>
    %add3A_1030 = arith.addi %add3A_1013, %and3A_1029 : vector<16xi32>
    %add3A_1031 = arith.constant 13 : i32
    %add3A_1032 = vector.broadcast %add3A_1031 : i32 to vector<16xi32>
    %add3A_1033 = arith.addi %mul3A_528, %add3A_1032 : vector<16xi32>
    %gather3A_1034 = tpu.vector_load_idx %arg18[%add3A_1033] : memref<256xf32, #tpu.memory_space<vmem>>[vector<16xi32>], vector<16xf32>,
    %add3A_1035 = arith.addf %add3A_1018, %gather3A_1034 : vector<16xf32>
    %add3A_1036 = arith.constant 14 : i32
    %add3A_1037 = vector.broadcast %add3A_1036 : i32 to vector<16xi32>
    %add3A_1038 = arith.addi %mul3A_528, %add3A_1037 : vector<16xi32>
    %gather3A_1039 = tpu.vector_load_idx %arg10[%add3A_1038] : memref<256xi32, #tpu.memory_space<vmem>>[vector<16xi32>], vector<16xi32>,
    %shift_right_logical3A_1040 = arith.constant 16 : i32
    %shift_right_logical3A_1041 = vector.broadcast %shift_right_logical3A_1040 : i32 to vector<16xi32>
    %shift_right_logical3A_1042 = arith.shrui %gather3A_1039, %shift_right_logical3A_1041 : vector<16xi32>
    %add3A_1043 = arith.addi %add3A_1026, %shift_right_logical3A_1042 : vector<16xi32>
    %and3A_1044 = arith.constant 65535 : i32
    %and3A_1045 = vector.broadcast %and3A_1044 : i32 to vector<16xi32>
    %and3A_1046 = arith.andi %gather3A_1039, %and3A_1045 : vector<16xi32>
    %add3A_1047 = arith.addi %add3A_1030, %and3A_1046 : vector<16xi32>
    %add3A_1048 = arith.constant 14 : i32
    %add3A_1049 = vector.broadcast %add3A_1048 : i32 to vector<16xi32>
    %add3A_1050 = arith.addi %mul3A_528, %add3A_1049 : vector<16xi32>
    %gather3A_1051 = tpu.vector_load_idx %arg18[%add3A_1050] : memref<256xf32, #tpu.memory_space<vmem>>[vector<16xi32>], vector<16xf32>,
    %add3A_1052 = arith.addf %add3A_1035, %gather3A_1051 : vector<16xf32>
    %add3A_1053 = arith.constant 15 : i32
    %add3A_1054 = vector.broadcast %add3A_1053 : i32 to vector<16xi32>
    %add3A_1055 = arith.addi %mul3A_528, %add3A_1054 : vector<16xi32>
    %gather3A_1056 = tpu.vector_load_idx %arg10[%add3A_1055] : memref<256xi32, #tpu.memory_space<vmem>>[vector<16xi32>], vector<16xi32>,
    %shift_right_logical3A_1057 = arith.constant 16 : i32
    %shift_right_logical3A_1058 = vector.broadcast %shift_right_logical3A_1057 : i32 to vector<16xi32>
    %shift_right_logical3A_1059 = arith.shrui %gather3A_1056, %shift_right_logical3A_1058 : vector<16xi32>
    %add3A_1060 = arith.addi %add3A_1043, %shift_right_logical3A_1059 : vector<16xi32>
    %and3A_1061 = arith.constant 65535 : i32
    %and3A_1062 = vector.broadcast %and3A_1061 : i32 to vector<16xi32>
    %and3A_1063 = arith.andi %gather3A_1056, %and3A_1062 : vector<16xi32>
    %add3A_1064 = arith.addi %add3A_1047, %and3A_1063 : vector<16xi32>
    %add3A_1065 = arith.constant 15 : i32
    %add3A_1066 = vector.broadcast %add3A_1065 : i32 to vector<16xi32>
    %add3A_1067 = arith.addi %mul3A_528, %add3A_1066 : vector<16xi32>
    %gather3A_1068 = tpu.vector_load_idx %arg18[%add3A_1067] : memref<256xf32, #tpu.memory_space<vmem>>[vector<16xi32>], vector<16xf32>,
    %add3A_1069 = arith.addf %add3A_1052, %gather3A_1068 : vector<16xf32>
    %add3A_1070 = arith.constant 0 : i32
    %add3A_1071 = vector.broadcast %add3A_1070 : i32 to vector<16xi32>
    %add3A_1072 = arith.addi %mul3A_528, %add3A_1071 : vector<16xi32>
    %gather3A_1073 = tpu.vector_load_idx %arg11[%add3A_1072] : memref<256xi32, #tpu.memory_space<vmem>>[vector<16xi32>], vector<16xi32>,
    %shift_right_logical3A_1074 = arith.constant 16 : i32
    %shift_right_logical3A_1075 = vector.broadcast %shift_right_logical3A_1074 : i32 to vector<16xi32>
    %shift_right_logical3A_1076 = arith.shrui %gather3A_1073, %shift_right_logical3A_1075 : vector<16xi32>
    %add3A_1077 = arith.addi %add3A_1060, %shift_right_logical3A_1076 : vector<16xi32>
    %and3A_1078 = arith.constant 65535 : i32
    %and3A_1079 = vector.broadcast %and3A_1078 : i32 to vector<16xi32>
    %and3A_1080 = arith.andi %gather3A_1073, %and3A_1079 : vector<16xi32>
    %add3A_1081 = arith.addi %add3A_1064, %and3A_1080 : vector<16xi32>
    %add3A_1082 = arith.constant 0 : i32
    %add3A_1083 = vector.broadcast %add3A_1082 : i32 to vector<16xi32>
    %add3A_1084 = arith.addi %mul3A_528, %add3A_1083 : vector<16xi32>
    %gather3A_1085 = tpu.vector_load_idx %arg19[%add3A_1084] : memref<256xf32, #tpu.memory_space<vmem>>[vector<16xi32>], vector<16xf32>,
    %add3A_1086 = arith.addf %add3A_1069, %gather3A_1085 : vector<16xf32>
    %add3A_1087 = arith.constant 1 : i32
    %add3A_1088 = vector.broadcast %add3A_1087 : i32 to vector<16xi32>
    %add3A_1089 = arith.addi %mul3A_528, %add3A_1088 : vector<16xi32>
    %gather3A_1090 = tpu.vector_load_idx %arg11[%add3A_1089] : memref<256xi32, #tpu.memory_space<vmem>>[vector<16xi32>], vector<16xi32>,
    %shift_right_logical3A_1091 = arith.constant 16 : i32
    %shift_right_logical3A_1092 = vector.broadcast %shift_right_logical3A_1091 : i32 to vector<16xi32>
    %shift_right_logical3A_1093 = arith.shrui %gather3A_1090, %shift_right_logical3A_1092 : vector<16xi32>
    %add3A_1094 = arith.addi %add3A_1077, %shift_right_logical3A_1093 : vector<16xi32>
    %and3A_1095 = arith.constant 65535 : i32
    %and3A_1096 = vector.broadcast %and3A_1095 : i32 to vector<16xi32>
    %and3A_1097 = arith.andi %gather3A_1090, %and3A_1096 : vector<16xi32>
    %add3A_1098 = arith.addi %add3A_1081, %and3A_1097 : vector<16xi32>
    %add3A_1099 = arith.constant 1 : i32
    %add3A_1100 = vector.broadcast %add3A_1099 : i32 to vector<16xi32>
    %add3A_1101 = arith.addi %mul3A_528, %add3A_1100 : vector<16xi32>
    %gather3A_1102 = tpu.vector_load_idx %arg19[%add3A_1101] : memref<256xf32, #tpu.memory_space<vmem>>[vector<16xi32>], vector<16xf32>,
    %add3A_1103 = arith.addf %add3A_1086, %gather3A_1102 : vector<16xf32>
    %add3A_1104 = arith.constant 2 : i32
    %add3A_1105 = vector.broadcast %add3A_1104 : i32 to vector<16xi32>
    %add3A_1106 = arith.addi %mul3A_528, %add3A_1105 : vector<16xi32>
    %gather3A_1107 = tpu.vector_load_idx %arg11[%add3A_1106] : memref<256xi32, #tpu.memory_space<vmem>>[vector<16xi32>], vector<16xi32>,
    %shift_right_logical3A_1108 = arith.constant 16 : i32
    %shift_right_logical3A_1109 = vector.broadcast %shift_right_logical3A_1108 : i32 to vector<16xi32>
    %shift_right_logical3A_1110 = arith.shrui %gather3A_1107, %shift_right_logical3A_1109 : vector<16xi32>
    %add3A_1111 = arith.addi %add3A_1094, %shift_right_logical3A_1110 : vector<16xi32>
    %and3A_1112 = arith.constant 65535 : i32
    %and3A_1113 = vector.broadcast %and3A_1112 : i32 to vector<16xi32>
    %and3A_1114 = arith.andi %gather3A_1107, %and3A_1113 : vector<16xi32>
    %add3A_1115 = arith.addi %add3A_1098, %and3A_1114 : vector<16xi32>
    %add3A_1116 = arith.constant 2 : i32
    %add3A_1117 = vector.broadcast %add3A_1116 : i32 to vector<16xi32>
    %add3A_1118 = arith.addi %mul3A_528, %add3A_1117 : vector<16xi32>
    %gather3A_1119 = tpu.vector_load_idx %arg19[%add3A_1118] : memref<256xf32, #tpu.memory_space<vmem>>[vector<16xi32>], vector<16xf32>,
    %add3A_1120 = arith.addf %add3A_1103, %gather3A_1119 : vector<16xf32>
    %add3A_1121 = arith.constant 3 : i32
    %add3A_1122 = vector.broadcast %add3A_1121 : i32 to vector<16xi32>
    %add3A_1123 = arith.addi %mul3A_528, %add3A_1122 : vector<16xi32>
    %gather3A_1124 = tpu.vector_load_idx %arg11[%add3A_1123] : memref<256xi32, #tpu.memory_space<vmem>>[vector<16xi32>], vector<16xi32>,
    %shift_right_logical3A_1125 = arith.constant 16 : i32
    %shift_right_logical3A_1126 = vector.broadcast %shift_right_logical3A_1125 : i32 to vector<16xi32>
    %shift_right_logical3A_1127 = arith.shrui %gather3A_1124, %shift_right_logical3A_1126 : vector<16xi32>
    %add3A_1128 = arith.addi %add3A_1111, %shift_right_logical3A_1127 : vector<16xi32>
    %and3A_1129 = arith.constant 65535 : i32
    %and3A_1130 = vector.broadcast %and3A_1129 : i32 to vector<16xi32>
    %and3A_1131 = arith.andi %gather3A_1124, %and3A_1130 : vector<16xi32>
    %add3A_1132 = arith.addi %add3A_1115, %and3A_1131 : vector<16xi32>
    %add3A_1133 = arith.constant 3 : i32
    %add3A_1134 = vector.broadcast %add3A_1133 : i32 to vector<16xi32>
    %add3A_1135 = arith.addi %mul3A_528, %add3A_1134 : vector<16xi32>
    %gather3A_1136 = tpu.vector_load_idx %arg19[%add3A_1135] : memref<256xf32, #tpu.memory_space<vmem>>[vector<16xi32>], vector<16xf32>,
    %add3A_1137 = arith.addf %add3A_1120, %gather3A_1136 : vector<16xf32>
    %add3A_1138 = arith.constant 4 : i32
    %add3A_1139 = vector.broadcast %add3A_1138 : i32 to vector<16xi32>
    %add3A_1140 = arith.addi %mul3A_528, %add3A_1139 : vector<16xi32>
    %gather3A_1141 = tpu.vector_load_idx %arg11[%add3A_1140] : memref<256xi32, #tpu.memory_space<vmem>>[vector<16xi32>], vector<16xi32>,
    %shift_right_logical3A_1142 = arith.constant 16 : i32
    %shift_right_logical3A_1143 = vector.broadcast %shift_right_logical3A_1142 : i32 to vector<16xi32>
    %shift_right_logical3A_1144 = arith.shrui %gather3A_1141, %shift_right_logical3A_1143 : vector<16xi32>
    %add3A_1145 = arith.addi %add3A_1128, %shift_right_logical3A_1144 : vector<16xi32>
    %and3A_1146 = arith.constant 65535 : i32
    %and3A_1147 = vector.broadcast %and3A_1146 : i32 to vector<16xi32>
    %and3A_1148 = arith.andi %gather3A_1141, %and3A_1147 : vector<16xi32>
    %add3A_1149 = arith.addi %add3A_1132, %and3A_1148 : vector<16xi32>
    %add3A_1150 = arith.constant 4 : i32
    %add3A_1151 = vector.broadcast %add3A_1150 : i32 to vector<16xi32>
    %add3A_1152 = arith.addi %mul3A_528, %add3A_1151 : vector<16xi32>
    %gather3A_1153 = tpu.vector_load_idx %arg19[%add3A_1152] : memref<256xf32, #tpu.memory_space<vmem>>[vector<16xi32>], vector<16xf32>,
    %add3A_1154 = arith.addf %add3A_1137, %gather3A_1153 : vector<16xf32>
    %add3A_1155 = arith.constant 5 : i32
    %add3A_1156 = vector.broadcast %add3A_1155 : i32 to vector<16xi32>
    %add3A_1157 = arith.addi %mul3A_528, %add3A_1156 : vector<16xi32>
    %gather3A_1158 = tpu.vector_load_idx %arg11[%add3A_1157] : memref<256xi32, #tpu.memory_space<vmem>>[vector<16xi32>], vector<16xi32>,
    %shift_right_logical3A_1159 = arith.constant 16 : i32
    %shift_right_logical3A_1160 = vector.broadcast %shift_right_logical3A_1159 : i32 to vector<16xi32>
    %shift_right_logical3A_1161 = arith.shrui %gather3A_1158, %shift_right_logical3A_1160 : vector<16xi32>
    %add3A_1162 = arith.addi %add3A_1145, %shift_right_logical3A_1161 : vector<16xi32>
    %and3A_1163 = arith.constant 65535 : i32
    %and3A_1164 = vector.broadcast %and3A_1163 : i32 to vector<16xi32>
    %and3A_1165 = arith.andi %gather3A_1158, %and3A_1164 : vector<16xi32>
    %add3A_1166 = arith.addi %add3A_1149, %and3A_1165 : vector<16xi32>
    %add3A_1167 = arith.constant 5 : i32
    %add3A_1168 = vector.broadcast %add3A_1167 : i32 to vector<16xi32>
    %add3A_1169 = arith.addi %mul3A_528, %add3A_1168 : vector<16xi32>
    %gather3A_1170 = tpu.vector_load_idx %arg19[%add3A_1169] : memref<256xf32, #tpu.memory_space<vmem>>[vector<16xi32>], vector<16xf32>,
    %add3A_1171 = arith.addf %add3A_1154, %gather3A_1170 : vector<16xf32>
    %add3A_1172 = arith.constant 6 : i32
    %add3A_1173 = vector.broadcast %add3A_1172 : i32 to vector<16xi32>
    %add3A_1174 = arith.addi %mul3A_528, %add3A_1173 : vector<16xi32>
    %gather3A_1175 = tpu.vector_load_idx %arg11[%add3A_1174] : memref<256xi32, #tpu.memory_space<vmem>>[vector<16xi32>], vector<16xi32>,
    %shift_right_logical3A_1176 = arith.constant 16 : i32
    %shift_right_logical3A_1177 = vector.broadcast %shift_right_logical3A_1176 : i32 to vector<16xi32>
    %shift_right_logical3A_1178 = arith.shrui %gather3A_1175, %shift_right_logical3A_1177 : vector<16xi32>
    %add3A_1179 = arith.addi %add3A_1162, %shift_right_logical3A_1178 : vector<16xi32>
    %and3A_1180 = arith.constant 65535 : i32
    %and3A_1181 = vector.broadcast %and3A_1180 : i32 to vector<16xi32>
    %and3A_1182 = arith.andi %gather3A_1175, %and3A_1181 : vector<16xi32>
    %add3A_1183 = arith.addi %add3A_1166, %and3A_1182 : vector<16xi32>
    %add3A_1184 = arith.constant 6 : i32
    %add3A_1185 = vector.broadcast %add3A_1184 : i32 to vector<16xi32>
    %add3A_1186 = arith.addi %mul3A_528, %add3A_1185 : vector<16xi32>
    %gather3A_1187 = tpu.vector_load_idx %arg19[%add3A_1186] : memref<256xf32, #tpu.memory_space<vmem>>[vector<16xi32>], vector<16xf32>,
    %add3A_1188 = arith.addf %add3A_1171, %gather3A_1187 : vector<16xf32>
    %add3A_1189 = arith.constant 7 : i32
    %add3A_1190 = vector.broadcast %add3A_1189 : i32 to vector<16xi32>
    %add3A_1191 = arith.addi %mul3A_528, %add3A_1190 : vector<16xi32>
    %gather3A_1192 = tpu.vector_load_idx %arg11[%add3A_1191] : memref<256xi32, #tpu.memory_space<vmem>>[vector<16xi32>], vector<16xi32>,
    %shift_right_logical3A_1193 = arith.constant 16 : i32
    %shift_right_logical3A_1194 = vector.broadcast %shift_right_logical3A_1193 : i32 to vector<16xi32>
    %shift_right_logical3A_1195 = arith.shrui %gather3A_1192, %shift_right_logical3A_1194 : vector<16xi32>
    %add3A_1196 = arith.addi %add3A_1179, %shift_right_logical3A_1195 : vector<16xi32>
    %and3A_1197 = arith.constant 65535 : i32
    %and3A_1198 = vector.broadcast %and3A_1197 : i32 to vector<16xi32>
    %and3A_1199 = arith.andi %gather3A_1192, %and3A_1198 : vector<16xi32>
    %add3A_1200 = arith.addi %add3A_1183, %and3A_1199 : vector<16xi32>
    %add3A_1201 = arith.constant 7 : i32
    %add3A_1202 = vector.broadcast %add3A_1201 : i32 to vector<16xi32>
    %add3A_1203 = arith.addi %mul3A_528, %add3A_1202 : vector<16xi32>
    %gather3A_1204 = tpu.vector_load_idx %arg19[%add3A_1203] : memref<256xf32, #tpu.memory_space<vmem>>[vector<16xi32>], vector<16xf32>,
    %add3A_1205 = arith.addf %add3A_1188, %gather3A_1204 : vector<16xf32>
    %add3A_1206 = arith.constant 8 : i32
    %add3A_1207 = vector.broadcast %add3A_1206 : i32 to vector<16xi32>
    %add3A_1208 = arith.addi %mul3A_528, %add3A_1207 : vector<16xi32>
    %gather3A_1209 = tpu.vector_load_idx %arg11[%add3A_1208] : memref<256xi32, #tpu.memory_space<vmem>>[vector<16xi32>], vector<16xi32>,
    %shift_right_logical3A_1210 = arith.constant 16 : i32
    %shift_right_logical3A_1211 = vector.broadcast %shift_right_logical3A_1210 : i32 to vector<16xi32>
    %shift_right_logical3A_1212 = arith.shrui %gather3A_1209, %shift_right_logical3A_1211 : vector<16xi32>
    %add3A_1213 = arith.addi %add3A_1196, %shift_right_logical3A_1212 : vector<16xi32>
    %and3A_1214 = arith.constant 65535 : i32
    %and3A_1215 = vector.broadcast %and3A_1214 : i32 to vector<16xi32>
    %and3A_1216 = arith.andi %gather3A_1209, %and3A_1215 : vector<16xi32>
    %add3A_1217 = arith.addi %add3A_1200, %and3A_1216 : vector<16xi32>
    %add3A_1218 = arith.constant 8 : i32
    %add3A_1219 = vector.broadcast %add3A_1218 : i32 to vector<16xi32>
    %add3A_1220 = arith.addi %mul3A_528, %add3A_1219 : vector<16xi32>
    %gather3A_1221 = tpu.vector_load_idx %arg19[%add3A_1220] : memref<256xf32, #tpu.memory_space<vmem>>[vector<16xi32>], vector<16xf32>,
    %add3A_1222 = arith.addf %add3A_1205, %gather3A_1221 : vector<16xf32>
    %add3A_1223 = arith.constant 9 : i32
    %add3A_1224 = vector.broadcast %add3A_1223 : i32 to vector<16xi32>
    %add3A_1225 = arith.addi %mul3A_528, %add3A_1224 : vector<16xi32>
    %gather3A_1226 = tpu.vector_load_idx %arg11[%add3A_1225] : memref<256xi32, #tpu.memory_space<vmem>>[vector<16xi32>], vector<16xi32>,
    %shift_right_logical3A_1227 = arith.constant 16 : i32
    %shift_right_logical3A_1228 = vector.broadcast %shift_right_logical3A_1227 : i32 to vector<16xi32>
    %shift_right_logical3A_1229 = arith.shrui %gather3A_1226, %shift_right_logical3A_1228 : vector<16xi32>
    %add3A_1230 = arith.addi %add3A_1213, %shift_right_logical3A_1229 : vector<16xi32>
    %and3A_1231 = arith.constant 65535 : i32
    %and3A_1232 = vector.broadcast %and3A_1231 : i32 to vector<16xi32>
    %and3A_1233 = arith.andi %gather3A_1226, %and3A_1232 : vector<16xi32>
    %add3A_1234 = arith.addi %add3A_1217, %and3A_1233 : vector<16xi32>
    %add3A_1235 = arith.constant 9 : i32
    %add3A_1236 = vector.broadcast %add3A_1235 : i32 to vector<16xi32>
    %add3A_1237 = arith.addi %mul3A_528, %add3A_1236 : vector<16xi32>
    %gather3A_1238 = tpu.vector_load_idx %arg19[%add3A_1237] : memref<256xf32, #tpu.memory_space<vmem>>[vector<16xi32>], vector<16xf32>,
    %add3A_1239 = arith.addf %add3A_1222, %gather3A_1238 : vector<16xf32>
    %add3A_1240 = arith.constant 10 : i32
    %add3A_1241 = vector.broadcast %add3A_1240 : i32 to vector<16xi32>
    %add3A_1242 = arith.addi %mul3A_528, %add3A_1241 : vector<16xi32>
    %gather3A_1243 = tpu.vector_load_idx %arg11[%add3A_1242] : memref<256xi32, #tpu.memory_space<vmem>>[vector<16xi32>], vector<16xi32>,
    %shift_right_logical3A_1244 = arith.constant 16 : i32
    %shift_right_logical3A_1245 = vector.broadcast %shift_right_logical3A_1244 : i32 to vector<16xi32>
    %shift_right_logical3A_1246 = arith.shrui %gather3A_1243, %shift_right_logical3A_1245 : vector<16xi32>
    %add3A_1247 = arith.addi %add3A_1230, %shift_right_logical3A_1246 : vector<16xi32>
    %and3A_1248 = arith.constant 65535 : i32
    %and3A_1249 = vector.broadcast %and3A_1248 : i32 to vector<16xi32>
    %and3A_1250 = arith.andi %gather3A_1243, %and3A_1249 : vector<16xi32>
    %add3A_1251 = arith.addi %add3A_1234, %and3A_1250 : vector<16xi32>
    %add3A_1252 = arith.constant 10 : i32
    %add3A_1253 = vector.broadcast %add3A_1252 : i32 to vector<16xi32>
    %add3A_1254 = arith.addi %mul3A_528, %add3A_1253 : vector<16xi32>
    %gather3A_1255 = tpu.vector_load_idx %arg19[%add3A_1254] : memref<256xf32, #tpu.memory_space<vmem>>[vector<16xi32>], vector<16xf32>,
    %add3A_1256 = arith.addf %add3A_1239, %gather3A_1255 : vector<16xf32>
    %add3A_1257 = arith.constant 11 : i32
    %add3A_1258 = vector.broadcast %add3A_1257 : i32 to vector<16xi32>
    %add3A_1259 = arith.addi %mul3A_528, %add3A_1258 : vector<16xi32>
    %gather3A_1260 = tpu.vector_load_idx %arg11[%add3A_1259] : memref<256xi32, #tpu.memory_space<vmem>>[vector<16xi32>], vector<16xi32>,
    %shift_right_logical3A_1261 = arith.constant 16 : i32
    %shift_right_logical3A_1262 = vector.broadcast %shift_right_logical3A_1261 : i32 to vector<16xi32>
    %shift_right_logical3A_1263 = arith.shrui %gather3A_1260, %shift_right_logical3A_1262 : vector<16xi32>
    %add3A_1264 = arith.addi %add3A_1247, %shift_right_logical3A_1263 : vector<16xi32>
    %and3A_1265 = arith.constant 65535 : i32
    %and3A_1266 = vector.broadcast %and3A_1265 : i32 to vector<16xi32>
    %and3A_1267 = arith.andi %gather3A_1260, %and3A_1266 : vector<16xi32>
    %add3A_1268 = arith.addi %add3A_1251, %and3A_1267 : vector<16xi32>
    %add3A_1269 = arith.constant 11 : i32
    %add3A_1270 = vector.broadcast %add3A_1269 : i32 to vector<16xi32>
    %add3A_1271 = arith.addi %mul3A_528, %add3A_1270 : vector<16xi32>
    %gather3A_1272 = tpu.vector_load_idx %arg19[%add3A_1271] : memref<256xf32, #tpu.memory_space<vmem>>[vector<16xi32>], vector<16xf32>,
    %add3A_1273 = arith.addf %add3A_1256, %gather3A_1272 : vector<16xf32>
    %add3A_1274 = arith.constant 12 : i32
    %add3A_1275 = vector.broadcast %add3A_1274 : i32 to vector<16xi32>
    %add3A_1276 = arith.addi %mul3A_528, %add3A_1275 : vector<16xi32>
    %gather3A_1277 = tpu.vector_load_idx %arg11[%add3A_1276] : memref<256xi32, #tpu.memory_space<vmem>>[vector<16xi32>], vector<16xi32>,
    %shift_right_logical3A_1278 = arith.constant 16 : i32
    %shift_right_logical3A_1279 = vector.broadcast %shift_right_logical3A_1278 : i32 to vector<16xi32>
    %shift_right_logical3A_1280 = arith.shrui %gather3A_1277, %shift_right_logical3A_1279 : vector<16xi32>
    %add3A_1281 = arith.addi %add3A_1264, %shift_right_logical3A_1280 : vector<16xi32>
    %and3A_1282 = arith.constant 65535 : i32
    %and3A_1283 = vector.broadcast %and3A_1282 : i32 to vector<16xi32>
    %and3A_1284 = arith.andi %gather3A_1277, %and3A_1283 : vector<16xi32>
    %add3A_1285 = arith.addi %add3A_1268, %and3A_1284 : vector<16xi32>
    %add3A_1286 = arith.constant 12 : i32
    %add3A_1287 = vector.broadcast %add3A_1286 : i32 to vector<16xi32>
    %add3A_1288 = arith.addi %mul3A_528, %add3A_1287 : vector<16xi32>
    %gather3A_1289 = tpu.vector_load_idx %arg19[%add3A_1288] : memref<256xf32, #tpu.memory_space<vmem>>[vector<16xi32>], vector<16xf32>,
    %add3A_1290 = arith.addf %add3A_1273, %gather3A_1289 : vector<16xf32>
    %add3A_1291 = arith.constant 13 : i32
    %add3A_1292 = vector.broadcast %add3A_1291 : i32 to vector<16xi32>
    %add3A_1293 = arith.addi %mul3A_528, %add3A_1292 : vector<16xi32>
    %gather3A_1294 = tpu.vector_load_idx %arg11[%add3A_1293] : memref<256xi32, #tpu.memory_space<vmem>>[vector<16xi32>], vector<16xi32>,
    %shift_right_logical3A_1295 = arith.constant 16 : i32
    %shift_right_logical3A_1296 = vector.broadcast %shift_right_logical3A_1295 : i32 to vector<16xi32>
    %shift_right_logical3A_1297 = arith.shrui %gather3A_1294, %shift_right_logical3A_1296 : vector<16xi32>
    %add3A_1298 = arith.addi %add3A_1281, %shift_right_logical3A_1297 : vector<16xi32>
    %and3A_1299 = arith.constant 65535 : i32
    %and3A_1300 = vector.broadcast %and3A_1299 : i32 to vector<16xi32>
    %and3A_1301 = arith.andi %gather3A_1294, %and3A_1300 : vector<16xi32>
    %add3A_1302 = arith.addi %add3A_1285, %and3A_1301 : vector<16xi32>
    %add3A_1303 = arith.constant 13 : i32
    %add3A_1304 = vector.broadcast %add3A_1303 : i32 to vector<16xi32>
    %add3A_1305 = arith.addi %mul3A_528, %add3A_1304 : vector<16xi32>
    %gather3A_1306 = tpu.vector_load_idx %arg19[%add3A_1305] : memref<256xf32, #tpu.memory_space<vmem>>[vector<16xi32>], vector<16xf32>,
    %add3A_1307 = arith.addf %add3A_1290, %gather3A_1306 : vector<16xf32>
    %add3A_1308 = arith.constant 14 : i32
    %add3A_1309 = vector.broadcast %add3A_1308 : i32 to vector<16xi32>
    %add3A_1310 = arith.addi %mul3A_528, %add3A_1309 : vector<16xi32>
    %gather3A_1311 = tpu.vector_load_idx %arg11[%add3A_1310] : memref<256xi32, #tpu.memory_space<vmem>>[vector<16xi32>], vector<16xi32>,
    %shift_right_logical3A_1312 = arith.constant 16 : i32
    %shift_right_logical3A_1313 = vector.broadcast %shift_right_logical3A_1312 : i32 to vector<16xi32>
    %shift_right_logical3A_1314 = arith.shrui %gather3A_1311, %shift_right_logical3A_1313 : vector<16xi32>
    %add3A_1315 = arith.addi %add3A_1298, %shift_right_logical3A_1314 : vector<16xi32>
    %and3A_1316 = arith.constant 65535 : i32
    %and3A_1317 = vector.broadcast %and3A_1316 : i32 to vector<16xi32>
    %and3A_1318 = arith.andi %gather3A_1311, %and3A_1317 : vector<16xi32>
    %add3A_1319 = arith.addi %add3A_1302, %and3A_1318 : vector<16xi32>
    %add3A_1320 = arith.constant 14 : i32
    %add3A_1321 = vector.broadcast %add3A_1320 : i32 to vector<16xi32>
    %add3A_1322 = arith.addi %mul3A_528, %add3A_1321 : vector<16xi32>
    %gather3A_1323 = tpu.vector_load_idx %arg19[%add3A_1322] : memref<256xf32, #tpu.memory_space<vmem>>[vector<16xi32>], vector<16xf32>,
    %add3A_1324 = arith.addf %add3A_1307, %gather3A_1323 : vector<16xf32>
    %add3A_1325 = arith.constant 15 : i32
    %add3A_1326 = vector.broadcast %add3A_1325 : i32 to vector<16xi32>
    %add3A_1327 = arith.addi %mul3A_528, %add3A_1326 : vector<16xi32>
    %gather3A_1328 = tpu.vector_load_idx %arg11[%add3A_1327] : memref<256xi32, #tpu.memory_space<vmem>>[vector<16xi32>], vector<16xi32>,
    %shift_right_logical3A_1329 = arith.constant 16 : i32
    %shift_right_logical3A_1330 = vector.broadcast %shift_right_logical3A_1329 : i32 to vector<16xi32>
    %shift_right_logical3A_1331 = arith.shrui %gather3A_1328, %shift_right_logical3A_1330 : vector<16xi32>
    %add3A_1332 = arith.addi %add3A_1315, %shift_right_logical3A_1331 : vector<16xi32>
    %and3A_1333 = arith.constant 65535 : i32
    %and3A_1334 = vector.broadcast %and3A_1333 : i32 to vector<16xi32>
    %and3A_1335 = arith.andi %gather3A_1328, %and3A_1334 : vector<16xi32>
    %add3A_1336 = arith.addi %add3A_1319, %and3A_1335 : vector<16xi32>
    %add3A_1337 = arith.constant 15 : i32
    %add3A_1338 = vector.broadcast %add3A_1337 : i32 to vector<16xi32>
    %add3A_1339 = arith.addi %mul3A_528, %add3A_1338 : vector<16xi32>
    %gather3A_1340 = tpu.vector_load_idx %arg19[%add3A_1339] : memref<256xf32, #tpu.memory_space<vmem>>[vector<16xi32>], vector<16xf32>,
    %add3A_1341 = arith.addf %add3A_1324, %gather3A_1340 : vector<16xf32>
    %add3A_1342 = arith.constant 0 : i32
    %add3A_1343 = vector.broadcast %add3A_1342 : i32 to vector<16xi32>
    %add3A_1344 = arith.addi %mul3A_528, %add3A_1343 : vector<16xi32>
    %gather3A_1345 = tpu.vector_load_idx %arg12[%add3A_1344] : memref<256xi32, #tpu.memory_space<vmem>>[vector<16xi32>], vector<16xi32>,
    %shift_right_logical3A_1346 = arith.constant 16 : i32
    %shift_right_logical3A_1347 = vector.broadcast %shift_right_logical3A_1346 : i32 to vector<16xi32>
    %shift_right_logical3A_1348 = arith.shrui %gather3A_1345, %shift_right_logical3A_1347 : vector<16xi32>
    %add3A_1349 = arith.addi %add3A_1332, %shift_right_logical3A_1348 : vector<16xi32>
    %and3A_1350 = arith.constant 65535 : i32
    %and3A_1351 = vector.broadcast %and3A_1350 : i32 to vector<16xi32>
    %and3A_1352 = arith.andi %gather3A_1345, %and3A_1351 : vector<16xi32>
    %add3A_1353 = arith.addi %add3A_1336, %and3A_1352 : vector<16xi32>
    %add3A_1354 = arith.constant 0 : i32
    %add3A_1355 = vector.broadcast %add3A_1354 : i32 to vector<16xi32>
    %add3A_1356 = arith.addi %mul3A_528, %add3A_1355 : vector<16xi32>
    %gather3A_1357 = tpu.vector_load_idx %arg20[%add3A_1356] : memref<256xf32, #tpu.memory_space<vmem>>[vector<16xi32>], vector<16xf32>,
    %add3A_1358 = arith.addf %add3A_1341, %gather3A_1357 : vector<16xf32>
    %add3A_1359 = arith.constant 1 : i32
    %add3A_1360 = vector.broadcast %add3A_1359 : i32 to vector<16xi32>
    %add3A_1361 = arith.addi %mul3A_528, %add3A_1360 : vector<16xi32>
    %gather3A_1362 = tpu.vector_load_idx %arg12[%add3A_1361] : memref<256xi32, #tpu.memory_space<vmem>>[vector<16xi32>], vector<16xi32>,
    %shift_right_logical3A_1363 = arith.constant 16 : i32
    %shift_right_logical3A_1364 = vector.broadcast %shift_right_logical3A_1363 : i32 to vector<16xi32>
    %shift_right_logical3A_1365 = arith.shrui %gather3A_1362, %shift_right_logical3A_1364 : vector<16xi32>
    %add3A_1366 = arith.addi %add3A_1349, %shift_right_logical3A_1365 : vector<16xi32>
    %and3A_1367 = arith.constant 65535 : i32
    %and3A_1368 = vector.broadcast %and3A_1367 : i32 to vector<16xi32>
    %and3A_1369 = arith.andi %gather3A_1362, %and3A_1368 : vector<16xi32>
    %add3A_1370 = arith.addi %add3A_1353, %and3A_1369 : vector<16xi32>
    %add3A_1371 = arith.constant 1 : i32
    %add3A_1372 = vector.broadcast %add3A_1371 : i32 to vector<16xi32>
    %add3A_1373 = arith.addi %mul3A_528, %add3A_1372 : vector<16xi32>
    %gather3A_1374 = tpu.vector_load_idx %arg20[%add3A_1373] : memref<256xf32, #tpu.memory_space<vmem>>[vector<16xi32>], vector<16xf32>,
    %add3A_1375 = arith.addf %add3A_1358, %gather3A_1374 : vector<16xf32>
    %add3A_1376 = arith.constant 2 : i32
    %add3A_1377 = vector.broadcast %add3A_1376 : i32 to vector<16xi32>
    %add3A_1378 = arith.addi %mul3A_528, %add3A_1377 : vector<16xi32>
    %gather3A_1379 = tpu.vector_load_idx %arg12[%add3A_1378] : memref<256xi32, #tpu.memory_space<vmem>>[vector<16xi32>], vector<16xi32>,
    %shift_right_logical3A_1380 = arith.constant 16 : i32
    %shift_right_logical3A_1381 = vector.broadcast %shift_right_logical3A_1380 : i32 to vector<16xi32>
    %shift_right_logical3A_1382 = arith.shrui %gather3A_1379, %shift_right_logical3A_1381 : vector<16xi32>
    %add3A_1383 = arith.addi %add3A_1366, %shift_right_logical3A_1382 : vector<16xi32>
    %and3A_1384 = arith.constant 65535 : i32
    %and3A_1385 = vector.broadcast %and3A_1384 : i32 to vector<16xi32>
    %and3A_1386 = arith.andi %gather3A_1379, %and3A_1385 : vector<16xi32>
    %add3A_1387 = arith.addi %add3A_1370, %and3A_1386 : vector<16xi32>
    %add3A_1388 = arith.constant 2 : i32
    %add3A_1389 = vector.broadcast %add3A_1388 : i32 to vector<16xi32>
    %add3A_1390 = arith.addi %mul3A_528, %add3A_1389 : vector<16xi32>
    %gather3A_1391 = tpu.vector_load_idx %arg20[%add3A_1390] : memref<256xf32, #tpu.memory_space<vmem>>[vector<16xi32>], vector<16xf32>,
    %add3A_1392 = arith.addf %add3A_1375, %gather3A_1391 : vector<16xf32>
    %add3A_1393 = arith.constant 3 : i32
    %add3A_1394 = vector.broadcast %add3A_1393 : i32 to vector<16xi32>
    %add3A_1395 = arith.addi %mul3A_528, %add3A_1394 : vector<16xi32>
    %gather3A_1396 = tpu.vector_load_idx %arg12[%add3A_1395] : memref<256xi32, #tpu.memory_space<vmem>>[vector<16xi32>], vector<16xi32>,
    %shift_right_logical3A_1397 = arith.constant 16 : i32
    %shift_right_logical3A_1398 = vector.broadcast %shift_right_logical3A_1397 : i32 to vector<16xi32>
    %shift_right_logical3A_1399 = arith.shrui %gather3A_1396, %shift_right_logical3A_1398 : vector<16xi32>
    %add3A_1400 = arith.addi %add3A_1383, %shift_right_logical3A_1399 : vector<16xi32>
    %and3A_1401 = arith.constant 65535 : i32
    %and3A_1402 = vector.broadcast %and3A_1401 : i32 to vector<16xi32>
    %and3A_1403 = arith.andi %gather3A_1396, %and3A_1402 : vector<16xi32>
    %add3A_1404 = arith.addi %add3A_1387, %and3A_1403 : vector<16xi32>
    %add3A_1405 = arith.constant 3 : i32
    %add3A_1406 = vector.broadcast %add3A_1405 : i32 to vector<16xi32>
    %add3A_1407 = arith.addi %mul3A_528, %add3A_1406 : vector<16xi32>
    %gather3A_1408 = tpu.vector_load_idx %arg20[%add3A_1407] : memref<256xf32, #tpu.memory_space<vmem>>[vector<16xi32>], vector<16xf32>,
    %add3A_1409 = arith.addf %add3A_1392, %gather3A_1408 : vector<16xf32>
    %add3A_1410 = arith.constant 4 : i32
    %add3A_1411 = vector.broadcast %add3A_1410 : i32 to vector<16xi32>
    %add3A_1412 = arith.addi %mul3A_528, %add3A_1411 : vector<16xi32>
    %gather3A_1413 = tpu.vector_load_idx %arg12[%add3A_1412] : memref<256xi32, #tpu.memory_space<vmem>>[vector<16xi32>], vector<16xi32>,
    %shift_right_logical3A_1414 = arith.constant 16 : i32
    %shift_right_logical3A_1415 = vector.broadcast %shift_right_logical3A_1414 : i32 to vector<16xi32>
    %shift_right_logical3A_1416 = arith.shrui %gather3A_1413, %shift_right_logical3A_1415 : vector<16xi32>
    %add3A_1417 = arith.addi %add3A_1400, %shift_right_logical3A_1416 : vector<16xi32>
    %and3A_1418 = arith.constant 65535 : i32
    %and3A_1419 = vector.broadcast %and3A_1418 : i32 to vector<16xi32>
    %and3A_1420 = arith.andi %gather3A_1413, %and3A_1419 : vector<16xi32>
    %add3A_1421 = arith.addi %add3A_1404, %and3A_1420 : vector<16xi32>
    %add3A_1422 = arith.constant 4 : i32
    %add3A_1423 = vector.broadcast %add3A_1422 : i32 to vector<16xi32>
    %add3A_1424 = arith.addi %mul3A_528, %add3A_1423 : vector<16xi32>
    %gather3A_1425 = tpu.vector_load_idx %arg20[%add3A_1424] : memref<256xf32, #tpu.memory_space<vmem>>[vector<16xi32>], vector<16xf32>,
    %add3A_1426 = arith.addf %add3A_1409, %gather3A_1425 : vector<16xf32>
    %add3A_1427 = arith.constant 5 : i32
    %add3A_1428 = vector.broadcast %add3A_1427 : i32 to vector<16xi32>
    %add3A_1429 = arith.addi %mul3A_528, %add3A_1428 : vector<16xi32>
    %gather3A_1430 = tpu.vector_load_idx %arg12[%add3A_1429] : memref<256xi32, #tpu.memory_space<vmem>>[vector<16xi32>], vector<16xi32>,
    %shift_right_logical3A_1431 = arith.constant 16 : i32
    %shift_right_logical3A_1432 = vector.broadcast %shift_right_logical3A_1431 : i32 to vector<16xi32>
    %shift_right_logical3A_1433 = arith.shrui %gather3A_1430, %shift_right_logical3A_1432 : vector<16xi32>
    %add3A_1434 = arith.addi %add3A_1417, %shift_right_logical3A_1433 : vector<16xi32>
    %and3A_1435 = arith.constant 65535 : i32
    %and3A_1436 = vector.broadcast %and3A_1435 : i32 to vector<16xi32>
    %and3A_1437 = arith.andi %gather3A_1430, %and3A_1436 : vector<16xi32>
    %add3A_1438 = arith.addi %add3A_1421, %and3A_1437 : vector<16xi32>
    %add3A_1439 = arith.constant 5 : i32
    %add3A_1440 = vector.broadcast %add3A_1439 : i32 to vector<16xi32>
    %add3A_1441 = arith.addi %mul3A_528, %add3A_1440 : vector<16xi32>
    %gather3A_1442 = tpu.vector_load_idx %arg20[%add3A_1441] : memref<256xf32, #tpu.memory_space<vmem>>[vector<16xi32>], vector<16xf32>,
    %add3A_1443 = arith.addf %add3A_1426, %gather3A_1442 : vector<16xf32>
    %add3A_1444 = arith.constant 6 : i32
    %add3A_1445 = vector.broadcast %add3A_1444 : i32 to vector<16xi32>
    %add3A_1446 = arith.addi %mul3A_528, %add3A_1445 : vector<16xi32>
    %gather3A_1447 = tpu.vector_load_idx %arg12[%add3A_1446] : memref<256xi32, #tpu.memory_space<vmem>>[vector<16xi32>], vector<16xi32>,
    %shift_right_logical3A_1448 = arith.constant 16 : i32
    %shift_right_logical3A_1449 = vector.broadcast %shift_right_logical3A_1448 : i32 to vector<16xi32>
    %shift_right_logical3A_1450 = arith.shrui %gather3A_1447, %shift_right_logical3A_1449 : vector<16xi32>
    %add3A_1451 = arith.addi %add3A_1434, %shift_right_logical3A_1450 : vector<16xi32>
    %and3A_1452 = arith.constant 65535 : i32
    %and3A_1453 = vector.broadcast %and3A_1452 : i32 to vector<16xi32>
    %and3A_1454 = arith.andi %gather3A_1447, %and3A_1453 : vector<16xi32>
    %add3A_1455 = arith.addi %add3A_1438, %and3A_1454 : vector<16xi32>
    %add3A_1456 = arith.constant 6 : i32
    %add3A_1457 = vector.broadcast %add3A_1456 : i32 to vector<16xi32>
    %add3A_1458 = arith.addi %mul3A_528, %add3A_1457 : vector<16xi32>
    %gather3A_1459 = tpu.vector_load_idx %arg20[%add3A_1458] : memref<256xf32, #tpu.memory_space<vmem>>[vector<16xi32>], vector<16xf32>,
    %add3A_1460 = arith.addf %add3A_1443, %gather3A_1459 : vector<16xf32>
    %add3A_1461 = arith.constant 7 : i32
    %add3A_1462 = vector.broadcast %add3A_1461 : i32 to vector<16xi32>
    %add3A_1463 = arith.addi %mul3A_528, %add3A_1462 : vector<16xi32>
    %gather3A_1464 = tpu.vector_load_idx %arg12[%add3A_1463] : memref<256xi32, #tpu.memory_space<vmem>>[vector<16xi32>], vector<16xi32>,
    %shift_right_logical3A_1465 = arith.constant 16 : i32
    %shift_right_logical3A_1466 = vector.broadcast %shift_right_logical3A_1465 : i32 to vector<16xi32>
    %shift_right_logical3A_1467 = arith.shrui %gather3A_1464, %shift_right_logical3A_1466 : vector<16xi32>
    %add3A_1468 = arith.addi %add3A_1451, %shift_right_logical3A_1467 : vector<16xi32>
    %and3A_1469 = arith.constant 65535 : i32
    %and3A_1470 = vector.broadcast %and3A_1469 : i32 to vector<16xi32>
    %and3A_1471 = arith.andi %gather3A_1464, %and3A_1470 : vector<16xi32>
    %add3A_1472 = arith.addi %add3A_1455, %and3A_1471 : vector<16xi32>
    %add3A_1473 = arith.constant 7 : i32
    %add3A_1474 = vector.broadcast %add3A_1473 : i32 to vector<16xi32>
    %add3A_1475 = arith.addi %mul3A_528, %add3A_1474 : vector<16xi32>
    %gather3A_1476 = tpu.vector_load_idx %arg20[%add3A_1475] : memref<256xf32, #tpu.memory_space<vmem>>[vector<16xi32>], vector<16xf32>,
    %add3A_1477 = arith.addf %add3A_1460, %gather3A_1476 : vector<16xf32>
    %add3A_1478 = arith.constant 8 : i32
    %add3A_1479 = vector.broadcast %add3A_1478 : i32 to vector<16xi32>
    %add3A_1480 = arith.addi %mul3A_528, %add3A_1479 : vector<16xi32>
    %gather3A_1481 = tpu.vector_load_idx %arg12[%add3A_1480] : memref<256xi32, #tpu.memory_space<vmem>>[vector<16xi32>], vector<16xi32>,
    %shift_right_logical3A_1482 = arith.constant 16 : i32
    %shift_right_logical3A_1483 = vector.broadcast %shift_right_logical3A_1482 : i32 to vector<16xi32>
    %shift_right_logical3A_1484 = arith.shrui %gather3A_1481, %shift_right_logical3A_1483 : vector<16xi32>
    %add3A_1485 = arith.addi %add3A_1468, %shift_right_logical3A_1484 : vector<16xi32>
    %and3A_1486 = arith.constant 65535 : i32
    %and3A_1487 = vector.broadcast %and3A_1486 : i32 to vector<16xi32>
    %and3A_1488 = arith.andi %gather3A_1481, %and3A_1487 : vector<16xi32>
    %add3A_1489 = arith.addi %add3A_1472, %and3A_1488 : vector<16xi32>
    %add3A_1490 = arith.constant 8 : i32
    %add3A_1491 = vector.broadcast %add3A_1490 : i32 to vector<16xi32>
    %add3A_1492 = arith.addi %mul3A_528, %add3A_1491 : vector<16xi32>
    %gather3A_1493 = tpu.vector_load_idx %arg20[%add3A_1492] : memref<256xf32, #tpu.memory_space<vmem>>[vector<16xi32>], vector<16xf32>,
    %add3A_1494 = arith.addf %add3A_1477, %gather3A_1493 : vector<16xf32>
    %add3A_1495 = arith.constant 9 : i32
    %add3A_1496 = vector.broadcast %add3A_1495 : i32 to vector<16xi32>
    %add3A_1497 = arith.addi %mul3A_528, %add3A_1496 : vector<16xi32>
    %gather3A_1498 = tpu.vector_load_idx %arg12[%add3A_1497] : memref<256xi32, #tpu.memory_space<vmem>>[vector<16xi32>], vector<16xi32>,
    %shift_right_logical3A_1499 = arith.constant 16 : i32
    %shift_right_logical3A_1500 = vector.broadcast %shift_right_logical3A_1499 : i32 to vector<16xi32>
    %shift_right_logical3A_1501 = arith.shrui %gather3A_1498, %shift_right_logical3A_1500 : vector<16xi32>
    %add3A_1502 = arith.addi %add3A_1485, %shift_right_logical3A_1501 : vector<16xi32>
    %and3A_1503 = arith.constant 65535 : i32
    %and3A_1504 = vector.broadcast %and3A_1503 : i32 to vector<16xi32>
    %and3A_1505 = arith.andi %gather3A_1498, %and3A_1504 : vector<16xi32>
    %add3A_1506 = arith.addi %add3A_1489, %and3A_1505 : vector<16xi32>
    %add3A_1507 = arith.constant 9 : i32
    %add3A_1508 = vector.broadcast %add3A_1507 : i32 to vector<16xi32>
    %add3A_1509 = arith.addi %mul3A_528, %add3A_1508 : vector<16xi32>
    %gather3A_1510 = tpu.vector_load_idx %arg20[%add3A_1509] : memref<256xf32, #tpu.memory_space<vmem>>[vector<16xi32>], vector<16xf32>,
    %add3A_1511 = arith.addf %add3A_1494, %gather3A_1510 : vector<16xf32>
    %add3A_1512 = arith.constant 10 : i32
    %add3A_1513 = vector.broadcast %add3A_1512 : i32 to vector<16xi32>
    %add3A_1514 = arith.addi %mul3A_528, %add3A_1513 : vector<16xi32>
    %gather3A_1515 = tpu.vector_load_idx %arg12[%add3A_1514] : memref<256xi32, #tpu.memory_space<vmem>>[vector<16xi32>], vector<16xi32>,
    %shift_right_logical3A_1516 = arith.constant 16 : i32
    %shift_right_logical3A_1517 = vector.broadcast %shift_right_logical3A_1516 : i32 to vector<16xi32>
    %shift_right_logical3A_1518 = arith.shrui %gather3A_1515, %shift_right_logical3A_1517 : vector<16xi32>
    %add3A_1519 = arith.addi %add3A_1502, %shift_right_logical3A_1518 : vector<16xi32>
    %and3A_1520 = arith.constant 65535 : i32
    %and3A_1521 = vector.broadcast %and3A_1520 : i32 to vector<16xi32>
    %and3A_1522 = arith.andi %gather3A_1515, %and3A_1521 : vector<16xi32>
    %add3A_1523 = arith.addi %add3A_1506, %and3A_1522 : vector<16xi32>
    %add3A_1524 = arith.constant 10 : i32
    %add3A_1525 = vector.broadcast %add3A_1524 : i32 to vector<16xi32>
    %add3A_1526 = arith.addi %mul3A_528, %add3A_1525 : vector<16xi32>
    %gather3A_1527 = tpu.vector_load_idx %arg20[%add3A_1526] : memref<256xf32, #tpu.memory_space<vmem>>[vector<16xi32>], vector<16xf32>,
    %add3A_1528 = arith.addf %add3A_1511, %gather3A_1527 : vector<16xf32>
    %add3A_1529 = arith.constant 11 : i32
    %add3A_1530 = vector.broadcast %add3A_1529 : i32 to vector<16xi32>
    %add3A_1531 = arith.addi %mul3A_528, %add3A_1530 : vector<16xi32>
    %gather3A_1532 = tpu.vector_load_idx %arg12[%add3A_1531] : memref<256xi32, #tpu.memory_space<vmem>>[vector<16xi32>], vector<16xi32>,
    %shift_right_logical3A_1533 = arith.constant 16 : i32
    %shift_right_logical3A_1534 = vector.broadcast %shift_right_logical3A_1533 : i32 to vector<16xi32>
    %shift_right_logical3A_1535 = arith.shrui %gather3A_1532, %shift_right_logical3A_1534 : vector<16xi32>
    %add3A_1536 = arith.addi %add3A_1519, %shift_right_logical3A_1535 : vector<16xi32>
    %and3A_1537 = arith.constant 65535 : i32
    %and3A_1538 = vector.broadcast %and3A_1537 : i32 to vector<16xi32>
    %and3A_1539 = arith.andi %gather3A_1532, %and3A_1538 : vector<16xi32>
    %add3A_1540 = arith.addi %add3A_1523, %and3A_1539 : vector<16xi32>
    %add3A_1541 = arith.constant 11 : i32
    %add3A_1542 = vector.broadcast %add3A_1541 : i32 to vector<16xi32>
    %add3A_1543 = arith.addi %mul3A_528, %add3A_1542 : vector<16xi32>
    %gather3A_1544 = tpu.vector_load_idx %arg20[%add3A_1543] : memref<256xf32, #tpu.memory_space<vmem>>[vector<16xi32>], vector<16xf32>,
    %add3A_1545 = arith.addf %add3A_1528, %gather3A_1544 : vector<16xf32>
    %add3A_1546 = arith.constant 12 : i32
    %add3A_1547 = vector.broadcast %add3A_1546 : i32 to vector<16xi32>
    %add3A_1548 = arith.addi %mul3A_528, %add3A_1547 : vector<16xi32>
    %gather3A_1549 = tpu.vector_load_idx %arg12[%add3A_1548] : memref<256xi32, #tpu.memory_space<vmem>>[vector<16xi32>], vector<16xi32>,
    %shift_right_logical3A_1550 = arith.constant 16 : i32
    %shift_right_logical3A_1551 = vector.broadcast %shift_right_logical3A_1550 : i32 to vector<16xi32>
    %shift_right_logical3A_1552 = arith.shrui %gather3A_1549, %shift_right_logical3A_1551 : vector<16xi32>
    %add3A_1553 = arith.addi %add3A_1536, %shift_right_logical3A_1552 : vector<16xi32>
    %and3A_1554 = arith.constant 65535 : i32
    %and3A_1555 = vector.broadcast %and3A_1554 : i32 to vector<16xi32>
    %and3A_1556 = arith.andi %gather3A_1549, %and3A_1555 : vector<16xi32>
    %add3A_1557 = arith.addi %add3A_1540, %and3A_1556 : vector<16xi32>
    %add3A_1558 = arith.constant 12 : i32
    %add3A_1559 = vector.broadcast %add3A_1558 : i32 to vector<16xi32>
    %add3A_1560 = arith.addi %mul3A_528, %add3A_1559 : vector<16xi32>
    %gather3A_1561 = tpu.vector_load_idx %arg20[%add3A_1560] : memref<256xf32, #tpu.memory_space<vmem>>[vector<16xi32>], vector<16xf32>,
    %add3A_1562 = arith.addf %add3A_1545, %gather3A_1561 : vector<16xf32>
    %add3A_1563 = arith.constant 13 : i32
    %add3A_1564 = vector.broadcast %add3A_1563 : i32 to vector<16xi32>
    %add3A_1565 = arith.addi %mul3A_528, %add3A_1564 : vector<16xi32>
    %gather3A_1566 = tpu.vector_load_idx %arg12[%add3A_1565] : memref<256xi32, #tpu.memory_space<vmem>>[vector<16xi32>], vector<16xi32>,
    %shift_right_logical3A_1567 = arith.constant 16 : i32
    %shift_right_logical3A_1568 = vector.broadcast %shift_right_logical3A_1567 : i32 to vector<16xi32>
    %shift_right_logical3A_1569 = arith.shrui %gather3A_1566, %shift_right_logical3A_1568 : vector<16xi32>
    %add3A_1570 = arith.addi %add3A_1553, %shift_right_logical3A_1569 : vector<16xi32>
    %and3A_1571 = arith.constant 65535 : i32
    %and3A_1572 = vector.broadcast %and3A_1571 : i32 to vector<16xi32>
    %and3A_1573 = arith.andi %gather3A_1566, %and3A_1572 : vector<16xi32>
    %add3A_1574 = arith.addi %add3A_1557, %and3A_1573 : vector<16xi32>
    %add3A_1575 = arith.constant 13 : i32
    %add3A_1576 = vector.broadcast %add3A_1575 : i32 to vector<16xi32>
    %add3A_1577 = arith.addi %mul3A_528, %add3A_1576 : vector<16xi32>
    %gather3A_1578 = tpu.vector_load_idx %arg20[%add3A_1577] : memref<256xf32, #tpu.memory_space<vmem>>[vector<16xi32>], vector<16xf32>,
    %add3A_1579 = arith.addf %add3A_1562, %gather3A_1578 : vector<16xf32>
    %add3A_1580 = arith.constant 14 : i32
    %add3A_1581 = vector.broadcast %add3A_1580 : i32 to vector<16xi32>
    %add3A_1582 = arith.addi %mul3A_528, %add3A_1581 : vector<16xi32>
    %gather3A_1583 = tpu.vector_load_idx %arg12[%add3A_1582] : memref<256xi32, #tpu.memory_space<vmem>>[vector<16xi32>], vector<16xi32>,
    %shift_right_logical3A_1584 = arith.constant 16 : i32
    %shift_right_logical3A_1585 = vector.broadcast %shift_right_logical3A_1584 : i32 to vector<16xi32>
    %shift_right_logical3A_1586 = arith.shrui %gather3A_1583, %shift_right_logical3A_1585 : vector<16xi32>
    %add3A_1587 = arith.addi %add3A_1570, %shift_right_logical3A_1586 : vector<16xi32>
    %and3A_1588 = arith.constant 65535 : i32
    %and3A_1589 = vector.broadcast %and3A_1588 : i32 to vector<16xi32>
    %and3A_1590 = arith.andi %gather3A_1583, %and3A_1589 : vector<16xi32>
    %add3A_1591 = arith.addi %add3A_1574, %and3A_1590 : vector<16xi32>
    %add3A_1592 = arith.constant 14 : i32
    %add3A_1593 = vector.broadcast %add3A_1592 : i32 to vector<16xi32>
    %add3A_1594 = arith.addi %mul3A_528, %add3A_1593 : vector<16xi32>
    %gather3A_1595 = tpu.vector_load_idx %arg20[%add3A_1594] : memref<256xf32, #tpu.memory_space<vmem>>[vector<16xi32>], vector<16xf32>,
    %add3A_1596 = arith.addf %add3A_1579, %gather3A_1595 : vector<16xf32>
    %add3A_1597 = arith.constant 15 : i32
    %add3A_1598 = vector.broadcast %add3A_1597 : i32 to vector<16xi32>
    %add3A_1599 = arith.addi %mul3A_528, %add3A_1598 : vector<16xi32>
    %gather3A_1600 = tpu.vector_load_idx %arg12[%add3A_1599] : memref<256xi32, #tpu.memory_space<vmem>>[vector<16xi32>], vector<16xi32>,
    %shift_right_logical3A_1601 = arith.constant 16 : i32
    %shift_right_logical3A_1602 = vector.broadcast %shift_right_logical3A_1601 : i32 to vector<16xi32>
    %shift_right_logical3A_1603 = arith.shrui %gather3A_1600, %shift_right_logical3A_1602 : vector<16xi32>
    %add3A_1604 = arith.addi %add3A_1587, %shift_right_logical3A_1603 : vector<16xi32>
    %and3A_1605 = arith.constant 65535 : i32
    %and3A_1606 = vector.broadcast %and3A_1605 : i32 to vector<16xi32>
    %and3A_1607 = arith.andi %gather3A_1600, %and3A_1606 : vector<16xi32>
    %add3A_1608 = arith.addi %add3A_1591, %and3A_1607 : vector<16xi32>
    %add3A_1609 = arith.constant 15 : i32
    %add3A_1610 = vector.broadcast %add3A_1609 : i32 to vector<16xi32>
    %add3A_1611 = arith.addi %mul3A_528, %add3A_1610 : vector<16xi32>
    %gather3A_1612 = tpu.vector_load_idx %arg20[%add3A_1611] : memref<256xf32, #tpu.memory_space<vmem>>[vector<16xi32>], vector<16xf32>,
    %add3A_1613 = arith.addf %add3A_1596, %gather3A_1612 : vector<16xf32>
    %add3A_1614 = arith.constant 0 : i32
    %add3A_1615 = vector.broadcast %add3A_1614 : i32 to vector<16xi32>
    %add3A_1616 = arith.addi %mul3A_528, %add3A_1615 : vector<16xi32>
    %gather3A_1617 = tpu.vector_load_idx %arg13[%add3A_1616] : memref<256xi32, #tpu.memory_space<vmem>>[vector<16xi32>], vector<16xi32>,
    %shift_right_logical3A_1618 = arith.constant 16 : i32
    %shift_right_logical3A_1619 = vector.broadcast %shift_right_logical3A_1618 : i32 to vector<16xi32>
    %shift_right_logical3A_1620 = arith.shrui %gather3A_1617, %shift_right_logical3A_1619 : vector<16xi32>
    %add3A_1621 = arith.addi %add3A_1604, %shift_right_logical3A_1620 : vector<16xi32>
    %and3A_1622 = arith.constant 65535 : i32
    %and3A_1623 = vector.broadcast %and3A_1622 : i32 to vector<16xi32>
    %and3A_1624 = arith.andi %gather3A_1617, %and3A_1623 : vector<16xi32>
    %add3A_1625 = arith.addi %add3A_1608, %and3A_1624 : vector<16xi32>
    %add3A_1626 = arith.constant 0 : i32
    %add3A_1627 = vector.broadcast %add3A_1626 : i32 to vector<16xi32>
    %add3A_1628 = arith.addi %mul3A_528, %add3A_1627 : vector<16xi32>
    %gather3A_1629 = tpu.vector_load_idx %arg21[%add3A_1628] : memref<256xf32, #tpu.memory_space<vmem>>[vector<16xi32>], vector<16xf32>,
    %add3A_1630 = arith.addf %add3A_1613, %gather3A_1629 : vector<16xf32>
    %add3A_1631 = arith.constant 1 : i32
    %add3A_1632 = vector.broadcast %add3A_1631 : i32 to vector<16xi32>
    %add3A_1633 = arith.addi %mul3A_528, %add3A_1632 : vector<16xi32>
    %gather3A_1634 = tpu.vector_load_idx %arg13[%add3A_1633] : memref<256xi32, #tpu.memory_space<vmem>>[vector<16xi32>], vector<16xi32>,
    %shift_right_logical3A_1635 = arith.constant 16 : i32
    %shift_right_logical3A_1636 = vector.broadcast %shift_right_logical3A_1635 : i32 to vector<16xi32>
    %shift_right_logical3A_1637 = arith.shrui %gather3A_1634, %shift_right_logical3A_1636 : vector<16xi32>
    %add3A_1638 = arith.addi %add3A_1621, %shift_right_logical3A_1637 : vector<16xi32>
    %and3A_1639 = arith.constant 65535 : i32
    %and3A_1640 = vector.broadcast %and3A_1639 : i32 to vector<16xi32>
    %and3A_1641 = arith.andi %gather3A_1634, %and3A_1640 : vector<16xi32>
    %add3A_1642 = arith.addi %add3A_1625, %and3A_1641 : vector<16xi32>
    %add3A_1643 = arith.constant 1 : i32
    %add3A_1644 = vector.broadcast %add3A_1643 : i32 to vector<16xi32>
    %add3A_1645 = arith.addi %mul3A_528, %add3A_1644 : vector<16xi32>
    %gather3A_1646 = tpu.vector_load_idx %arg21[%add3A_1645] : memref<256xf32, #tpu.memory_space<vmem>>[vector<16xi32>], vector<16xf32>,
    %add3A_1647 = arith.addf %add3A_1630, %gather3A_1646 : vector<16xf32>
    %add3A_1648 = arith.constant 2 : i32
    %add3A_1649 = vector.broadcast %add3A_1648 : i32 to vector<16xi32>
    %add3A_1650 = arith.addi %mul3A_528, %add3A_1649 : vector<16xi32>
    %gather3A_1651 = tpu.vector_load_idx %arg13[%add3A_1650] : memref<256xi32, #tpu.memory_space<vmem>>[vector<16xi32>], vector<16xi32>,
    %shift_right_logical3A_1652 = arith.constant 16 : i32
    %shift_right_logical3A_1653 = vector.broadcast %shift_right_logical3A_1652 : i32 to vector<16xi32>
    %shift_right_logical3A_1654 = arith.shrui %gather3A_1651, %shift_right_logical3A_1653 : vector<16xi32>
    %add3A_1655 = arith.addi %add3A_1638, %shift_right_logical3A_1654 : vector<16xi32>
    %and3A_1656 = arith.constant 65535 : i32
    %and3A_1657 = vector.broadcast %and3A_1656 : i32 to vector<16xi32>
    %and3A_1658 = arith.andi %gather3A_1651, %and3A_1657 : vector<16xi32>
    %add3A_1659 = arith.addi %add3A_1642, %and3A_1658 : vector<16xi32>
    %add3A_1660 = arith.constant 2 : i32
    %add3A_1661 = vector.broadcast %add3A_1660 : i32 to vector<16xi32>
    %add3A_1662 = arith.addi %mul3A_528, %add3A_1661 : vector<16xi32>
    %gather3A_1663 = tpu.vector_load_idx %arg21[%add3A_1662] : memref<256xf32, #tpu.memory_space<vmem>>[vector<16xi32>], vector<16xf32>,
    %add3A_1664 = arith.addf %add3A_1647, %gather3A_1663 : vector<16xf32>
    %add3A_1665 = arith.constant 3 : i32
    %add3A_1666 = vector.broadcast %add3A_1665 : i32 to vector<16xi32>
    %add3A_1667 = arith.addi %mul3A_528, %add3A_1666 : vector<16xi32>
    %gather3A_1668 = tpu.vector_load_idx %arg13[%add3A_1667] : memref<256xi32, #tpu.memory_space<vmem>>[vector<16xi32>], vector<16xi32>,
    %shift_right_logical3A_1669 = arith.constant 16 : i32
    %shift_right_logical3A_1670 = vector.broadcast %shift_right_logical3A_1669 : i32 to vector<16xi32>
    %shift_right_logical3A_1671 = arith.shrui %gather3A_1668, %shift_right_logical3A_1670 : vector<16xi32>
    %add3A_1672 = arith.addi %add3A_1655, %shift_right_logical3A_1671 : vector<16xi32>
    %and3A_1673 = arith.constant 65535 : i32
    %and3A_1674 = vector.broadcast %and3A_1673 : i32 to vector<16xi32>
    %and3A_1675 = arith.andi %gather3A_1668, %and3A_1674 : vector<16xi32>
    %add3A_1676 = arith.addi %add3A_1659, %and3A_1675 : vector<16xi32>
    %add3A_1677 = arith.constant 3 : i32
    %add3A_1678 = vector.broadcast %add3A_1677 : i32 to vector<16xi32>
    %add3A_1679 = arith.addi %mul3A_528, %add3A_1678 : vector<16xi32>
    %gather3A_1680 = tpu.vector_load_idx %arg21[%add3A_1679] : memref<256xf32, #tpu.memory_space<vmem>>[vector<16xi32>], vector<16xf32>,
    %add3A_1681 = arith.addf %add3A_1664, %gather3A_1680 : vector<16xf32>
    %add3A_1682 = arith.constant 4 : i32
    %add3A_1683 = vector.broadcast %add3A_1682 : i32 to vector<16xi32>
    %add3A_1684 = arith.addi %mul3A_528, %add3A_1683 : vector<16xi32>
    %gather3A_1685 = tpu.vector_load_idx %arg13[%add3A_1684] : memref<256xi32, #tpu.memory_space<vmem>>[vector<16xi32>], vector<16xi32>,
    %shift_right_logical3A_1686 = arith.constant 16 : i32
    %shift_right_logical3A_1687 = vector.broadcast %shift_right_logical3A_1686 : i32 to vector<16xi32>
    %shift_right_logical3A_1688 = arith.shrui %gather3A_1685, %shift_right_logical3A_1687 : vector<16xi32>
    %add3A_1689 = arith.addi %add3A_1672, %shift_right_logical3A_1688 : vector<16xi32>
    %and3A_1690 = arith.constant 65535 : i32
    %and3A_1691 = vector.broadcast %and3A_1690 : i32 to vector<16xi32>
    %and3A_1692 = arith.andi %gather3A_1685, %and3A_1691 : vector<16xi32>
    %add3A_1693 = arith.addi %add3A_1676, %and3A_1692 : vector<16xi32>
    %add3A_1694 = arith.constant 4 : i32
    %add3A_1695 = vector.broadcast %add3A_1694 : i32 to vector<16xi32>
    %add3A_1696 = arith.addi %mul3A_528, %add3A_1695 : vector<16xi32>
    %gather3A_1697 = tpu.vector_load_idx %arg21[%add3A_1696] : memref<256xf32, #tpu.memory_space<vmem>>[vector<16xi32>], vector<16xf32>,
    %add3A_1698 = arith.addf %add3A_1681, %gather3A_1697 : vector<16xf32>
    %add3A_1699 = arith.constant 5 : i32
    %add3A_1700 = vector.broadcast %add3A_1699 : i32 to vector<16xi32>
    %add3A_1701 = arith.addi %mul3A_528, %add3A_1700 : vector<16xi32>
    %gather3A_1702 = tpu.vector_load_idx %arg13[%add3A_1701] : memref<256xi32, #tpu.memory_space<vmem>>[vector<16xi32>], vector<16xi32>,
    %shift_right_logical3A_1703 = arith.constant 16 : i32
    %shift_right_logical3A_1704 = vector.broadcast %shift_right_logical3A_1703 : i32 to vector<16xi32>
    %shift_right_logical3A_1705 = arith.shrui %gather3A_1702, %shift_right_logical3A_1704 : vector<16xi32>
    %add3A_1706 = arith.addi %add3A_1689, %shift_right_logical3A_1705 : vector<16xi32>
    %and3A_1707 = arith.constant 65535 : i32
    %and3A_1708 = vector.broadcast %and3A_1707 : i32 to vector<16xi32>
    %and3A_1709 = arith.andi %gather3A_1702, %and3A_1708 : vector<16xi32>
    %add3A_1710 = arith.addi %add3A_1693, %and3A_1709 : vector<16xi32>
    %add3A_1711 = arith.constant 5 : i32
    %add3A_1712 = vector.broadcast %add3A_1711 : i32 to vector<16xi32>
    %add3A_1713 = arith.addi %mul3A_528, %add3A_1712 : vector<16xi32>
    %gather3A_1714 = tpu.vector_load_idx %arg21[%add3A_1713] : memref<256xf32, #tpu.memory_space<vmem>>[vector<16xi32>], vector<16xf32>,
    %add3A_1715 = arith.addf %add3A_1698, %gather3A_1714 : vector<16xf32>
    %add3A_1716 = arith.constant 6 : i32
    %add3A_1717 = vector.broadcast %add3A_1716 : i32 to vector<16xi32>
    %add3A_1718 = arith.addi %mul3A_528, %add3A_1717 : vector<16xi32>
    %gather3A_1719 = tpu.vector_load_idx %arg13[%add3A_1718] : memref<256xi32, #tpu.memory_space<vmem>>[vector<16xi32>], vector<16xi32>,
    %shift_right_logical3A_1720 = arith.constant 16 : i32
    %shift_right_logical3A_1721 = vector.broadcast %shift_right_logical3A_1720 : i32 to vector<16xi32>
    %shift_right_logical3A_1722 = arith.shrui %gather3A_1719, %shift_right_logical3A_1721 : vector<16xi32>
    %add3A_1723 = arith.addi %add3A_1706, %shift_right_logical3A_1722 : vector<16xi32>
    %and3A_1724 = arith.constant 65535 : i32
    %and3A_1725 = vector.broadcast %and3A_1724 : i32 to vector<16xi32>
    %and3A_1726 = arith.andi %gather3A_1719, %and3A_1725 : vector<16xi32>
    %add3A_1727 = arith.addi %add3A_1710, %and3A_1726 : vector<16xi32>
    %add3A_1728 = arith.constant 6 : i32
    %add3A_1729 = vector.broadcast %add3A_1728 : i32 to vector<16xi32>
    %add3A_1730 = arith.addi %mul3A_528, %add3A_1729 : vector<16xi32>
    %gather3A_1731 = tpu.vector_load_idx %arg21[%add3A_1730] : memref<256xf32, #tpu.memory_space<vmem>>[vector<16xi32>], vector<16xf32>,
    %add3A_1732 = arith.addf %add3A_1715, %gather3A_1731 : vector<16xf32>
    %add3A_1733 = arith.constant 7 : i32
    %add3A_1734 = vector.broadcast %add3A_1733 : i32 to vector<16xi32>
    %add3A_1735 = arith.addi %mul3A_528, %add3A_1734 : vector<16xi32>
    %gather3A_1736 = tpu.vector_load_idx %arg13[%add3A_1735] : memref<256xi32, #tpu.memory_space<vmem>>[vector<16xi32>], vector<16xi32>,
    %shift_right_logical3A_1737 = arith.constant 16 : i32
    %shift_right_logical3A_1738 = vector.broadcast %shift_right_logical3A_1737 : i32 to vector<16xi32>
    %shift_right_logical3A_1739 = arith.shrui %gather3A_1736, %shift_right_logical3A_1738 : vector<16xi32>
    %add3A_1740 = arith.addi %add3A_1723, %shift_right_logical3A_1739 : vector<16xi32>
    %and3A_1741 = arith.constant 65535 : i32
    %and3A_1742 = vector.broadcast %and3A_1741 : i32 to vector<16xi32>
    %and3A_1743 = arith.andi %gather3A_1736, %and3A_1742 : vector<16xi32>
    %add3A_1744 = arith.addi %add3A_1727, %and3A_1743 : vector<16xi32>
    %add3A_1745 = arith.constant 7 : i32
    %add3A_1746 = vector.broadcast %add3A_1745 : i32 to vector<16xi32>
    %add3A_1747 = arith.addi %mul3A_528, %add3A_1746 : vector<16xi32>
    %gather3A_1748 = tpu.vector_load_idx %arg21[%add3A_1747] : memref<256xf32, #tpu.memory_space<vmem>>[vector<16xi32>], vector<16xf32>,
    %add3A_1749 = arith.addf %add3A_1732, %gather3A_1748 : vector<16xf32>
    %add3A_1750 = arith.constant 8 : i32
    %add3A_1751 = vector.broadcast %add3A_1750 : i32 to vector<16xi32>
    %add3A_1752 = arith.addi %mul3A_528, %add3A_1751 : vector<16xi32>
    %gather3A_1753 = tpu.vector_load_idx %arg13[%add3A_1752] : memref<256xi32, #tpu.memory_space<vmem>>[vector<16xi32>], vector<16xi32>,
    %shift_right_logical3A_1754 = arith.constant 16 : i32
    %shift_right_logical3A_1755 = vector.broadcast %shift_right_logical3A_1754 : i32 to vector<16xi32>
    %shift_right_logical3A_1756 = arith.shrui %gather3A_1753, %shift_right_logical3A_1755 : vector<16xi32>
    %add3A_1757 = arith.addi %add3A_1740, %shift_right_logical3A_1756 : vector<16xi32>
    %and3A_1758 = arith.constant 65535 : i32
    %and3A_1759 = vector.broadcast %and3A_1758 : i32 to vector<16xi32>
    %and3A_1760 = arith.andi %gather3A_1753, %and3A_1759 : vector<16xi32>
    %add3A_1761 = arith.addi %add3A_1744, %and3A_1760 : vector<16xi32>
    %add3A_1762 = arith.constant 8 : i32
    %add3A_1763 = vector.broadcast %add3A_1762 : i32 to vector<16xi32>
    %add3A_1764 = arith.addi %mul3A_528, %add3A_1763 : vector<16xi32>
    %gather3A_1765 = tpu.vector_load_idx %arg21[%add3A_1764] : memref<256xf32, #tpu.memory_space<vmem>>[vector<16xi32>], vector<16xf32>,
    %add3A_1766 = arith.addf %add3A_1749, %gather3A_1765 : vector<16xf32>
    %add3A_1767 = arith.constant 9 : i32
    %add3A_1768 = vector.broadcast %add3A_1767 : i32 to vector<16xi32>
    %add3A_1769 = arith.addi %mul3A_528, %add3A_1768 : vector<16xi32>
    %gather3A_1770 = tpu.vector_load_idx %arg13[%add3A_1769] : memref<256xi32, #tpu.memory_space<vmem>>[vector<16xi32>], vector<16xi32>,
    %shift_right_logical3A_1771 = arith.constant 16 : i32
    %shift_right_logical3A_1772 = vector.broadcast %shift_right_logical3A_1771 : i32 to vector<16xi32>
    %shift_right_logical3A_1773 = arith.shrui %gather3A_1770, %shift_right_logical3A_1772 : vector<16xi32>
    %add3A_1774 = arith.addi %add3A_1757, %shift_right_logical3A_1773 : vector<16xi32>
    %and3A_1775 = arith.constant 65535 : i32
    %and3A_1776 = vector.broadcast %and3A_1775 : i32 to vector<16xi32>
    %and3A_1777 = arith.andi %gather3A_1770, %and3A_1776 : vector<16xi32>
    %add3A_1778 = arith.addi %add3A_1761, %and3A_1777 : vector<16xi32>
    %add3A_1779 = arith.constant 9 : i32
    %add3A_1780 = vector.broadcast %add3A_1779 : i32 to vector<16xi32>
    %add3A_1781 = arith.addi %mul3A_528, %add3A_1780 : vector<16xi32>
    %gather3A_1782 = tpu.vector_load_idx %arg21[%add3A_1781] : memref<256xf32, #tpu.memory_space<vmem>>[vector<16xi32>], vector<16xf32>,
    %add3A_1783 = arith.addf %add3A_1766, %gather3A_1782 : vector<16xf32>
    %add3A_1784 = arith.constant 10 : i32
    %add3A_1785 = vector.broadcast %add3A_1784 : i32 to vector<16xi32>
    %add3A_1786 = arith.addi %mul3A_528, %add3A_1785 : vector<16xi32>
    %gather3A_1787 = tpu.vector_load_idx %arg13[%add3A_1786] : memref<256xi32, #tpu.memory_space<vmem>>[vector<16xi32>], vector<16xi32>,
    %shift_right_logical3A_1788 = arith.constant 16 : i32
    %shift_right_logical3A_1789 = vector.broadcast %shift_right_logical3A_1788 : i32 to vector<16xi32>
    %shift_right_logical3A_1790 = arith.shrui %gather3A_1787, %shift_right_logical3A_1789 : vector<16xi32>
    %add3A_1791 = arith.addi %add3A_1774, %shift_right_logical3A_1790 : vector<16xi32>
    %and3A_1792 = arith.constant 65535 : i32
    %and3A_1793 = vector.broadcast %and3A_1792 : i32 to vector<16xi32>
    %and3A_1794 = arith.andi %gather3A_1787, %and3A_1793 : vector<16xi32>
    %add3A_1795 = arith.addi %add3A_1778, %and3A_1794 : vector<16xi32>
    %add3A_1796 = arith.constant 10 : i32
    %add3A_1797 = vector.broadcast %add3A_1796 : i32 to vector<16xi32>
    %add3A_1798 = arith.addi %mul3A_528, %add3A_1797 : vector<16xi32>
    %gather3A_1799 = tpu.vector_load_idx %arg21[%add3A_1798] : memref<256xf32, #tpu.memory_space<vmem>>[vector<16xi32>], vector<16xf32>,
    %add3A_1800 = arith.addf %add3A_1783, %gather3A_1799 : vector<16xf32>
    %add3A_1801 = arith.constant 11 : i32
    %add3A_1802 = vector.broadcast %add3A_1801 : i32 to vector<16xi32>
    %add3A_1803 = arith.addi %mul3A_528, %add3A_1802 : vector<16xi32>
    %gather3A_1804 = tpu.vector_load_idx %arg13[%add3A_1803] : memref<256xi32, #tpu.memory_space<vmem>>[vector<16xi32>], vector<16xi32>,
    %shift_right_logical3A_1805 = arith.constant 16 : i32
    %shift_right_logical3A_1806 = vector.broadcast %shift_right_logical3A_1805 : i32 to vector<16xi32>
    %shift_right_logical3A_1807 = arith.shrui %gather3A_1804, %shift_right_logical3A_1806 : vector<16xi32>
    %add3A_1808 = arith.addi %add3A_1791, %shift_right_logical3A_1807 : vector<16xi32>
    %and3A_1809 = arith.constant 65535 : i32
    %and3A_1810 = vector.broadcast %and3A_1809 : i32 to vector<16xi32>
    %and3A_1811 = arith.andi %gather3A_1804, %and3A_1810 : vector<16xi32>
    %add3A_1812 = arith.addi %add3A_1795, %and3A_1811 : vector<16xi32>
    %add3A_1813 = arith.constant 11 : i32
    %add3A_1814 = vector.broadcast %add3A_1813 : i32 to vector<16xi32>
    %add3A_1815 = arith.addi %mul3A_528, %add3A_1814 : vector<16xi32>
    %gather3A_1816 = tpu.vector_load_idx %arg21[%add3A_1815] : memref<256xf32, #tpu.memory_space<vmem>>[vector<16xi32>], vector<16xf32>,
    %add3A_1817 = arith.addf %add3A_1800, %gather3A_1816 : vector<16xf32>
    %add3A_1818 = arith.constant 12 : i32
    %add3A_1819 = vector.broadcast %add3A_1818 : i32 to vector<16xi32>
    %add3A_1820 = arith.addi %mul3A_528, %add3A_1819 : vector<16xi32>
    %gather3A_1821 = tpu.vector_load_idx %arg13[%add3A_1820] : memref<256xi32, #tpu.memory_space<vmem>>[vector<16xi32>], vector<16xi32>,
    %shift_right_logical3A_1822 = arith.constant 16 : i32
    %shift_right_logical3A_1823 = vector.broadcast %shift_right_logical3A_1822 : i32 to vector<16xi32>
    %shift_right_logical3A_1824 = arith.shrui %gather3A_1821, %shift_right_logical3A_1823 : vector<16xi32>
    %add3A_1825 = arith.addi %add3A_1808, %shift_right_logical3A_1824 : vector<16xi32>
    %and3A_1826 = arith.constant 65535 : i32
    %and3A_1827 = vector.broadcast %and3A_1826 : i32 to vector<16xi32>
    %and3A_1828 = arith.andi %gather3A_1821, %and3A_1827 : vector<16xi32>
    %add3A_1829 = arith.addi %add3A_1812, %and3A_1828 : vector<16xi32>
    %add3A_1830 = arith.constant 12 : i32
    %add3A_1831 = vector.broadcast %add3A_1830 : i32 to vector<16xi32>
    %add3A_1832 = arith.addi %mul3A_528, %add3A_1831 : vector<16xi32>
    %gather3A_1833 = tpu.vector_load_idx %arg21[%add3A_1832] : memref<256xf32, #tpu.memory_space<vmem>>[vector<16xi32>], vector<16xf32>,
    %add3A_1834 = arith.addf %add3A_1817, %gather3A_1833 : vector<16xf32>
    %add3A_1835 = arith.constant 13 : i32
    %add3A_1836 = vector.broadcast %add3A_1835 : i32 to vector<16xi32>
    %add3A_1837 = arith.addi %mul3A_528, %add3A_1836 : vector<16xi32>
    %gather3A_1838 = tpu.vector_load_idx %arg13[%add3A_1837] : memref<256xi32, #tpu.memory_space<vmem>>[vector<16xi32>], vector<16xi32>,
    %shift_right_logical3A_1839 = arith.constant 16 : i32
    %shift_right_logical3A_1840 = vector.broadcast %shift_right_logical3A_1839 : i32 to vector<16xi32>
    %shift_right_logical3A_1841 = arith.shrui %gather3A_1838, %shift_right_logical3A_1840 : vector<16xi32>
    %add3A_1842 = arith.addi %add3A_1825, %shift_right_logical3A_1841 : vector<16xi32>
    %and3A_1843 = arith.constant 65535 : i32
    %and3A_1844 = vector.broadcast %and3A_1843 : i32 to vector<16xi32>
    %and3A_1845 = arith.andi %gather3A_1838, %and3A_1844 : vector<16xi32>
    %add3A_1846 = arith.addi %add3A_1829, %and3A_1845 : vector<16xi32>
    %add3A_1847 = arith.constant 13 : i32
    %add3A_1848 = vector.broadcast %add3A_1847 : i32 to vector<16xi32>
    %add3A_1849 = arith.addi %mul3A_528, %add3A_1848 : vector<16xi32>
    %gather3A_1850 = tpu.vector_load_idx %arg21[%add3A_1849] : memref<256xf32, #tpu.memory_space<vmem>>[vector<16xi32>], vector<16xf32>,
    %add3A_1851 = arith.addf %add3A_1834, %gather3A_1850 : vector<16xf32>
    %add3A_1852 = arith.constant 14 : i32
    %add3A_1853 = vector.broadcast %add3A_1852 : i32 to vector<16xi32>
    %add3A_1854 = arith.addi %mul3A_528, %add3A_1853 : vector<16xi32>
    %gather3A_1855 = tpu.vector_load_idx %arg13[%add3A_1854] : memref<256xi32, #tpu.memory_space<vmem>>[vector<16xi32>], vector<16xi32>,
    %shift_right_logical3A_1856 = arith.constant 16 : i32
    %shift_right_logical3A_1857 = vector.broadcast %shift_right_logical3A_1856 : i32 to vector<16xi32>
    %shift_right_logical3A_1858 = arith.shrui %gather3A_1855, %shift_right_logical3A_1857 : vector<16xi32>
    %add3A_1859 = arith.addi %add3A_1842, %shift_right_logical3A_1858 : vector<16xi32>
    %and3A_1860 = arith.constant 65535 : i32
    %and3A_1861 = vector.broadcast %and3A_1860 : i32 to vector<16xi32>
    %and3A_1862 = arith.andi %gather3A_1855, %and3A_1861 : vector<16xi32>
    %add3A_1863 = arith.addi %add3A_1846, %and3A_1862 : vector<16xi32>
    %add3A_1864 = arith.constant 14 : i32
    %add3A_1865 = vector.broadcast %add3A_1864 : i32 to vector<16xi32>
    %add3A_1866 = arith.addi %mul3A_528, %add3A_1865 : vector<16xi32>
    %gather3A_1867 = tpu.vector_load_idx %arg21[%add3A_1866] : memref<256xf32, #tpu.memory_space<vmem>>[vector<16xi32>], vector<16xf32>,
    %add3A_1868 = arith.addf %add3A_1851, %gather3A_1867 : vector<16xf32>
    %add3A_1869 = arith.constant 15 : i32
    %add3A_1870 = vector.broadcast %add3A_1869 : i32 to vector<16xi32>
    %add3A_1871 = arith.addi %mul3A_528, %add3A_1870 : vector<16xi32>
    %gather3A_1872 = tpu.vector_load_idx %arg13[%add3A_1871] : memref<256xi32, #tpu.memory_space<vmem>>[vector<16xi32>], vector<16xi32>,
    %shift_right_logical3A_1873 = arith.constant 16 : i32
    %shift_right_logical3A_1874 = vector.broadcast %shift_right_logical3A_1873 : i32 to vector<16xi32>
    %shift_right_logical3A_1875 = arith.shrui %gather3A_1872, %shift_right_logical3A_1874 : vector<16xi32>
    %add3A_1876 = arith.addi %add3A_1859, %shift_right_logical3A_1875 : vector<16xi32>
    %and3A_1877 = arith.constant 65535 : i32
    %and3A_1878 = vector.broadcast %and3A_1877 : i32 to vector<16xi32>
    %and3A_1879 = arith.andi %gather3A_1872, %and3A_1878 : vector<16xi32>
    %add3A_1880 = arith.addi %add3A_1863, %and3A_1879 : vector<16xi32>
    %add3A_1881 = arith.constant 15 : i32
    %add3A_1882 = vector.broadcast %add3A_1881 : i32 to vector<16xi32>
    %add3A_1883 = arith.addi %mul3A_528, %add3A_1882 : vector<16xi32>
    %gather3A_1884 = tpu.vector_load_idx %arg21[%add3A_1883] : memref<256xf32, #tpu.memory_space<vmem>>[vector<16xi32>], vector<16xf32>,
    %add3A_1885 = arith.addf %add3A_1868, %gather3A_1884 : vector<16xf32>
    %add3A_1886 = arith.constant 0 : i32
    %add3A_1887 = vector.broadcast %add3A_1886 : i32 to vector<16xi32>
    %add3A_1888 = arith.addi %mul3A_528, %add3A_1887 : vector<16xi32>
    %gather3A_1889 = tpu.vector_load_idx %arg14[%add3A_1888] : memref<256xi32, #tpu.memory_space<vmem>>[vector<16xi32>], vector<16xi32>,
    %shift_right_logical3A_1890 = arith.constant 16 : i32
    %shift_right_logical3A_1891 = vector.broadcast %shift_right_logical3A_1890 : i32 to vector<16xi32>
    %shift_right_logical3A_1892 = arith.shrui %gather3A_1889, %shift_right_logical3A_1891 : vector<16xi32>
    %add3A_1893 = arith.addi %add3A_1876, %shift_right_logical3A_1892 : vector<16xi32>
    %and3A_1894 = arith.constant 65535 : i32
    %and3A_1895 = vector.broadcast %and3A_1894 : i32 to vector<16xi32>
    %and3A_1896 = arith.andi %gather3A_1889, %and3A_1895 : vector<16xi32>
    %add3A_1897 = arith.addi %add3A_1880, %and3A_1896 : vector<16xi32>
    %add3A_1898 = arith.constant 0 : i32
    %add3A_1899 = vector.broadcast %add3A_1898 : i32 to vector<16xi32>
    %add3A_1900 = arith.addi %mul3A_528, %add3A_1899 : vector<16xi32>
    %gather3A_1901 = tpu.vector_load_idx %arg22[%add3A_1900] : memref<256xf32, #tpu.memory_space<vmem>>[vector<16xi32>], vector<16xf32>,
    %add3A_1902 = arith.addf %add3A_1885, %gather3A_1901 : vector<16xf32>
    %add3A_1903 = arith.constant 1 : i32
    %add3A_1904 = vector.broadcast %add3A_1903 : i32 to vector<16xi32>
    %add3A_1905 = arith.addi %mul3A_528, %add3A_1904 : vector<16xi32>
    %gather3A_1906 = tpu.vector_load_idx %arg14[%add3A_1905] : memref<256xi32, #tpu.memory_space<vmem>>[vector<16xi32>], vector<16xi32>,
    %shift_right_logical3A_1907 = arith.constant 16 : i32
    %shift_right_logical3A_1908 = vector.broadcast %shift_right_logical3A_1907 : i32 to vector<16xi32>
    %shift_right_logical3A_1909 = arith.shrui %gather3A_1906, %shift_right_logical3A_1908 : vector<16xi32>
    %add3A_1910 = arith.addi %add3A_1893, %shift_right_logical3A_1909 : vector<16xi32>
    %and3A_1911 = arith.constant 65535 : i32
    %and3A_1912 = vector.broadcast %and3A_1911 : i32 to vector<16xi32>
    %and3A_1913 = arith.andi %gather3A_1906, %and3A_1912 : vector<16xi32>
    %add3A_1914 = arith.addi %add3A_1897, %and3A_1913 : vector<16xi32>
    %add3A_1915 = arith.constant 1 : i32
    %add3A_1916 = vector.broadcast %add3A_1915 : i32 to vector<16xi32>
    %add3A_1917 = arith.addi %mul3A_528, %add3A_1916 : vector<16xi32>
    %gather3A_1918 = tpu.vector_load_idx %arg22[%add3A_1917] : memref<256xf32, #tpu.memory_space<vmem>>[vector<16xi32>], vector<16xf32>,
    %add3A_1919 = arith.addf %add3A_1902, %gather3A_1918 : vector<16xf32>
    %add3A_1920 = arith.constant 2 : i32
    %add3A_1921 = vector.broadcast %add3A_1920 : i32 to vector<16xi32>
    %add3A_1922 = arith.addi %mul3A_528, %add3A_1921 : vector<16xi32>
    %gather3A_1923 = tpu.vector_load_idx %arg14[%add3A_1922] : memref<256xi32, #tpu.memory_space<vmem>>[vector<16xi32>], vector<16xi32>,
    %shift_right_logical3A_1924 = arith.constant 16 : i32
    %shift_right_logical3A_1925 = vector.broadcast %shift_right_logical3A_1924 : i32 to vector<16xi32>
    %shift_right_logical3A_1926 = arith.shrui %gather3A_1923, %shift_right_logical3A_1925 : vector<16xi32>
    %add3A_1927 = arith.addi %add3A_1910, %shift_right_logical3A_1926 : vector<16xi32>
    %and3A_1928 = arith.constant 65535 : i32
    %and3A_1929 = vector.broadcast %and3A_1928 : i32 to vector<16xi32>
    %and3A_1930 = arith.andi %gather3A_1923, %and3A_1929 : vector<16xi32>
    %add3A_1931 = arith.addi %add3A_1914, %and3A_1930 : vector<16xi32>
    %add3A_1932 = arith.constant 2 : i32
    %add3A_1933 = vector.broadcast %add3A_1932 : i32 to vector<16xi32>
    %add3A_1934 = arith.addi %mul3A_528, %add3A_1933 : vector<16xi32>
    %gather3A_1935 = tpu.vector_load_idx %arg22[%add3A_1934] : memref<256xf32, #tpu.memory_space<vmem>>[vector<16xi32>], vector<16xf32>,
    %add3A_1936 = arith.addf %add3A_1919, %gather3A_1935 : vector<16xf32>
    %add3A_1937 = arith.constant 3 : i32
    %add3A_1938 = vector.broadcast %add3A_1937 : i32 to vector<16xi32>
    %add3A_1939 = arith.addi %mul3A_528, %add3A_1938 : vector<16xi32>
    %gather3A_1940 = tpu.vector_load_idx %arg14[%add3A_1939] : memref<256xi32, #tpu.memory_space<vmem>>[vector<16xi32>], vector<16xi32>,
    %shift_right_logical3A_1941 = arith.constant 16 : i32
    %shift_right_logical3A_1942 = vector.broadcast %shift_right_logical3A_1941 : i32 to vector<16xi32>
    %shift_right_logical3A_1943 = arith.shrui %gather3A_1940, %shift_right_logical3A_1942 : vector<16xi32>
    %add3A_1944 = arith.addi %add3A_1927, %shift_right_logical3A_1943 : vector<16xi32>
    %and3A_1945 = arith.constant 65535 : i32
    %and3A_1946 = vector.broadcast %and3A_1945 : i32 to vector<16xi32>
    %and3A_1947 = arith.andi %gather3A_1940, %and3A_1946 : vector<16xi32>
    %add3A_1948 = arith.addi %add3A_1931, %and3A_1947 : vector<16xi32>
    %add3A_1949 = arith.constant 3 : i32
    %add3A_1950 = vector.broadcast %add3A_1949 : i32 to vector<16xi32>
    %add3A_1951 = arith.addi %mul3A_528, %add3A_1950 : vector<16xi32>
    %gather3A_1952 = tpu.vector_load_idx %arg22[%add3A_1951] : memref<256xf32, #tpu.memory_space<vmem>>[vector<16xi32>], vector<16xf32>,
    %add3A_1953 = arith.addf %add3A_1936, %gather3A_1952 : vector<16xf32>
    %add3A_1954 = arith.constant 4 : i32
    %add3A_1955 = vector.broadcast %add3A_1954 : i32 to vector<16xi32>
    %add3A_1956 = arith.addi %mul3A_528, %add3A_1955 : vector<16xi32>
    %gather3A_1957 = tpu.vector_load_idx %arg14[%add3A_1956] : memref<256xi32, #tpu.memory_space<vmem>>[vector<16xi32>], vector<16xi32>,
    %shift_right_logical3A_1958 = arith.constant 16 : i32
    %shift_right_logical3A_1959 = vector.broadcast %shift_right_logical3A_1958 : i32 to vector<16xi32>
    %shift_right_logical3A_1960 = arith.shrui %gather3A_1957, %shift_right_logical3A_1959 : vector<16xi32>
    %add3A_1961 = arith.addi %add3A_1944, %shift_right_logical3A_1960 : vector<16xi32>
    %and3A_1962 = arith.constant 65535 : i32
    %and3A_1963 = vector.broadcast %and3A_1962 : i32 to vector<16xi32>
    %and3A_1964 = arith.andi %gather3A_1957, %and3A_1963 : vector<16xi32>
    %add3A_1965 = arith.addi %add3A_1948, %and3A_1964 : vector<16xi32>
    %add3A_1966 = arith.constant 4 : i32
    %add3A_1967 = vector.broadcast %add3A_1966 : i32 to vector<16xi32>
    %add3A_1968 = arith.addi %mul3A_528, %add3A_1967 : vector<16xi32>
    %gather3A_1969 = tpu.vector_load_idx %arg22[%add3A_1968] : memref<256xf32, #tpu.memory_space<vmem>>[vector<16xi32>], vector<16xf32>,
    %add3A_1970 = arith.addf %add3A_1953, %gather3A_1969 : vector<16xf32>
    %add3A_1971 = arith.constant 5 : i32
    %add3A_1972 = vector.broadcast %add3A_1971 : i32 to vector<16xi32>
    %add3A_1973 = arith.addi %mul3A_528, %add3A_1972 : vector<16xi32>
    %gather3A_1974 = tpu.vector_load_idx %arg14[%add3A_1973] : memref<256xi32, #tpu.memory_space<vmem>>[vector<16xi32>], vector<16xi32>,
    %shift_right_logical3A_1975 = arith.constant 16 : i32
    %shift_right_logical3A_1976 = vector.broadcast %shift_right_logical3A_1975 : i32 to vector<16xi32>
    %shift_right_logical3A_1977 = arith.shrui %gather3A_1974, %shift_right_logical3A_1976 : vector<16xi32>
    %add3A_1978 = arith.addi %add3A_1961, %shift_right_logical3A_1977 : vector<16xi32>
    %and3A_1979 = arith.constant 65535 : i32
    %and3A_1980 = vector.broadcast %and3A_1979 : i32 to vector<16xi32>
    %and3A_1981 = arith.andi %gather3A_1974, %and3A_1980 : vector<16xi32>
    %add3A_1982 = arith.addi %add3A_1965, %and3A_1981 : vector<16xi32>
    %add3A_1983 = arith.constant 5 : i32
    %add3A_1984 = vector.broadcast %add3A_1983 : i32 to vector<16xi32>
    %add3A_1985 = arith.addi %mul3A_528, %add3A_1984 : vector<16xi32>
    %gather3A_1986 = tpu.vector_load_idx %arg22[%add3A_1985] : memref<256xf32, #tpu.memory_space<vmem>>[vector<16xi32>], vector<16xf32>,
    %add3A_1987 = arith.addf %add3A_1970, %gather3A_1986 : vector<16xf32>
    %add3A_1988 = arith.constant 6 : i32
    %add3A_1989 = vector.broadcast %add3A_1988 : i32 to vector<16xi32>
    %add3A_1990 = arith.addi %mul3A_528, %add3A_1989 : vector<16xi32>
    %gather3A_1991 = tpu.vector_load_idx %arg14[%add3A_1990] : memref<256xi32, #tpu.memory_space<vmem>>[vector<16xi32>], vector<16xi32>,
    %shift_right_logical3A_1992 = arith.constant 16 : i32
    %shift_right_logical3A_1993 = vector.broadcast %shift_right_logical3A_1992 : i32 to vector<16xi32>
    %shift_right_logical3A_1994 = arith.shrui %gather3A_1991, %shift_right_logical3A_1993 : vector<16xi32>
    %add3A_1995 = arith.addi %add3A_1978, %shift_right_logical3A_1994 : vector<16xi32>
    %and3A_1996 = arith.constant 65535 : i32
    %and3A_1997 = vector.broadcast %and3A_1996 : i32 to vector<16xi32>
    %and3A_1998 = arith.andi %gather3A_1991, %and3A_1997 : vector<16xi32>
    %add3A_1999 = arith.addi %add3A_1982, %and3A_1998 : vector<16xi32>
    %add3A_2000 = arith.constant 6 : i32
    %add3A_2001 = vector.broadcast %add3A_2000 : i32 to vector<16xi32>
    %add3A_2002 = arith.addi %mul3A_528, %add3A_2001 : vector<16xi32>
    %gather3A_2003 = tpu.vector_load_idx %arg22[%add3A_2002] : memref<256xf32, #tpu.memory_space<vmem>>[vector<16xi32>], vector<16xf32>,
    %add3A_2004 = arith.addf %add3A_1987, %gather3A_2003 : vector<16xf32>
    %add3A_2005 = arith.constant 7 : i32
    %add3A_2006 = vector.broadcast %add3A_2005 : i32 to vector<16xi32>
    %add3A_2007 = arith.addi %mul3A_528, %add3A_2006 : vector<16xi32>
    %gather3A_2008 = tpu.vector_load_idx %arg14[%add3A_2007] : memref<256xi32, #tpu.memory_space<vmem>>[vector<16xi32>], vector<16xi32>,
    %shift_right_logical3A_2009 = arith.constant 16 : i32
    %shift_right_logical3A_2010 = vector.broadcast %shift_right_logical3A_2009 : i32 to vector<16xi32>
    %shift_right_logical3A_2011 = arith.shrui %gather3A_2008, %shift_right_logical3A_2010 : vector<16xi32>
    %add3A_2012 = arith.addi %add3A_1995, %shift_right_logical3A_2011 : vector<16xi32>
    %and3A_2013 = arith.constant 65535 : i32
    %and3A_2014 = vector.broadcast %and3A_2013 : i32 to vector<16xi32>
    %and3A_2015 = arith.andi %gather3A_2008, %and3A_2014 : vector<16xi32>
    %add3A_2016 = arith.addi %add3A_1999, %and3A_2015 : vector<16xi32>
    %add3A_2017 = arith.constant 7 : i32
    %add3A_2018 = vector.broadcast %add3A_2017 : i32 to vector<16xi32>
    %add3A_2019 = arith.addi %mul3A_528, %add3A_2018 : vector<16xi32>
    %gather3A_2020 = tpu.vector_load_idx %arg22[%add3A_2019] : memref<256xf32, #tpu.memory_space<vmem>>[vector<16xi32>], vector<16xf32>,
    %add3A_2021 = arith.addf %add3A_2004, %gather3A_2020 : vector<16xf32>
    %add3A_2022 = arith.constant 8 : i32
    %add3A_2023 = vector.broadcast %add3A_2022 : i32 to vector<16xi32>
    %add3A_2024 = arith.addi %mul3A_528, %add3A_2023 : vector<16xi32>
    %gather3A_2025 = tpu.vector_load_idx %arg14[%add3A_2024] : memref<256xi32, #tpu.memory_space<vmem>>[vector<16xi32>], vector<16xi32>,
    %shift_right_logical3A_2026 = arith.constant 16 : i32
    %shift_right_logical3A_2027 = vector.broadcast %shift_right_logical3A_2026 : i32 to vector<16xi32>
    %shift_right_logical3A_2028 = arith.shrui %gather3A_2025, %shift_right_logical3A_2027 : vector<16xi32>
    %add3A_2029 = arith.addi %add3A_2012, %shift_right_logical3A_2028 : vector<16xi32>
    %and3A_2030 = arith.constant 65535 : i32
    %and3A_2031 = vector.broadcast %and3A_2030 : i32 to vector<16xi32>
    %and3A_2032 = arith.andi %gather3A_2025, %and3A_2031 : vector<16xi32>
    %add3A_2033 = arith.addi %add3A_2016, %and3A_2032 : vector<16xi32>
    %add3A_2034 = arith.constant 8 : i32
    %add3A_2035 = vector.broadcast %add3A_2034 : i32 to vector<16xi32>
    %add3A_2036 = arith.addi %mul3A_528, %add3A_2035 : vector<16xi32>
    %gather3A_2037 = tpu.vector_load_idx %arg22[%add3A_2036] : memref<256xf32, #tpu.memory_space<vmem>>[vector<16xi32>], vector<16xf32>,
    %add3A_2038 = arith.addf %add3A_2021, %gather3A_2037 : vector<16xf32>
    %add3A_2039 = arith.constant 9 : i32
    %add3A_2040 = vector.broadcast %add3A_2039 : i32 to vector<16xi32>
    %add3A_2041 = arith.addi %mul3A_528, %add3A_2040 : vector<16xi32>
    %gather3A_2042 = tpu.vector_load_idx %arg14[%add3A_2041] : memref<256xi32, #tpu.memory_space<vmem>>[vector<16xi32>], vector<16xi32>,
    %shift_right_logical3A_2043 = arith.constant 16 : i32
    %shift_right_logical3A_2044 = vector.broadcast %shift_right_logical3A_2043 : i32 to vector<16xi32>
    %shift_right_logical3A_2045 = arith.shrui %gather3A_2042, %shift_right_logical3A_2044 : vector<16xi32>
    %add3A_2046 = arith.addi %add3A_2029, %shift_right_logical3A_2045 : vector<16xi32>
    %and3A_2047 = arith.constant 65535 : i32
    %and3A_2048 = vector.broadcast %and3A_2047 : i32 to vector<16xi32>
    %and3A_2049 = arith.andi %gather3A_2042, %and3A_2048 : vector<16xi32>
    %add3A_2050 = arith.addi %add3A_2033, %and3A_2049 : vector<16xi32>
    %add3A_2051 = arith.constant 9 : i32
    %add3A_2052 = vector.broadcast %add3A_2051 : i32 to vector<16xi32>
    %add3A_2053 = arith.addi %mul3A_528, %add3A_2052 : vector<16xi32>
    %gather3A_2054 = tpu.vector_load_idx %arg22[%add3A_2053] : memref<256xf32, #tpu.memory_space<vmem>>[vector<16xi32>], vector<16xf32>,
    %add3A_2055 = arith.addf %add3A_2038, %gather3A_2054 : vector<16xf32>
    %add3A_2056 = arith.constant 10 : i32
    %add3A_2057 = vector.broadcast %add3A_2056 : i32 to vector<16xi32>
    %add3A_2058 = arith.addi %mul3A_528, %add3A_2057 : vector<16xi32>
    %gather3A_2059 = tpu.vector_load_idx %arg14[%add3A_2058] : memref<256xi32, #tpu.memory_space<vmem>>[vector<16xi32>], vector<16xi32>,
    %shift_right_logical3A_2060 = arith.constant 16 : i32
    %shift_right_logical3A_2061 = vector.broadcast %shift_right_logical3A_2060 : i32 to vector<16xi32>
    %shift_right_logical3A_2062 = arith.shrui %gather3A_2059, %shift_right_logical3A_2061 : vector<16xi32>
    %add3A_2063 = arith.addi %add3A_2046, %shift_right_logical3A_2062 : vector<16xi32>
    %and3A_2064 = arith.constant 65535 : i32
    %and3A_2065 = vector.broadcast %and3A_2064 : i32 to vector<16xi32>
    %and3A_2066 = arith.andi %gather3A_2059, %and3A_2065 : vector<16xi32>
    %add3A_2067 = arith.addi %add3A_2050, %and3A_2066 : vector<16xi32>
    %add3A_2068 = arith.constant 10 : i32
    %add3A_2069 = vector.broadcast %add3A_2068 : i32 to vector<16xi32>
    %add3A_2070 = arith.addi %mul3A_528, %add3A_2069 : vector<16xi32>
    %gather3A_2071 = tpu.vector_load_idx %arg22[%add3A_2070] : memref<256xf32, #tpu.memory_space<vmem>>[vector<16xi32>], vector<16xf32>,
    %add3A_2072 = arith.addf %add3A_2055, %gather3A_2071 : vector<16xf32>
    %add3A_2073 = arith.constant 11 : i32
    %add3A_2074 = vector.broadcast %add3A_2073 : i32 to vector<16xi32>
    %add3A_2075 = arith.addi %mul3A_528, %add3A_2074 : vector<16xi32>
    %gather3A_2076 = tpu.vector_load_idx %arg14[%add3A_2075] : memref<256xi32, #tpu.memory_space<vmem>>[vector<16xi32>], vector<16xi32>,
    %shift_right_logical3A_2077 = arith.constant 16 : i32
    %shift_right_logical3A_2078 = vector.broadcast %shift_right_logical3A_2077 : i32 to vector<16xi32>
    %shift_right_logical3A_2079 = arith.shrui %gather3A_2076, %shift_right_logical3A_2078 : vector<16xi32>
    %add3A_2080 = arith.addi %add3A_2063, %shift_right_logical3A_2079 : vector<16xi32>
    %and3A_2081 = arith.constant 65535 : i32
    %and3A_2082 = vector.broadcast %and3A_2081 : i32 to vector<16xi32>
    %and3A_2083 = arith.andi %gather3A_2076, %and3A_2082 : vector<16xi32>
    %add3A_2084 = arith.addi %add3A_2067, %and3A_2083 : vector<16xi32>
    %add3A_2085 = arith.constant 11 : i32
    %add3A_2086 = vector.broadcast %add3A_2085 : i32 to vector<16xi32>
    %add3A_2087 = arith.addi %mul3A_528, %add3A_2086 : vector<16xi32>
    %gather3A_2088 = tpu.vector_load_idx %arg22[%add3A_2087] : memref<256xf32, #tpu.memory_space<vmem>>[vector<16xi32>], vector<16xf32>,
    %add3A_2089 = arith.addf %add3A_2072, %gather3A_2088 : vector<16xf32>
    %add3A_2090 = arith.constant 12 : i32
    %add3A_2091 = vector.broadcast %add3A_2090 : i32 to vector<16xi32>
    %add3A_2092 = arith.addi %mul3A_528, %add3A_2091 : vector<16xi32>
    %gather3A_2093 = tpu.vector_load_idx %arg14[%add3A_2092] : memref<256xi32, #tpu.memory_space<vmem>>[vector<16xi32>], vector<16xi32>,
    %shift_right_logical3A_2094 = arith.constant 16 : i32
    %shift_right_logical3A_2095 = vector.broadcast %shift_right_logical3A_2094 : i32 to vector<16xi32>
    %shift_right_logical3A_2096 = arith.shrui %gather3A_2093, %shift_right_logical3A_2095 : vector<16xi32>
    %add3A_2097 = arith.addi %add3A_2080, %shift_right_logical3A_2096 : vector<16xi32>
    %and3A_2098 = arith.constant 65535 : i32
    %and3A_2099 = vector.broadcast %and3A_2098 : i32 to vector<16xi32>
    %and3A_2100 = arith.andi %gather3A_2093, %and3A_2099 : vector<16xi32>
    %add3A_2101 = arith.addi %add3A_2084, %and3A_2100 : vector<16xi32>
    %add3A_2102 = arith.constant 12 : i32
    %add3A_2103 = vector.broadcast %add3A_2102 : i32 to vector<16xi32>
    %add3A_2104 = arith.addi %mul3A_528, %add3A_2103 : vector<16xi32>
    %gather3A_2105 = tpu.vector_load_idx %arg22[%add3A_2104] : memref<256xf32, #tpu.memory_space<vmem>>[vector<16xi32>], vector<16xf32>,
    %add3A_2106 = arith.addf %add3A_2089, %gather3A_2105 : vector<16xf32>
    %add3A_2107 = arith.constant 13 : i32
    %add3A_2108 = vector.broadcast %add3A_2107 : i32 to vector<16xi32>
    %add3A_2109 = arith.addi %mul3A_528, %add3A_2108 : vector<16xi32>
    %gather3A_2110 = tpu.vector_load_idx %arg14[%add3A_2109] : memref<256xi32, #tpu.memory_space<vmem>>[vector<16xi32>], vector<16xi32>,
    %shift_right_logical3A_2111 = arith.constant 16 : i32
    %shift_right_logical3A_2112 = vector.broadcast %shift_right_logical3A_2111 : i32 to vector<16xi32>
    %shift_right_logical3A_2113 = arith.shrui %gather3A_2110, %shift_right_logical3A_2112 : vector<16xi32>
    %add3A_2114 = arith.addi %add3A_2097, %shift_right_logical3A_2113 : vector<16xi32>
    %and3A_2115 = arith.constant 65535 : i32
    %and3A_2116 = vector.broadcast %and3A_2115 : i32 to vector<16xi32>
    %and3A_2117 = arith.andi %gather3A_2110, %and3A_2116 : vector<16xi32>
    %add3A_2118 = arith.addi %add3A_2101, %and3A_2117 : vector<16xi32>
    %add3A_2119 = arith.constant 13 : i32
    %add3A_2120 = vector.broadcast %add3A_2119 : i32 to vector<16xi32>
    %add3A_2121 = arith.addi %mul3A_528, %add3A_2120 : vector<16xi32>
    %gather3A_2122 = tpu.vector_load_idx %arg22[%add3A_2121] : memref<256xf32, #tpu.memory_space<vmem>>[vector<16xi32>], vector<16xf32>,
    %add3A_2123 = arith.addf %add3A_2106, %gather3A_2122 : vector<16xf32>
    %add3A_2124 = arith.constant 14 : i32
    %add3A_2125 = vector.broadcast %add3A_2124 : i32 to vector<16xi32>
    %add3A_2126 = arith.addi %mul3A_528, %add3A_2125 : vector<16xi32>
    %gather3A_2127 = tpu.vector_load_idx %arg14[%add3A_2126] : memref<256xi32, #tpu.memory_space<vmem>>[vector<16xi32>], vector<16xi32>,
    %shift_right_logical3A_2128 = arith.constant 16 : i32
    %shift_right_logical3A_2129 = vector.broadcast %shift_right_logical3A_2128 : i32 to vector<16xi32>
    %shift_right_logical3A_2130 = arith.shrui %gather3A_2127, %shift_right_logical3A_2129 : vector<16xi32>
    %add3A_2131 = arith.addi %add3A_2114, %shift_right_logical3A_2130 : vector<16xi32>
    %and3A_2132 = arith.constant 65535 : i32
    %and3A_2133 = vector.broadcast %and3A_2132 : i32 to vector<16xi32>
    %and3A_2134 = arith.andi %gather3A_2127, %and3A_2133 : vector<16xi32>
    %add3A_2135 = arith.addi %add3A_2118, %and3A_2134 : vector<16xi32>
    %add3A_2136 = arith.constant 14 : i32
    %add3A_2137 = vector.broadcast %add3A_2136 : i32 to vector<16xi32>
    %add3A_2138 = arith.addi %mul3A_528, %add3A_2137 : vector<16xi32>
    %gather3A_2139 = tpu.vector_load_idx %arg22[%add3A_2138] : memref<256xf32, #tpu.memory_space<vmem>>[vector<16xi32>], vector<16xf32>,
    %add3A_2140 = arith.addf %add3A_2123, %gather3A_2139 : vector<16xf32>
    %add3A_2141 = arith.constant 15 : i32
    %add3A_2142 = vector.broadcast %add3A_2141 : i32 to vector<16xi32>
    %add3A_2143 = arith.addi %mul3A_528, %add3A_2142 : vector<16xi32>
    %gather3A_2144 = tpu.vector_load_idx %arg14[%add3A_2143] : memref<256xi32, #tpu.memory_space<vmem>>[vector<16xi32>], vector<16xi32>,
    %shift_right_logical3A_2145 = arith.constant 16 : i32
    %shift_right_logical3A_2146 = vector.broadcast %shift_right_logical3A_2145 : i32 to vector<16xi32>
    %shift_right_logical3A_2147 = arith.shrui %gather3A_2144, %shift_right_logical3A_2146 : vector<16xi32>
    %add3A_2148 = arith.addi %add3A_2131, %shift_right_logical3A_2147 : vector<16xi32>
    %and3A_2149 = arith.constant 65535 : i32
    %and3A_2150 = vector.broadcast %and3A_2149 : i32 to vector<16xi32>
    %and3A_2151 = arith.andi %gather3A_2144, %and3A_2150 : vector<16xi32>
    %add3A_2152 = arith.addi %add3A_2135, %and3A_2151 : vector<16xi32>
    %add3A_2153 = arith.constant 15 : i32
    %add3A_2154 = vector.broadcast %add3A_2153 : i32 to vector<16xi32>
    %add3A_2155 = arith.addi %mul3A_528, %add3A_2154 : vector<16xi32>
    %gather3A_2156 = tpu.vector_load_idx %arg22[%add3A_2155] : memref<256xf32, #tpu.memory_space<vmem>>[vector<16xi32>], vector<16xf32>,
    %add3A_2157 = arith.addf %add3A_2140, %gather3A_2156 : vector<16xf32>
    %add3A_2158 = arith.constant 0 : i32
    %add3A_2159 = vector.broadcast %add3A_2158 : i32 to vector<16xi32>
    %add3A_2160 = arith.addi %mul3A_528, %add3A_2159 : vector<16xi32>
    %gather3A_2161 = tpu.vector_load_idx %arg15[%add3A_2160] : memref<256xi32, #tpu.memory_space<vmem>>[vector<16xi32>], vector<16xi32>,
    %shift_right_logical3A_2162 = arith.constant 16 : i32
    %shift_right_logical3A_2163 = vector.broadcast %shift_right_logical3A_2162 : i32 to vector<16xi32>
    %shift_right_logical3A_2164 = arith.shrui %gather3A_2161, %shift_right_logical3A_2163 : vector<16xi32>
    %add3A_2165 = arith.addi %add3A_2148, %shift_right_logical3A_2164 : vector<16xi32>
    %and3A_2166 = arith.constant 65535 : i32
    %and3A_2167 = vector.broadcast %and3A_2166 : i32 to vector<16xi32>
    %and3A_2168 = arith.andi %gather3A_2161, %and3A_2167 : vector<16xi32>
    %add3A_2169 = arith.addi %add3A_2152, %and3A_2168 : vector<16xi32>
    %add3A_2170 = arith.constant 0 : i32
    %add3A_2171 = vector.broadcast %add3A_2170 : i32 to vector<16xi32>
    %add3A_2172 = arith.addi %mul3A_528, %add3A_2171 : vector<16xi32>
    %gather3A_2173 = tpu.vector_load_idx %arg23[%add3A_2172] : memref<256xf32, #tpu.memory_space<vmem>>[vector<16xi32>], vector<16xf32>,
    %add3A_2174 = arith.addf %add3A_2157, %gather3A_2173 : vector<16xf32>
    %add3A_2175 = arith.constant 1 : i32
    %add3A_2176 = vector.broadcast %add3A_2175 : i32 to vector<16xi32>
    %add3A_2177 = arith.addi %mul3A_528, %add3A_2176 : vector<16xi32>
    %gather3A_2178 = tpu.vector_load_idx %arg15[%add3A_2177] : memref<256xi32, #tpu.memory_space<vmem>>[vector<16xi32>], vector<16xi32>,
    %shift_right_logical3A_2179 = arith.constant 16 : i32
    %shift_right_logical3A_2180 = vector.broadcast %shift_right_logical3A_2179 : i32 to vector<16xi32>
    %shift_right_logical3A_2181 = arith.shrui %gather3A_2178, %shift_right_logical3A_2180 : vector<16xi32>
    %add3A_2182 = arith.addi %add3A_2165, %shift_right_logical3A_2181 : vector<16xi32>
    %and3A_2183 = arith.constant 65535 : i32
    %and3A_2184 = vector.broadcast %and3A_2183 : i32 to vector<16xi32>
    %and3A_2185 = arith.andi %gather3A_2178, %and3A_2184 : vector<16xi32>
    %add3A_2186 = arith.addi %add3A_2169, %and3A_2185 : vector<16xi32>
    %add3A_2187 = arith.constant 1 : i32
    %add3A_2188 = vector.broadcast %add3A_2187 : i32 to vector<16xi32>
    %add3A_2189 = arith.addi %mul3A_528, %add3A_2188 : vector<16xi32>
    %gather3A_2190 = tpu.vector_load_idx %arg23[%add3A_2189] : memref<256xf32, #tpu.memory_space<vmem>>[vector<16xi32>], vector<16xf32>,
    %add3A_2191 = arith.addf %add3A_2174, %gather3A_2190 : vector<16xf32>
    %add3A_2192 = arith.constant 2 : i32
    %add3A_2193 = vector.broadcast %add3A_2192 : i32 to vector<16xi32>
    %add3A_2194 = arith.addi %mul3A_528, %add3A_2193 : vector<16xi32>
    %gather3A_2195 = tpu.vector_load_idx %arg15[%add3A_2194] : memref<256xi32, #tpu.memory_space<vmem>>[vector<16xi32>], vector<16xi32>,
    %shift_right_logical3A_2196 = arith.constant 16 : i32
    %shift_right_logical3A_2197 = vector.broadcast %shift_right_logical3A_2196 : i32 to vector<16xi32>
    %shift_right_logical3A_2198 = arith.shrui %gather3A_2195, %shift_right_logical3A_2197 : vector<16xi32>
    %add3A_2199 = arith.addi %add3A_2182, %shift_right_logical3A_2198 : vector<16xi32>
    %and3A_2200 = arith.constant 65535 : i32
    %and3A_2201 = vector.broadcast %and3A_2200 : i32 to vector<16xi32>
    %and3A_2202 = arith.andi %gather3A_2195, %and3A_2201 : vector<16xi32>
    %add3A_2203 = arith.addi %add3A_2186, %and3A_2202 : vector<16xi32>
    %add3A_2204 = arith.constant 2 : i32
    %add3A_2205 = vector.broadcast %add3A_2204 : i32 to vector<16xi32>
    %add3A_2206 = arith.addi %mul3A_528, %add3A_2205 : vector<16xi32>
    %gather3A_2207 = tpu.vector_load_idx %arg23[%add3A_2206] : memref<256xf32, #tpu.memory_space<vmem>>[vector<16xi32>], vector<16xf32>,
    %add3A_2208 = arith.addf %add3A_2191, %gather3A_2207 : vector<16xf32>
    %add3A_2209 = arith.constant 3 : i32
    %add3A_2210 = vector.broadcast %add3A_2209 : i32 to vector<16xi32>
    %add3A_2211 = arith.addi %mul3A_528, %add3A_2210 : vector<16xi32>
    %gather3A_2212 = tpu.vector_load_idx %arg15[%add3A_2211] : memref<256xi32, #tpu.memory_space<vmem>>[vector<16xi32>], vector<16xi32>,
    %shift_right_logical3A_2213 = arith.constant 16 : i32
    %shift_right_logical3A_2214 = vector.broadcast %shift_right_logical3A_2213 : i32 to vector<16xi32>
    %shift_right_logical3A_2215 = arith.shrui %gather3A_2212, %shift_right_logical3A_2214 : vector<16xi32>
    %add3A_2216 = arith.addi %add3A_2199, %shift_right_logical3A_2215 : vector<16xi32>
    %and3A_2217 = arith.constant 65535 : i32
    %and3A_2218 = vector.broadcast %and3A_2217 : i32 to vector<16xi32>
    %and3A_2219 = arith.andi %gather3A_2212, %and3A_2218 : vector<16xi32>
    %add3A_2220 = arith.addi %add3A_2203, %and3A_2219 : vector<16xi32>
    %add3A_2221 = arith.constant 3 : i32
    %add3A_2222 = vector.broadcast %add3A_2221 : i32 to vector<16xi32>
    %add3A_2223 = arith.addi %mul3A_528, %add3A_2222 : vector<16xi32>
    %gather3A_2224 = tpu.vector_load_idx %arg23[%add3A_2223] : memref<256xf32, #tpu.memory_space<vmem>>[vector<16xi32>], vector<16xf32>,
    %add3A_2225 = arith.addf %add3A_2208, %gather3A_2224 : vector<16xf32>
    %add3A_2226 = arith.constant 4 : i32
    %add3A_2227 = vector.broadcast %add3A_2226 : i32 to vector<16xi32>
    %add3A_2228 = arith.addi %mul3A_528, %add3A_2227 : vector<16xi32>
    %gather3A_2229 = tpu.vector_load_idx %arg15[%add3A_2228] : memref<256xi32, #tpu.memory_space<vmem>>[vector<16xi32>], vector<16xi32>,
    %shift_right_logical3A_2230 = arith.constant 16 : i32
    %shift_right_logical3A_2231 = vector.broadcast %shift_right_logical3A_2230 : i32 to vector<16xi32>
    %shift_right_logical3A_2232 = arith.shrui %gather3A_2229, %shift_right_logical3A_2231 : vector<16xi32>
    %add3A_2233 = arith.addi %add3A_2216, %shift_right_logical3A_2232 : vector<16xi32>
    %and3A_2234 = arith.constant 65535 : i32
    %and3A_2235 = vector.broadcast %and3A_2234 : i32 to vector<16xi32>
    %and3A_2236 = arith.andi %gather3A_2229, %and3A_2235 : vector<16xi32>
    %add3A_2237 = arith.addi %add3A_2220, %and3A_2236 : vector<16xi32>
    %add3A_2238 = arith.constant 4 : i32
    %add3A_2239 = vector.broadcast %add3A_2238 : i32 to vector<16xi32>
    %add3A_2240 = arith.addi %mul3A_528, %add3A_2239 : vector<16xi32>
    %gather3A_2241 = tpu.vector_load_idx %arg23[%add3A_2240] : memref<256xf32, #tpu.memory_space<vmem>>[vector<16xi32>], vector<16xf32>,
    %add3A_2242 = arith.addf %add3A_2225, %gather3A_2241 : vector<16xf32>
    %add3A_2243 = arith.constant 5 : i32
    %add3A_2244 = vector.broadcast %add3A_2243 : i32 to vector<16xi32>
    %add3A_2245 = arith.addi %mul3A_528, %add3A_2244 : vector<16xi32>
    %gather3A_2246 = tpu.vector_load_idx %arg15[%add3A_2245] : memref<256xi32, #tpu.memory_space<vmem>>[vector<16xi32>], vector<16xi32>,
    %shift_right_logical3A_2247 = arith.constant 16 : i32
    %shift_right_logical3A_2248 = vector.broadcast %shift_right_logical3A_2247 : i32 to vector<16xi32>
    %shift_right_logical3A_2249 = arith.shrui %gather3A_2246, %shift_right_logical3A_2248 : vector<16xi32>
    %add3A_2250 = arith.addi %add3A_2233, %shift_right_logical3A_2249 : vector<16xi32>
    %and3A_2251 = arith.constant 65535 : i32
    %and3A_2252 = vector.broadcast %and3A_2251 : i32 to vector<16xi32>
    %and3A_2253 = arith.andi %gather3A_2246, %and3A_2252 : vector<16xi32>
    %add3A_2254 = arith.addi %add3A_2237, %and3A_2253 : vector<16xi32>
    %add3A_2255 = arith.constant 5 : i32
    %add3A_2256 = vector.broadcast %add3A_2255 : i32 to vector<16xi32>
    %add3A_2257 = arith.addi %mul3A_528, %add3A_2256 : vector<16xi32>
    %gather3A_2258 = tpu.vector_load_idx %arg23[%add3A_2257] : memref<256xf32, #tpu.memory_space<vmem>>[vector<16xi32>], vector<16xf32>,
    %add3A_2259 = arith.addf %add3A_2242, %gather3A_2258 : vector<16xf32>
    %add3A_2260 = arith.constant 6 : i32
    %add3A_2261 = vector.broadcast %add3A_2260 : i32 to vector<16xi32>
    %add3A_2262 = arith.addi %mul3A_528, %add3A_2261 : vector<16xi32>
    %gather3A_2263 = tpu.vector_load_idx %arg15[%add3A_2262] : memref<256xi32, #tpu.memory_space<vmem>>[vector<16xi32>], vector<16xi32>,
    %shift_right_logical3A_2264 = arith.constant 16 : i32
    %shift_right_logical3A_2265 = vector.broadcast %shift_right_logical3A_2264 : i32 to vector<16xi32>
    %shift_right_logical3A_2266 = arith.shrui %gather3A_2263, %shift_right_logical3A_2265 : vector<16xi32>
    %add3A_2267 = arith.addi %add3A_2250, %shift_right_logical3A_2266 : vector<16xi32>
    %and3A_2268 = arith.constant 65535 : i32
    %and3A_2269 = vector.broadcast %and3A_2268 : i32 to vector<16xi32>
    %and3A_2270 = arith.andi %gather3A_2263, %and3A_2269 : vector<16xi32>
    %add3A_2271 = arith.addi %add3A_2254, %and3A_2270 : vector<16xi32>
    %add3A_2272 = arith.constant 6 : i32
    %add3A_2273 = vector.broadcast %add3A_2272 : i32 to vector<16xi32>
    %add3A_2274 = arith.addi %mul3A_528, %add3A_2273 : vector<16xi32>
    %gather3A_2275 = tpu.vector_load_idx %arg23[%add3A_2274] : memref<256xf32, #tpu.memory_space<vmem>>[vector<16xi32>], vector<16xf32>,
    %add3A_2276 = arith.addf %add3A_2259, %gather3A_2275 : vector<16xf32>
    %add3A_2277 = arith.constant 7 : i32
    %add3A_2278 = vector.broadcast %add3A_2277 : i32 to vector<16xi32>
    %add3A_2279 = arith.addi %mul3A_528, %add3A_2278 : vector<16xi32>
    %gather3A_2280 = tpu.vector_load_idx %arg15[%add3A_2279] : memref<256xi32, #tpu.memory_space<vmem>>[vector<16xi32>], vector<16xi32>,
    %shift_right_logical3A_2281 = arith.constant 16 : i32
    %shift_right_logical3A_2282 = vector.broadcast %shift_right_logical3A_2281 : i32 to vector<16xi32>
    %shift_right_logical3A_2283 = arith.shrui %gather3A_2280, %shift_right_logical3A_2282 : vector<16xi32>
    %add3A_2284 = arith.addi %add3A_2267, %shift_right_logical3A_2283 : vector<16xi32>
    %and3A_2285 = arith.constant 65535 : i32
    %and3A_2286 = vector.broadcast %and3A_2285 : i32 to vector<16xi32>
    %and3A_2287 = arith.andi %gather3A_2280, %and3A_2286 : vector<16xi32>
    %add3A_2288 = arith.addi %add3A_2271, %and3A_2287 : vector<16xi32>
    %add3A_2289 = arith.constant 7 : i32
    %add3A_2290 = vector.broadcast %add3A_2289 : i32 to vector<16xi32>
    %add3A_2291 = arith.addi %mul3A_528, %add3A_2290 : vector<16xi32>
    %gather3A_2292 = tpu.vector_load_idx %arg23[%add3A_2291] : memref<256xf32, #tpu.memory_space<vmem>>[vector<16xi32>], vector<16xf32>,
    %add3A_2293 = arith.addf %add3A_2276, %gather3A_2292 : vector<16xf32>
    %add3A_2294 = arith.constant 8 : i32
    %add3A_2295 = vector.broadcast %add3A_2294 : i32 to vector<16xi32>
    %add3A_2296 = arith.addi %mul3A_528, %add3A_2295 : vector<16xi32>
    %gather3A_2297 = tpu.vector_load_idx %arg15[%add3A_2296] : memref<256xi32, #tpu.memory_space<vmem>>[vector<16xi32>], vector<16xi32>,
    %shift_right_logical3A_2298 = arith.constant 16 : i32
    %shift_right_logical3A_2299 = vector.broadcast %shift_right_logical3A_2298 : i32 to vector<16xi32>
    %shift_right_logical3A_2300 = arith.shrui %gather3A_2297, %shift_right_logical3A_2299 : vector<16xi32>
    %add3A_2301 = arith.addi %add3A_2284, %shift_right_logical3A_2300 : vector<16xi32>
    %and3A_2302 = arith.constant 65535 : i32
    %and3A_2303 = vector.broadcast %and3A_2302 : i32 to vector<16xi32>
    %and3A_2304 = arith.andi %gather3A_2297, %and3A_2303 : vector<16xi32>
    %add3A_2305 = arith.addi %add3A_2288, %and3A_2304 : vector<16xi32>
    %add3A_2306 = arith.constant 8 : i32
    %add3A_2307 = vector.broadcast %add3A_2306 : i32 to vector<16xi32>
    %add3A_2308 = arith.addi %mul3A_528, %add3A_2307 : vector<16xi32>
    %gather3A_2309 = tpu.vector_load_idx %arg23[%add3A_2308] : memref<256xf32, #tpu.memory_space<vmem>>[vector<16xi32>], vector<16xf32>,
    %add3A_2310 = arith.addf %add3A_2293, %gather3A_2309 : vector<16xf32>
    %add3A_2311 = arith.constant 9 : i32
    %add3A_2312 = vector.broadcast %add3A_2311 : i32 to vector<16xi32>
    %add3A_2313 = arith.addi %mul3A_528, %add3A_2312 : vector<16xi32>
    %gather3A_2314 = tpu.vector_load_idx %arg15[%add3A_2313] : memref<256xi32, #tpu.memory_space<vmem>>[vector<16xi32>], vector<16xi32>,
    %shift_right_logical3A_2315 = arith.constant 16 : i32
    %shift_right_logical3A_2316 = vector.broadcast %shift_right_logical3A_2315 : i32 to vector<16xi32>
    %shift_right_logical3A_2317 = arith.shrui %gather3A_2314, %shift_right_logical3A_2316 : vector<16xi32>
    %add3A_2318 = arith.addi %add3A_2301, %shift_right_logical3A_2317 : vector<16xi32>
    %and3A_2319 = arith.constant 65535 : i32
    %and3A_2320 = vector.broadcast %and3A_2319 : i32 to vector<16xi32>
    %and3A_2321 = arith.andi %gather3A_2314, %and3A_2320 : vector<16xi32>
    %add3A_2322 = arith.addi %add3A_2305, %and3A_2321 : vector<16xi32>
    %add3A_2323 = arith.constant 9 : i32
    %add3A_2324 = vector.broadcast %add3A_2323 : i32 to vector<16xi32>
    %add3A_2325 = arith.addi %mul3A_528, %add3A_2324 : vector<16xi32>
    %gather3A_2326 = tpu.vector_load_idx %arg23[%add3A_2325] : memref<256xf32, #tpu.memory_space<vmem>>[vector<16xi32>], vector<16xf32>,
    %add3A_2327 = arith.addf %add3A_2310, %gather3A_2326 : vector<16xf32>
    %add3A_2328 = arith.constant 10 : i32
    %add3A_2329 = vector.broadcast %add3A_2328 : i32 to vector<16xi32>
    %add3A_2330 = arith.addi %mul3A_528, %add3A_2329 : vector<16xi32>
    %gather3A_2331 = tpu.vector_load_idx %arg15[%add3A_2330] : memref<256xi32, #tpu.memory_space<vmem>>[vector<16xi32>], vector<16xi32>,
    %shift_right_logical3A_2332 = arith.constant 16 : i32
    %shift_right_logical3A_2333 = vector.broadcast %shift_right_logical3A_2332 : i32 to vector<16xi32>
    %shift_right_logical3A_2334 = arith.shrui %gather3A_2331, %shift_right_logical3A_2333 : vector<16xi32>
    %add3A_2335 = arith.addi %add3A_2318, %shift_right_logical3A_2334 : vector<16xi32>
    %and3A_2336 = arith.constant 65535 : i32
    %and3A_2337 = vector.broadcast %and3A_2336 : i32 to vector<16xi32>
    %and3A_2338 = arith.andi %gather3A_2331, %and3A_2337 : vector<16xi32>
    %add3A_2339 = arith.addi %add3A_2322, %and3A_2338 : vector<16xi32>
    %add3A_2340 = arith.constant 10 : i32
    %add3A_2341 = vector.broadcast %add3A_2340 : i32 to vector<16xi32>
    %add3A_2342 = arith.addi %mul3A_528, %add3A_2341 : vector<16xi32>
    %gather3A_2343 = tpu.vector_load_idx %arg23[%add3A_2342] : memref<256xf32, #tpu.memory_space<vmem>>[vector<16xi32>], vector<16xf32>,
    %add3A_2344 = arith.addf %add3A_2327, %gather3A_2343 : vector<16xf32>
    %add3A_2345 = arith.constant 11 : i32
    %add3A_2346 = vector.broadcast %add3A_2345 : i32 to vector<16xi32>
    %add3A_2347 = arith.addi %mul3A_528, %add3A_2346 : vector<16xi32>
    %gather3A_2348 = tpu.vector_load_idx %arg15[%add3A_2347] : memref<256xi32, #tpu.memory_space<vmem>>[vector<16xi32>], vector<16xi32>,
    %shift_right_logical3A_2349 = arith.constant 16 : i32
    %shift_right_logical3A_2350 = vector.broadcast %shift_right_logical3A_2349 : i32 to vector<16xi32>
    %shift_right_logical3A_2351 = arith.shrui %gather3A_2348, %shift_right_logical3A_2350 : vector<16xi32>
    %add3A_2352 = arith.addi %add3A_2335, %shift_right_logical3A_2351 : vector<16xi32>
    %and3A_2353 = arith.constant 65535 : i32
    %and3A_2354 = vector.broadcast %and3A_2353 : i32 to vector<16xi32>
    %and3A_2355 = arith.andi %gather3A_2348, %and3A_2354 : vector<16xi32>
    %add3A_2356 = arith.addi %add3A_2339, %and3A_2355 : vector<16xi32>
    %add3A_2357 = arith.constant 11 : i32
    %add3A_2358 = vector.broadcast %add3A_2357 : i32 to vector<16xi32>
    %add3A_2359 = arith.addi %mul3A_528, %add3A_2358 : vector<16xi32>
    %gather3A_2360 = tpu.vector_load_idx %arg23[%add3A_2359] : memref<256xf32, #tpu.memory_space<vmem>>[vector<16xi32>], vector<16xf32>,
    %add3A_2361 = arith.addf %add3A_2344, %gather3A_2360 : vector<16xf32>
    %add3A_2362 = arith.constant 12 : i32
    %add3A_2363 = vector.broadcast %add3A_2362 : i32 to vector<16xi32>
    %add3A_2364 = arith.addi %mul3A_528, %add3A_2363 : vector<16xi32>
    %gather3A_2365 = tpu.vector_load_idx %arg15[%add3A_2364] : memref<256xi32, #tpu.memory_space<vmem>>[vector<16xi32>], vector<16xi32>,
    %shift_right_logical3A_2366 = arith.constant 16 : i32
    %shift_right_logical3A_2367 = vector.broadcast %shift_right_logical3A_2366 : i32 to vector<16xi32>
    %shift_right_logical3A_2368 = arith.shrui %gather3A_2365, %shift_right_logical3A_2367 : vector<16xi32>
    %add3A_2369 = arith.addi %add3A_2352, %shift_right_logical3A_2368 : vector<16xi32>
    %and3A_2370 = arith.constant 65535 : i32
    %and3A_2371 = vector.broadcast %and3A_2370 : i32 to vector<16xi32>
    %and3A_2372 = arith.andi %gather3A_2365, %and3A_2371 : vector<16xi32>
    %add3A_2373 = arith.addi %add3A_2356, %and3A_2372 : vector<16xi32>
    %add3A_2374 = arith.constant 12 : i32
    %add3A_2375 = vector.broadcast %add3A_2374 : i32 to vector<16xi32>
    %add3A_2376 = arith.addi %mul3A_528, %add3A_2375 : vector<16xi32>
    %gather3A_2377 = tpu.vector_load_idx %arg23[%add3A_2376] : memref<256xf32, #tpu.memory_space<vmem>>[vector<16xi32>], vector<16xf32>,
    %add3A_2378 = arith.addf %add3A_2361, %gather3A_2377 : vector<16xf32>
    %add3A_2379 = arith.constant 13 : i32
    %add3A_2380 = vector.broadcast %add3A_2379 : i32 to vector<16xi32>
    %add3A_2381 = arith.addi %mul3A_528, %add3A_2380 : vector<16xi32>
    %gather3A_2382 = tpu.vector_load_idx %arg15[%add3A_2381] : memref<256xi32, #tpu.memory_space<vmem>>[vector<16xi32>], vector<16xi32>,
    %shift_right_logical3A_2383 = arith.constant 16 : i32
    %shift_right_logical3A_2384 = vector.broadcast %shift_right_logical3A_2383 : i32 to vector<16xi32>
    %shift_right_logical3A_2385 = arith.shrui %gather3A_2382, %shift_right_logical3A_2384 : vector<16xi32>
    %add3A_2386 = arith.addi %add3A_2369, %shift_right_logical3A_2385 : vector<16xi32>
    %and3A_2387 = arith.constant 65535 : i32
    %and3A_2388 = vector.broadcast %and3A_2387 : i32 to vector<16xi32>
    %and3A_2389 = arith.andi %gather3A_2382, %and3A_2388 : vector<16xi32>
    %add3A_2390 = arith.addi %add3A_2373, %and3A_2389 : vector<16xi32>
    %add3A_2391 = arith.constant 13 : i32
    %add3A_2392 = vector.broadcast %add3A_2391 : i32 to vector<16xi32>
    %add3A_2393 = arith.addi %mul3A_528, %add3A_2392 : vector<16xi32>
    %gather3A_2394 = tpu.vector_load_idx %arg23[%add3A_2393] : memref<256xf32, #tpu.memory_space<vmem>>[vector<16xi32>], vector<16xf32>,
    %add3A_2395 = arith.addf %add3A_2378, %gather3A_2394 : vector<16xf32>
    %add3A_2396 = arith.constant 14 : i32
    %add3A_2397 = vector.broadcast %add3A_2396 : i32 to vector<16xi32>
    %add3A_2398 = arith.addi %mul3A_528, %add3A_2397 : vector<16xi32>
    %gather3A_2399 = tpu.vector_load_idx %arg15[%add3A_2398] : memref<256xi32, #tpu.memory_space<vmem>>[vector<16xi32>], vector<16xi32>,
    %shift_right_logical3A_2400 = arith.constant 16 : i32
    %shift_right_logical3A_2401 = vector.broadcast %shift_right_logical3A_2400 : i32 to vector<16xi32>
    %shift_right_logical3A_2402 = arith.shrui %gather3A_2399, %shift_right_logical3A_2401 : vector<16xi32>
    %add3A_2403 = arith.addi %add3A_2386, %shift_right_logical3A_2402 : vector<16xi32>
    %and3A_2404 = arith.constant 65535 : i32
    %and3A_2405 = vector.broadcast %and3A_2404 : i32 to vector<16xi32>
    %and3A_2406 = arith.andi %gather3A_2399, %and3A_2405 : vector<16xi32>
    %add3A_2407 = arith.addi %add3A_2390, %and3A_2406 : vector<16xi32>
    %add3A_2408 = arith.constant 14 : i32
    %add3A_2409 = vector.broadcast %add3A_2408 : i32 to vector<16xi32>
    %add3A_2410 = arith.addi %mul3A_528, %add3A_2409 : vector<16xi32>
    %gather3A_2411 = tpu.vector_load_idx %arg23[%add3A_2410] : memref<256xf32, #tpu.memory_space<vmem>>[vector<16xi32>], vector<16xf32>,
    %add3A_2412 = arith.addf %add3A_2395, %gather3A_2411 : vector<16xf32>
    %add3A_2413 = arith.constant 15 : i32
    %add3A_2414 = vector.broadcast %add3A_2413 : i32 to vector<16xi32>
    %add3A_2415 = arith.addi %mul3A_528, %add3A_2414 : vector<16xi32>
    %gather3A_2416 = tpu.vector_load_idx %arg15[%add3A_2415] : memref<256xi32, #tpu.memory_space<vmem>>[vector<16xi32>], vector<16xi32>,
    %shift_right_logical3A_2417 = arith.constant 16 : i32
    %shift_right_logical3A_2418 = vector.broadcast %shift_right_logical3A_2417 : i32 to vector<16xi32>
    %shift_right_logical3A_2419 = arith.shrui %gather3A_2416, %shift_right_logical3A_2418 : vector<16xi32>
    %add3A_2420 = arith.addi %add3A_2403, %shift_right_logical3A_2419 : vector<16xi32>
    %and3A_2421 = arith.constant 65535 : i32
    %and3A_2422 = vector.broadcast %and3A_2421 : i32 to vector<16xi32>
    %and3A_2423 = arith.andi %gather3A_2416, %and3A_2422 : vector<16xi32>
    %add3A_2424 = arith.addi %add3A_2407, %and3A_2423 : vector<16xi32>
    %add3A_2425 = arith.constant 15 : i32
    %add3A_2426 = vector.broadcast %add3A_2425 : i32 to vector<16xi32>
    %add3A_2427 = arith.addi %mul3A_528, %add3A_2426 : vector<16xi32>
    %gather3A_2428 = tpu.vector_load_idx %arg23[%add3A_2427] : memref<256xf32, #tpu.memory_space<vmem>>[vector<16xi32>], vector<16xf32>,
    %add3A_2429 = arith.addf %add3A_2412, %gather3A_2428 : vector<16xf32>
    %add3A_2430 = arith.constant 0 : i32
    %add3A_2431 = vector.broadcast %add3A_2430 : i32 to vector<16xi32>
    %add3A_2432 = arith.addi %mul3A_528, %add3A_2431 : vector<16xi32>
    %gather3A_2433 = tpu.vector_load_idx %arg16[%add3A_2432] : memref<256xi32, #tpu.memory_space<vmem>>[vector<16xi32>], vector<16xi32>,
    %shift_right_logical3A_2434 = arith.constant 16 : i32
    %shift_right_logical3A_2435 = vector.broadcast %shift_right_logical3A_2434 : i32 to vector<16xi32>
    %shift_right_logical3A_2436 = arith.shrui %gather3A_2433, %shift_right_logical3A_2435 : vector<16xi32>
    %add3A_2437 = arith.addi %add3A_2420, %shift_right_logical3A_2436 : vector<16xi32>
    %and3A_2438 = arith.constant 65535 : i32
    %and3A_2439 = vector.broadcast %and3A_2438 : i32 to vector<16xi32>
    %and3A_2440 = arith.andi %gather3A_2433, %and3A_2439 : vector<16xi32>
    %add3A_2441 = arith.addi %add3A_2424, %and3A_2440 : vector<16xi32>
    %add3A_2442 = arith.constant 0 : i32
    %add3A_2443 = vector.broadcast %add3A_2442 : i32 to vector<16xi32>
    %add3A_2444 = arith.addi %mul3A_528, %add3A_2443 : vector<16xi32>
    %gather3A_2445 = tpu.vector_load_idx %arg24[%add3A_2444] : memref<256xf32, #tpu.memory_space<vmem>>[vector<16xi32>], vector<16xf32>,
    %add3A_2446 = arith.addf %add3A_2429, %gather3A_2445 : vector<16xf32>
    %add3A_2447 = arith.constant 1 : i32
    %add3A_2448 = vector.broadcast %add3A_2447 : i32 to vector<16xi32>
    %add3A_2449 = arith.addi %mul3A_528, %add3A_2448 : vector<16xi32>
    %gather3A_2450 = tpu.vector_load_idx %arg16[%add3A_2449] : memref<256xi32, #tpu.memory_space<vmem>>[vector<16xi32>], vector<16xi32>,
    %shift_right_logical3A_2451 = arith.constant 16 : i32
    %shift_right_logical3A_2452 = vector.broadcast %shift_right_logical3A_2451 : i32 to vector<16xi32>
    %shift_right_logical3A_2453 = arith.shrui %gather3A_2450, %shift_right_logical3A_2452 : vector<16xi32>
    %add3A_2454 = arith.addi %add3A_2437, %shift_right_logical3A_2453 : vector<16xi32>
    %and3A_2455 = arith.constant 65535 : i32
    %and3A_2456 = vector.broadcast %and3A_2455 : i32 to vector<16xi32>
    %and3A_2457 = arith.andi %gather3A_2450, %and3A_2456 : vector<16xi32>
    %add3A_2458 = arith.addi %add3A_2441, %and3A_2457 : vector<16xi32>
    %add3A_2459 = arith.constant 1 : i32
    %add3A_2460 = vector.broadcast %add3A_2459 : i32 to vector<16xi32>
    %add3A_2461 = arith.addi %mul3A_528, %add3A_2460 : vector<16xi32>
    %gather3A_2462 = tpu.vector_load_idx %arg24[%add3A_2461] : memref<256xf32, #tpu.memory_space<vmem>>[vector<16xi32>], vector<16xf32>,
    %add3A_2463 = arith.addf %add3A_2446, %gather3A_2462 : vector<16xf32>
    %add3A_2464 = arith.constant 2 : i32
    %add3A_2465 = vector.broadcast %add3A_2464 : i32 to vector<16xi32>
    %add3A_2466 = arith.addi %mul3A_528, %add3A_2465 : vector<16xi32>
    %gather3A_2467 = tpu.vector_load_idx %arg16[%add3A_2466] : memref<256xi32, #tpu.memory_space<vmem>>[vector<16xi32>], vector<16xi32>,
    %shift_right_logical3A_2468 = arith.constant 16 : i32
    %shift_right_logical3A_2469 = vector.broadcast %shift_right_logical3A_2468 : i32 to vector<16xi32>
    %shift_right_logical3A_2470 = arith.shrui %gather3A_2467, %shift_right_logical3A_2469 : vector<16xi32>
    %add3A_2471 = arith.addi %add3A_2454, %shift_right_logical3A_2470 : vector<16xi32>
    %and3A_2472 = arith.constant 65535 : i32
    %and3A_2473 = vector.broadcast %and3A_2472 : i32 to vector<16xi32>
    %and3A_2474 = arith.andi %gather3A_2467, %and3A_2473 : vector<16xi32>
    %add3A_2475 = arith.addi %add3A_2458, %and3A_2474 : vector<16xi32>
    %add3A_2476 = arith.constant 2 : i32
    %add3A_2477 = vector.broadcast %add3A_2476 : i32 to vector<16xi32>
    %add3A_2478 = arith.addi %mul3A_528, %add3A_2477 : vector<16xi32>
    %gather3A_2479 = tpu.vector_load_idx %arg24[%add3A_2478] : memref<256xf32, #tpu.memory_space<vmem>>[vector<16xi32>], vector<16xf32>,
    %add3A_2480 = arith.addf %add3A_2463, %gather3A_2479 : vector<16xf32>
    %add3A_2481 = arith.constant 3 : i32
    %add3A_2482 = vector.broadcast %add3A_2481 : i32 to vector<16xi32>
    %add3A_2483 = arith.addi %mul3A_528, %add3A_2482 : vector<16xi32>
    %gather3A_2484 = tpu.vector_load_idx %arg16[%add3A_2483] : memref<256xi32, #tpu.memory_space<vmem>>[vector<16xi32>], vector<16xi32>,
    %shift_right_logical3A_2485 = arith.constant 16 : i32
    %shift_right_logical3A_2486 = vector.broadcast %shift_right_logical3A_2485 : i32 to vector<16xi32>
    %shift_right_logical3A_2487 = arith.shrui %gather3A_2484, %shift_right_logical3A_2486 : vector<16xi32>
    %add3A_2488 = arith.addi %add3A_2471, %shift_right_logical3A_2487 : vector<16xi32>
    %and3A_2489 = arith.constant 65535 : i32
    %and3A_2490 = vector.broadcast %and3A_2489 : i32 to vector<16xi32>
    %and3A_2491 = arith.andi %gather3A_2484, %and3A_2490 : vector<16xi32>
    %add3A_2492 = arith.addi %add3A_2475, %and3A_2491 : vector<16xi32>
    %add3A_2493 = arith.constant 3 : i32
    %add3A_2494 = vector.broadcast %add3A_2493 : i32 to vector<16xi32>
    %add3A_2495 = arith.addi %mul3A_528, %add3A_2494 : vector<16xi32>
    %gather3A_2496 = tpu.vector_load_idx %arg24[%add3A_2495] : memref<256xf32, #tpu.memory_space<vmem>>[vector<16xi32>], vector<16xf32>,
    %add3A_2497 = arith.addf %add3A_2480, %gather3A_2496 : vector<16xf32>
    %add3A_2498 = arith.constant 4 : i32
    %add3A_2499 = vector.broadcast %add3A_2498 : i32 to vector<16xi32>
    %add3A_2500 = arith.addi %mul3A_528, %add3A_2499 : vector<16xi32>
    %gather3A_2501 = tpu.vector_load_idx %arg16[%add3A_2500] : memref<256xi32, #tpu.memory_space<vmem>>[vector<16xi32>], vector<16xi32>,
    %shift_right_logical3A_2502 = arith.constant 16 : i32
    %shift_right_logical3A_2503 = vector.broadcast %shift_right_logical3A_2502 : i32 to vector<16xi32>
    %shift_right_logical3A_2504 = arith.shrui %gather3A_2501, %shift_right_logical3A_2503 : vector<16xi32>
    %add3A_2505 = arith.addi %add3A_2488, %shift_right_logical3A_2504 : vector<16xi32>
    %and3A_2506 = arith.constant 65535 : i32
    %and3A_2507 = vector.broadcast %and3A_2506 : i32 to vector<16xi32>
    %and3A_2508 = arith.andi %gather3A_2501, %and3A_2507 : vector<16xi32>
    %add3A_2509 = arith.addi %add3A_2492, %and3A_2508 : vector<16xi32>
    %add3A_2510 = arith.constant 4 : i32
    %add3A_2511 = vector.broadcast %add3A_2510 : i32 to vector<16xi32>
    %add3A_2512 = arith.addi %mul3A_528, %add3A_2511 : vector<16xi32>
    %gather3A_2513 = tpu.vector_load_idx %arg24[%add3A_2512] : memref<256xf32, #tpu.memory_space<vmem>>[vector<16xi32>], vector<16xf32>,
    %add3A_2514 = arith.addf %add3A_2497, %gather3A_2513 : vector<16xf32>
    %add3A_2515 = arith.constant 5 : i32
    %add3A_2516 = vector.broadcast %add3A_2515 : i32 to vector<16xi32>
    %add3A_2517 = arith.addi %mul3A_528, %add3A_2516 : vector<16xi32>
    %gather3A_2518 = tpu.vector_load_idx %arg16[%add3A_2517] : memref<256xi32, #tpu.memory_space<vmem>>[vector<16xi32>], vector<16xi32>,
    %shift_right_logical3A_2519 = arith.constant 16 : i32
    %shift_right_logical3A_2520 = vector.broadcast %shift_right_logical3A_2519 : i32 to vector<16xi32>
    %shift_right_logical3A_2521 = arith.shrui %gather3A_2518, %shift_right_logical3A_2520 : vector<16xi32>
    %add3A_2522 = arith.addi %add3A_2505, %shift_right_logical3A_2521 : vector<16xi32>
    %and3A_2523 = arith.constant 65535 : i32
    %and3A_2524 = vector.broadcast %and3A_2523 : i32 to vector<16xi32>
    %and3A_2525 = arith.andi %gather3A_2518, %and3A_2524 : vector<16xi32>
    %add3A_2526 = arith.addi %add3A_2509, %and3A_2525 : vector<16xi32>
    %add3A_2527 = arith.constant 5 : i32
    %add3A_2528 = vector.broadcast %add3A_2527 : i32 to vector<16xi32>
    %add3A_2529 = arith.addi %mul3A_528, %add3A_2528 : vector<16xi32>
    %gather3A_2530 = tpu.vector_load_idx %arg24[%add3A_2529] : memref<256xf32, #tpu.memory_space<vmem>>[vector<16xi32>], vector<16xf32>,
    %add3A_2531 = arith.addf %add3A_2514, %gather3A_2530 : vector<16xf32>
    %add3A_2532 = arith.constant 6 : i32
    %add3A_2533 = vector.broadcast %add3A_2532 : i32 to vector<16xi32>
    %add3A_2534 = arith.addi %mul3A_528, %add3A_2533 : vector<16xi32>
    %gather3A_2535 = tpu.vector_load_idx %arg16[%add3A_2534] : memref<256xi32, #tpu.memory_space<vmem>>[vector<16xi32>], vector<16xi32>,
    %shift_right_logical3A_2536 = arith.constant 16 : i32
    %shift_right_logical3A_2537 = vector.broadcast %shift_right_logical3A_2536 : i32 to vector<16xi32>
    %shift_right_logical3A_2538 = arith.shrui %gather3A_2535, %shift_right_logical3A_2537 : vector<16xi32>
    %add3A_2539 = arith.addi %add3A_2522, %shift_right_logical3A_2538 : vector<16xi32>
    %and3A_2540 = arith.constant 65535 : i32
    %and3A_2541 = vector.broadcast %and3A_2540 : i32 to vector<16xi32>
    %and3A_2542 = arith.andi %gather3A_2535, %and3A_2541 : vector<16xi32>
    %add3A_2543 = arith.addi %add3A_2526, %and3A_2542 : vector<16xi32>
    %add3A_2544 = arith.constant 6 : i32
    %add3A_2545 = vector.broadcast %add3A_2544 : i32 to vector<16xi32>
    %add3A_2546 = arith.addi %mul3A_528, %add3A_2545 : vector<16xi32>
    %gather3A_2547 = tpu.vector_load_idx %arg24[%add3A_2546] : memref<256xf32, #tpu.memory_space<vmem>>[vector<16xi32>], vector<16xf32>,
    %add3A_2548 = arith.addf %add3A_2531, %gather3A_2547 : vector<16xf32>
    %add3A_2549 = arith.constant 7 : i32
    %add3A_2550 = vector.broadcast %add3A_2549 : i32 to vector<16xi32>
    %add3A_2551 = arith.addi %mul3A_528, %add3A_2550 : vector<16xi32>
    %gather3A_2552 = tpu.vector_load_idx %arg16[%add3A_2551] : memref<256xi32, #tpu.memory_space<vmem>>[vector<16xi32>], vector<16xi32>,
    %shift_right_logical3A_2553 = arith.constant 16 : i32
    %shift_right_logical3A_2554 = vector.broadcast %shift_right_logical3A_2553 : i32 to vector<16xi32>
    %shift_right_logical3A_2555 = arith.shrui %gather3A_2552, %shift_right_logical3A_2554 : vector<16xi32>
    %add3A_2556 = arith.addi %add3A_2539, %shift_right_logical3A_2555 : vector<16xi32>
    %and3A_2557 = arith.constant 65535 : i32
    %and3A_2558 = vector.broadcast %and3A_2557 : i32 to vector<16xi32>
    %and3A_2559 = arith.andi %gather3A_2552, %and3A_2558 : vector<16xi32>
    %add3A_2560 = arith.addi %add3A_2543, %and3A_2559 : vector<16xi32>
    %add3A_2561 = arith.constant 7 : i32
    %add3A_2562 = vector.broadcast %add3A_2561 : i32 to vector<16xi32>
    %add3A_2563 = arith.addi %mul3A_528, %add3A_2562 : vector<16xi32>
    %gather3A_2564 = tpu.vector_load_idx %arg24[%add3A_2563] : memref<256xf32, #tpu.memory_space<vmem>>[vector<16xi32>], vector<16xf32>,
    %add3A_2565 = arith.addf %add3A_2548, %gather3A_2564 : vector<16xf32>
    %add3A_2566 = arith.constant 8 : i32
    %add3A_2567 = vector.broadcast %add3A_2566 : i32 to vector<16xi32>
    %add3A_2568 = arith.addi %mul3A_528, %add3A_2567 : vector<16xi32>
    %gather3A_2569 = tpu.vector_load_idx %arg16[%add3A_2568] : memref<256xi32, #tpu.memory_space<vmem>>[vector<16xi32>], vector<16xi32>,
    %shift_right_logical3A_2570 = arith.constant 16 : i32
    %shift_right_logical3A_2571 = vector.broadcast %shift_right_logical3A_2570 : i32 to vector<16xi32>
    %shift_right_logical3A_2572 = arith.shrui %gather3A_2569, %shift_right_logical3A_2571 : vector<16xi32>
    %add3A_2573 = arith.addi %add3A_2556, %shift_right_logical3A_2572 : vector<16xi32>
    %and3A_2574 = arith.constant 65535 : i32
    %and3A_2575 = vector.broadcast %and3A_2574 : i32 to vector<16xi32>
    %and3A_2576 = arith.andi %gather3A_2569, %and3A_2575 : vector<16xi32>
    %add3A_2577 = arith.addi %add3A_2560, %and3A_2576 : vector<16xi32>
    %add3A_2578 = arith.constant 8 : i32
    %add3A_2579 = vector.broadcast %add3A_2578 : i32 to vector<16xi32>
    %add3A_2580 = arith.addi %mul3A_528, %add3A_2579 : vector<16xi32>
    %gather3A_2581 = tpu.vector_load_idx %arg24[%add3A_2580] : memref<256xf32, #tpu.memory_space<vmem>>[vector<16xi32>], vector<16xf32>,
    %add3A_2582 = arith.addf %add3A_2565, %gather3A_2581 : vector<16xf32>
    %add3A_2583 = arith.constant 9 : i32
    %add3A_2584 = vector.broadcast %add3A_2583 : i32 to vector<16xi32>
    %add3A_2585 = arith.addi %mul3A_528, %add3A_2584 : vector<16xi32>
    %gather3A_2586 = tpu.vector_load_idx %arg16[%add3A_2585] : memref<256xi32, #tpu.memory_space<vmem>>[vector<16xi32>], vector<16xi32>,
    %shift_right_logical3A_2587 = arith.constant 16 : i32
    %shift_right_logical3A_2588 = vector.broadcast %shift_right_logical3A_2587 : i32 to vector<16xi32>
    %shift_right_logical3A_2589 = arith.shrui %gather3A_2586, %shift_right_logical3A_2588 : vector<16xi32>
    %add3A_2590 = arith.addi %add3A_2573, %shift_right_logical3A_2589 : vector<16xi32>
    %and3A_2591 = arith.constant 65535 : i32
    %and3A_2592 = vector.broadcast %and3A_2591 : i32 to vector<16xi32>
    %and3A_2593 = arith.andi %gather3A_2586, %and3A_2592 : vector<16xi32>
    %add3A_2594 = arith.addi %add3A_2577, %and3A_2593 : vector<16xi32>
    %add3A_2595 = arith.constant 9 : i32
    %add3A_2596 = vector.broadcast %add3A_2595 : i32 to vector<16xi32>
    %add3A_2597 = arith.addi %mul3A_528, %add3A_2596 : vector<16xi32>
    %gather3A_2598 = tpu.vector_load_idx %arg24[%add3A_2597] : memref<256xf32, #tpu.memory_space<vmem>>[vector<16xi32>], vector<16xf32>,
    %add3A_2599 = arith.addf %add3A_2582, %gather3A_2598 : vector<16xf32>
    %add3A_2600 = arith.constant 10 : i32
    %add3A_2601 = vector.broadcast %add3A_2600 : i32 to vector<16xi32>
    %add3A_2602 = arith.addi %mul3A_528, %add3A_2601 : vector<16xi32>
    %gather3A_2603 = tpu.vector_load_idx %arg16[%add3A_2602] : memref<256xi32, #tpu.memory_space<vmem>>[vector<16xi32>], vector<16xi32>,
    %shift_right_logical3A_2604 = arith.constant 16 : i32
    %shift_right_logical3A_2605 = vector.broadcast %shift_right_logical3A_2604 : i32 to vector<16xi32>
    %shift_right_logical3A_2606 = arith.shrui %gather3A_2603, %shift_right_logical3A_2605 : vector<16xi32>
    %add3A_2607 = arith.addi %add3A_2590, %shift_right_logical3A_2606 : vector<16xi32>
    %and3A_2608 = arith.constant 65535 : i32
    %and3A_2609 = vector.broadcast %and3A_2608 : i32 to vector<16xi32>
    %and3A_2610 = arith.andi %gather3A_2603, %and3A_2609 : vector<16xi32>
    %add3A_2611 = arith.addi %add3A_2594, %and3A_2610 : vector<16xi32>
    %add3A_2612 = arith.constant 10 : i32
    %add3A_2613 = vector.broadcast %add3A_2612 : i32 to vector<16xi32>
    %add3A_2614 = arith.addi %mul3A_528, %add3A_2613 : vector<16xi32>
    %gather3A_2615 = tpu.vector_load_idx %arg24[%add3A_2614] : memref<256xf32, #tpu.memory_space<vmem>>[vector<16xi32>], vector<16xf32>,
    %add3A_2616 = arith.addf %add3A_2599, %gather3A_2615 : vector<16xf32>
    %add3A_2617 = arith.constant 11 : i32
    %add3A_2618 = vector.broadcast %add3A_2617 : i32 to vector<16xi32>
    %add3A_2619 = arith.addi %mul3A_528, %add3A_2618 : vector<16xi32>
    %gather3A_2620 = tpu.vector_load_idx %arg16[%add3A_2619] : memref<256xi32, #tpu.memory_space<vmem>>[vector<16xi32>], vector<16xi32>,
    %shift_right_logical3A_2621 = arith.constant 16 : i32
    %shift_right_logical3A_2622 = vector.broadcast %shift_right_logical3A_2621 : i32 to vector<16xi32>
    %shift_right_logical3A_2623 = arith.shrui %gather3A_2620, %shift_right_logical3A_2622 : vector<16xi32>
    %add3A_2624 = arith.addi %add3A_2607, %shift_right_logical3A_2623 : vector<16xi32>
    %and3A_2625 = arith.constant 65535 : i32
    %and3A_2626 = vector.broadcast %and3A_2625 : i32 to vector<16xi32>
    %and3A_2627 = arith.andi %gather3A_2620, %and3A_2626 : vector<16xi32>
    %add3A_2628 = arith.addi %add3A_2611, %and3A_2627 : vector<16xi32>
    %add3A_2629 = arith.constant 11 : i32
    %add3A_2630 = vector.broadcast %add3A_2629 : i32 to vector<16xi32>
    %add3A_2631 = arith.addi %mul3A_528, %add3A_2630 : vector<16xi32>
    %gather3A_2632 = tpu.vector_load_idx %arg24[%add3A_2631] : memref<256xf32, #tpu.memory_space<vmem>>[vector<16xi32>], vector<16xf32>,
    %add3A_2633 = arith.addf %add3A_2616, %gather3A_2632 : vector<16xf32>
    %add3A_2634 = arith.constant 12 : i32
    %add3A_2635 = vector.broadcast %add3A_2634 : i32 to vector<16xi32>
    %add3A_2636 = arith.addi %mul3A_528, %add3A_2635 : vector<16xi32>
    %gather3A_2637 = tpu.vector_load_idx %arg16[%add3A_2636] : memref<256xi32, #tpu.memory_space<vmem>>[vector<16xi32>], vector<16xi32>,
    %shift_right_logical3A_2638 = arith.constant 16 : i32
    %shift_right_logical3A_2639 = vector.broadcast %shift_right_logical3A_2638 : i32 to vector<16xi32>
    %shift_right_logical3A_2640 = arith.shrui %gather3A_2637, %shift_right_logical3A_2639 : vector<16xi32>
    %add3A_2641 = arith.addi %add3A_2624, %shift_right_logical3A_2640 : vector<16xi32>
    %and3A_2642 = arith.constant 65535 : i32
    %and3A_2643 = vector.broadcast %and3A_2642 : i32 to vector<16xi32>
    %and3A_2644 = arith.andi %gather3A_2637, %and3A_2643 : vector<16xi32>
    %add3A_2645 = arith.addi %add3A_2628, %and3A_2644 : vector<16xi32>
    %add3A_2646 = arith.constant 12 : i32
    %add3A_2647 = vector.broadcast %add3A_2646 : i32 to vector<16xi32>
    %add3A_2648 = arith.addi %mul3A_528, %add3A_2647 : vector<16xi32>
    %gather3A_2649 = tpu.vector_load_idx %arg24[%add3A_2648] : memref<256xf32, #tpu.memory_space<vmem>>[vector<16xi32>], vector<16xf32>,
    %add3A_2650 = arith.addf %add3A_2633, %gather3A_2649 : vector<16xf32>
    %add3A_2651 = arith.constant 13 : i32
    %add3A_2652 = vector.broadcast %add3A_2651 : i32 to vector<16xi32>
    %add3A_2653 = arith.addi %mul3A_528, %add3A_2652 : vector<16xi32>
    %gather3A_2654 = tpu.vector_load_idx %arg16[%add3A_2653] : memref<256xi32, #tpu.memory_space<vmem>>[vector<16xi32>], vector<16xi32>,
    %shift_right_logical3A_2655 = arith.constant 16 : i32
    %shift_right_logical3A_2656 = vector.broadcast %shift_right_logical3A_2655 : i32 to vector<16xi32>
    %shift_right_logical3A_2657 = arith.shrui %gather3A_2654, %shift_right_logical3A_2656 : vector<16xi32>
    %add3A_2658 = arith.addi %add3A_2641, %shift_right_logical3A_2657 : vector<16xi32>
    %and3A_2659 = arith.constant 65535 : i32
    %and3A_2660 = vector.broadcast %and3A_2659 : i32 to vector<16xi32>
    %and3A_2661 = arith.andi %gather3A_2654, %and3A_2660 : vector<16xi32>
    %add3A_2662 = arith.addi %add3A_2645, %and3A_2661 : vector<16xi32>
    %add3A_2663 = arith.constant 13 : i32
    %add3A_2664 = vector.broadcast %add3A_2663 : i32 to vector<16xi32>
    %add3A_2665 = arith.addi %mul3A_528, %add3A_2664 : vector<16xi32>
    %gather3A_2666 = tpu.vector_load_idx %arg24[%add3A_2665] : memref<256xf32, #tpu.memory_space<vmem>>[vector<16xi32>], vector<16xf32>,
    %add3A_2667 = arith.addf %add3A_2650, %gather3A_2666 : vector<16xf32>
    %add3A_2668 = arith.constant 14 : i32
    %add3A_2669 = vector.broadcast %add3A_2668 : i32 to vector<16xi32>
    %add3A_2670 = arith.addi %mul3A_528, %add3A_2669 : vector<16xi32>
    %gather3A_2671 = tpu.vector_load_idx %arg16[%add3A_2670] : memref<256xi32, #tpu.memory_space<vmem>>[vector<16xi32>], vector<16xi32>,
    %shift_right_logical3A_2672 = arith.constant 16 : i32
    %shift_right_logical3A_2673 = vector.broadcast %shift_right_logical3A_2672 : i32 to vector<16xi32>
    %shift_right_logical3A_2674 = arith.shrui %gather3A_2671, %shift_right_logical3A_2673 : vector<16xi32>
    %add3A_2675 = arith.addi %add3A_2658, %shift_right_logical3A_2674 : vector<16xi32>
    %and3A_2676 = arith.constant 65535 : i32
    %and3A_2677 = vector.broadcast %and3A_2676 : i32 to vector<16xi32>
    %and3A_2678 = arith.andi %gather3A_2671, %and3A_2677 : vector<16xi32>
    %add3A_2679 = arith.addi %add3A_2662, %and3A_2678 : vector<16xi32>
    %add3A_2680 = arith.constant 14 : i32
    %add3A_2681 = vector.broadcast %add3A_2680 : i32 to vector<16xi32>
    %add3A_2682 = arith.addi %mul3A_528, %add3A_2681 : vector<16xi32>
    %gather3A_2683 = tpu.vector_load_idx %arg24[%add3A_2682] : memref<256xf32, #tpu.memory_space<vmem>>[vector<16xi32>], vector<16xf32>,
    %add3A_2684 = arith.addf %add3A_2667, %gather3A_2683 : vector<16xf32>
    %add3A_2685 = arith.constant 15 : i32
    %add3A_2686 = vector.broadcast %add3A_2685 : i32 to vector<16xi32>
    %add3A_2687 = arith.addi %mul3A_528, %add3A_2686 : vector<16xi32>
    %gather3A_2688 = tpu.vector_load_idx %arg16[%add3A_2687] : memref<256xi32, #tpu.memory_space<vmem>>[vector<16xi32>], vector<16xi32>,
    %shift_right_logical3A_2689 = arith.constant 16 : i32
    %shift_right_logical3A_2690 = vector.broadcast %shift_right_logical3A_2689 : i32 to vector<16xi32>
    %shift_right_logical3A_2691 = arith.shrui %gather3A_2688, %shift_right_logical3A_2690 : vector<16xi32>
    %add3A_2692 = arith.addi %add3A_2675, %shift_right_logical3A_2691 : vector<16xi32>
    %and3A_2693 = arith.constant 65535 : i32
    %and3A_2694 = vector.broadcast %and3A_2693 : i32 to vector<16xi32>
    %and3A_2695 = arith.andi %gather3A_2688, %and3A_2694 : vector<16xi32>
    %add3A_2696 = arith.addi %add3A_2679, %and3A_2695 : vector<16xi32>
    %add3A_2697 = arith.constant 15 : i32
    %add3A_2698 = vector.broadcast %add3A_2697 : i32 to vector<16xi32>
    %add3A_2699 = arith.addi %mul3A_528, %add3A_2698 : vector<16xi32>
    %gather3A_2700 = tpu.vector_load_idx %arg24[%add3A_2699] : memref<256xf32, #tpu.memory_space<vmem>>[vector<16xi32>], vector<16xf32>,
    %add3A_2701 = arith.addf %add3A_2684, %gather3A_2700 : vector<16xf32>
    %convert_element_type3A = arith.sitofp %add3A_2692 : vector<16xi32> to vector<16xf32>
    %swap3A_2702 = arith.constant 0 : index
    %swap3A_2703 = tpu.vector_load %arg25[%swap3A_2702] {strides = array<i32>} : memref<16xf32, #tpu.memory_space<vmem>>, vector<16xf32>,
    tpu.vector_store %arg25[%swap3A_2702], %convert_element_type3A {strides = array<i32>} : memref<16xf32, #tpu.memory_space<vmem>>, vector<16xf32>,
    %convert_element_type3A_2704 = arith.sitofp %add3A_2696 : vector<16xi32> to vector<16xf32>
    %swap3A_2705 = arith.constant 0 : index
    %swap3A_2706 = tpu.vector_load %arg26[%swap3A_2705] {strides = array<i32>} : memref<16xf32, #tpu.memory_space<vmem>>, vector<16xf32>,
    tpu.vector_store %arg26[%swap3A_2705], %convert_element_type3A_2704 {strides = array<i32>} : memref<16xf32, #tpu.memory_space<vmem>>, vector<16xf32>,
    %swap3A_2707 = arith.constant 0 : index
    %swap3A_2708 = tpu.vector_load %arg27[%swap3A_2707] {strides = array<i32>} : memref<16xf32, #tpu.memory_space<vmem>>, vector<16xf32>,
    tpu.vector_store %arg27[%swap3A_2707], %add3A_2701 {strides = array<i32>} : memref<16xf32, #tpu.memory_space<vmem>>, vector<16xf32>,
    "tpu.region"() ({
      %run_scoped3A = tpu.sem_alloc : memref<!tpu.dma_semaphore, #tpu.memory_space<semaphore_mem>>
      %dma_start3A = arith.constant 0 : i32
      %dma_start3A_2709 = tpu.memref_slice %arg4[%add3A, %dma_start3A] : memref<32x16xf32, #tpu.memory_space<hbm>> -> memref<1x16xf32, #tpu.memory_space<hbm>>
      %dma_start3A_2710 = tpu.memref_squeeze %dma_start3A_2709 : memref<1x16xf32, #tpu.memory_space<hbm>> -> memref<16xf32, #tpu.memory_space<hbm>>
      %dma_start3A_2711 = arith.constant 0 : i32
      %dma_start3A_2712 = tpu.memref_slice %arg4[%add3A, %dma_start3A_2711] : memref<32x16xf32, #tpu.memory_space<hbm>> -> memref<1x16xf32, #tpu.memory_space<hbm>>
      %dma_start3A_2713 = tpu.memref_squeeze %dma_start3A_2712 : memref<1x16xf32, #tpu.memory_space<hbm>> -> memref<16xf32, #tpu.memory_space<hbm>>
      tpu.enqueue_dma source(%arg25 : memref<16xf32, #tpu.memory_space<vmem>>) target(%dma_start3A_2713 : memref<16xf32, #tpu.memory_space<hbm>>) target_semaphore(%run_scoped3A : memref<!tpu.dma_semaphore, #tpu.memory_space<semaphore_mem>>)
      %dma_wait3A = arith.constant 0 : i32
      %dma_wait3A_2714 = tpu.memref_slice %arg4[%add3A, %dma_wait3A] : memref<32x16xf32, #tpu.memory_space<hbm>> -> memref<1x16xf32, #tpu.memory_space<hbm>>
      %dma_wait3A_2715 = tpu.memref_squeeze %dma_wait3A_2714 : memref<1x16xf32, #tpu.memory_space<hbm>> -> memref<16xf32, #tpu.memory_space<hbm>>
      %dma_wait3A_2716 = arith.constant 0 : i32
      %dma_wait3A_2717 = tpu.memref_slice %arg4[%add3A, %dma_wait3A_2716] : memref<32x16xf32, #tpu.memory_space<hbm>> -> memref<1x16xf32, #tpu.memory_space<hbm>>
      %dma_wait3A_2718 = tpu.memref_squeeze %dma_wait3A_2717 : memref<1x16xf32, #tpu.memory_space<hbm>> -> memref<16xf32, #tpu.memory_space<hbm>>
      tpu.wait_dma2 semaphore(%run_scoped3A : memref<!tpu.dma_semaphore, #tpu.memory_space<semaphore_mem>>) src(%arg25 : memref<16xf32, #tpu.memory_space<vmem>>) dst(%dma_wait3A_2718 : memref<16xf32, #tpu.memory_space<hbm>>)
      tpu.yield
    }) : () -> ()
    "tpu.region"() ({
      %run_scoped3A = tpu.sem_alloc : memref<!tpu.dma_semaphore, #tpu.memory_space<semaphore_mem>>
      %dma_start3A = arith.constant 0 : i32
      %dma_start3A_2709 = tpu.memref_slice %arg5[%add3A, %dma_start3A] : memref<32x16xf32, #tpu.memory_space<hbm>> -> memref<1x16xf32, #tpu.memory_space<hbm>>
      %dma_start3A_2710 = tpu.memref_squeeze %dma_start3A_2709 : memref<1x16xf32, #tpu.memory_space<hbm>> -> memref<16xf32, #tpu.memory_space<hbm>>
      %dma_start3A_2711 = arith.constant 0 : i32
      %dma_start3A_2712 = tpu.memref_slice %arg5[%add3A, %dma_start3A_2711] : memref<32x16xf32, #tpu.memory_space<hbm>> -> memref<1x16xf32, #tpu.memory_space<hbm>>
      %dma_start3A_2713 = tpu.memref_squeeze %dma_start3A_2712 : memref<1x16xf32, #tpu.memory_space<hbm>> -> memref<16xf32, #tpu.memory_space<hbm>>
      tpu.enqueue_dma source(%arg26 : memref<16xf32, #tpu.memory_space<vmem>>) target(%dma_start3A_2713 : memref<16xf32, #tpu.memory_space<hbm>>) target_semaphore(%run_scoped3A : memref<!tpu.dma_semaphore, #tpu.memory_space<semaphore_mem>>)
      %dma_wait3A = arith.constant 0 : i32
      %dma_wait3A_2714 = tpu.memref_slice %arg5[%add3A, %dma_wait3A] : memref<32x16xf32, #tpu.memory_space<hbm>> -> memref<1x16xf32, #tpu.memory_space<hbm>>
      %dma_wait3A_2715 = tpu.memref_squeeze %dma_wait3A_2714 : memref<1x16xf32, #tpu.memory_space<hbm>> -> memref<16xf32, #tpu.memory_space<hbm>>
      %dma_wait3A_2716 = arith.constant 0 : i32
      %dma_wait3A_2717 = tpu.memref_slice %arg5[%add3A, %dma_wait3A_2716] : memref<32x16xf32, #tpu.memory_space<hbm>> -> memref<1x16xf32, #tpu.memory_space<hbm>>
      %dma_wait3A_2718 = tpu.memref_squeeze %dma_wait3A_2717 : memref<1x16xf32, #tpu.memory_space<hbm>> -> memref<16xf32, #tpu.memory_space<hbm>>
      tpu.wait_dma2 semaphore(%run_scoped3A : memref<!tpu.dma_semaphore, #tpu.memory_space<semaphore_mem>>) src(%arg26 : memref<16xf32, #tpu.memory_space<vmem>>) dst(%dma_wait3A_2718 : memref<16xf32, #tpu.memory_space<hbm>>)
      tpu.yield
    }) : () -> ()
    "tpu.region"() ({
      %run_scoped3A = tpu.sem_alloc : memref<!tpu.dma_semaphore, #tpu.memory_space<semaphore_mem>>
      %dma_start3A = arith.constant 0 : i32
      %dma_start3A_2709 = tpu.memref_slice %arg6[%add3A, %dma_start3A] : memref<32x16xf32, #tpu.memory_space<hbm>> -> memref<1x16xf32, #tpu.memory_space<hbm>>
      %dma_start3A_2710 = tpu.memref_squeeze %dma_start3A_2709 : memref<1x16xf32, #tpu.memory_space<hbm>> -> memref<16xf32, #tpu.memory_space<hbm>>
      %dma_start3A_2711 = arith.constant 0 : i32
      %dma_start3A_2712 = tpu.memref_slice %arg6[%add3A, %dma_start3A_2711] : memref<32x16xf32, #tpu.memory_space<hbm>> -> memref<1x16xf32, #tpu.memory_space<hbm>>
      %dma_start3A_2713 = tpu.memref_squeeze %dma_start3A_2712 : memref<1x16xf32, #tpu.memory_space<hbm>> -> memref<16xf32, #tpu.memory_space<hbm>>
      tpu.enqueue_dma source(%arg27 : memref<16xf32, #tpu.memory_space<vmem>>) target(%dma_start3A_2713 : memref<16xf32, #tpu.memory_space<hbm>>) target_semaphore(%run_scoped3A : memref<!tpu.dma_semaphore, #tpu.memory_space<semaphore_mem>>)
      %dma_wait3A = arith.constant 0 : i32
      %dma_wait3A_2714 = tpu.memref_slice %arg6[%add3A, %dma_wait3A] : memref<32x16xf32, #tpu.memory_space<hbm>> -> memref<1x16xf32, #tpu.memory_space<hbm>>
      %dma_wait3A_2715 = tpu.memref_squeeze %dma_wait3A_2714 : memref<1x16xf32, #tpu.memory_space<hbm>> -> memref<16xf32, #tpu.memory_space<hbm>>
      %dma_wait3A_2716 = arith.constant 0 : i32
      %dma_wait3A_2717 = tpu.memref_slice %arg6[%add3A, %dma_wait3A_2716] : memref<32x16xf32, #tpu.memory_space<hbm>> -> memref<1x16xf32, #tpu.memory_space<hbm>>
      %dma_wait3A_2718 = tpu.memref_squeeze %dma_wait3A_2717 : memref<1x16xf32, #tpu.memory_space<hbm>> -> memref<16xf32, #tpu.memory_space<hbm>>
      tpu.wait_dma2 semaphore(%run_scoped3A : memref<!tpu.dma_semaphore, #tpu.memory_space<semaphore_mem>>) src(%arg27 : memref<16xf32, #tpu.memory_space<vmem>>) dst(%dma_wait3A_2718 : memref<16xf32, #tpu.memory_space<hbm>>)
      tpu.yield
    }) : () -> ()
    return
  }
}

module attributes {stable_mosaic.version = 14 : i64} {
  func.func @_tc_finish(%arg0: memref<32x16xf32, #tpu.memory_space<vmem>>, %arg1: memref<32x16xf32, #tpu.memory_space<vmem>>, %arg2: memref<32x16xf32, #tpu.memory_space<vmem>>, %arg3: memref<1x1xf32, #tpu.memory_space<vmem>>) attributes {dimension_semantics = [], scalar_prefetch = 0 : i64, scratch_operands = 0 : i64, tpu.core_type = #tpu.core_type<tc>} {
    %get3A = arith.constant 0 : index
    %get3A_0 = arith.constant 0 : index
    %get3A_1 = vector.load %arg0[%get3A, %get3A_0] : memref<32x16xf32, #tpu.memory_space<vmem>>, vector<32x16xf32>
    %reduce_sum3A = arith.constant dense<0.000000e+00> : vector<16xf32>
    %reduce_sum3A_2 = vector.multi_reduction <add>, %get3A_1, %reduce_sum3A [0] : vector<32x16xf32> to vector<16xf32>
    %broadcast_in_dim3A = vector.shape_cast %reduce_sum3A_2 : vector<16xf32> to vector<1x16xf32>
    %get3A_3 = arith.constant 0 : index
    %get3A_4 = arith.constant 0 : index
    %get3A_5 = vector.load %arg1[%get3A_3, %get3A_4] : memref<32x16xf32, #tpu.memory_space<vmem>>, vector<32x16xf32>
    %reduce_sum3A_6 = arith.constant dense<0.000000e+00> : vector<16xf32>
    %reduce_sum3A_7 = vector.multi_reduction <add>, %get3A_5, %reduce_sum3A_6 [0] : vector<32x16xf32> to vector<16xf32>
    %broadcast_in_dim3A_8 = vector.shape_cast %reduce_sum3A_7 : vector<16xf32> to vector<1x16xf32>
    %get3A_9 = arith.constant 0 : index
    %get3A_10 = arith.constant 0 : index
    %get3A_11 = vector.load %arg2[%get3A_9, %get3A_10] : memref<32x16xf32, #tpu.memory_space<vmem>>, vector<32x16xf32>
    %reduce_sum3A_12 = arith.constant dense<0.000000e+00> : vector<16xf32>
    %reduce_sum3A_13 = vector.multi_reduction <add>, %get3A_11, %reduce_sum3A_12 [0] : vector<32x16xf32> to vector<16xf32>
    %broadcast_in_dim3A_14 = vector.shape_cast %reduce_sum3A_13 : vector<16xf32> to vector<1x16xf32>
    %iota3A = tpu.iota {dimensions = array<i32: 1>} : vector<1x16xi32>
    %lt3A = arith.constant 10 : i32
    %lt3A_15 = vector.broadcast %lt3A : i32 to vector<1x16xi32>
    %lt3A_16 = arith.cmpi slt, %iota3A, %lt3A_15 : vector<1x16xi32>
    %gt3A = arith.constant 0.000000e+00 : f32
    %gt3A_17 = vector.broadcast %gt3A : f32 to vector<1x16xf32>
    %gt3A_18 = arith.cmpf ogt, %broadcast_in_dim3A, %gt3A_17 : vector<1x16xf32>
    %and3A = arith.andi %gt3A_18, %lt3A_16 : vector<1x16xi1>
    %jit3A = arith.constant 1.000000e+00 : f32
    %broadcast_in_dim3A_19 = vector.broadcast %jit3A : f32 to vector<1x16xf32>
    %select_n3A = arith.select %and3A, %broadcast_in_dim3A, %broadcast_in_dim3A_19 : vector<1x16xi1>, vector<1x16xf32>
    %div3A = arith.divf %broadcast_in_dim3A_8, %select_n3A : vector<1x16xf32>
    %jit3A_20 = arith.constant 0.000000e+00 : f32
    %broadcast_in_dim3A_21 = vector.broadcast %jit3A_20 : f32 to vector<1x16xf32>
    %select_n3A_22 = arith.select %and3A, %div3A, %broadcast_in_dim3A_21 : vector<1x16xi1>, vector<1x16xf32>
    %div3A_23 = arith.divf %broadcast_in_dim3A_14, %select_n3A : vector<1x16xf32>
    %jit3A_24 = arith.constant 0.000000e+00 : f32
    %broadcast_in_dim3A_25 = vector.broadcast %jit3A_24 : f32 to vector<1x16xf32>
    %select_n3A_26 = arith.select %and3A, %div3A_23, %broadcast_in_dim3A_25 : vector<1x16xi1>, vector<1x16xf32>
    %sub3A = arith.subf %select_n3A_22, %select_n3A_26 : vector<1x16xf32>
    %abs3A = math.absf %sub3A : vector<1x16xf32>
    %jit3A_27 = arith.constant 0.000000e+00 : f32
    %broadcast_in_dim3A_28 = vector.broadcast %jit3A_27 : f32 to vector<1x16xf32>
    %select_n3A_29 = arith.select %lt3A_16, %broadcast_in_dim3A, %broadcast_in_dim3A_28 : vector<1x16xi1>, vector<1x16xf32>
    %reduce_sum3A_30 = arith.constant dense<0.000000e+00> : vector<1xf32>
    %reduce_sum3A_31 = vector.multi_reduction <add>, %select_n3A_29, %reduce_sum3A_30 [1] : vector<1x16xf32> to vector<1xf32>
    %broadcast_in_dim3A_32 = vector.shape_cast %reduce_sum3A_31 : vector<1xf32> to vector<1x1xf32>
    %mul3A = arith.mulf %select_n3A_29, %abs3A : vector<1x16xf32>
    %reduce_sum3A_33 = arith.constant dense<0.000000e+00> : vector<1xf32>
    %reduce_sum3A_34 = vector.multi_reduction <add>, %mul3A, %reduce_sum3A_33 [1] : vector<1x16xf32> to vector<1xf32>
    %broadcast_in_dim3A_35 = vector.shape_cast %reduce_sum3A_34 : vector<1xf32> to vector<1x1xf32>
    %div3A_36 = arith.divf %broadcast_in_dim3A_35, %broadcast_in_dim3A_32 : vector<1x1xf32>
    %swap3A = arith.constant 0 : index
    %swap3A_37 = arith.constant 0 : index
    %swap3A_38 = vector.load %arg3[%swap3A, %swap3A_37] : memref<1x1xf32, #tpu.memory_space<vmem>>, vector<1x1xf32>
    tpu.vector_store %arg3[%swap3A, %swap3A_37], %div3A_36 {strides = array<i32>} : memref<1x1xf32, #tpu.memory_space<vmem>>, vector<1x1xf32>,
    return
  }
}

</mosaic_0001>

<sc_bundles>
// kernel: kernel.4.cloned.1.call-start
scs
__scs_entry_jumppad:
0x0: {  	(pc) =	sbr.rel $0x88, $3  }
0x1: {  	(tag) =	ssettag $0x0;
	lr =	simm.s32 $0x1  }
0x2: {  	[smem:$0x3F9F] =	sst lr;
	_ =	strace $0xD0000000  }
0x3: {  	_ = 	snop  }
0x4: {  	_ = 	snop  }
0x5: {  	_ = 	snop  }
0x6: {  	_ = 	snop  }
0x7: {  	_ = 	snop  }
__scs_overlays_trampoline_lowered:
0x8: {  	[smem:$0x3FAE] =	sst s0  }
0x9: {  	[smem:$0x3FAF] =	sst s1  }
0xa: {  	[smem:$0x3FB0] =	sst s2  }
0xb: {  	[smem:$0x3FB1] =	sst s3  }
0xc: {  	[smem:$0x3FB2] =	sst s4  }
0xd: {  	[smem:$0x3FB3] =	sst s5  }
0xe: {  	[smem:$0x3FB4] =	sst s6  }
0xf: {  	[smem:$0x3FB5] =	sst s7  }
0x10: {  	[smem:$0x3FB6] =	sst s8  }
0x11: {  	[smem:$0x3FB7] =	sst s9;
	s0 =	simm.s32 @!p0 $0x0  }
0x12: {  	s1 =	sld [smem:$0x3F9D];
	s0 =	simm.s32 @p0 $0x1  }
0x13: {  	[smem:$0x3FB8] =	sst s0;
	s0 =	simm.s32 @!p1 $0x0  }
0x14: {  	s2 =	sld [smem:$0x3F9C];
	s0 =	simm.s32 @p1 $0x1  }
0x15: {  	[smem:$0x3FB9] =	sst s0;
	s0 =	simm.s32 @!p2 $0x0  }
0x16: {  	s3 =	sld [smem:$0x3FDB];
	s0 =	simm.s32 @p2 $0x1  }
0x17: {  	s4 =	simm.s32 $0x1BF5;
	[smem:$0x3FBB] =	sst s0  }
0x18: {  	s0 =	sld [smem:$0x3F9E];
	_ =	swait.ge [sflag:s4], $0x0  }
0x19: {  	s7 =	sld [smem:$0x3F9F]  }
0x1a: {  	s8 =	sadd.s32 $0xFFFFE003, lr  }
0x1b: {  	s9 =	sadd.s32 $0xFFFFFEF7, lr;
	s5 =	simm.s32 $0xFFFFFFFF;
	p2 =	slt.u32 s8, $0xFFFFF086  }
0x1c: {  	p1 =	slt.u32 s9, $0xF7A;
	s5 =	simm.s32 @!p2 $0x0  }
0x1d: {  	s5 =	simm.s32 @p1 $0x1;
	p0 =	seq.s32 s7, s2  }
0x1e: {  	s7 =	smul.u32 @!p0 $0xF7A, s2;
	p2 =	seq.s32 @!p0 s5, $0x0  }
0x1f: {  	s9 =	smul.u32 $0xF7A, s1;
	s8 =	simm.s32 @!p0 $0x1BF5;
	p2 =	por !p2, p0  }
0x20: {  	[sflag:s8] =	ssyncset.s32 @!p0 $0xFFFFF086;
	s6 =	sadd.s32 @!p0 s3, s7;
	s7 =	simm.s32 @!p0 $0x108  }
0x21: {  	s3 =	sadd.s32 s3, s9;
	s6 =	sadd.s32 @!p0 $0x88, s6;
	s7 =	simm.s32 @p2 $0x1082  }
0x22: {  	[simem:s7], [sflag:s8] =	dma.local @!p0 [hbm:s6], $0xF7A  }
0x23: {  	s9 =	sor.u32 $0xD0000000, s2;
	s6 =	simm.s32 $0x108;
	_ =	swait.ge @!p0 [sflag:s8], $0x0  }
0x24: {  	s3 =	sadd.s32 $0x88, s3;
	s6 =	simm.s32 @!p1 $0x1082;
	[sflag:s4] =	ssyncset.s32 $0xFFFFF086  }
0x25: {  	[simem:s6], [sflag:s4] =	dma.local [hbm:s3], $0xF7A  }
0x26: {  	[smem:$0x3F9F] =	sst s1;
	(tag) =	ssettag s2;
	_ =	strace s9  }
0x27: {  	s1 =	sld [smem:$0x3FAF]  }
0x28: {  	s2 =	sld [smem:$0x3FB0]  }
0x29: {  	s4 =	sld [smem:$0x3FB2]  }
0x2a: {  	p0 =	seq.s32 s5, $0x0;
	s5 =	sld [smem:$0x3FB3]  }
0x2b: {  	s6 =	sld [smem:$0x3FB4]  }
0x2c: {  	s7 =	sld [smem:$0x3FB5]  }
0x2d: {  	s3 =	simm.s32 $0x108;
	s8 =	sld [smem:$0x3FB6]  }
0x2e: {  	s3 =	simm.s32 @!p0 $0x1082;
	s9 =	sld [smem:$0x3FB7]  }
0x2f: {  	lr =	sadd.s32 s0, s3;
	s0 =	sld [smem:$0x3FAE]  }
0x30: {  	s3 =	sld [smem:$0x3FB1]  }
0x31: {  	[smem:$0x3FBA] =	sst s10  }
0x32: {  	s10 =	sld [smem:$0x3FB8];
	_ =	sdelay $0x3  }
0x33: {  	p0 =	seq.s32 s10, $0x1;
	s10 =	sld [smem:$0x3FBA];
	_ =	sdelay $0x3  }
0x34: {  	[smem:$0x3FBA] =	sst s10  }
0x35: {  	s10 =	sld [smem:$0x3FB9];
	_ =	sdelay $0x3  }
0x36: {  	p1 =	seq.s32 s10, $0x1;
	s10 =	sld [smem:$0x3FBA];
	_ =	sdelay $0x3  }
0x37: {  	[smem:$0x3FBA] =	sst s10  }
0x38: {  	s10 =	sld [smem:$0x3FBB]  }
0x39: {  	_ = 	snop;
	(pc) =	sbr.ind lr, $3  }
0x3a: {  	_ = 	snop  }
0x3b: {  	_ = 	snop  }
0x3c: {  	p2 =	seq.s32 s10, $0x1;
	s10 =	sld [smem:$0x3FBA]  }
0x3d: {  	_ =	shalt  }
0x3e: {  	_ =	shalt  }
0x3f: {  	_ =	shalt  }
0x40: {  	_ =	shalt  }
0x41: {  	_ =	shalt  }
0x42: {  	_ =	shalt  }
0x43: {  	_ =	shalt  }
0x44: {  	_ =	shalt  }
0x45: {  	_ =	shalt  }
0x46: {  	_ =	shalt  }
0x47: {  	_ =	shalt  }
0x48: {  	_ =	shalt  }
0x49: {  	_ =	shalt  }
0x4a: {  	_ =	shalt  }
0x4b: {  	_ =	shalt  }
0x4c: {  	_ =	shalt  }
0x4d: {  	_ =	shalt  }
0x4e: {  	_ =	shalt  }
0x4f: {  	_ =	shalt  }
0x50: {  	_ =	shalt  }
0x51: {  	_ =	shalt  }
0x52: {  	_ =	shalt  }
0x53: {  	_ =	shalt  }
0x54: {  	_ =	shalt  }
0x55: {  	_ =	shalt  }
0x56: {  	_ =	shalt  }
0x57: {  	_ =	shalt  }
0x58: {  	_ =	shalt  }
0x59: {  	_ =	shalt  }
0x5a: {  	_ =	shalt  }
0x5b: {  	_ =	shalt  }
0x5c: {  	_ =	shalt  }
0x5d: {  	_ =	shalt  }
0x5e: {  	_ =	shalt  }
0x5f: {  	_ =	shalt  }
0x60: {  	_ =	shalt  }
0x61: {  	_ =	shalt  }
0x62: {  	_ =	shalt  }
0x63: {  	_ =	shalt  }
0x64: {  	_ =	shalt  }
0x65: {  	_ =	shalt  }
0x66: {  	_ =	shalt  }
0x67: {  	_ =	shalt  }
0x68: {  	_ =	shalt  }
0x69: {  	_ =	shalt  }
0x6a: {  	_ =	shalt  }
0x6b: {  	_ =	shalt  }
0x6c: {  	_ =	shalt  }
0x6d: {  	_ =	shalt  }
0x6e: {  	_ =	shalt  }
0x6f: {  	_ =	shalt  }
0x70: {  	_ =	shalt  }
0x71: {  	_ =	shalt  }
0x72: {  	_ =	shalt  }
0x73: {  	_ =	shalt  }
0x74: {  	_ =	shalt  }
0x75: {  	_ =	shalt  }
0x76: {  	_ =	shalt  }
0x77: {  	_ =	shalt  }
0x78: {  	_ =	shalt  }
0x79: {  	_ =	shalt  }
0x7a: {  	_ =	shalt  }
0x7b: {  	_ =	shalt  }
0x7c: {  	_ =	shalt  }
0x7d: {  	_ =	shalt  }
0x7e: {  	_ =	shalt  }
0x7f: {  	_ =	shalt  }
0x80: {  	_ =	shalt  }
0x81: {  	_ =	shalt  }
0x82: {  	_ =	shalt  }
0x83: {  	_ =	shalt  }
0x84: {  	_ =	shalt  }
0x85: {  	_ =	shalt  }
0x86: {  	_ =	shalt  }
0x87: {  	_ =	shalt  }
.Lfunc_end0:
.L_simem_size_0:
called_computation_lowered:
.L_overlay_start_0:
0x88: {  	s2 =	sld [smem:$0x3FD9]  }
0x89: {  	s3 =	sld [smem:$0x3FFE];
	_ =	sdelay $0x1  }
0x8a: {  	s1 =	srdreg.scid  }
0x8b: {  	s0 =	sand.u32 $0x1, s1  }
0x8c: {  	s17 =	sshll.u32 s0, $0xA;
	s2 =	sadd.s32 s3, s2  }
0x8d: {  	s2 =	sadd.s32 s2, s17  }
0x8e: {  	[smem:$0x3FC6] =	sst s2  }
0x8f: {  	_ = 	snop  }
0x90: {  	s2 =	sld [smem:$0x3FC9]  }
0x91: {  	s18 =	sld [smem:$0x3FC8];
	(tm) =	ssettm $0x1  }
0x92: {  	s4 =	sld [smem:$0x3FFB];
	_ =	sdelay $0x3  }
0x93: {  	_ =	strace s4  }
0x94: {  	s4 =	sld [smem:$0x3FFC];
	_ =	sdelay $0x3  }
0x95: {  	_ =	strace s4  }
0x96: {  	s4 =	sld [smem:$0x3FFD];
	_ =	sdelay $0x3  }
0x97: {  	_ =	strace s4  }
0x98: {  	_ =	strace $0x8FFFFFFF  }
0x99: {  	s19 =	sld [smem:$0x3FDB];
	_ =	sdelay $0x1  }
0x9a: {  	s5 =	simm.s32 $_scs_section_size  }
0x9b: {  	s6 =	simm.s32 $_size__tile_overlayer_lowered;
	s7 =	simm.s32 $_tile_overlayer_lowered  }
0x9c: {  	s22 =	simm.s32 $0x1BFF;
	s21 =	sshll.u32 s7, $0x1;
	s4 =	sadd.s32 s5, s19  }
0x9d: {  	s8 =	simm.s32 $0x0;
	s20 =	sshll.u32 s6, $0x1;
	s6 =	sadd.s32 s21, s4  }
0x9e: {  	[timem:s8], [sflag:s22] =	dma.local [hbm:s6], s20  }
0x9f: {  	_ =	swait.ge [sflag:s22], s20  }
0xa0: {  	s5 =	ssub.s32 $0x0, s20;
	[sflag:s22] =	ssyncset.done $0x0  }
0xa1: {  	[sflag:s22] =	ssyncadd.s32 s5;
	_ =	sdelay $0x1  }
0xa2: {  	s23 =	simm.s32 $0x1B8B  }
0xa3: {  	_ =	swait.ge [sflag:s23], $0x1  }
0xa4: {  	[sflag:s23] =	ssyncset.done $0x0  }
0xa5: {  	s25 =	simm.s32 $0x1B8E;
	s24 =	sld [smem:$0x3FFE];
	[sflag:s23] =	ssyncadd.s32 $0xFFFFFFFF  }
0xa6: {  	s26 =	simm.s32 $execute0_lowered;
	[smem:$0x3FD2] =	sst s25  }
0xa7: {  	s6 =	sshll.u32 s26, $0x1;
	_ =	strace $0x80000046;
	[dreg:$0x1] =	wrdreg $0xFFFFFFFF  }
0xa8: {  	s28 =	simm.s32 $_size_execute0_lowered;
	s4 =	sadd.s32 s4, s6;
	[dreg:$0x0] =	wrdreg $0x0  }
0xa9: {  	s6 =	sshll.u32 s28, $0x1;
	[dreg:$0x2] =	wrdreg s4  }
0xaa: {  	[dreg:$0x3] =	wrdreg s6  }
0xab: {  	[dreg:$0x4] =	wrdreg $0xC0  }
0xac: {  	_ =	task [dreg:s8], $0x5FFFF  }
0xad: {  	[dreg:$0x1] =	wrdreg $0xFFFFFFFF  }
0xae: {  	[dreg:$0x0] =	wrdreg $0x60  }
0xaf: {  	[dreg:$0x2] =	wrdreg s2  }
0xb0: {  	[dreg:$0x3] =	wrdreg s18  }
0xb1: {  	[dreg:$0x4] =	wrdreg s24  }
0xb2: {  	[dreg:$0x5] =	wrdreg $0x9  }
0xb3: {  	_ =	task.clear_ibuf [dreg:s8], $0x6FFFF;
	_ =	strace $0x90000046  }
0xb4: {  	s29 =	simm.s32 $0x9;
	_ =	strace $0x80000048  }
0xb5: {  	_ =	swait.ge [sflag:s29], $0x1  }
0xb6: {  	[sflag:s29] =	ssyncadd.s32 $0xFFFFFFFF  }
0xb7: {  	_ =	strace $0x90000048  }
0xb8: {  	_ =	sfence  }
0xb9: {  	s30 =	sld [smem:$0x0];
	_ =	sdelay $0x2  }
0xba: {  	s31 =	sshll.u32 s1, $0xD;
	s1 =	sshrl.u32 s1, $0x2  }
0xbb: {  	s3 =	sand.u32 $0x4000, s31;
	s1 =	sadd.s32 s1, s30  }
0xbc: {  	s0 =	sor.u32 s3, s0;
	s1 =	sshll.u32 s1, $0x11  }
0xbd: {  	s0 =	sor.u32 s1, s0  }
0xbe: {  	s0 =	sadd.s32 $0x8F2B, s0  }
0xbf: {  	[sflag:s0] =	ssyncadd.remote.s32 $0x1  }
0xc0: {  	_ =	sfence.sel $0xFFFF  }
0xc1: {  	[dreg:$0x0] =	wrdreg $0xFFFFFFFF;
	(pc) =	sbr.abs _section_cstart, $3  }
0xc2: {  	[dreg:$0x1] =	wrdreg $0xFFFFFFFF  }
0xc3: {  	_ =	task.clear_ibuf [dreg:s8], $0x2FFFF;
	_ =	strace $0x9FFFFFFF  }
0xc4: {  	(tm) =	ssettm $0x7FFFFFFF  }
0xc5: {  	_ =	shalt  }
tec
execute0_lowered:
.L_overlay_start_1:
0x0: {  	(tag) =	ssettag $0x1  }
0x1: {  	s0 =	rddreg [dreg:$0x0]  }
0x2: {  	s4 =	rddreg [dreg:$0x1]  }
0x3: {  	s1 =	srdreg.scid;
	s3 =	rddreg [dreg:$0x2]  }
0x4: {  	s7 =	stileid.u32;
	s9 =	simm.s32 $0x1;
	s11 =	simm.s32 $0x18000  }
0x5: {  	s12 =	simm.s32 $0x18100;
	s13 =	simm.s32 $0x18200;
	s14 =	simm.s32 $0x18300  }
0x6: {  	s15 =	simm.s32 $0x18400;
	s16 =	simm.s32 $0x18500;
	s17 =	simm.s32 $0x18600  }
0x7: {  	s18 =	simm.s32 $0x18700;
	s19 =	simm.s32 $0x18800;
	s20 =	simm.s32 $0x18900  }
0x8: {  	s21 =	simm.s32 $0x18A00;
	s22 =	simm.s32 $0x18B00;
	s23 =	simm.s32 $0x18C00  }
0x9: {  	s28 =	simm.s32 $0x19000;
	s29 =	simm.s32 $0x19080;
	s1 =	sand.u32 $0x1, s1  }
0xa: {  	s30 =	simm.s32 $0x19100;
	s31 =	simm.s32 $0x0;
	s2 =	sshll.u32 s1, $0x4  }
0xb: {  	v0 =	vlaneseq.u32;
	s1 =	ssub.s32 $0x2, s1;
	s5 =	sor.u32 s7, s2;
	s2 =	simm.s32 $0x0  }
0xc: {  	v1 =	vmul.u32 $0x10, v0;
	s7 =	sshll.u32 s7, $0x4;
	s24 =	sshrl.u32 s1, $0x1;
	s6 =	sshll.u32 s5, $0x4  }
0xd: {  	v2 =	vimm.s32 $0x0;
	v3 =	vimm.f32 $0.0e+00;
	[smem:$0x7FF] =	sst s2;
	s7 =	sand.u32 $0x70, s7;
	s25 =	sshll.u32 s5, $0xD  }
0xe: {  	v4 =	vor.u32 $0x1, v1;
	v5 =	vor.u32 $0x2, v1;
	v6 =	vor.u32 $0x3, v1;
	s1 =	ssub.s32 s1, s24;
	s26 =	sshll.u32 s5, $0xC;
	s24 =	simm.s32 $0x18D00  }
0xf: {  	v7 =	vor.u32 $0x4, v1;
	v8 =	vor.u32 $0x5, v1;
	v9 =	vor.u32 $0x6, v1;
	s6 =	sand.u32 $0x180, s6;
	_ =	strace $0x80000047;
	s4 =	sadd.s32 s4, s26  }
0x10: {  	v10 =	vor.u32 $0x7, v1;
	v11 =	vor.u32 $0x8, v1;
	v12 =	vor.u32 $0x9, v1;
	s8 =	smax.u32 s1, $0x1;
	s26 =	simm.s32 $0x18F00;
	s6 =	sor.u32 s7, s6  }
0x11: {  	v13 =	vor.u32 $0xA, v1;
	v14 =	vor.u32 $0xB, v1;
	v15 =	vor.u32 $0xC, v1;
	s7 =	sadd.s32 s6, s3;
	s3 =	sadd.s32 s0, s25;
	s25 =	simm.s32 $0x18E00  }
0x12: {  	v16 =	vor.u32 $0xD, v1;
	v17 =	vor.u32 $0xE, v1;
	v18 =	vor.u32 $0xF, v1;
	s5 =	sadd.s32 $0xE00, s7;
	s6 =	sadd.s32 $0x1000, s7;
	s7 =	sadd.s32 $0x1200, s7  }
.LBB2_1:
0x13: {  	[tilespmem:s2], [sflag:$0x1] =	stream.linear.gather [hbm4b:s3+s2], $0x10000, $0x38;
	[tilespmem:$0x19180] =	vst v63  }
0x14: {  	_ =	swait.ge [sflag:s9], $0x10000  }
0x15: {  	[sflag:s9] =	ssyncset.done $0x0  }
0x16: {  	s0 =	simm.s32 $0x10000;
	[sflag:s9] =	ssyncadd.s32 $0xFFFF0000  }
0x17: {  	[tilespmem:s0], [sflag:$0x1] =	stream.linear.gather [hbm4b:s4+s2], $0x8000, $0x38;
	[tilespmem:$0x19180] =	vst v63  }
0x18: {  	_ =	swait.ge [sflag:s9], $0x8000  }
0x19: {  	[sflag:s9] =	ssyncset.done $0x0  }
0x1a: {  	[sflag:s9] =	ssyncadd.s32 $0xFFFF8000  }
0x1b: {  	[tilespmem:$0x18000] =	vst v2  }
0x1c: {  	[tilespmem:$0x18800] =	vst v3  }
0x1d: {  	[tilespmem:$0x18100] =	vst v2  }
0x1e: {  	[tilespmem:$0x18900] =	vst v3  }
0x1f: {  	[tilespmem:$0x18200] =	vst v2  }
0x20: {  	[tilespmem:$0x18A00] =	vst v3  }
0x21: {  	[tilespmem:$0x18300] =	vst v2  }
0x22: {  	[tilespmem:$0x18B00] =	vst v3  }
0x23: {  	[tilespmem:$0x18400] =	vst v2  }
0x24: {  	[tilespmem:$0x18C00] =	vst v3  }
0x25: {  	[tilespmem:$0x18500] =	vst v2  }
0x26: {  	[tilespmem:$0x18D00] =	vst v3  }
0x27: {  	[tilespmem:$0x18600] =	vst v2  }
0x28: {  	[tilespmem:$0x18E00] =	vst v3  }
0x29: {  	[tilespmem:$0x18700] =	vst v2  }
0x2a: {  	[tilespmem:$0x18F00] =	vst v3  }
0x2b: {  	[tilespmem:$0x18010] =	vst v2  }
0x2c: {  	[tilespmem:$0x18810] =	vst v3  }
0x2d: {  	[tilespmem:$0x18110] =	vst v2  }
0x2e: {  	[tilespmem:$0x18910] =	vst v3  }
0x2f: {  	[tilespmem:$0x18210] =	vst v2  }
0x30: {  	[tilespmem:$0x18A10] =	vst v3  }
0x31: {  	[tilespmem:$0x18310] =	vst v2  }
0x32: {  	[tilespmem:$0x18B10] =	vst v3  }
0x33: {  	[tilespmem:$0x18410] =	vst v2  }
0x34: {  	[tilespmem:$0x18C10] =	vst v3  }
0x35: {  	[tilespmem:$0x18510] =	vst v2  }
0x36: {  	[tilespmem:$0x18D10] =	vst v3  }
0x37: {  	[tilespmem:$0x18610] =	vst v2  }
0x38: {  	[tilespmem:$0x18E10] =	vst v3  }
0x39: {  	[tilespmem:$0x18710] =	vst v2  }
0x3a: {  	[tilespmem:$0x18F10] =	vst v3  }
0x3b: {  	[tilespmem:$0x18020] =	vst v2  }
0x3c: {  	[tilespmem:$0x18820] =	vst v3  }
0x3d: {  	[tilespmem:$0x18120] =	vst v2  }
0x3e: {  	[tilespmem:$0x18920] =	vst v3  }
0x3f: {  	[tilespmem:$0x18220] =	vst v2  }
0x40: {  	[tilespmem:$0x18A20] =	vst v3  }
0x41: {  	[tilespmem:$0x18320] =	vst v2  }
0x42: {  	[tilespmem:$0x18B20] =	vst v3  }
0x43: {  	[tilespmem:$0x18420] =	vst v2  }
0x44: {  	[tilespmem:$0x18C20] =	vst v3  }
0x45: {  	[tilespmem:$0x18520] =	vst v2  }
0x46: {  	[tilespmem:$0x18D20] =	vst v3  }
0x47: {  	[tilespmem:$0x18620] =	vst v2  }
0x48: {  	[tilespmem:$0x18E20] =	vst v3  }
0x49: {  	[tilespmem:$0x18720] =	vst v2  }
0x4a: {  	[tilespmem:$0x18F20] =	vst v3  }
0x4b: {  	[tilespmem:$0x18030] =	vst v2  }
0x4c: {  	[tilespmem:$0x18830] =	vst v3  }
0x4d: {  	[tilespmem:$0x18130] =	vst v2  }
0x4e: {  	[tilespmem:$0x18930] =	vst v3  }
0x4f: {  	[tilespmem:$0x18230] =	vst v2  }
0x50: {  	[tilespmem:$0x18A30] =	vst v3  }
0x51: {  	[tilespmem:$0x18330] =	vst v2  }
0x52: {  	[tilespmem:$0x18B30] =	vst v3  }
0x53: {  	[tilespmem:$0x18430] =	vst v2  }
0x54: {  	[tilespmem:$0x18C30] =	vst v3  }
0x55: {  	[tilespmem:$0x18530] =	vst v2  }
0x56: {  	[tilespmem:$0x18D30] =	vst v3  }
0x57: {  	[tilespmem:$0x18630] =	vst v2  }
0x58: {  	[tilespmem:$0x18E30] =	vst v3  }
0x59: {  	[tilespmem:$0x18730] =	vst v2  }
0x5a: {  	[tilespmem:$0x18F30] =	vst v3  }
0x5b: {  	[tilespmem:$0x18040] =	vst v2  }
0x5c: {  	[tilespmem:$0x18840] =	vst v3  }
0x5d: {  	[tilespmem:$0x18140] =	vst v2  }
0x5e: {  	[tilespmem:$0x18940] =	vst v3  }
0x5f: {  	[tilespmem:$0x18240] =	vst v2  }
0x60: {  	[tilespmem:$0x18A40] =	vst v3  }
0x61: {  	[tilespmem:$0x18340] =	vst v2  }
0x62: {  	[tilespmem:$0x18B40] =	vst v3  }
0x63: {  	[tilespmem:$0x18440] =	vst v2  }
0x64: {  	[tilespmem:$0x18C40] =	vst v3  }
0x65: {  	[tilespmem:$0x18540] =	vst v2  }
0x66: {  	[tilespmem:$0x18D40] =	vst v3  }
0x67: {  	[tilespmem:$0x18640] =	vst v2  }
0x68: {  	[tilespmem:$0x18E40] =	vst v3  }
0x69: {  	[tilespmem:$0x18740] =	vst v2  }
0x6a: {  	[tilespmem:$0x18F40] =	vst v3  }
0x6b: {  	[tilespmem:$0x18050] =	vst v2  }
0x6c: {  	[tilespmem:$0x18850] =	vst v3  }
0x6d: {  	[tilespmem:$0x18150] =	vst v2  }
0x6e: {  	[tilespmem:$0x18950] =	vst v3  }
0x6f: {  	[tilespmem:$0x18250] =	vst v2  }
0x70: {  	[tilespmem:$0x18A50] =	vst v3  }
0x71: {  	[tilespmem:$0x18350] =	vst v2  }
0x72: {  	[tilespmem:$0x18B50] =	vst v3  }
0x73: {  	[tilespmem:$0x18450] =	vst v2  }
0x74: {  	[tilespmem:$0x18C50] =	vst v3  }
0x75: {  	[tilespmem:$0x18550] =	vst v2  }
0x76: {  	[tilespmem:$0x18D50] =	vst v3  }
0x77: {  	[tilespmem:$0x18650] =	vst v2  }
0x78: {  	[tilespmem:$0x18E50] =	vst v3  }
0x79: {  	[tilespmem:$0x18750] =	vst v2  }
0x7a: {  	[tilespmem:$0x18F50] =	vst v3  }
0x7b: {  	[tilespmem:$0x18060] =	vst v2  }
0x7c: {  	[tilespmem:$0x18860] =	vst v3  }
0x7d: {  	[tilespmem:$0x18160] =	vst v2  }
0x7e: {  	[tilespmem:$0x18960] =	vst v3  }
0x7f: {  	[tilespmem:$0x18260] =	vst v2  }
0x80: {  	[tilespmem:$0x18A60] =	vst v3  }
0x81: {  	[tilespmem:$0x18360] =	vst v2  }
0x82: {  	[tilespmem:$0x18B60] =	vst v3  }
0x83: {  	[tilespmem:$0x18460] =	vst v2  }
0x84: {  	[tilespmem:$0x18C60] =	vst v3  }
0x85: {  	[tilespmem:$0x18560] =	vst v2  }
0x86: {  	[tilespmem:$0x18D60] =	vst v3  }
0x87: {  	[tilespmem:$0x18660] =	vst v2  }
0x88: {  	[tilespmem:$0x18E60] =	vst v3  }
0x89: {  	[tilespmem:$0x18760] =	vst v2  }
0x8a: {  	[tilespmem:$0x18F60] =	vst v3  }
0x8b: {  	[tilespmem:$0x18070] =	vst v2  }
0x8c: {  	[tilespmem:$0x18870] =	vst v3  }
0x8d: {  	[tilespmem:$0x18170] =	vst v2  }
0x8e: {  	[tilespmem:$0x18970] =	vst v3  }
0x8f: {  	[tilespmem:$0x18270] =	vst v2  }
0x90: {  	[tilespmem:$0x18A70] =	vst v3  }
0x91: {  	[tilespmem:$0x18370] =	vst v2  }
0x92: {  	[tilespmem:$0x18B70] =	vst v3  }
0x93: {  	[tilespmem:$0x18470] =	vst v2  }
0x94: {  	[tilespmem:$0x18C70] =	vst v3  }
0x95: {  	[tilespmem:$0x18570] =	vst v2  }
0x96: {  	[tilespmem:$0x18D70] =	vst v3  }
0x97: {  	[tilespmem:$0x18670] =	vst v2  }
0x98: {  	[tilespmem:$0x18E70] =	vst v3  }
0x99: {  	[tilespmem:$0x18770] =	vst v2  }
0x9a: {  	[tilespmem:$0x18F70] =	vst v3  }
0x9b: {  	[tilespmem:$0x18080] =	vst v2  }
0x9c: {  	[tilespmem:$0x18880] =	vst v3  }
0x9d: {  	[tilespmem:$0x18180] =	vst v2  }
0x9e: {  	[tilespmem:$0x18980] =	vst v3  }
0x9f: {  	[tilespmem:$0x18280] =	vst v2  }
0xa0: {  	[tilespmem:$0x18A80] =	vst v3  }
0xa1: {  	[tilespmem:$0x18380] =	vst v2  }
0xa2: {  	[tilespmem:$0x18B80] =	vst v3  }
0xa3: {  	[tilespmem:$0x18480] =	vst v2  }
0xa4: {  	[tilespmem:$0x18C80] =	vst v3  }
0xa5: {  	[tilespmem:$0x18580] =	vst v2  }
0xa6: {  	[tilespmem:$0x18D80] =	vst v3  }
0xa7: {  	[tilespmem:$0x18680] =	vst v2  }
0xa8: {  	[tilespmem:$0x18E80] =	vst v3  }
0xa9: {  	[tilespmem:$0x18780] =	vst v2  }
0xaa: {  	[tilespmem:$0x18F80] =	vst v3  }
0xab: {  	[tilespmem:$0x18090] =	vst v2  }
0xac: {  	[tilespmem:$0x18890] =	vst v3  }
0xad: {  	[tilespmem:$0x18190] =	vst v2  }
0xae: {  	[tilespmem:$0x18990] =	vst v3  }
0xaf: {  	[tilespmem:$0x18290] =	vst v2  }
0xb0: {  	[tilespmem:$0x18A90] =	vst v3  }
0xb1: {  	[tilespmem:$0x18390] =	vst v2  }
0xb2: {  	[tilespmem:$0x18B90] =	vst v3  }
0xb3: {  	[tilespmem:$0x18490] =	vst v2  }
0xb4: {  	[tilespmem:$0x18C90] =	vst v3  }
0xb5: {  	[tilespmem:$0x18590] =	vst v2  }
0xb6: {  	[tilespmem:$0x18D90] =	vst v3  }
0xb7: {  	[tilespmem:$0x18690] =	vst v2  }
0xb8: {  	[tilespmem:$0x18E90] =	vst v3  }
0xb9: {  	[tilespmem:$0x18790] =	vst v2  }
0xba: {  	[tilespmem:$0x18F90] =	vst v3  }
0xbb: {  	[tilespmem:$0x180A0] =	vst v2  }
0xbc: {  	[tilespmem:$0x188A0] =	vst v3  }
0xbd: {  	[tilespmem:$0x181A0] =	vst v2  }
0xbe: {  	[tilespmem:$0x189A0] =	vst v3  }
0xbf: {  	[tilespmem:$0x182A0] =	vst v2  }
0xc0: {  	[tilespmem:$0x18AA0] =	vst v3  }
0xc1: {  	[tilespmem:$0x183A0] =	vst v2  }
0xc2: {  	[tilespmem:$0x18BA0] =	vst v3  }
0xc3: {  	[tilespmem:$0x184A0] =	vst v2  }
0xc4: {  	[tilespmem:$0x18CA0] =	vst v3  }
0xc5: {  	[tilespmem:$0x185A0] =	vst v2  }
0xc6: {  	[tilespmem:$0x18DA0] =	vst v3  }
0xc7: {  	[tilespmem:$0x186A0] =	vst v2  }
0xc8: {  	[tilespmem:$0x18EA0] =	vst v3  }
0xc9: {  	[tilespmem:$0x187A0] =	vst v2  }
0xca: {  	[tilespmem:$0x18FA0] =	vst v3  }
0xcb: {  	[tilespmem:$0x180B0] =	vst v2  }
0xcc: {  	[tilespmem:$0x188B0] =	vst v3  }
0xcd: {  	[tilespmem:$0x181B0] =	vst v2  }
0xce: {  	[tilespmem:$0x189B0] =	vst v3  }
0xcf: {  	[tilespmem:$0x182B0] =	vst v2  }
0xd0: {  	[tilespmem:$0x18AB0] =	vst v3  }
0xd1: {  	[tilespmem:$0x183B0] =	vst v2  }
0xd2: {  	[tilespmem:$0x18BB0] =	vst v3  }
0xd3: {  	[tilespmem:$0x184B0] =	vst v2  }
0xd4: {  	[tilespmem:$0x18CB0] =	vst v3  }
0xd5: {  	[tilespmem:$0x185B0] =	vst v2  }
0xd6: {  	[tilespmem:$0x18DB0] =	vst v3  }
0xd7: {  	[tilespmem:$0x186B0] =	vst v2  }
0xd8: {  	[tilespmem:$0x18EB0] =	vst v3  }
0xd9: {  	[tilespmem:$0x187B0] =	vst v2  }
0xda: {  	[tilespmem:$0x18FB0] =	vst v3  }
0xdb: {  	[tilespmem:$0x180C0] =	vst v2  }
0xdc: {  	[tilespmem:$0x188C0] =	vst v3  }
0xdd: {  	[tilespmem:$0x181C0] =	vst v2  }
0xde: {  	[tilespmem:$0x189C0] =	vst v3  }
0xdf: {  	[tilespmem:$0x182C0] =	vst v2  }
0xe0: {  	[tilespmem:$0x18AC0] =	vst v3  }
0xe1: {  	[tilespmem:$0x183C0] =	vst v2  }
0xe2: {  	[tilespmem:$0x18BC0] =	vst v3  }
0xe3: {  	[tilespmem:$0x184C0] =	vst v2  }
0xe4: {  	[tilespmem:$0x18CC0] =	vst v3  }
0xe5: {  	[tilespmem:$0x185C0] =	vst v2  }
0xe6: {  	[tilespmem:$0x18DC0] =	vst v3  }
0xe7: {  	[tilespmem:$0x186C0] =	vst v2  }
0xe8: {  	[tilespmem:$0x18EC0] =	vst v3  }
0xe9: {  	[tilespmem:$0x187C0] =	vst v2  }
0xea: {  	[tilespmem:$0x18FC0] =	vst v3  }
0xeb: {  	[tilespmem:$0x180D0] =	vst v2  }
0xec: {  	[tilespmem:$0x188D0] =	vst v3  }
0xed: {  	[tilespmem:$0x181D0] =	vst v2  }
0xee: {  	[tilespmem:$0x189D0] =	vst v3  }
0xef: {  	[tilespmem:$0x182D0] =	vst v2  }
0xf0: {  	[tilespmem:$0x18AD0] =	vst v3  }
0xf1: {  	[tilespmem:$0x183D0] =	vst v2  }
0xf2: {  	[tilespmem:$0x18BD0] =	vst v3  }
0xf3: {  	[tilespmem:$0x184D0] =	vst v2  }
0xf4: {  	[tilespmem:$0x18CD0] =	vst v3  }
0xf5: {  	[tilespmem:$0x185D0] =	vst v2  }
0xf6: {  	[tilespmem:$0x18DD0] =	vst v3  }
0xf7: {  	[tilespmem:$0x186D0] =	vst v2  }
0xf8: {  	[tilespmem:$0x18ED0] =	vst v3  }
0xf9: {  	[tilespmem:$0x187D0] =	vst v2  }
0xfa: {  	[tilespmem:$0x18FD0] =	vst v3  }
0xfb: {  	[tilespmem:$0x180E0] =	vst v2  }
0xfc: {  	[tilespmem:$0x188E0] =	vst v3  }
0xfd: {  	[tilespmem:$0x181E0] =	vst v2  }
0xfe: {  	[tilespmem:$0x189E0] =	vst v3  }
0xff: {  	[tilespmem:$0x182E0] =	vst v2  }
0x100: {  	[tilespmem:$0x18AE0] =	vst v3  }
0x101: {  	[tilespmem:$0x183E0] =	vst v2  }
0x102: {  	[tilespmem:$0x18BE0] =	vst v3  }
0x103: {  	[tilespmem:$0x184E0] =	vst v2  }
0x104: {  	[tilespmem:$0x18CE0] =	vst v3  }
0x105: {  	[tilespmem:$0x185E0] =	vst v2  }
0x106: {  	[tilespmem:$0x18DE0] =	vst v3  }
0x107: {  	[tilespmem:$0x186E0] =	vst v2  }
0x108: {  	[tilespmem:$0x18EE0] =	vst v3  }
0x109: {  	[tilespmem:$0x187E0] =	vst v2  }
0x10a: {  	[tilespmem:$0x18FE0] =	vst v3  }
0x10b: {  	[tilespmem:$0x180F0] =	vst v2  }
0x10c: {  	[tilespmem:$0x188F0] =	vst v3  }
0x10d: {  	[tilespmem:$0x181F0] =	vst v2  }
0x10e: {  	[tilespmem:$0x189F0] =	vst v3  }
0x10f: {  	[tilespmem:$0x182F0] =	vst v2  }
0x110: {  	[tilespmem:$0x18AF0] =	vst v3  }
0x111: {  	[tilespmem:$0x183F0] =	vst v2  }
0x112: {  	[tilespmem:$0x18BF0] =	vst v3  }
0x113: {  	[tilespmem:$0x184F0] =	vst v2  }
0x114: {  	[tilespmem:$0x18CF0] =	vst v3  }
0x115: {  	[tilespmem:$0x185F0] =	vst v2  }
0x116: {  	[tilespmem:$0x18DF0] =	vst v3  }
0x117: {  	[tilespmem:$0x186F0] =	vst v2  }
0x118: {  	[tilespmem:$0x18EF0] =	vst v3  }
0x119: {  	[tilespmem:$0x187F0] =	vst v2  }
0x11a: {  	s1 =	simm.s32 $0x0;
	s0 =	simm.s32 $0x80;
	[tilespmem:$0x18FF0] =	vst v3  }
.LBB2_2:
0x11b: {  	v19 =	vld [tilespmem:s0+$0xFFFFFF80]  }
0x11c: {  	v20 =	vld [tilespmem:s0+$0xFFFFFF90]  }
0x11d: {  	v21 =	vld [tilespmem:s0+$0xFFFFFFA0]  }
0x11e: {  	v22 =	vld [tilespmem:s0+$0xFFFFFFB0]  }
0x11f: {  	v23 =	vld [tilespmem:s0+$0x0]  }
0x120: {  	v24 =	vld [tilespmem:s0+$0x10]  }
0x121: {  	v25 =	vld [tilespmem:s0+$0x20]  }
0x122: {  	v26 =	vld [tilespmem:s0+$0xFFFFFFC0]  }
0x123: {  	v27 =	vld [tilespmem:s0+$0x30]  }
0x124: {  	v28 =	vld [tilespmem:s0+$0xFFFFFFD0];
	v19 =	vsub.f32 v19, v23  }
0x125: {  	v35 =	vld [tilespmem:s0+$0x40];
	v20 =	vsub.f32 v20, v24  }
0x126: {  	v36 =	vld [tilespmem:s0+$0x50];
	v21 =	vsub.f32 v21, v25;
	v19 =	vmul.f32 $1.442695020e+00, v19  }
0x127: {  	v37 =	vld [tilespmem:s0+$0xFFFFFFE0];
	v20 =	vmul.f32 $1.442695020e+00, v20  }
0x128: {  	v29 =	vld [tilespmem:s0+$0xFFFFFFF0];
	v38 =	vsub.f32 v22, v27;
	(erf) = vpow2.f32 v19;
	v19 =	vmul.f32 $1.442695020e+00, v21  }
0x129: {  	v39 =	vld [tilespmem:s0+$0x60];
	(erf) = vpow2.f32 v20  }
0x12a: {  	v40 =	vsub.f32 v26, v35;
	v20 =	vld [tilespmem:s0+$0x70];
	(erf) = vpow2.f32 v19;
	v19 =	vmul.f32 $1.442695020e+00, v38  }
0x12b: {  	v41 =	vsub.f32 v28, v36  }
0x12c: {  	(erf) = vpow2.f32 v19;
	v19 =	vmul.f32 $1.442695020e+00, v40  }
0x12d: {  	v42 =	vmul.f32 $1.442695020e+00, v41  }
0x12e: {  	(erf) = vpow2.f32 v19;
	v19 =	vsub.f32 v37, v39  }
0x12f: {  	v20 =	vsub.f32 v29, v20;
	(erf) = vpow2.f32 v42  }
0x130: {  	v19 =	vmul.f32 $1.442695020e+00, v19  }
0x131: {  	v20 =	vmul.f32 $1.442695020e+00, v20;
	v43 =	vpop (erf)  }
0x132: {  	v44 =	vpop (erf);
	(erf) = vpow2.f32 v19;
	v19 =	vadd.f32 $1.000000000e+00, v43  }
0x133: {  	v45 =	vpop (erf);
	(erf) = vpow2.f32 v20;
	v20 =	vadd.f32 $1.000000000e+00, v44  }
0x134: {  	(erf) = vrcp.f32 v19;
	v19 =	vadd.f32 $1.000000000e+00, v45  }
0x135: {  	v46 =	vpop (erf);
	(erf) = vrcp.f32 v20  }
0x136: {  	(erf) = vrcp.f32 v19;
	v19 =	vadd.f32 $1.000000000e+00, v46  }
0x137: {  	v20 =	vpop (erf)  }
0x138: {  	v47 =	vpop (erf);
	(erf) = vrcp.f32 v19;
	v19 =	vadd.f32 $1.000000000e+00, v20  }
0x139: {  	v20 =	vadd.f32 $1.000000000e+00, v47;
	_ =	sdelay $0x2  }
0x13a: {  	(erf) = vrcp.f32 v19;
	v19 =	vpop (erf)  }
0x13b: {  	(erf) = vrcp.f32 v20;
	v20 =	vpop (erf);
	v19 =	vadd.f32 $1.000000000e+00, v19  }
0x13c: {  	v48 =	vpop (erf);
	v20 =	vadd.f32 $1.000000000e+00, v20  }
0x13d: {  	s10 =	sshra.s32 s1, $0x2;
	(erf) = vrcp.f32 v19;
	v19 =	vmul.f32 $1.000000000e+01, v48  }
0x13e: {  	v30 =	vld [tilespmem:s10+$0x10000];
	v49 =	vpop (erf);
	(erf) = vrcp.f32 v20  }
0x13f: {  	v50 =	vpop (erf);
	v20 =	vmul.f32 $1.000000000e+01, v49;
	v19 =	vtrunc.f32 v19  }
0x140: {  	v51 =	vmul.f32 $1.000000000e+01, v50;
	v52 =	vpop (erf);
	v19 =	vcvt.f32.s32 v19  }
0x141: {  	v20 =	vtrunc.f32 v20;
	v53 =	vmul.f32 $1.000000000e+01, v52  }
0x142: {  	v24 =	vtrunc.f32 v51;
	v20 =	vcvt.f32.s32 v20  }
0x143: {  	v30 =	vadd.s32 $0x10000, v30;
	v54 =	vpop (erf);
	v24 =	vcvt.f32.s32 v24;
	v26 =	vtrunc.f32 v53  }
0x144: {  	v56 =	vmul.f32 $1.000000000e+01, v54;
	v19 =	vshll.u32 v19, $0x4;
	v55 =	vpop (erf);
	v26 =	vcvt.f32.s32 v26  }
0x145: {  	v32 =	vld [tilespmem:s10+$0x10010];
	v20 =	vshll.u32 v20, $0x4;
	v19 =	vor.u32 v0, v19;
	v31 =	vmul.f32 $1.000000000e+01, v55  }
0x146: {  	v34 =	vld [tilespmem:s10+$0x10020];
	v24 =	vshll.u32 v24, $0x4;
	v29 =	vtrunc.f32 v56;
	v20 =	vor.u32 v0, v20;
	v33 =	vpop (erf)  }
0x147: {  	v35 =	vld [tilespmem:s10+$0x10030];
	v26 =	vshll.u32 v26, $0x4;
	v29 =	vcvt.f32.s32 v29;
	v36 =	vpop (erf);
	v37 =	vmul.f32 $1.000000000e+01, v33  }
0x148: {  	v41 =	vld [tilespmem:s10+$0x10060];
	v24 =	vor.u32 v0, v24;
	v31 =	vtrunc.f32 v31;
	v39 =	vmul.f32 $1.000000000e+01, v36  }
0x149: {  	v38 =	vld [tilespmem:s10+$0x10040];
	v26 =	vor.u32 v0, v26;
	v31 =	vcvt.f32.s32 v31;
	v37 =	vtrunc.f32 v37  }
0x14a: {  	v40 =	vld [tilespmem:s10+$0x10050];
	v29 =	vshll.u32 v29, $0x4;
	v37 =	vcvt.f32.s32 v37;
	v39 =	vtrunc.f32 v39  }
0x14b: {  	v42 =	vld [tilespmem:s10+$0x10070];
	v29 =	vor.u32 v0, v29;
	v31 =	vshll.u32 v31, $0x4;
	v39 =	vcvt.f32.s32 v39  }
0x14c: {  	v32 =	vadd.s32 $0x10000, v32;
	[tilespmem:v19+s11+$0x0] =	vst.idx.add.s32.msk $0xffff, v30;
	v57 =	vor.u32 v0, v31;
	v37 =	vshll.u32 v37, $0x4  }
0x14d: {  	v34 =	vadd.s32 $0x10000, v34;
	[tilespmem:v20+s12+$0x0] =	vst.idx.add.s32.msk $0xffff, v32;
	v58 =	vshll.u32 v39, $0x4;
	v59 =	vor.u32 v0, v37  }
0x14e: {  	v35 =	vadd.s32 $0x10000, v35;
	[tilespmem:v24+s13+$0x0] =	vst.idx.add.s32.msk $0xffff, v34;
	v31 =	vor.u32 v0, v58  }
0x14f: {  	v60 =	vadd.s32 $0x10000, v38;
	[tilespmem:v26+s14+$0x0] =	vst.idx.add.s32.msk $0xffff, v35  }
0x150: {  	v61 =	vadd.s32 $0x10000, v40;
	[tilespmem:v29+s15+$0x0] =	vst.idx.add.s32.msk $0xffff, v60  }
0x151: {  	v62 =	vadd.s32 $0x10000, v41;
	[tilespmem:v57+s16+$0x0] =	vst.idx.add.s32.msk $0xffff, v61  }
0x152: {  	v63 =	vadd.s32 $0x10000, v42;
	[tilespmem:v59+s17+$0x0] =	vst.idx.add.s32.msk $0xffff, v62  }
0x153: {  	[tilespmem:v31+s18+$0x0] =	vst.idx.add.s32.msk $0xffff, v63  }
0x154: {  	[tilespmem:v19+s19+$0x0] =	vst.idx.add.f32.msk $0xffff, v48  }
0x155: {  	[tilespmem:v20+s20+$0x0] =	vst.idx.add.f32.msk $0xffff, v49  }
0x156: {  	p0 =	sne.s32 s1, $0x1FE00;
	[tilespmem:v24+s21+$0x0] =	vst.idx.add.f32.msk $0xffff, v50  }
.Ltmp0:
0x157: {  	[tilespmem:v26+s22+$0x0] =	vst.idx.add.f32.msk $0xffff, v52;
	(pc) =	sbr.rel @p0 .LBB2_2-.Ltmp0, $4  }
0x158: {  	[tilespmem:v29+s23+$0x0] =	vst.idx.add.f32.msk $0xffff, v54  }
0x159: {  	[tilespmem:v57+s24+$0x0] =	vst.idx.add.f32.msk $0xffff, v55  }
0x15a: {  	[tilespmem:v59+s25+$0x0] =	vst.idx.add.f32.msk $0xffff, v33  }
0x15b: {  	s1 =	sadd.s32 $0x200, s1;
	s0 =	sadd.s32 $0x100, s0;
	[tilespmem:v31+s26+$0x0] =	vst.idx.add.f32.msk $0xffff, v36  }
0x15c: {  	_ =	sdelay $0x3  }
0x15d: {  	v19 =	vld.idx.msk [tilespmem:v1+s11+$0x0], $0xffff  }
0x15e: {  	v20 =	vld.idx.msk [tilespmem:v1+s19+$0x0], $0xffff  }
0x15f: {  	v21 =	vld.idx.msk [tilespmem:v4+s11+$0x0], $0xffff  }
0x160: {  	v22 =	vld.idx.msk [tilespmem:v4+s19+$0x0], $0xffff  }
0x161: {  	v23 =	vld.idx.msk [tilespmem:v5+s11+$0x0], $0xffff  }
0x162: {  	v24 =	vld.idx.msk [tilespmem:v5+s19+$0x0], $0xffff  }
0x163: {  	v25 =	vld.idx.msk [tilespmem:v6+s11+$0x0], $0xffff  }
0x164: {  	v28 =	vld.idx.msk [tilespmem:v6+s19+$0x0], $0xffff  }
0x165: {  	v38 =	vld.idx.msk [tilespmem:v7+s11+$0x0], $0xffff  }
0x166: {  	v29 =	vld.idx.msk [tilespmem:v7+s19+$0x0], $0xffff  }
0x167: {  	v41 =	vld.idx.msk [tilespmem:v8+s11+$0x0], $0xffff;
	v20 =	vadd.f32 $0.0e+00, v20  }
0x168: {  	v43 =	vld.idx.msk [tilespmem:v8+s19+$0x0], $0xffff  }
0x169: {  	v44 =	vld.idx.msk [tilespmem:v9+s11+$0x0], $0xffff;
	v20 =	vadd.f32 v22, v20  }
0x16a: {  	v47 =	vld.idx.msk [tilespmem:v9+s19+$0x0], $0xffff  }
0x16b: {  	v48 =	vld.idx.msk [tilespmem:v10+s11+$0x0], $0xffff;
	v20 =	vadd.f32 v24, v20  }
0x16c: {  	v51 =	vld.idx.msk [tilespmem:v10+s19+$0x0], $0xffff  }
0x16d: {  	v52 =	vld.idx.msk [tilespmem:v11+s11+$0x0], $0xffff;
	v20 =	vadd.f32 v28, v20  }
0x16e: {  	v54 =	vld.idx.msk [tilespmem:v11+s19+$0x0], $0xffff  }
0x16f: {  	v55 =	vld.idx.msk [tilespmem:v12+s11+$0x0], $0xffff;
	v20 =	vadd.f32 v29, v20  }
0x170: {  	v57 =	vld.idx.msk [tilespmem:v12+s19+$0x0], $0xffff  }
0x171: {  	v58 =	vld.idx.msk [tilespmem:v13+s11+$0x0], $0xffff;
	v20 =	vadd.f32 v43, v20  }
0x172: {  	v60 =	vld.idx.msk [tilespmem:v13+s19+$0x0], $0xffff  }
0x173: {  	v61 =	vld.idx.msk [tilespmem:v14+s11+$0x0], $0xffff;
	v20 =	vadd.f32 v47, v20  }
0x174: {  	v63 =	vld.idx.msk [tilespmem:v14+s19+$0x0], $0xffff  }
0x175: {  	v32 =	vld.idx.msk [tilespmem:v15+s11+$0x0], $0xffff;
	v26 =	vshrl.u32 v19, $0x10;
	v27 =	vshrl.u32 v21, $0x10;
	v20 =	vadd.f32 v51, v20  }
0x176: {  	v34 =	vld.idx.msk [tilespmem:v15+s19+$0x0], $0xffff;
	v19 =	vand.u32 $0xFFFF, v19;
	v21 =	vand.u32 $0xFFFF, v21;
	v39 =	vshrl.u32 v23, $0x10  }
0x177: {  	v35 =	vld.idx.msk [tilespmem:v16+s11+$0x0], $0xffff;
	v23 =	vand.u32 $0xFFFF, v23;
	v42 =	vshrl.u32 v25, $0x10;
	v20 =	vadd.f32 v54, v20  }
0x178: {  	v37 =	vld.idx.msk [tilespmem:v16+s19+$0x0], $0xffff;
	v45 =	vand.u32 $0xFFFF, v25;
	v46 =	vshrl.u32 v38, $0x10;
	v49 =	vand.u32 $0xFFFF, v38  }
0x179: {  	v50 =	vshrl.u32 v41, $0x10;
	v53 =	vshrl.u32 v44, $0x10;
	v38 =	vld.idx.msk [tilespmem:v17+s11+$0x0], $0xffff;
	v20 =	vadd.f32 v57, v20  }
0x17a: {  	v59 =	vshrl.u32 v52, $0x10;
	v25 =	vand.u32 $0xFFFF, v52;
	v52 =	vld.idx.msk [tilespmem:v5+s20+$0x0], $0xffff;
	v26 =	vadd.s32 v26, v27  }
0x17b: {  	v19 =	vadd.s32 v19, v21;
	v22 =	vand.u32 $0xFFFF, v41;
	v41 =	vld.idx.msk [tilespmem:v18+s11+$0x0], $0xffff;
	v20 =	vadd.f32 v60, v20  }
0x17c: {  	v40 =	vadd.s32 v39, v26;
	v19 =	vadd.s32 v23, v19;
	v23 =	vand.u32 $0xFFFF, v44;
	v44 =	vld.idx.msk [tilespmem:v1+s12+$0x0], $0xffff  }
0x17d: {  	v21 =	vadd.s32 v42, v40;
	v40 =	vld.idx.msk [tilespmem:v17+s19+$0x0], $0xffff;
	v20 =	vadd.f32 v63, v20  }
0x17e: {  	v19 =	vadd.s32 v45, v19;
	v21 =	vadd.s32 v46, v21;
	v46 =	vld.idx.msk [tilespmem:v1+s20+$0x0], $0xffff  }
0x17f: {  	v19 =	vadd.s32 v49, v19;
	v49 =	vld.idx.msk [tilespmem:v4+s20+$0x0], $0xffff;
	v20 =	vadd.f32 v34, v20  }
0x180: {  	v43 =	vld.idx.msk [tilespmem:v18+s19+$0x0], $0xffff  }
0x181: {  	v21 =	vadd.s32 v50, v21;
	v50 =	vld.idx.msk [tilespmem:v5+s12+$0x0], $0xffff;
	v20 =	vadd.f32 v37, v20  }
0x182: {  	v62 =	vshrl.u32 v55, $0x10;
	v19 =	vadd.s32 v22, v19;
	v22 =	vand.u32 $0xFFFF, v55;
	v55 =	vld.idx.msk [tilespmem:v6+s20+$0x0], $0xffff  }
0x183: {  	v56 =	vshrl.u32 v48, $0x10;
	v21 =	vadd.s32 v53, v21;
	v53 =	vld.idx.msk [tilespmem:v6+s12+$0x0], $0xffff;
	v20 =	vadd.f32 v40, v20  }
0x184: {  	v33 =	vshrl.u32 v58, $0x10;
	v19 =	vadd.s32 v23, v19;
	v23 =	vand.u32 $0xFFFF, v58;
	v58 =	vld.idx.msk [tilespmem:v7+s20+$0x0], $0xffff  }
0x185: {  	v24 =	vand.u32 $0xFFFF, v48;
	v21 =	vadd.s32 v56, v21;
	v56 =	vld.idx.msk [tilespmem:v7+s12+$0x0], $0xffff;
	v20 =	vadd.f32 v43, v20  }
0x186: {  	v36 =	vshrl.u32 v61, $0x10;
	v19 =	vadd.s32 v24, v19;
	v24 =	vand.u32 $0xFFFF, v61;
	v61 =	vld.idx.msk [tilespmem:v8+s20+$0x0], $0xffff  }
0x187: {  	v21 =	vadd.s32 v59, v21;
	v59 =	vld.idx.msk [tilespmem:v8+s12+$0x0], $0xffff;
	v20 =	vadd.f32 v46, v20  }
0x188: {  	v39 =	vshrl.u32 v32, $0x10;
	v19 =	vadd.s32 v25, v19;
	v25 =	vand.u32 $0xFFFF, v32;
	v32 =	vld.idx.msk [tilespmem:v9+s20+$0x0], $0xffff  }
0x189: {  	v21 =	vadd.s32 v62, v21;
	v62 =	vld.idx.msk [tilespmem:v9+s12+$0x0], $0xffff;
	v20 =	vadd.f32 v49, v20  }
0x18a: {  	v42 =	vshrl.u32 v35, $0x10;
	v19 =	vadd.s32 v22, v19;
	v22 =	vand.u32 $0xFFFF, v35;
	v35 =	vld.idx.msk [tilespmem:v10+s20+$0x0], $0xffff  }
0x18b: {  	v21 =	vadd.s32 v33, v21;
	v33 =	vld.idx.msk [tilespmem:v10+s12+$0x0], $0xffff;
	v20 =	vadd.f32 v52, v20  }
0x18c: {  	v45 =	vshrl.u32 v38, $0x10;
	v19 =	vadd.s32 v23, v19;
	v23 =	vand.u32 $0xFFFF, v38;
	v38 =	vld.idx.msk [tilespmem:v11+s20+$0x0], $0xffff  }
0x18d: {  	v21 =	vadd.s32 v36, v21;
	v36 =	vld.idx.msk [tilespmem:v11+s12+$0x0], $0xffff;
	v20 =	vadd.f32 v55, v20  }
0x18e: {  	v48 =	vshrl.u32 v41, $0x10;
	v19 =	vadd.s32 v24, v19;
	v24 =	vand.u32 $0xFFFF, v41;
	v41 =	vld.idx.msk [tilespmem:v12+s20+$0x0], $0xffff  }
0x18f: {  	v47 =	vld.idx.msk [tilespmem:v4+s12+$0x0], $0xffff;
	v20 =	vadd.f32 v58, v20  }
0x190: {  	v21 =	vadd.s32 v39, v21;
	v19 =	vadd.s32 v25, v19;
	v39 =	vld.idx.msk [tilespmem:v12+s12+$0x0], $0xffff  }
0x191: {  	v25 =	vand.u32 $0xFFFF, v44;
	v21 =	vadd.s32 v42, v21;
	v42 =	vld.idx.msk [tilespmem:v13+s12+$0x0], $0xffff;
	v20 =	vadd.f32 v61, v20  }
0x192: {  	v19 =	vadd.s32 v22, v19;
	v21 =	vadd.s32 v45, v21;
	v51 =	vshrl.u32 v44, $0x10;
	v44 =	vld.idx.msk [tilespmem:v13+s20+$0x0], $0xffff  }
0x193: {  	v19 =	vadd.s32 v23, v19;
	v23 =	vand.u32 $0xFFFF, v50;
	v45 =	vld.idx.msk [tilespmem:v14+s12+$0x0], $0xffff;
	v20 =	vadd.f32 v32, v20  }
0x194: {  	v21 =	vadd.s32 v48, v21;
	v19 =	vadd.s32 v24, v19;
	v24 =	vand.u32 $0xFFFF, v53;
	v48 =	vld.idx.msk [tilespmem:v15+s12+$0x0], $0xffff  }
0x195: {  	v21 =	vadd.s32 v51, v21;
	v19 =	vadd.s32 v25, v19;
	v51 =	vld.idx.msk [tilespmem:v16+s12+$0x0], $0xffff;
	v20 =	vadd.f32 v35, v20  }
0x196: {  	v25 =	vand.u32 $0xFFFF, v56;
	v54 =	vshrl.u32 v47, $0x10;
	v22 =	vand.u32 $0xFFFF, v47;
	v47 =	vld.idx.msk [tilespmem:v14+s20+$0x0], $0xffff  }
0x197: {  	v21 =	vadd.s32 v54, v21;
	v57 =	vshrl.u32 v50, $0x10;
	v50 =	vld.idx.msk [tilespmem:v15+s20+$0x0], $0xffff;
	v20 =	vadd.f32 v38, v20  }
0x198: {  	v19 =	vadd.s32 v22, v19;
	v22 =	vand.u32 $0xFFFF, v59;
	v54 =	vld.idx.msk [tilespmem:v17+s12+$0x0], $0xffff;
	v21 =	vadd.s32 v57, v21  }
0x199: {  	v19 =	vadd.s32 v23, v19;
	v23 =	vand.u32 $0xFFFF, v62;
	v57 =	vld.idx.msk [tilespmem:v18+s12+$0x0], $0xffff;
	v20 =	vadd.f32 v41, v20  }
0x19a: {  	v60 =	vshrl.u32 v53, $0x10;
	v19 =	vadd.s32 v24, v19;
	v24 =	vand.u32 $0xFFFF, v33;
	v53 =	vld.idx.msk [tilespmem:v16+s20+$0x0], $0xffff  }
0x19b: {  	v21 =	vadd.s32 v60, v21;
	v19 =	vadd.s32 v25, v19;
	v60 =	vld.idx.msk [tilespmem:v1+s13+$0x0], $0xffff;
	v20 =	vadd.f32 v44, v20  }
0x19c: {  	v25 =	vand.u32 $0xFFFF, v36;
	v63 =	vshrl.u32 v56, $0x10;
	v19 =	vadd.s32 v22, v19;
	v56 =	vld.idx.msk [tilespmem:v17+s20+$0x0], $0xffff  }
0x19d: {  	v22 =	vand.u32 $0xFFFF, v39;
	v21 =	vadd.s32 v63, v21;
	v63 =	vld.idx.msk [tilespmem:v4+s13+$0x0], $0xffff;
	v20 =	vadd.f32 v47, v20  }
0x19e: {  	v19 =	vadd.s32 v23, v19;
	v23 =	vand.u32 $0xFFFF, v42;
	v34 =	vshrl.u32 v59, $0x10;
	v59 =	vld.idx.msk [tilespmem:v18+s20+$0x0], $0xffff  }
0x19f: {  	v19 =	vadd.s32 v24, v19;
	v21 =	vadd.s32 v34, v21;
	v34 =	vld.idx.msk [tilespmem:v5+s13+$0x0], $0xffff;
	v20 =	vadd.f32 v50, v20  }
0x1a0: {  	v24 =	vand.u32 $0xFFFF, v45;
	v19 =	vadd.s32 v25, v19;
	v37 =	vshrl.u32 v62, $0x10;
	v62 =	vld.idx.msk [tilespmem:v1+s21+$0x0], $0xffff  }
0x1a1: {  	v25 =	vand.u32 $0xFFFF, v48;
	v21 =	vadd.s32 v37, v21;
	v37 =	vld.idx.msk [tilespmem:v6+s13+$0x0], $0xffff;
	v20 =	vadd.f32 v53, v20  }
0x1a2: {  	v19 =	vadd.s32 v22, v19;
	v22 =	vand.u32 $0xFFFF, v51;
	v40 =	vshrl.u32 v33, $0x10;
	v33 =	vld.idx.msk [tilespmem:v4+s21+$0x0], $0xffff  }
0x1a3: {  	v19 =	vadd.s32 v23, v19;
	v21 =	vadd.s32 v40, v21;
	v40 =	vld.idx.msk [tilespmem:v7+s13+$0x0], $0xffff;
	v20 =	vadd.f32 v56, v20  }
0x1a4: {  	v23 =	vand.u32 $0xFFFF, v54;
	v19 =	vadd.s32 v24, v19;
	v43 =	vshrl.u32 v36, $0x10;
	v36 =	vld.idx.msk [tilespmem:v5+s21+$0x0], $0xffff  }
0x1a5: {  	v24 =	vand.u32 $0xFFFF, v57;
	v21 =	vadd.s32 v43, v21;
	v43 =	vld.idx.msk [tilespmem:v8+s13+$0x0], $0xffff;
	v20 =	vadd.f32 v59, v20  }
0x1a6: {  	v19 =	vadd.s32 v25, v19;
	v25 =	vand.u32 $0xFFFF, v60;
	v46 =	vshrl.u32 v39, $0x10;
	v39 =	vld.idx.msk [tilespmem:v6+s21+$0x0], $0xffff  }
0x1a7: {  	v19 =	vadd.s32 v22, v19;
	v21 =	vadd.s32 v46, v21;
	v46 =	vld.idx.msk [tilespmem:v9+s13+$0x0], $0xffff;
	v20 =	vadd.f32 v62, v20  }
0x1a8: {  	v22 =	vand.u32 $0xFFFF, v63;
	v19 =	vadd.s32 v23, v19;
	v49 =	vshrl.u32 v42, $0x10;
	v42 =	vld.idx.msk [tilespmem:v7+s21+$0x0], $0xffff  }
0x1a9: {  	v23 =	vand.u32 $0xFFFF, v34;
	v21 =	vadd.s32 v49, v21;
	v49 =	vld.idx.msk [tilespmem:v10+s13+$0x0], $0xffff;
	v20 =	vadd.f32 v33, v20  }
0x1aa: {  	v19 =	vadd.s32 v24, v19;
	v24 =	vand.u32 $0xFFFF, v37;
	v52 =	vshrl.u32 v45, $0x10;
	v45 =	vld.idx.msk [tilespmem:v8+s21+$0x0], $0xffff  }
0x1ab: {  	v19 =	vadd.s32 v25, v19;
	v21 =	vadd.s32 v52, v21;
	v52 =	vld.idx.msk [tilespmem:v11+s13+$0x0], $0xffff;
	v20 =	vadd.f32 v36, v20  }
0x1ac: {  	v19 =	vadd.s32 v22, v19;
	v25 =	vand.u32 $0xFFFF, v40;
	v55 =	vshrl.u32 v48, $0x10;
	v48 =	vld.idx.msk [tilespmem:v9+s21+$0x0], $0xffff  }
0x1ad: {  	v19 =	vadd.s32 v23, v19;
	v21 =	vadd.s32 v55, v21;
	v55 =	vld.idx.msk [tilespmem:v12+s13+$0x0], $0xffff;
	v20 =	vadd.f32 v39, v20  }
0x1ae: {  	v19 =	vadd.s32 v24, v19;
	v22 =	vand.u32 $0xFFFF, v43;
	v58 =	vshrl.u32 v51, $0x10;
	v51 =	vld.idx.msk [tilespmem:v10+s21+$0x0], $0xffff  }
0x1af: {  	v19 =	vadd.s32 v25, v19;
	v21 =	vadd.s32 v58, v21;
	v58 =	vld.idx.msk [tilespmem:v13+s13+$0x0], $0xffff;
	v20 =	vadd.f32 v42, v20  }
0x1b0: {  	v19 =	vadd.s32 v22, v19;
	v61 =	vshrl.u32 v54, $0x10;
	v54 =	vld.idx.msk [tilespmem:v11+s21+$0x0], $0xffff  }
0x1b1: {  	v23 =	vand.u32 $0xFFFF, v46;
	v21 =	vadd.s32 v61, v21;
	v61 =	vld.idx.msk [tilespmem:v14+s13+$0x0], $0xffff;
	v20 =	vadd.f32 v45, v20  }
0x1b2: {  	v19 =	vadd.s32 v23, v19;
	v32 =	vshrl.u32 v57, $0x10;
	v57 =	vld.idx.msk [tilespmem:v12+s21+$0x0], $0xffff  }
0x1b3: {  	v24 =	vand.u32 $0xFFFF, v49;
	v21 =	vadd.s32 v32, v21;
	v32 =	vld.idx.msk [tilespmem:v15+s13+$0x0], $0xffff;
	v20 =	vadd.f32 v48, v20  }
0x1b4: {  	v19 =	vadd.s32 v24, v19;
	v35 =	vshrl.u32 v60, $0x10;
	v60 =	vld.idx.msk [tilespmem:v13+s21+$0x0], $0xffff  }
0x1b5: {  	v25 =	vand.u32 $0xFFFF, v52;
	v21 =	vadd.s32 v35, v21;
	v35 =	vld.idx.msk [tilespmem:v16+s13+$0x0], $0xffff;
	v20 =	vadd.f32 v51, v20  }
0x1b6: {  	v19 =	vadd.s32 v25, v19;
	v38 =	vshrl.u32 v63, $0x10;
	v63 =	vld.idx.msk [tilespmem:v14+s21+$0x0], $0xffff  }
0x1b7: {  	v22 =	vand.u32 $0xFFFF, v55;
	v21 =	vadd.s32 v38, v21;
	v38 =	vld.idx.msk [tilespmem:v17+s13+$0x0], $0xffff;
	v20 =	vadd.f32 v54, v20  }
0x1b8: {  	v19 =	vadd.s32 v22, v19;
	v41 =	vshrl.u32 v34, $0x10;
	v34 =	vld.idx.msk [tilespmem:v15+s21+$0x0], $0xffff  }
0x1b9: {  	v23 =	vand.u32 $0xFFFF, v58;
	v21 =	vadd.s32 v41, v21;
	v41 =	vld.idx.msk [tilespmem:v18+s13+$0x0], $0xffff;
	v20 =	vadd.f32 v57, v20  }
0x1ba: {  	v19 =	vadd.s32 v23, v19;
	v44 =	vshrl.u32 v37, $0x10;
	v37 =	vld.idx.msk [tilespmem:v16+s21+$0x0], $0xffff  }
0x1bb: {  	v24 =	vand.u32 $0xFFFF, v61;
	v21 =	vadd.s32 v44, v21;
	v44 =	vld.idx.msk [tilespmem:v1+s14+$0x0], $0xffff;
	v20 =	vadd.f32 v60, v20  }
0x1bc: {  	v19 =	vadd.s32 v24, v19;
	v47 =	vshrl.u32 v40, $0x10;
	v40 =	vld.idx.msk [tilespmem:v17+s21+$0x0], $0xffff  }
0x1bd: {  	v25 =	vand.u32 $0xFFFF, v32;
	v21 =	vadd.s32 v47, v21;
	v47 =	vld.idx.msk [tilespmem:v4+s14+$0x0], $0xffff;
	v20 =	vadd.f32 v63, v20  }
0x1be: {  	v19 =	vadd.s32 v25, v19;
	v50 =	vshrl.u32 v43, $0x10;
	v43 =	vld.idx.msk [tilespmem:v18+s21+$0x0], $0xffff  }
0x1bf: {  	v22 =	vand.u32 $0xFFFF, v35;
	v21 =	vadd.s32 v50, v21;
	v50 =	vld.idx.msk [tilespmem:v5+s14+$0x0], $0xffff;
	v20 =	vadd.f32 v34, v20  }
0x1c0: {  	v19 =	vadd.s32 v22, v19;
	v53 =	vshrl.u32 v46, $0x10;
	v46 =	vld.idx.msk [tilespmem:v1+s22+$0x0], $0xffff  }
0x1c1: {  	v23 =	vand.u32 $0xFFFF, v38;
	v21 =	vadd.s32 v53, v21;
	v53 =	vld.idx.msk [tilespmem:v6+s14+$0x0], $0xffff;
	v20 =	vadd.f32 v37, v20  }
0x1c2: {  	v19 =	vadd.s32 v23, v19;
	v56 =	vshrl.u32 v49, $0x10;
	v49 =	vld.idx.msk [tilespmem:v4+s22+$0x0], $0xffff  }
0x1c3: {  	v24 =	vand.u32 $0xFFFF, v41;
	v21 =	vadd.s32 v56, v21;
	v56 =	vld.idx.msk [tilespmem:v7+s14+$0x0], $0xffff;
	v20 =	vadd.f32 v40, v20  }
0x1c4: {  	v19 =	vadd.s32 v24, v19;
	v59 =	vshrl.u32 v52, $0x10;
	v52 =	vld.idx.msk [tilespmem:v5+s22+$0x0], $0xffff  }
0x1c5: {  	v25 =	vand.u32 $0xFFFF, v44;
	v21 =	vadd.s32 v59, v21;
	v59 =	vld.idx.msk [tilespmem:v8+s14+$0x0], $0xffff;
	v20 =	vadd.f32 v43, v20  }
0x1c6: {  	v19 =	vadd.s32 v25, v19;
	v62 =	vshrl.u32 v55, $0x10;
	v55 =	vld.idx.msk [tilespmem:v6+s22+$0x0], $0xffff  }
0x1c7: {  	v22 =	vand.u32 $0xFFFF, v47;
	v21 =	vadd.s32 v62, v21;
	v62 =	vld.idx.msk [tilespmem:v9+s14+$0x0], $0xffff;
	v20 =	vadd.f32 v46, v20  }
0x1c8: {  	v19 =	vadd.s32 v22, v19;
	v33 =	vshrl.u32 v58, $0x10;
	v58 =	vld.idx.msk [tilespmem:v7+s22+$0x0], $0xffff  }
0x1c9: {  	v23 =	vand.u32 $0xFFFF, v50;
	v21 =	vadd.s32 v33, v21;
	v33 =	vld.idx.msk [tilespmem:v10+s14+$0x0], $0xffff;
	v20 =	vadd.f32 v49, v20  }
0x1ca: {  	v19 =	vadd.s32 v23, v19;
	v36 =	vshrl.u32 v61, $0x10;
	v61 =	vld.idx.msk [tilespmem:v8+s22+$0x0], $0xffff  }
0x1cb: {  	v24 =	vand.u32 $0xFFFF, v53;
	v21 =	vadd.s32 v36, v21;
	v36 =	vld.idx.msk [tilespmem:v11+s14+$0x0], $0xffff;
	v20 =	vadd.f32 v52, v20  }
0x1cc: {  	v19 =	vadd.s32 v24, v19;
	v39 =	vshrl.u32 v32, $0x10;
	v32 =	vld.idx.msk [tilespmem:v9+s22+$0x0], $0xffff  }
0x1cd: {  	v25 =	vand.u32 $0xFFFF, v56;
	v21 =	vadd.s32 v39, v21;
	v39 =	vld.idx.msk [tilespmem:v12+s14+$0x0], $0xffff;
	v20 =	vadd.f32 v55, v20  }
0x1ce: {  	v19 =	vadd.s32 v25, v19;
	v42 =	vshrl.u32 v35, $0x10;
	v35 =	vld.idx.msk [tilespmem:v10+s22+$0x0], $0xffff  }
0x1cf: {  	v22 =	vand.u32 $0xFFFF, v59;
	v21 =	vadd.s32 v42, v21;
	v42 =	vld.idx.msk [tilespmem:v13+s14+$0x0], $0xffff;
	v20 =	vadd.f32 v58, v20  }
0x1d0: {  	v19 =	vadd.s32 v22, v19;
	v45 =	vshrl.u32 v38, $0x10;
	v38 =	vld.idx.msk [tilespmem:v11+s22+$0x0], $0xffff  }
0x1d1: {  	v23 =	vand.u32 $0xFFFF, v62;
	v21 =	vadd.s32 v45, v21;
	v45 =	vld.idx.msk [tilespmem:v14+s14+$0x0], $0xffff;
	v20 =	vadd.f32 v61, v20  }
0x1d2: {  	v19 =	vadd.s32 v23, v19;
	v48 =	vshrl.u32 v41, $0x10;
	v41 =	vld.idx.msk [tilespmem:v12+s22+$0x0], $0xffff  }
0x1d3: {  	v24 =	vand.u32 $0xFFFF, v33;
	v21 =	vadd.s32 v48, v21;
	v48 =	vld.idx.msk [tilespmem:v15+s14+$0x0], $0xffff;
	v20 =	vadd.f32 v32, v20  }
0x1d4: {  	v19 =	vadd.s32 v24, v19;
	v51 =	vshrl.u32 v44, $0x10;
	v44 =	vld.idx.msk [tilespmem:v13+s22+$0x0], $0xffff  }
0x1d5: {  	v25 =	vand.u32 $0xFFFF, v36;
	v21 =	vadd.s32 v51, v21;
	v51 =	vld.idx.msk [tilespmem:v16+s14+$0x0], $0xffff;
	v20 =	vadd.f32 v35, v20  }
0x1d6: {  	v19 =	vadd.s32 v25, v19;
	v54 =	vshrl.u32 v47, $0x10;
	v47 =	vld.idx.msk [tilespmem:v14+s22+$0x0], $0xffff  }
0x1d7: {  	v22 =	vand.u32 $0xFFFF, v39;
	v21 =	vadd.s32 v54, v21;
	v54 =	vld.idx.msk [tilespmem:v17+s14+$0x0], $0xffff;
	v20 =	vadd.f32 v38, v20  }
0x1d8: {  	v19 =	vadd.s32 v22, v19;
	v57 =	vshrl.u32 v50, $0x10;
	v50 =	vld.idx.msk [tilespmem:v15+s22+$0x0], $0xffff  }
0x1d9: {  	v23 =	vand.u32 $0xFFFF, v42;
	v21 =	vadd.s32 v57, v21;
	v57 =	vld.idx.msk [tilespmem:v18+s14+$0x0], $0xffff;
	v20 =	vadd.f32 v41, v20  }
0x1da: {  	v19 =	vadd.s32 v23, v19;
	v60 =	vshrl.u32 v53, $0x10;
	v53 =	vld.idx.msk [tilespmem:v16+s22+$0x0], $0xffff  }
0x1db: {  	v24 =	vand.u32 $0xFFFF, v45;
	v21 =	vadd.s32 v60, v21;
	v60 =	vld.idx.msk [tilespmem:v1+s15+$0x0], $0xffff;
	v20 =	vadd.f32 v44, v20  }
0x1dc: {  	v19 =	vadd.s32 v24, v19;
	v63 =	vshrl.u32 v56, $0x10;
	v56 =	vld.idx.msk [tilespmem:v17+s22+$0x0], $0xffff  }
0x1dd: {  	v25 =	vand.u32 $0xFFFF, v48;
	v21 =	vadd.s32 v63, v21;
	v63 =	vld.idx.msk [tilespmem:v4+s15+$0x0], $0xffff;
	v20 =	vadd.f32 v47, v20  }
0x1de: {  	v19 =	vadd.s32 v25, v19;
	v34 =	vshrl.u32 v59, $0x10;
	v59 =	vld.idx.msk [tilespmem:v18+s22+$0x0], $0xffff  }
0x1df: {  	v31 =	vshrl.u32 v57, $0x10;
	v24 =	vand.u32 $0xFFFF, v57;
	v57 =	vld.idx.msk [tilespmem:v13+s15+$0x0], $0xffff;
	v20 =	vadd.f32 v50, v20  }
0x1e0: {  	v22 =	vand.u32 $0xFFFF, v51;
	v21 =	vadd.s32 v34, v21;
	v37 =	vshrl.u32 v62, $0x10;
	v62 =	vld.idx.msk [tilespmem:v1+s23+$0x0], $0xffff  }
0x1e1: {  	v34 =	vshrl.u32 v60, $0x10;
	v25 =	vand.u32 $0xFFFF, v60;
	v60 =	vld.idx.msk [tilespmem:v14+s15+$0x0], $0xffff;
	v20 =	vadd.f32 v53, v20  }
0x1e2: {  	v19 =	vadd.s32 v22, v19;
	v21 =	vadd.s32 v37, v21;
	v40 =	vshrl.u32 v33, $0x10;
	v33 =	vld.idx.msk [tilespmem:v5+s15+$0x0], $0xffff  }
0x1e3: {  	v37 =	vshrl.u32 v63, $0x10;
	v22 =	vand.u32 $0xFFFF, v63;
	v63 =	vld.idx.msk [tilespmem:v15+s15+$0x0], $0xffff;
	v20 =	vadd.f32 v56, v20  }
0x1e4: {  	v32 =	vld.idx.msk [tilespmem:v4+s23+$0x0], $0xffff  }
0x1e5: {  	v43 =	vshrl.u32 v36, $0x10;
	v36 =	vld.idx.msk [tilespmem:v6+s15+$0x0], $0xffff;
	v20 =	vadd.f32 v59, v20  }
0x1e6: {  	v35 =	vld.idx.msk [tilespmem:v5+s23+$0x0], $0xffff  }
0x1e7: {  	v23 =	vand.u32 $0xFFFF, v54;
	v46 =	vshrl.u32 v39, $0x10;
	v39 =	vld.idx.msk [tilespmem:v7+s15+$0x0], $0xffff;
	v20 =	vadd.f32 v62, v20  }
0x1e8: {  	v19 =	vadd.s32 v23, v19;
	v21 =	vadd.s32 v40, v21;
	v38 =	vld.idx.msk [tilespmem:v6+s23+$0x0], $0xffff  }
0x1e9: {  	v40 =	vshrl.u32 v33, $0x10;
	v23 =	vand.u32 $0xFFFF, v33;
	v33 =	vld.idx.msk [tilespmem:v15+s23+$0x0], $0xffff;
	v20 =	vadd.f32 v32, v20  }
0x1ea: {  	v41 =	vld.idx.msk [tilespmem:v7+s23+$0x0], $0xffff  }
0x1eb: {  	v19 =	vadd.s32 v24, v19;
	v49 =	vshrl.u32 v42, $0x10;
	v42 =	vld.idx.msk [tilespmem:v8+s15+$0x0], $0xffff;
	v20 =	vadd.f32 v35, v20  }
0x1ec: {  	v19 =	vadd.s32 v25, v19;
	v21 =	vadd.s32 v43, v21;
	v44 =	vld.idx.msk [tilespmem:v8+s23+$0x0], $0xffff  }
0x1ed: {  	v43 =	vshrl.u32 v36, $0x10;
	v24 =	vand.u32 $0xFFFF, v36;
	v36 =	vld.idx.msk [tilespmem:v16+s23+$0x0], $0xffff;
	v20 =	vadd.f32 v38, v20  }
0x1ee: {  	v19 =	vadd.s32 v22, v19;
	v47 =	vld.idx.msk [tilespmem:v9+s23+$0x0], $0xffff  }
0x1ef: {  	v21 =	vadd.s32 v46, v21;
	v52 =	vshrl.u32 v45, $0x10;
	v45 =	vld.idx.msk [tilespmem:v9+s15+$0x0], $0xffff;
	v20 =	vadd.f32 v41, v20  }
0x1f0: {  	v19 =	vadd.s32 v23, v19;
	v21 =	vadd.s32 v49, v21;
	v50 =	vld.idx.msk [tilespmem:v10+s23+$0x0], $0xffff  }
0x1f1: {  	v46 =	vshrl.u32 v39, $0x10;
	v25 =	vand.u32 $0xFFFF, v39;
	v39 =	vld.idx.msk [tilespmem:v17+s23+$0x0], $0xffff;
	v20 =	vadd.f32 v44, v20  }
0x1f2: {  	v19 =	vadd.s32 v24, v19;
	v21 =	vadd.s32 v52, v21;
	v55 =	vshrl.u32 v48, $0x10;
	v53 =	vld.idx.msk [tilespmem:v11+s23+$0x0], $0xffff  }
0x1f3: {  	v48 =	vld.idx.msk [tilespmem:v10+s15+$0x0], $0xffff;
	v19 =	vadd.s32 v25, v19;
	v21 =	vadd.s32 v55, v21;
	v20 =	vadd.f32 v47, v20  }
0x1f4: {  	v49 =	vshrl.u32 v42, $0x10;
	v22 =	vand.u32 $0xFFFF, v42;
	v58 =	vshrl.u32 v51, $0x10;
	v56 =	vld.idx.msk [tilespmem:v12+s23+$0x0], $0xffff  }
0x1f5: {  	v51 =	vld.idx.msk [tilespmem:v11+s15+$0x0], $0xffff;
	v19 =	vadd.s32 v22, v19;
	v21 =	vadd.s32 v58, v21;
	v20 =	vadd.f32 v50, v20  }
0x1f6: {  	v52 =	vshrl.u32 v45, $0x10;
	v23 =	vand.u32 $0xFFFF, v45;
	v61 =	vshrl.u32 v54, $0x10;
	v59 =	vld.idx.msk [tilespmem:v13+s23+$0x0], $0xffff  }
0x1f7: {  	v54 =	vld.idx.msk [tilespmem:v12+s15+$0x0], $0xffff;
	v19 =	vadd.s32 v23, v19;
	v23 =	vand.u32 $0xFFFF, v57;
	v20 =	vadd.f32 v53, v20  }
0x1f8: {  	v21 =	vadd.s32 v61, v21;
	v55 =	vshrl.u32 v48, $0x10;
	v24 =	vand.u32 $0xFFFF, v48;
	v62 =	vld.idx.msk [tilespmem:v14+s23+$0x0], $0xffff  }
0x1f9: {  	v42 =	vld.idx.msk [tilespmem:v18+s23+$0x0], $0xffff;
	v21 =	vadd.s32 v31, v21;
	v19 =	vadd.s32 v24, v19;
	v20 =	vadd.f32 v56, v20  }
0x1fa: {  	v45 =	vld.idx.msk [tilespmem:v1+s24+$0x0], $0xffff;
	v24 =	vand.u32 $0xFFFF, v60;
	v21 =	vadd.s32 v34, v21;
	v58 =	vshrl.u32 v51, $0x10  }
0x1fb: {  	v25 =	vand.u32 $0xFFFF, v51;
	v34 =	vld.idx.msk [tilespmem:v16+s15+$0x0], $0xffff;
	v21 =	vadd.s32 v37, v21;
	v20 =	vadd.f32 v59, v20  }
0x1fc: {  	v19 =	vadd.s32 v25, v19;
	v37 =	vld.idx.msk [tilespmem:v17+s15+$0x0], $0xffff;
	v25 =	vand.u32 $0xFFFF, v63;
	v21 =	vadd.s32 v40, v21  }
0x1fd: {  	v22 =	vand.u32 $0xFFFF, v54;
	v40 =	vld.idx.msk [tilespmem:v18+s15+$0x0], $0xffff;
	v21 =	vadd.s32 v43, v21;
	v20 =	vadd.f32 v62, v20  }
0x1fe: {  	v61 =	vshrl.u32 v54, $0x10;
	v19 =	vadd.s32 v22, v19;
	v43 =	vld.idx.msk [tilespmem:v1+s16+$0x0], $0xffff;
	v21 =	vadd.s32 v46, v21  }
0x1ff: {  	v19 =	vadd.s32 v23, v19;
	v46 =	vld.idx.msk [tilespmem:v4+s16+$0x0], $0xffff;
	v21 =	vadd.s32 v49, v21;
	v20 =	vadd.f32 v33, v20  }
0x200: {  	v19 =	vadd.s32 v24, v19;
	v22 =	vand.u32 $0xFFFF, v34;
	v49 =	vld.idx.msk [tilespmem:v5+s16+$0x0], $0xffff;
	v21 =	vadd.s32 v52, v21  }
0x201: {  	v19 =	vadd.s32 v25, v19;
	v23 =	vand.u32 $0xFFFF, v37;
	v52 =	vld.idx.msk [tilespmem:v6+s16+$0x0], $0xffff;
	v20 =	vadd.f32 v36, v20  }
0x202: {  	v48 =	vld.idx.msk [tilespmem:v4+s24+$0x0], $0xffff;
	v21 =	vadd.s32 v55, v21;
	v19 =	vadd.s32 v22, v19;
	v24 =	vand.u32 $0xFFFF, v40  }
0x203: {  	v55 =	vld.idx.msk [tilespmem:v7+s16+$0x0], $0xffff;
	v21 =	vadd.s32 v58, v21;
	v19 =	vadd.s32 v23, v19;
	v20 =	vadd.f32 v39, v20  }
0x204: {  	v25 =	vand.u32 $0xFFFF, v43;
	v58 =	vld.idx.msk [tilespmem:v8+s16+$0x0], $0xffff;
	v21 =	vadd.s32 v61, v21;
	v19 =	vadd.s32 v24, v19  }
0x205: {  	v22 =	vand.u32 $0xFFFF, v46;
	v61 =	vld.idx.msk [tilespmem:v9+s16+$0x0], $0xffff;
	v19 =	vadd.s32 v25, v19;
	v20 =	vadd.f32 v42, v20  }
0x206: {  	v51 =	vld.idx.msk [tilespmem:v5+s24+$0x0], $0xffff;
	v23 =	vand.u32 $0xFFFF, v49;
	v19 =	vadd.s32 v22, v19;
	v24 =	vand.u32 $0xFFFF, v52  }
0x207: {  	v54 =	vld.idx.msk [tilespmem:v6+s24+$0x0], $0xffff;
	v19 =	vadd.s32 v23, v19;
	v32 =	vshrl.u32 v57, $0x10;
	v20 =	vadd.f32 v45, v20  }
0x208: {  	v25 =	vand.u32 $0xFFFF, v55;
	v19 =	vadd.s32 v24, v19;
	v21 =	vadd.s32 v32, v21;
	v32 =	vld.idx.msk [tilespmem:v10+s16+$0x0], $0xffff  }
0x209: {  	v22 =	vand.u32 $0xFFFF, v58;
	v57 =	vld.idx.msk [tilespmem:v7+s24+$0x0], $0xffff;
	v35 =	vshrl.u32 v60, $0x10;
	v20 =	vadd.f32 v48, v20  }
0x20a: {  	v19 =	vadd.s32 v25, v19;
	v23 =	vand.u32 $0xFFFF, v61;
	v21 =	vadd.s32 v35, v21;
	v35 =	vld.idx.msk [tilespmem:v11+s16+$0x0], $0xffff  }
0x20b: {  	v19 =	vadd.s32 v22, v19;
	v60 =	vld.idx.msk [tilespmem:v8+s24+$0x0], $0xffff;
	v38 =	vshrl.u32 v63, $0x10;
	v20 =	vadd.f32 v51, v20  }
0x20c: {  	v19 =	vadd.s32 v23, v19;
	v21 =	vadd.s32 v38, v21;
	v38 =	vld.idx.msk [tilespmem:v12+s16+$0x0], $0xffff  }
0x20d: {  	v63 =	vld.idx.msk [tilespmem:v9+s24+$0x0], $0xffff;
	v41 =	vshrl.u32 v34, $0x10;
	v24 =	vand.u32 $0xFFFF, v32;
	v20 =	vadd.f32 v54, v20  }
0x20e: {  	v21 =	vadd.s32 v41, v21;
	v41 =	vld.idx.msk [tilespmem:v13+s16+$0x0], $0xffff;
	v19 =	vadd.s32 v24, v19  }
0x20f: {  	v34 =	vld.idx.msk [tilespmem:v10+s24+$0x0], $0xffff;
	v44 =	vshrl.u32 v37, $0x10;
	v25 =	vand.u32 $0xFFFF, v35;
	v20 =	vadd.f32 v57, v20  }
0x210: {  	v21 =	vadd.s32 v44, v21;
	v44 =	vld.idx.msk [tilespmem:v14+s16+$0x0], $0xffff;
	v19 =	vadd.s32 v25, v19  }
0x211: {  	v37 =	vld.idx.msk [tilespmem:v11+s24+$0x0], $0xffff;
	v47 =	vshrl.u32 v40, $0x10;
	v22 =	vand.u32 $0xFFFF, v38;
	v20 =	vadd.f32 v60, v20  }
0x212: {  	v21 =	vadd.s32 v47, v21;
	v47 =	vld.idx.msk [tilespmem:v15+s16+$0x0], $0xffff;
	v19 =	vadd.s32 v22, v19  }
0x213: {  	v40 =	vld.idx.msk [tilespmem:v12+s24+$0x0], $0xffff;
	v50 =	vshrl.u32 v43, $0x10;
	v23 =	vand.u32 $0xFFFF, v41;
	v20 =	vadd.f32 v63, v20  }
0x214: {  	v21 =	vadd.s32 v50, v21;
	v50 =	vld.idx.msk [tilespmem:v16+s16+$0x0], $0xffff;
	v19 =	vadd.s32 v23, v19  }
0x215: {  	v43 =	vld.idx.msk [tilespmem:v13+s24+$0x0], $0xffff;
	v53 =	vshrl.u32 v46, $0x10;
	v24 =	vand.u32 $0xFFFF, v44;
	v20 =	vadd.f32 v34, v20  }
0x216: {  	v21 =	vadd.s32 v53, v21;
	v53 =	vld.idx.msk [tilespmem:v17+s16+$0x0], $0xffff;
	v19 =	vadd.s32 v24, v19  }
0x217: {  	v46 =	vld.idx.msk [tilespmem:v14+s24+$0x0], $0xffff;
	v56 =	vshrl.u32 v49, $0x10;
	v25 =	vand.u32 $0xFFFF, v47;
	v20 =	vadd.f32 v37, v20  }
0x218: {  	v21 =	vadd.s32 v56, v21;
	v56 =	vld.idx.msk [tilespmem:v18+s16+$0x0], $0xffff;
	v19 =	vadd.s32 v25, v19  }
0x219: {  	v49 =	vld.idx.msk [tilespmem:v15+s24+$0x0], $0xffff;
	v59 =	vshrl.u32 v52, $0x10;
	v22 =	vand.u32 $0xFFFF, v50;
	v20 =	vadd.f32 v40, v20  }
0x21a: {  	v21 =	vadd.s32 v59, v21;
	v59 =	vld.idx.msk [tilespmem:v1+s17+$0x0], $0xffff;
	v19 =	vadd.s32 v22, v19  }
0x21b: {  	v52 =	vld.idx.msk [tilespmem:v16+s24+$0x0], $0xffff;
	v62 =	vshrl.u32 v55, $0x10;
	v23 =	vand.u32 $0xFFFF, v53;
	v20 =	vadd.f32 v43, v20  }
0x21c: {  	v21 =	vadd.s32 v62, v21;
	v62 =	vld.idx.msk [tilespmem:v4+s17+$0x0], $0xffff;
	v19 =	vadd.s32 v23, v19  }
0x21d: {  	v55 =	vld.idx.msk [tilespmem:v17+s24+$0x0], $0xffff;
	v33 =	vshrl.u32 v58, $0x10;
	v24 =	vand.u32 $0xFFFF, v56;
	v20 =	vadd.f32 v46, v20  }
0x21e: {  	v21 =	vadd.s32 v33, v21;
	v33 =	vld.idx.msk [tilespmem:v5+s17+$0x0], $0xffff;
	v19 =	vadd.s32 v24, v19  }
0x21f: {  	v58 =	vld.idx.msk [tilespmem:v18+s24+$0x0], $0xffff;
	v36 =	vshrl.u32 v61, $0x10;
	v25 =	vand.u32 $0xFFFF, v59;
	v20 =	vadd.f32 v49, v20  }
0x220: {  	v21 =	vadd.s32 v36, v21;
	v36 =	vld.idx.msk [tilespmem:v6+s17+$0x0], $0xffff;
	v19 =	vadd.s32 v25, v19  }
0x221: {  	v61 =	vld.idx.msk [tilespmem:v1+s25+$0x0], $0xffff;
	v39 =	vshrl.u32 v32, $0x10;
	v22 =	vand.u32 $0xFFFF, v62;
	v20 =	vadd.f32 v52, v20  }
0x222: {  	v21 =	vadd.s32 v39, v21;
	v39 =	vld.idx.msk [tilespmem:v7+s17+$0x0], $0xffff;
	v19 =	vadd.s32 v22, v19  }
0x223: {  	v32 =	vld.idx.msk [tilespmem:v4+s25+$0x0], $0xffff;
	v42 =	vshrl.u32 v35, $0x10;
	v23 =	vand.u32 $0xFFFF, v33;
	v20 =	vadd.f32 v55, v20  }
0x224: {  	v21 =	vadd.s32 v42, v21;
	v42 =	vld.idx.msk [tilespmem:v8+s17+$0x0], $0xffff;
	v19 =	vadd.s32 v23, v19  }
0x225: {  	v35 =	vld.idx.msk [tilespmem:v5+s25+$0x0], $0xffff;
	v45 =	vshrl.u32 v38, $0x10;
	v24 =	vand.u32 $0xFFFF, v36;
	v20 =	vadd.f32 v58, v20  }
0x226: {  	v21 =	vadd.s32 v45, v21;
	v45 =	vld.idx.msk [tilespmem:v9+s17+$0x0], $0xffff;
	v19 =	vadd.s32 v24, v19  }
0x227: {  	v38 =	vld.idx.msk [tilespmem:v6+s25+$0x0], $0xffff;
	v48 =	vshrl.u32 v41, $0x10;
	v25 =	vand.u32 $0xFFFF, v39;
	v20 =	vadd.f32 v61, v20  }
0x228: {  	v21 =	vadd.s32 v48, v21;
	v48 =	vld.idx.msk [tilespmem:v10+s17+$0x0], $0xffff;
	v19 =	vadd.s32 v25, v19  }
0x229: {  	v41 =	vld.idx.msk [tilespmem:v7+s25+$0x0], $0xffff;
	v51 =	vshrl.u32 v44, $0x10;
	v22 =	vand.u32 $0xFFFF, v42;
	v20 =	vadd.f32 v32, v20  }
0x22a: {  	v21 =	vadd.s32 v51, v21;
	v51 =	vld.idx.msk [tilespmem:v11+s17+$0x0], $0xffff;
	v19 =	vadd.s32 v22, v19  }
0x22b: {  	v44 =	vld.idx.msk [tilespmem:v8+s25+$0x0], $0xffff;
	v54 =	vshrl.u32 v47, $0x10;
	v23 =	vand.u32 $0xFFFF, v45;
	v20 =	vadd.f32 v35, v20  }
0x22c: {  	v21 =	vadd.s32 v54, v21;
	v54 =	vld.idx.msk [tilespmem:v12+s17+$0x0], $0xffff;
	v19 =	vadd.s32 v23, v19  }
0x22d: {  	v47 =	vld.idx.msk [tilespmem:v9+s25+$0x0], $0xffff;
	v57 =	vshrl.u32 v50, $0x10;
	v24 =	vand.u32 $0xFFFF, v48;
	v20 =	vadd.f32 v38, v20  }
0x22e: {  	v21 =	vadd.s32 v57, v21;
	v57 =	vld.idx.msk [tilespmem:v13+s17+$0x0], $0xffff;
	v19 =	vadd.s32 v24, v19  }
0x22f: {  	v50 =	vld.idx.msk [tilespmem:v10+s25+$0x0], $0xffff;
	v60 =	vshrl.u32 v53, $0x10;
	v25 =	vand.u32 $0xFFFF, v51;
	v20 =	vadd.f32 v41, v20  }
0x230: {  	v21 =	vadd.s32 v60, v21;
	v60 =	vld.idx.msk [tilespmem:v14+s17+$0x0], $0xffff;
	v19 =	vadd.s32 v25, v19  }
0x231: {  	v53 =	vld.idx.msk [tilespmem:v11+s25+$0x0], $0xffff;
	v63 =	vshrl.u32 v56, $0x10;
	v22 =	vand.u32 $0xFFFF, v54;
	v20 =	vadd.f32 v44, v20  }
0x232: {  	v21 =	vadd.s32 v63, v21;
	v63 =	vld.idx.msk [tilespmem:v15+s17+$0x0], $0xffff;
	v19 =	vadd.s32 v22, v19  }
0x233: {  	v56 =	vld.idx.msk [tilespmem:v12+s25+$0x0], $0xffff;
	v34 =	vshrl.u32 v59, $0x10;
	v23 =	vand.u32 $0xFFFF, v57;
	v20 =	vadd.f32 v47, v20  }
0x234: {  	v21 =	vadd.s32 v34, v21;
	v34 =	vld.idx.msk [tilespmem:v16+s17+$0x0], $0xffff;
	v19 =	vadd.s32 v23, v19  }
0x235: {  	v59 =	vld.idx.msk [tilespmem:v13+s25+$0x0], $0xffff;
	v37 =	vshrl.u32 v62, $0x10;
	v24 =	vand.u32 $0xFFFF, v60;
	v20 =	vadd.f32 v50, v20  }
0x236: {  	v21 =	vadd.s32 v37, v21;
	v37 =	vld.idx.msk [tilespmem:v17+s17+$0x0], $0xffff;
	v19 =	vadd.s32 v24, v19  }
0x237: {  	v62 =	vld.idx.msk [tilespmem:v14+s25+$0x0], $0xffff;
	v40 =	vshrl.u32 v33, $0x10;
	v25 =	vand.u32 $0xFFFF, v63;
	v20 =	vadd.f32 v53, v20  }
0x238: {  	v21 =	vadd.s32 v40, v21;
	v40 =	vld.idx.msk [tilespmem:v18+s17+$0x0], $0xffff;
	v19 =	vadd.s32 v25, v19  }
0x239: {  	v33 =	vld.idx.msk [tilespmem:v15+s25+$0x0], $0xffff;
	v43 =	vshrl.u32 v36, $0x10;
	v22 =	vand.u32 $0xFFFF, v34;
	v20 =	vadd.f32 v56, v20  }
0x23a: {  	v21 =	vadd.s32 v43, v21;
	v43 =	vld.idx.msk [tilespmem:v1+s18+$0x0], $0xffff;
	v19 =	vadd.s32 v22, v19  }
0x23b: {  	v36 =	vld.idx.msk [tilespmem:v16+s25+$0x0], $0xffff;
	v46 =	vshrl.u32 v39, $0x10;
	v23 =	vand.u32 $0xFFFF, v37;
	v20 =	vadd.f32 v59, v20  }
0x23c: {  	v21 =	vadd.s32 v46, v21;
	v46 =	vld.idx.msk [tilespmem:v4+s18+$0x0], $0xffff;
	v19 =	vadd.s32 v23, v19  }
0x23d: {  	v39 =	vld.idx.msk [tilespmem:v17+s25+$0x0], $0xffff;
	v49 =	vshrl.u32 v42, $0x10;
	v24 =	vand.u32 $0xFFFF, v40;
	v20 =	vadd.f32 v62, v20  }
0x23e: {  	v21 =	vadd.s32 v49, v21;
	v49 =	vld.idx.msk [tilespmem:v5+s18+$0x0], $0xffff;
	v19 =	vadd.s32 v24, v19  }
0x23f: {  	v42 =	vld.idx.msk [tilespmem:v18+s25+$0x0], $0xffff;
	v52 =	vshrl.u32 v45, $0x10;
	v25 =	vand.u32 $0xFFFF, v43;
	v20 =	vadd.f32 v33, v20  }
0x240: {  	v21 =	vadd.s32 v52, v21;
	v52 =	vld.idx.msk [tilespmem:v6+s18+$0x0], $0xffff;
	v19 =	vadd.s32 v25, v19  }
0x241: {  	v45 =	vld.idx.msk [tilespmem:v1+s26+$0x0], $0xffff;
	v55 =	vshrl.u32 v48, $0x10;
	v22 =	vand.u32 $0xFFFF, v46;
	v20 =	vadd.f32 v36, v20  }
0x242: {  	v21 =	vadd.s32 v55, v21;
	v55 =	vld.idx.msk [tilespmem:v7+s18+$0x0], $0xffff;
	v19 =	vadd.s32 v22, v19  }
0x243: {  	v48 =	vld.idx.msk [tilespmem:v4+s26+$0x0], $0xffff;
	v58 =	vshrl.u32 v51, $0x10;
	v23 =	vand.u32 $0xFFFF, v49;
	v20 =	vadd.f32 v39, v20  }
0x244: {  	v21 =	vadd.s32 v58, v21;
	v58 =	vld.idx.msk [tilespmem:v8+s18+$0x0], $0xffff;
	v19 =	vadd.s32 v23, v19  }
0x245: {  	v51 =	vld.idx.msk [tilespmem:v5+s26+$0x0], $0xffff;
	v61 =	vshrl.u32 v54, $0x10;
	v24 =	vand.u32 $0xFFFF, v52;
	v20 =	vadd.f32 v42, v20  }
0x246: {  	v21 =	vadd.s32 v61, v21;
	v61 =	vld.idx.msk [tilespmem:v9+s18+$0x0], $0xffff;
	v19 =	vadd.s32 v24, v19  }
0x247: {  	v54 =	vld.idx.msk [tilespmem:v6+s26+$0x0], $0xffff;
	v32 =	vshrl.u32 v57, $0x10;
	v25 =	vand.u32 $0xFFFF, v55;
	v20 =	vadd.f32 v45, v20  }
0x248: {  	v21 =	vadd.s32 v32, v21;
	v32 =	vld.idx.msk [tilespmem:v10+s18+$0x0], $0xffff;
	v19 =	vadd.s32 v25, v19  }
0x249: {  	v57 =	vld.idx.msk [tilespmem:v7+s26+$0x0], $0xffff;
	v35 =	vshrl.u32 v60, $0x10;
	v22 =	vand.u32 $0xFFFF, v58;
	v20 =	vadd.f32 v48, v20  }
0x24a: {  	v21 =	vadd.s32 v35, v21;
	v35 =	vld.idx.msk [tilespmem:v11+s18+$0x0], $0xffff;
	v19 =	vadd.s32 v22, v19;
	v38 =	vshrl.u32 v63, $0x10  }
0x24b: {  	v23 =	vand.u32 $0xFFFF, v61;
	v21 =	vadd.s32 v38, v21;
	v38 =	vld.idx.msk [tilespmem:v12+s18+$0x0], $0xffff;
	v20 =	vadd.f32 v51, v20  }
0x24c: {  	v60 =	vld.idx.msk [tilespmem:v8+s26+$0x0], $0xffff;
	v19 =	vadd.s32 v23, v19;
	v41 =	vshrl.u32 v34, $0x10  }
0x24d: {  	v24 =	vand.u32 $0xFFFF, v32;
	v21 =	vadd.s32 v41, v21;
	v41 =	vld.idx.msk [tilespmem:v13+s18+$0x0], $0xffff;
	v20 =	vadd.f32 v54, v20  }
0x24e: {  	v63 =	vld.idx.msk [tilespmem:v9+s26+$0x0], $0xffff;
	v19 =	vadd.s32 v24, v19;
	v44 =	vshrl.u32 v37, $0x10  }
0x24f: {  	v25 =	vand.u32 $0xFFFF, v35;
	v21 =	vadd.s32 v44, v21;
	v44 =	vld.idx.msk [tilespmem:v14+s18+$0x0], $0xffff;
	v20 =	vadd.f32 v57, v20  }
0x250: {  	v34 =	vld.idx.msk [tilespmem:v10+s26+$0x0], $0xffff;
	v19 =	vadd.s32 v25, v19;
	v47 =	vshrl.u32 v40, $0x10;
	v22 =	vand.u32 $0xFFFF, v38  }
0x251: {  	v21 =	vadd.s32 v47, v21;
	v50 =	vshrl.u32 v43, $0x10;
	v20 =	vadd.f32 v60, v20  }
0x252: {  	v37 =	vld.idx.msk [tilespmem:v11+s26+$0x0], $0xffff;
	v19 =	vadd.s32 v22, v19;
	v23 =	vand.u32 $0xFFFF, v41;
	v21 =	vadd.s32 v50, v21  }
0x253: {  	v47 =	vld.idx.msk [tilespmem:v15+s18+$0x0], $0xffff;
	v19 =	vadd.s32 v23, v19;
	v53 =	vshrl.u32 v46, $0x10;
	v20 =	vadd.f32 v63, v20  }
0x254: {  	v40 =	vld.idx.msk [tilespmem:v12+s26+$0x0], $0xffff;
	v24 =	vand.u32 $0xFFFF, v44;
	v21 =	vadd.s32 v53, v21;
	v56 =	vshrl.u32 v49, $0x10  }
0x255: {  	v21 =	vadd.s32 v56, v21;
	v59 =	vshrl.u32 v52, $0x10;
	v20 =	vadd.f32 v34, v20  }
0x256: {  	v43 =	vld.idx.msk [tilespmem:v13+s26+$0x0], $0xffff;
	v19 =	vadd.s32 v24, v19;
	v21 =	vadd.s32 v59, v21;
	v62 =	vshrl.u32 v55, $0x10  }
0x257: {  	v50 =	vld.idx.msk [tilespmem:v16+s18+$0x0], $0xffff;
	v21 =	vadd.s32 v62, v21;
	v33 =	vshrl.u32 v58, $0x10;
	v20 =	vadd.f32 v37, v20  }
0x258: {  	v46 =	vld.idx.msk [tilespmem:v14+s26+$0x0], $0xffff;
	v56 =	vand.u32 $0xFFFF, v47;
	v21 =	vadd.s32 v33, v21;
	v36 =	vshrl.u32 v61, $0x10  }
0x259: {  	v53 =	vld.idx.msk [tilespmem:v17+s18+$0x0], $0xffff;
	v21 =	vadd.s32 v36, v21;
	v39 =	vshrl.u32 v32, $0x10;
	v20 =	vadd.f32 v40, v20  }
0x25a: {  	v49 =	vld.idx.msk [tilespmem:v15+s26+$0x0], $0xffff;
	v19 =	vadd.s32 v56, v19;
	v21 =	vadd.s32 v39, v21;
	v42 =	vshrl.u32 v35, $0x10  }
0x25b: {  	v52 =	vld.idx.msk [tilespmem:v16+s26+$0x0], $0xffff;
	v21 =	vadd.s32 v42, v21;
	v45 =	vshrl.u32 v38, $0x10;
	v20 =	vadd.f32 v43, v20  }
0x25c: {  	v22 =	vand.u32 $0xFFFF, v50;
	v55 =	vld.idx.msk [tilespmem:v18+s18+$0x0], $0xffff;
	v21 =	vadd.s32 v45, v21;
	v48 =	vshrl.u32 v41, $0x10  }
0x25d: {  	v21 =	vadd.s32 v48, v21;
	v51 =	vshrl.u32 v44, $0x10;
	v20 =	vadd.f32 v46, v20  }
0x25e: {  	v19 =	vadd.s32 v22, v19;
	v58 =	vld.idx.msk [tilespmem:v17+s26+$0x0], $0xffff;
	v21 =	vadd.s32 v51, v21;
	v54 =	vshrl.u32 v47, $0x10  }
0x25f: {  	v21 =	vadd.s32 v54, v21;
	v57 =	vshrl.u32 v50, $0x10;
	v20 =	vadd.f32 v49, v20  }
0x260: {  	v59 =	vshrl.u32 v53, $0x10;
	v61 =	vand.u32 $0xFFFF, v53;
	v21 =	vadd.s32 v57, v21;
	v60 =	vld.idx.msk [tilespmem:v18+s26+$0x0], $0xffff  }
0x261: {  	v62 =	vshrl.u32 v55, $0x10;
	v21 =	vadd.s32 v59, v21;
	v20 =	vadd.f32 v52, v20  }
0x262: {  	v19 =	vadd.s32 v61, v19;
	v21 =	vadd.s32 v62, v21;
	v63 =	vand.u32 $0xFFFF, v55  }
0x263: {  	v21 =	vcvt.s32.f32 v21;
	v19 =	vadd.s32 v63, v19;
	v20 =	vadd.f32 v58, v20  }
0x264: {  	v19 =	vcvt.s32.f32 v19  }
0x265: {  	[tilespmem:$0x19000] =	vst v21;
	v20 =	vadd.f32 v60, v20  }
0x266: {  	[tilespmem:$0x19080] =	vst v19  }
0x267: {  	[tilespmem:$0x19100] =	vst v20  }
0x268: {  	[hbm4b:s5+s2] =	stream.linear.scatter [tilespmem:s28], [sflag:$0x1], $0x80, $0x38;
	[tilespmem:$0x19180] =	vst v63  }
0x269: {  	_ =	swait.ge [sflag:s9], $0x80  }
0x26a: {  	[sflag:s9] =	ssyncset.done $0x0  }
0x26b: {  	[sflag:s9] =	ssyncadd.s32 $0xFFFFFF80  }
0x26c: {  	[hbm4b:s6+s2] =	stream.linear.scatter [tilespmem:s29], [sflag:$0x1], $0x80, $0x38;
	[tilespmem:$0x19180] =	vst v63  }
0x26d: {  	s31 =	sadd.s32 $0x1, s31;
	_ =	swait.ge [sflag:s9], $0x80  }
0x26e: {  	p0 =	sne.s32 s31, s8;
	[sflag:s9] =	ssyncset.done $0x0  }
.Ltmp1:
0x26f: {  	[sflag:s9] =	ssyncadd.s32 $0xFFFFFF80;
	(pc) =	sbr.rel @p0 .LBB2_1-.Ltmp1, $4  }
0x270: {  	[hbm4b:s7+s2] =	stream.linear.scatter [tilespmem:s30], [sflag:$0x1], $0x80, $0x38;
	[tilespmem:$0x19180] =	vst v63  }
0x271: {  	_ =	swait.ge [sflag:s9], $0x80  }
0x272: {  	[sflag:s9] =	ssyncset.done $0x0  }
0x273: {  	[sflag:s9] =	ssyncadd.s32 $0xFFFFFF80  }
0x274: {  	_ =	sfence.sel $0x180000  }
0x275: {  	[bflag:$0x0] =	sbarrier.arrive $0xFFFF  }
0x276: {  	_ =	strace $0x90000047  }
0x277: {  	s0 =	stileid.u32;
	[bflag:$0x2] =	sbarrier.arrive $0xFFFF  }
0x278: {  	p0 =	sne.s32 s0, $0x0;
	s0 =	rddreg [dreg:$0x3]  }
0x279: {  	s0 =	sadd.s32 @!p0 $0x100000, s0  }
0x27a: {  	[sflag:s0] =	ssyncadd.tile.s32 @!p0 $0x1;
	_ =	shalt  }
.Lfunc_end2:
_tile_overlayer_lowered:
.L_overlay_start_2:
0x27b: {  	(tag) =	ssettag $0x2  }
0x27c: {  	s0 =	rddreg [dreg:$0x0];
	s2 =	stileid.u32  }
0x27d: {  	s1 =	rddreg [dreg:$0x1];
	p0 =	sne.s32 s2, $0x0  }
0x27e: {  	s3 =	rddreg [dreg:$0x2];
	[bflag:$0x3] =	sbarrier.arrive $0xFFFF;
	s2 =	simm.s32 @!p0 $0x1C01  }
0x27f: {  	[timem:s3], [sflag:s2] =	dma.local @!p0 [hbm:s0], s1  }
0x280: {  	s0 =	simm.s32 @!p0 $0x1  }
0x281: {  	_ =	swait.ge @!p0 [sflag:s0], s1  }
0x282: {  	s1 =	ssub.s32 @!p0 $0x0, s1;
	[sflag:s0] =	ssyncset.done @!p0 $0x0  }
0x283: {  	[sflag:s0] =	ssyncadd.s32 @!p0 s1  }
0x284: {  	[bflag:$0x3] =	sbarrier.arrive $0xFFFF  }
0x285: {  	_ =	shalt  }

</sc_bundles>
